<compile_context>
chip_gen: v7x
topology: tpu7x:2x2x1
jax: 0.10.2.dev20260603
libtpu: 0.0.44.dev20260713+nightly
codegen_flags: <defaults>
</compile_context>

<pallas_src>
import functools

import jax
import jax.numpy as jnp
from jax import lax
from jax.experimental import pallas as pl
from jax.experimental.pallas import tpu as pltpu
from jax.experimental.pallas import tpu_sc as plsc

NC = 2
NS = 16
NW = NC * NS
L = 16
TCOL = 128
CHUNK = 128
FIRE = 8


def _build(B, D):
    assert D == L
    assert B % (NW * CHUNK) == 0
    bpw = B // NW
    nchunk = bpw // CHUNK
    nbatch = bpw // FIRE

    mesh = plsc.VectorSubcoreMesh(
        core_axis_name="c", subcore_axis_name="s",
        num_cores=NC, num_subcores=NS)

    @functools.partial(
        pl.kernel,
        out_type=jax.ShapeDtypeStruct((B,), jnp.float32),
        mesh=mesh,
        compiler_params=pltpu.CompilerParams(use_tc_tiling_on_sc=True,
                                             needs_layout_passes=False),
        scratch_types=(
            [pltpu.VMEM((nchunk, CHUNK), jnp.int32),
             pltpu.VMEM((nchunk, CHUNK), jnp.int32),
             pltpu.VMEM((bpw,), jnp.float32),
             pltpu.VMEM((bpw,), jnp.float32),
             pltpu.VMEM((bpw,), jnp.float32),
             pltpu.VMEM((L,), jnp.float32)]
            + [pltpu.VMEM((D, TCOL), jnp.float32) for _ in range(4 * FIRE)]
            + [pltpu.VMEM((bpw * D,), jnp.float32),
               pltpu.VMEM((bpw * D,), jnp.float32)]
            + [pltpu.SemaphoreType.DMA, pltpu.SemaphoreType.DMA,
               pltpu.SemaphoreType.DMA]
        ),
    )
    def svdpp(uid_hbm, iid_hbm, pt_hbm, qt_hbm, bu_hbm, bi_hbm, mu_hbm,
              out_hbm, uid_v, iid_v, bu_v, bi_v, out_v, mu_v, *rest):
        set0 = rest[:2 * FIRE]
        set1 = rest[2 * FIRE:4 * FIRE]
        prow, qrow, semA, semB, semb = rest[4 * FIRE:]
        wid = lax.axis_index("s") * NC + lax.axis_index("c")
        base = wid * bpw

        pltpu.sync_copy(mu_hbm, mu_v)
        for j in range(nchunk):
            pltpu.sync_copy(uid_hbm.at[pl.ds(base + j * CHUNK, CHUNK)],
                            uid_v.at[j])
            pltpu.sync_copy(iid_hbm.at[pl.ds(base + j * CHUNK, CHUNK)],
                            iid_v.at[j])

        bcopies = []
        for j in range(nchunk):
            sl = pl.ds(j * CHUNK, CHUNK)
            bcopies.append(pltpu.async_copy(bu_hbm.at[uid_v.at[j]],
                                            bu_v.at[sl], semb))
            bcopies.append(pltpu.async_copy(bi_hbm.at[iid_v.at[j]],
                                            bi_v.at[sl], semb))
        for c in bcopies:
            c.wait()

        mu_vec = mu_v[...]
        lane = lax.iota(jnp.int32, L)

        def loadvec(v):
            j = v // (CHUNK // L)
            off = (v % (CHUNK // L)) * L
            return uid_v[j, pl.ds(off, L)], iid_v[j, pl.ds(off, L)]

        def fire(bset, sm, uvec, ivec, half):
            for f in range(FIRE):
                f0 = half * FIRE + f
                cu = pl.multiple_of((uvec[f0] // TCOL) * TCOL, TCOL)
                ci = pl.multiple_of((ivec[f0] // TCOL) * TCOL, TCOL)
                pltpu.async_copy(pt_hbm.at[:, pl.ds(cu, TCOL)],
                                 bset[2 * f], sm)
                pltpu.async_copy(qt_hbm.at[:, pl.ds(ci, TCOL)],
                                 bset[2 * f + 1], sm)

        def drain(bset, sm):
            for f in range(2 * FIRE):
                pltpu.make_async_copy(pt_hbm.at[:, pl.ds(0, TCOL)],
                                      bset[f], sm).wait()

        def extract(bset, uvec, ivec, half, v):
            for f in range(FIRE):
                f0 = half * FIRE + f
                ru = jnp.full((L,), uvec[f0] % TCOL, jnp.int32)
                ri = jnp.full((L,), ivec[f0] % TCOL, jnp.int32)
                pv = plsc.load_gather(bset[2 * f], [lane, ru])
                qv = plsc.load_gather(bset[2 * f + 1], [lane, ri])
                prow[pl.ds((v * L + f0) * D, D)] = pv
                qrow[pl.ds((v * L + f0) * D, D)] = qv

        nvec = bpw // L
        u0, i0 = loadvec(0)
        fire(set0, semA, u0, i0, 0)

        def batch(v, carry):
            ucur, icur = carry
            fire(set1, semB, ucur, icur, 1)
            drain(set0, semA)
            extract(set0, ucur, icur, 0, v)
            unext, inext = loadvec(v + 1)
            fire(set0, semA, unext, inext, 0)
            drain(set1, semB)
            extract(set1, ucur, icur, 1, v)
            return (unext, inext)

        ulast, ilast = lax.fori_loop(0, nvec - 1, batch, (u0, i0))
        fire(set1, semB, ulast, ilast, 1)
        drain(set0, semA)
        extract(set0, ulast, ilast, 0, nvec - 1)
        drain(set1, semB)
        extract(set1, ulast, ilast, 1, nvec - 1)

        def group(g, carry):
            flat = (g * L + lane) * D
            acc = bu_v[pl.ds(g * L, L)] + bi_v[pl.ds(g * L, L)] + mu_vec
            for d in range(D):
                acc = acc + (plsc.load_gather(prow, [flat + d])
                             * plsc.load_gather(qrow, [flat + d]))
            out_v[pl.ds(g * L, L)] = acc
            return carry

        lax.fori_loop(0, bpw // L, group, 0)
        pltpu.sync_copy(out_v, out_hbm.at[pl.ds(base, bpw)])

    return svdpp


def kernel(user_id, item_id, u_i_dict, P, Q, user_bias, item_bias,
           global_bias):
    del u_i_dict
    B = user_id.shape[0]
    D = P.shape[1]
    mu16 = jnp.broadcast_to(global_bias.astype(jnp.float32), (L,))
    fn = _build(B, D)
    return fn(user_id.astype(jnp.int32), item_id.astype(jnp.int32),
              P.T, Q.T, user_bias.reshape(-1), item_bias.reshape(-1), mu16)

# --- scband reference (transcript-rebuilt; emitter-appended) ---
"""Pipeline reference for scband-svdpp-9680856285313 (READ-ONLY COPY).

The authoritative reference and input builder live on the scoring server;
editing this copy changes nothing except your own understanding.
"""

import jax, jax.numpy as jnp
import numpy as np

NUM_USERS = 1000000
NUM_ITEMS = 1000000
D = 16
B = 16384

def setup_inputs(seed: int = 0) -> dict:
    key = jax.random.key(seed)
    ks = jax.random.split(key, 6)
    user_id = jax.random.randint(ks[0], (B,), 0, NUM_USERS, dtype=jnp.int64 if jax.config.jax_enable_x64 else jnp.int32)
    item_id = jax.random.randint(ks[1], (B,), 0, NUM_ITEMS, dtype=jnp.int64 if jax.config.jax_enable_x64 else jnp.int32)
    P = jax.random.normal(ks[2], (NUM_USERS, D), dtype=jnp.float32) * 0.05
    Q = jax.random.normal(ks[3], (NUM_ITEMS, D), dtype=jnp.float32) * 0.05
    user_bias = jax.random.normal(ks[4], (NUM_USERS, 1), dtype=jnp.float32) * 0.05
    item_bias = jax.random.normal(ks[5], (NUM_ITEMS, 1), dtype=jnp.float32) * 0.05
    global_bias = jnp.zeros((1,), dtype=jnp.float32)
    return {"user_id": user_id, "item_id": item_id, "u_i_dict": 0,
            "P": P, "Q": Q, "user_bias": user_bias, "item_bias": item_bias,
            "global_bias": global_bias}

def reference(user_id, item_id, u_i_dict, P, Q, user_bias, item_bias, global_bias):
    # u_i_dict is accepted by the original forward but never used
    P_u = jnp.take(P, user_id, axis=0)            # [B, D] gather
    Q_i = jnp.take(Q, item_id, axis=0)            # [B, D] gather
    b_u = jnp.take(user_bias, user_id, axis=0)    # [B, 1] gather
    b_i = jnp.take(item_bias, item_id, axis=0)    # [B, 1] gather
    mu = global_bias
    # batch size >= 2, so take the batched branch of the original code
    outputs = mu + jnp.squeeze(b_u) + jnp.squeeze(b_i) + (P_u * Q_i).sum(axis=1)
    return outputs.reshape(-1)

if __name__ == "__main__":
    import jax
    _d = setup_inputs()
    print(jax.jit(kernel)(*tuple(_d.values())))

</pallas_src>

<mosaic_0001>
#map = affine_map<(d0, d1) -> (0)>
#map1 = affine_map<(d0, d1) -> (0, 0)>
module attributes {stable_mosaic.version = 14 : i64} {
  func.func @svdpp(%arg0: i32, %arg1: i32, %arg2: memref<16384xi32, #tpu.memory_space<hbm>>, %arg3: memref<16384xi32, #tpu.memory_space<hbm>>, %arg4: memref<16x1000000xf32, #tpu.memory_space<hbm>>, %arg5: memref<16x1000000xf32, #tpu.memory_space<hbm>>, %arg6: memref<1000000xf32, #tpu.memory_space<hbm>>, %arg7: memref<1000000xf32, #tpu.memory_space<hbm>>, %arg8: memref<16xf32, #tpu.memory_space<hbm>>, %arg9: memref<16384xf32, #tpu.memory_space<hbm>>, %arg10: memref<4x128xi32, #tpu.memory_space<vmem>>, %arg11: memref<4x128xi32, #tpu.memory_space<vmem>>, %arg12: memref<512xf32, #tpu.memory_space<vmem>>, %arg13: memref<512xf32, #tpu.memory_space<vmem>>, %arg14: memref<512xf32, #tpu.memory_space<vmem>>, %arg15: memref<16xf32, #tpu.memory_space<vmem>>, %arg16: memref<16x128xf32, #tpu.memory_space<vmem>>, %arg17: memref<16x128xf32, #tpu.memory_space<vmem>>, %arg18: memref<16x128xf32, #tpu.memory_space<vmem>>, %arg19: memref<16x128xf32, #tpu.memory_space<vmem>>, %arg20: memref<16x128xf32, #tpu.memory_space<vmem>>, %arg21: memref<16x128xf32, #tpu.memory_space<vmem>>, %arg22: memref<16x128xf32, #tpu.memory_space<vmem>>, %arg23: memref<16x128xf32, #tpu.memory_space<vmem>>, %arg24: memref<16x128xf32, #tpu.memory_space<vmem>>, %arg25: memref<16x128xf32, #tpu.memory_space<vmem>>, %arg26: memref<16x128xf32, #tpu.memory_space<vmem>>, %arg27: memref<16x128xf32, #tpu.memory_space<vmem>>, %arg28: memref<16x128xf32, #tpu.memory_space<vmem>>, %arg29: memref<16x128xf32, #tpu.memory_space<vmem>>, %arg30: memref<16x128xf32, #tpu.memory_space<vmem>>, %arg31: memref<16x128xf32, #tpu.memory_space<vmem>>, %arg32: memref<16x128xf32, #tpu.memory_space<vmem>>, %arg33: memref<16x128xf32, #tpu.memory_space<vmem>>, %arg34: memref<16x128xf32, #tpu.memory_space<vmem>>, %arg35: memref<16x128xf32, #tpu.memory_space<vmem>>, %arg36: memref<16x128xf32, #tpu.memory_space<vmem>>, %arg37: memref<16x128xf32, #tpu.memory_space<vmem>>, %arg38: memref<16x128xf32, #tpu.memory_space<vmem>>, %arg39: memref<16x128xf32, #tpu.memory_space<vmem>>, %arg40: memref<16x128xf32, #tpu.memory_space<vmem>>, %arg41: memref<16x128xf32, #tpu.memory_space<vmem>>, %arg42: memref<16x128xf32, #tpu.memory_space<vmem>>, %arg43: memref<16x128xf32, #tpu.memory_space<vmem>>, %arg44: memref<16x128xf32, #tpu.memory_space<vmem>>, %arg45: memref<16x128xf32, #tpu.memory_space<vmem>>, %arg46: memref<16x128xf32, #tpu.memory_space<vmem>>, %arg47: memref<16x128xf32, #tpu.memory_space<vmem>>, %arg48: memref<8192xf32, #tpu.memory_space<vmem>>, %arg49: memref<8192xf32, #tpu.memory_space<vmem>>, %arg50: memref<!tpu.dma_semaphore, #tpu.memory_space<semaphore_mem>>, %arg51: memref<!tpu.dma_semaphore, #tpu.memory_space<semaphore_mem>>, %arg52: memref<!tpu.dma_semaphore, #tpu.memory_space<semaphore_mem>>) attributes {dimension_semantics = [#tpu.dimension_semantics<core_parallel>, #tpu.dimension_semantics<subcore_parallel>], iteration_bounds = array<i64: 2, 16>, scalar_prefetch = 0 : i64, scratch_operands = 43 : i64, tpu.core_type = #tpu.core_type<sc_vector_subcore>, window_params = [{transform_indices = #map}, {transform_indices = #map}, {transform_indices = #map1}, {transform_indices = #map1}, {transform_indices = #map}, {transform_indices = #map}, {transform_indices = #map}, {transform_indices = #map}]} {
    %mul3A = arith.constant 2 : i32
    %mul3A_0 = arith.muli %arg1, %mul3A : i32
    %add3A = arith.addi %mul3A_0, %arg0 : i32
    %mul3A_1 = arith.constant 512 : i32
    %mul3A_2 = arith.muli %add3A, %mul3A_1 : i32
    "tpu.region"() ({
      %run_scoped3A_2108 = tpu.sem_alloc : memref<!tpu.dma_semaphore, #tpu.memory_space<semaphore_mem>>
      tpu.enqueue_dma source(%arg8 : memref<16xf32, #tpu.memory_space<hbm>>) target(%arg15 : memref<16xf32, #tpu.memory_space<vmem>>) target_semaphore(%run_scoped3A_2108 : memref<!tpu.dma_semaphore, #tpu.memory_space<semaphore_mem>>)
      tpu.wait_dma2 semaphore(%run_scoped3A_2108 : memref<!tpu.dma_semaphore, #tpu.memory_space<semaphore_mem>>) src(%arg8 : memref<16xf32, #tpu.memory_space<hbm>>) dst(%arg15 : memref<16xf32, #tpu.memory_space<vmem>>)
      tpu.yield
    }) : () -> ()
    %add3A_3 = arith.constant 0 : i32
    %add3A_4 = arith.addi %mul3A_2, %add3A_3 : i32
    %run_scoped3A = arith.constant 0 : i32
    "tpu.region"() ({
      %run_scoped3A_2108 = tpu.sem_alloc : memref<!tpu.dma_semaphore, #tpu.memory_space<semaphore_mem>>
      %dma_start3A_2109 = arith.constant 0 : i32
      %dma_start3A_2110 = tpu.memref_slice %arg10[%run_scoped3A, %dma_start3A_2109] : memref<4x128xi32, #tpu.memory_space<vmem>> -> memref<1x128xi32, #tpu.memory_space<vmem>>
      %dma_start3A_2111 = tpu.memref_squeeze %dma_start3A_2110 : memref<1x128xi32, #tpu.memory_space<vmem>> -> memref<128xi32, #tpu.memory_space<vmem>>
      %dma_start3A_2112 = tpu.memref_slice %arg2[%add3A_4] : memref<16384xi32, #tpu.memory_space<hbm>> -> memref<128xi32, #tpu.memory_space<hbm>>
      %dma_start3A_2113 = arith.constant 0 : i32
      %dma_start3A_2114 = tpu.memref_slice %arg10[%run_scoped3A, %dma_start3A_2113] : memref<4x128xi32, #tpu.memory_space<vmem>> -> memref<1x128xi32, #tpu.memory_space<vmem>>
      %dma_start3A_2115 = tpu.memref_squeeze %dma_start3A_2114 : memref<1x128xi32, #tpu.memory_space<vmem>> -> memref<128xi32, #tpu.memory_space<vmem>>
      %dma_start3A_2116 = tpu.memref_slice %arg2[%add3A_4] : memref<16384xi32, #tpu.memory_space<hbm>> -> memref<128xi32, #tpu.memory_space<hbm>>
      tpu.enqueue_dma source(%dma_start3A_2116 : memref<128xi32, #tpu.memory_space<hbm>>) target(%dma_start3A_2115 : memref<128xi32, #tpu.memory_space<vmem>>) target_semaphore(%run_scoped3A_2108 : memref<!tpu.dma_semaphore, #tpu.memory_space<semaphore_mem>>)
      %dma_wait3A_2117 = arith.constant 0 : i32
      %dma_wait3A_2118 = tpu.memref_slice %arg10[%run_scoped3A, %dma_wait3A_2117] : memref<4x128xi32, #tpu.memory_space<vmem>> -> memref<1x128xi32, #tpu.memory_space<vmem>>
      %dma_wait3A_2119 = tpu.memref_squeeze %dma_wait3A_2118 : memref<1x128xi32, #tpu.memory_space<vmem>> -> memref<128xi32, #tpu.memory_space<vmem>>
      %dma_wait3A_2120 = tpu.memref_slice %arg2[%add3A_4] : memref<16384xi32, #tpu.memory_space<hbm>> -> memref<128xi32, #tpu.memory_space<hbm>>
      %dma_wait3A_2121 = arith.constant 0 : i32
      %dma_wait3A_2122 = tpu.memref_slice %arg10[%run_scoped3A, %dma_wait3A_2121] : memref<4x128xi32, #tpu.memory_space<vmem>> -> memref<1x128xi32, #tpu.memory_space<vmem>>
      %dma_wait3A_2123 = tpu.memref_squeeze %dma_wait3A_2122 : memref<1x128xi32, #tpu.memory_space<vmem>> -> memref<128xi32, #tpu.memory_space<vmem>>
      %dma_wait3A_2124 = tpu.memref_slice %arg2[%add3A_4] : memref<16384xi32, #tpu.memory_space<hbm>> -> memref<128xi32, #tpu.memory_space<hbm>>
      tpu.wait_dma2 semaphore(%run_scoped3A_2108 : memref<!tpu.dma_semaphore, #tpu.memory_space<semaphore_mem>>) src(%dma_wait3A_2124 : memref<128xi32, #tpu.memory_space<hbm>>) dst(%dma_wait3A_2123 : memref<128xi32, #tpu.memory_space<vmem>>)
      tpu.yield
    }) : () -> ()
    %add3A_5 = arith.constant 0 : i32
    %add3A_6 = arith.addi %mul3A_2, %add3A_5 : i32
    %run_scoped3A_7 = arith.constant 0 : i32
    "tpu.region"() ({
      %run_scoped3A_2108 = tpu.sem_alloc : memref<!tpu.dma_semaphore, #tpu.memory_space<semaphore_mem>>
      %dma_start3A_2109 = arith.constant 0 : i32
      %dma_start3A_2110 = tpu.memref_slice %arg11[%run_scoped3A_7, %dma_start3A_2109] : memref<4x128xi32, #tpu.memory_space<vmem>> -> memref<1x128xi32, #tpu.memory_space<vmem>>
      %dma_start3A_2111 = tpu.memref_squeeze %dma_start3A_2110 : memref<1x128xi32, #tpu.memory_space<vmem>> -> memref<128xi32, #tpu.memory_space<vmem>>
      %dma_start3A_2112 = tpu.memref_slice %arg3[%add3A_6] : memref<16384xi32, #tpu.memory_space<hbm>> -> memref<128xi32, #tpu.memory_space<hbm>>
      %dma_start3A_2113 = arith.constant 0 : i32
      %dma_start3A_2114 = tpu.memref_slice %arg11[%run_scoped3A_7, %dma_start3A_2113] : memref<4x128xi32, #tpu.memory_space<vmem>> -> memref<1x128xi32, #tpu.memory_space<vmem>>
      %dma_start3A_2115 = tpu.memref_squeeze %dma_start3A_2114 : memref<1x128xi32, #tpu.memory_space<vmem>> -> memref<128xi32, #tpu.memory_space<vmem>>
      %dma_start3A_2116 = tpu.memref_slice %arg3[%add3A_6] : memref<16384xi32, #tpu.memory_space<hbm>> -> memref<128xi32, #tpu.memory_space<hbm>>
      tpu.enqueue_dma source(%dma_start3A_2116 : memref<128xi32, #tpu.memory_space<hbm>>) target(%dma_start3A_2115 : memref<128xi32, #tpu.memory_space<vmem>>) target_semaphore(%run_scoped3A_2108 : memref<!tpu.dma_semaphore, #tpu.memory_space<semaphore_mem>>)
      %dma_wait3A_2117 = arith.constant 0 : i32
      %dma_wait3A_2118 = tpu.memref_slice %arg11[%run_scoped3A_7, %dma_wait3A_2117] : memref<4x128xi32, #tpu.memory_space<vmem>> -> memref<1x128xi32, #tpu.memory_space<vmem>>
      %dma_wait3A_2119 = tpu.memref_squeeze %dma_wait3A_2118 : memref<1x128xi32, #tpu.memory_space<vmem>> -> memref<128xi32, #tpu.memory_space<vmem>>
      %dma_wait3A_2120 = tpu.memref_slice %arg3[%add3A_6] : memref<16384xi32, #tpu.memory_space<hbm>> -> memref<128xi32, #tpu.memory_space<hbm>>
      %dma_wait3A_2121 = arith.constant 0 : i32
      %dma_wait3A_2122 = tpu.memref_slice %arg11[%run_scoped3A_7, %dma_wait3A_2121] : memref<4x128xi32, #tpu.memory_space<vmem>> -> memref<1x128xi32, #tpu.memory_space<vmem>>
      %dma_wait3A_2123 = tpu.memref_squeeze %dma_wait3A_2122 : memref<1x128xi32, #tpu.memory_space<vmem>> -> memref<128xi32, #tpu.memory_space<vmem>>
      %dma_wait3A_2124 = tpu.memref_slice %arg3[%add3A_6] : memref<16384xi32, #tpu.memory_space<hbm>> -> memref<128xi32, #tpu.memory_space<hbm>>
      tpu.wait_dma2 semaphore(%run_scoped3A_2108 : memref<!tpu.dma_semaphore, #tpu.memory_space<semaphore_mem>>) src(%dma_wait3A_2124 : memref<128xi32, #tpu.memory_space<hbm>>) dst(%dma_wait3A_2123 : memref<128xi32, #tpu.memory_space<vmem>>)
      tpu.yield
    }) : () -> ()
    %add3A_8 = arith.constant 128 : i32
    %add3A_9 = arith.addi %mul3A_2, %add3A_8 : i32
    %run_scoped3A_10 = arith.constant 1 : i32
    "tpu.region"() ({
      %run_scoped3A_2108 = tpu.sem_alloc : memref<!tpu.dma_semaphore, #tpu.memory_space<semaphore_mem>>
      %dma_start3A_2109 = arith.constant 0 : i32
      %dma_start3A_2110 = tpu.memref_slice %arg10[%run_scoped3A_10, %dma_start3A_2109] : memref<4x128xi32, #tpu.memory_space<vmem>> -> memref<1x128xi32, #tpu.memory_space<vmem>>
      %dma_start3A_2111 = tpu.memref_squeeze %dma_start3A_2110 : memref<1x128xi32, #tpu.memory_space<vmem>> -> memref<128xi32, #tpu.memory_space<vmem>>
      %dma_start3A_2112 = tpu.memref_slice %arg2[%add3A_9] : memref<16384xi32, #tpu.memory_space<hbm>> -> memref<128xi32, #tpu.memory_space<hbm>>
      %dma_start3A_2113 = arith.constant 0 : i32
      %dma_start3A_2114 = tpu.memref_slice %arg10[%run_scoped3A_10, %dma_start3A_2113] : memref<4x128xi32, #tpu.memory_space<vmem>> -> memref<1x128xi32, #tpu.memory_space<vmem>>
      %dma_start3A_2115 = tpu.memref_squeeze %dma_start3A_2114 : memref<1x128xi32, #tpu.memory_space<vmem>> -> memref<128xi32, #tpu.memory_space<vmem>>
      %dma_start3A_2116 = tpu.memref_slice %arg2[%add3A_9] : memref<16384xi32, #tpu.memory_space<hbm>> -> memref<128xi32, #tpu.memory_space<hbm>>
      tpu.enqueue_dma source(%dma_start3A_2116 : memref<128xi32, #tpu.memory_space<hbm>>) target(%dma_start3A_2115 : memref<128xi32, #tpu.memory_space<vmem>>) target_semaphore(%run_scoped3A_2108 : memref<!tpu.dma_semaphore, #tpu.memory_space<semaphore_mem>>)
      %dma_wait3A_2117 = arith.constant 0 : i32
      %dma_wait3A_2118 = tpu.memref_slice %arg10[%run_scoped3A_10, %dma_wait3A_2117] : memref<4x128xi32, #tpu.memory_space<vmem>> -> memref<1x128xi32, #tpu.memory_space<vmem>>
      %dma_wait3A_2119 = tpu.memref_squeeze %dma_wait3A_2118 : memref<1x128xi32, #tpu.memory_space<vmem>> -> memref<128xi32, #tpu.memory_space<vmem>>
      %dma_wait3A_2120 = tpu.memref_slice %arg2[%add3A_9] : memref<16384xi32, #tpu.memory_space<hbm>> -> memref<128xi32, #tpu.memory_space<hbm>>
      %dma_wait3A_2121 = arith.constant 0 : i32
      %dma_wait3A_2122 = tpu.memref_slice %arg10[%run_scoped3A_10, %dma_wait3A_2121] : memref<4x128xi32, #tpu.memory_space<vmem>> -> memref<1x128xi32, #tpu.memory_space<vmem>>
      %dma_wait3A_2123 = tpu.memref_squeeze %dma_wait3A_2122 : memref<1x128xi32, #tpu.memory_space<vmem>> -> memref<128xi32, #tpu.memory_space<vmem>>
      %dma_wait3A_2124 = tpu.memref_slice %arg2[%add3A_9] : memref<16384xi32, #tpu.memory_space<hbm>> -> memref<128xi32, #tpu.memory_space<hbm>>
      tpu.wait_dma2 semaphore(%run_scoped3A_2108 : memref<!tpu.dma_semaphore, #tpu.memory_space<semaphore_mem>>) src(%dma_wait3A_2124 : memref<128xi32, #tpu.memory_space<hbm>>) dst(%dma_wait3A_2123 : memref<128xi32, #tpu.memory_space<vmem>>)
      tpu.yield
    }) : () -> ()
    %add3A_11 = arith.constant 128 : i32
    %add3A_12 = arith.addi %mul3A_2, %add3A_11 : i32
    %run_scoped3A_13 = arith.constant 1 : i32
    "tpu.region"() ({
      %run_scoped3A_2108 = tpu.sem_alloc : memref<!tpu.dma_semaphore, #tpu.memory_space<semaphore_mem>>
      %dma_start3A_2109 = arith.constant 0 : i32
      %dma_start3A_2110 = tpu.memref_slice %arg11[%run_scoped3A_13, %dma_start3A_2109] : memref<4x128xi32, #tpu.memory_space<vmem>> -> memref<1x128xi32, #tpu.memory_space<vmem>>
      %dma_start3A_2111 = tpu.memref_squeeze %dma_start3A_2110 : memref<1x128xi32, #tpu.memory_space<vmem>> -> memref<128xi32, #tpu.memory_space<vmem>>
      %dma_start3A_2112 = tpu.memref_slice %arg3[%add3A_12] : memref<16384xi32, #tpu.memory_space<hbm>> -> memref<128xi32, #tpu.memory_space<hbm>>
      %dma_start3A_2113 = arith.constant 0 : i32
      %dma_start3A_2114 = tpu.memref_slice %arg11[%run_scoped3A_13, %dma_start3A_2113] : memref<4x128xi32, #tpu.memory_space<vmem>> -> memref<1x128xi32, #tpu.memory_space<vmem>>
      %dma_start3A_2115 = tpu.memref_squeeze %dma_start3A_2114 : memref<1x128xi32, #tpu.memory_space<vmem>> -> memref<128xi32, #tpu.memory_space<vmem>>
      %dma_start3A_2116 = tpu.memref_slice %arg3[%add3A_12] : memref<16384xi32, #tpu.memory_space<hbm>> -> memref<128xi32, #tpu.memory_space<hbm>>
      tpu.enqueue_dma source(%dma_start3A_2116 : memref<128xi32, #tpu.memory_space<hbm>>) target(%dma_start3A_2115 : memref<128xi32, #tpu.memory_space<vmem>>) target_semaphore(%run_scoped3A_2108 : memref<!tpu.dma_semaphore, #tpu.memory_space<semaphore_mem>>)
      %dma_wait3A_2117 = arith.constant 0 : i32
      %dma_wait3A_2118 = tpu.memref_slice %arg11[%run_scoped3A_13, %dma_wait3A_2117] : memref<4x128xi32, #tpu.memory_space<vmem>> -> memref<1x128xi32, #tpu.memory_space<vmem>>
      %dma_wait3A_2119 = tpu.memref_squeeze %dma_wait3A_2118 : memref<1x128xi32, #tpu.memory_space<vmem>> -> memref<128xi32, #tpu.memory_space<vmem>>
      %dma_wait3A_2120 = tpu.memref_slice %arg3[%add3A_12] : memref<16384xi32, #tpu.memory_space<hbm>> -> memref<128xi32, #tpu.memory_space<hbm>>
      %dma_wait3A_2121 = arith.constant 0 : i32
      %dma_wait3A_2122 = tpu.memref_slice %arg11[%run_scoped3A_13, %dma_wait3A_2121] : memref<4x128xi32, #tpu.memory_space<vmem>> -> memref<1x128xi32, #tpu.memory_space<vmem>>
      %dma_wait3A_2123 = tpu.memref_squeeze %dma_wait3A_2122 : memref<1x128xi32, #tpu.memory_space<vmem>> -> memref<128xi32, #tpu.memory_space<vmem>>
      %dma_wait3A_2124 = tpu.memref_slice %arg3[%add3A_12] : memref<16384xi32, #tpu.memory_space<hbm>> -> memref<128xi32, #tpu.memory_space<hbm>>
      tpu.wait_dma2 semaphore(%run_scoped3A_2108 : memref<!tpu.dma_semaphore, #tpu.memory_space<semaphore_mem>>) src(%dma_wait3A_2124 : memref<128xi32, #tpu.memory_space<hbm>>) dst(%dma_wait3A_2123 : memref<128xi32, #tpu.memory_space<vmem>>)
      tpu.yield
    }) : () -> ()
    %add3A_14 = arith.constant 256 : i32
    %add3A_15 = arith.addi %mul3A_2, %add3A_14 : i32
    %run_scoped3A_16 = arith.constant 2 : i32
    "tpu.region"() ({
      %run_scoped3A_2108 = tpu.sem_alloc : memref<!tpu.dma_semaphore, #tpu.memory_space<semaphore_mem>>
      %dma_start3A_2109 = arith.constant 0 : i32
      %dma_start3A_2110 = tpu.memref_slice %arg10[%run_scoped3A_16, %dma_start3A_2109] : memref<4x128xi32, #tpu.memory_space<vmem>> -> memref<1x128xi32, #tpu.memory_space<vmem>>
      %dma_start3A_2111 = tpu.memref_squeeze %dma_start3A_2110 : memref<1x128xi32, #tpu.memory_space<vmem>> -> memref<128xi32, #tpu.memory_space<vmem>>
      %dma_start3A_2112 = tpu.memref_slice %arg2[%add3A_15] : memref<16384xi32, #tpu.memory_space<hbm>> -> memref<128xi32, #tpu.memory_space<hbm>>
      %dma_start3A_2113 = arith.constant 0 : i32
      %dma_start3A_2114 = tpu.memref_slice %arg10[%run_scoped3A_16, %dma_start3A_2113] : memref<4x128xi32, #tpu.memory_space<vmem>> -> memref<1x128xi32, #tpu.memory_space<vmem>>
      %dma_start3A_2115 = tpu.memref_squeeze %dma_start3A_2114 : memref<1x128xi32, #tpu.memory_space<vmem>> -> memref<128xi32, #tpu.memory_space<vmem>>
      %dma_start3A_2116 = tpu.memref_slice %arg2[%add3A_15] : memref<16384xi32, #tpu.memory_space<hbm>> -> memref<128xi32, #tpu.memory_space<hbm>>
      tpu.enqueue_dma source(%dma_start3A_2116 : memref<128xi32, #tpu.memory_space<hbm>>) target(%dma_start3A_2115 : memref<128xi32, #tpu.memory_space<vmem>>) target_semaphore(%run_scoped3A_2108 : memref<!tpu.dma_semaphore, #tpu.memory_space<semaphore_mem>>)
      %dma_wait3A_2117 = arith.constant 0 : i32
      %dma_wait3A_2118 = tpu.memref_slice %arg10[%run_scoped3A_16, %dma_wait3A_2117] : memref<4x128xi32, #tpu.memory_space<vmem>> -> memref<1x128xi32, #tpu.memory_space<vmem>>
      %dma_wait3A_2119 = tpu.memref_squeeze %dma_wait3A_2118 : memref<1x128xi32, #tpu.memory_space<vmem>> -> memref<128xi32, #tpu.memory_space<vmem>>
      %dma_wait3A_2120 = tpu.memref_slice %arg2[%add3A_15] : memref<16384xi32, #tpu.memory_space<hbm>> -> memref<128xi32, #tpu.memory_space<hbm>>
      %dma_wait3A_2121 = arith.constant 0 : i32
      %dma_wait3A_2122 = tpu.memref_slice %arg10[%run_scoped3A_16, %dma_wait3A_2121] : memref<4x128xi32, #tpu.memory_space<vmem>> -> memref<1x128xi32, #tpu.memory_space<vmem>>
      %dma_wait3A_2123 = tpu.memref_squeeze %dma_wait3A_2122 : memref<1x128xi32, #tpu.memory_space<vmem>> -> memref<128xi32, #tpu.memory_space<vmem>>
      %dma_wait3A_2124 = tpu.memref_slice %arg2[%add3A_15] : memref<16384xi32, #tpu.memory_space<hbm>> -> memref<128xi32, #tpu.memory_space<hbm>>
      tpu.wait_dma2 semaphore(%run_scoped3A_2108 : memref<!tpu.dma_semaphore, #tpu.memory_space<semaphore_mem>>) src(%dma_wait3A_2124 : memref<128xi32, #tpu.memory_space<hbm>>) dst(%dma_wait3A_2123 : memref<128xi32, #tpu.memory_space<vmem>>)
      tpu.yield
    }) : () -> ()
    %add3A_17 = arith.constant 256 : i32
    %add3A_18 = arith.addi %mul3A_2, %add3A_17 : i32
    %run_scoped3A_19 = arith.constant 2 : i32
    "tpu.region"() ({
      %run_scoped3A_2108 = tpu.sem_alloc : memref<!tpu.dma_semaphore, #tpu.memory_space<semaphore_mem>>
      %dma_start3A_2109 = arith.constant 0 : i32
      %dma_start3A_2110 = tpu.memref_slice %arg11[%run_scoped3A_19, %dma_start3A_2109] : memref<4x128xi32, #tpu.memory_space<vmem>> -> memref<1x128xi32, #tpu.memory_space<vmem>>
      %dma_start3A_2111 = tpu.memref_squeeze %dma_start3A_2110 : memref<1x128xi32, #tpu.memory_space<vmem>> -> memref<128xi32, #tpu.memory_space<vmem>>
      %dma_start3A_2112 = tpu.memref_slice %arg3[%add3A_18] : memref<16384xi32, #tpu.memory_space<hbm>> -> memref<128xi32, #tpu.memory_space<hbm>>
      %dma_start3A_2113 = arith.constant 0 : i32
      %dma_start3A_2114 = tpu.memref_slice %arg11[%run_scoped3A_19, %dma_start3A_2113] : memref<4x128xi32, #tpu.memory_space<vmem>> -> memref<1x128xi32, #tpu.memory_space<vmem>>
      %dma_start3A_2115 = tpu.memref_squeeze %dma_start3A_2114 : memref<1x128xi32, #tpu.memory_space<vmem>> -> memref<128xi32, #tpu.memory_space<vmem>>
      %dma_start3A_2116 = tpu.memref_slice %arg3[%add3A_18] : memref<16384xi32, #tpu.memory_space<hbm>> -> memref<128xi32, #tpu.memory_space<hbm>>
      tpu.enqueue_dma source(%dma_start3A_2116 : memref<128xi32, #tpu.memory_space<hbm>>) target(%dma_start3A_2115 : memref<128xi32, #tpu.memory_space<vmem>>) target_semaphore(%run_scoped3A_2108 : memref<!tpu.dma_semaphore, #tpu.memory_space<semaphore_mem>>)
      %dma_wait3A_2117 = arith.constant 0 : i32
      %dma_wait3A_2118 = tpu.memref_slice %arg11[%run_scoped3A_19, %dma_wait3A_2117] : memref<4x128xi32, #tpu.memory_space<vmem>> -> memref<1x128xi32, #tpu.memory_space<vmem>>
      %dma_wait3A_2119 = tpu.memref_squeeze %dma_wait3A_2118 : memref<1x128xi32, #tpu.memory_space<vmem>> -> memref<128xi32, #tpu.memory_space<vmem>>
      %dma_wait3A_2120 = tpu.memref_slice %arg3[%add3A_18] : memref<16384xi32, #tpu.memory_space<hbm>> -> memref<128xi32, #tpu.memory_space<hbm>>
      %dma_wait3A_2121 = arith.constant 0 : i32
      %dma_wait3A_2122 = tpu.memref_slice %arg11[%run_scoped3A_19, %dma_wait3A_2121] : memref<4x128xi32, #tpu.memory_space<vmem>> -> memref<1x128xi32, #tpu.memory_space<vmem>>
      %dma_wait3A_2123 = tpu.memref_squeeze %dma_wait3A_2122 : memref<1x128xi32, #tpu.memory_space<vmem>> -> memref<128xi32, #tpu.memory_space<vmem>>
      %dma_wait3A_2124 = tpu.memref_slice %arg3[%add3A_18] : memref<16384xi32, #tpu.memory_space<hbm>> -> memref<128xi32, #tpu.memory_space<hbm>>
      tpu.wait_dma2 semaphore(%run_scoped3A_2108 : memref<!tpu.dma_semaphore, #tpu.memory_space<semaphore_mem>>) src(%dma_wait3A_2124 : memref<128xi32, #tpu.memory_space<hbm>>) dst(%dma_wait3A_2123 : memref<128xi32, #tpu.memory_space<vmem>>)
      tpu.yield
    }) : () -> ()
    %add3A_20 = arith.constant 384 : i32
    %add3A_21 = arith.addi %mul3A_2, %add3A_20 : i32
    %run_scoped3A_22 = arith.constant 3 : i32
    "tpu.region"() ({
      %run_scoped3A_2108 = tpu.sem_alloc : memref<!tpu.dma_semaphore, #tpu.memory_space<semaphore_mem>>
      %dma_start3A_2109 = arith.constant 0 : i32
      %dma_start3A_2110 = tpu.memref_slice %arg10[%run_scoped3A_22, %dma_start3A_2109] : memref<4x128xi32, #tpu.memory_space<vmem>> -> memref<1x128xi32, #tpu.memory_space<vmem>>
      %dma_start3A_2111 = tpu.memref_squeeze %dma_start3A_2110 : memref<1x128xi32, #tpu.memory_space<vmem>> -> memref<128xi32, #tpu.memory_space<vmem>>
      %dma_start3A_2112 = tpu.memref_slice %arg2[%add3A_21] : memref<16384xi32, #tpu.memory_space<hbm>> -> memref<128xi32, #tpu.memory_space<hbm>>
      %dma_start3A_2113 = arith.constant 0 : i32
      %dma_start3A_2114 = tpu.memref_slice %arg10[%run_scoped3A_22, %dma_start3A_2113] : memref<4x128xi32, #tpu.memory_space<vmem>> -> memref<1x128xi32, #tpu.memory_space<vmem>>
      %dma_start3A_2115 = tpu.memref_squeeze %dma_start3A_2114 : memref<1x128xi32, #tpu.memory_space<vmem>> -> memref<128xi32, #tpu.memory_space<vmem>>
      %dma_start3A_2116 = tpu.memref_slice %arg2[%add3A_21] : memref<16384xi32, #tpu.memory_space<hbm>> -> memref<128xi32, #tpu.memory_space<hbm>>
      tpu.enqueue_dma source(%dma_start3A_2116 : memref<128xi32, #tpu.memory_space<hbm>>) target(%dma_start3A_2115 : memref<128xi32, #tpu.memory_space<vmem>>) target_semaphore(%run_scoped3A_2108 : memref<!tpu.dma_semaphore, #tpu.memory_space<semaphore_mem>>)
      %dma_wait3A_2117 = arith.constant 0 : i32
      %dma_wait3A_2118 = tpu.memref_slice %arg10[%run_scoped3A_22, %dma_wait3A_2117] : memref<4x128xi32, #tpu.memory_space<vmem>> -> memref<1x128xi32, #tpu.memory_space<vmem>>
      %dma_wait3A_2119 = tpu.memref_squeeze %dma_wait3A_2118 : memref<1x128xi32, #tpu.memory_space<vmem>> -> memref<128xi32, #tpu.memory_space<vmem>>
      %dma_wait3A_2120 = tpu.memref_slice %arg2[%add3A_21] : memref<16384xi32, #tpu.memory_space<hbm>> -> memref<128xi32, #tpu.memory_space<hbm>>
      %dma_wait3A_2121 = arith.constant 0 : i32
      %dma_wait3A_2122 = tpu.memref_slice %arg10[%run_scoped3A_22, %dma_wait3A_2121] : memref<4x128xi32, #tpu.memory_space<vmem>> -> memref<1x128xi32, #tpu.memory_space<vmem>>
      %dma_wait3A_2123 = tpu.memref_squeeze %dma_wait3A_2122 : memref<1x128xi32, #tpu.memory_space<vmem>> -> memref<128xi32, #tpu.memory_space<vmem>>
      %dma_wait3A_2124 = tpu.memref_slice %arg2[%add3A_21] : memref<16384xi32, #tpu.memory_space<hbm>> -> memref<128xi32, #tpu.memory_space<hbm>>
      tpu.wait_dma2 semaphore(%run_scoped3A_2108 : memref<!tpu.dma_semaphore, #tpu.memory_space<semaphore_mem>>) src(%dma_wait3A_2124 : memref<128xi32, #tpu.memory_space<hbm>>) dst(%dma_wait3A_2123 : memref<128xi32, #tpu.memory_space<vmem>>)
      tpu.yield
    }) : () -> ()
    %add3A_23 = arith.constant 384 : i32
    %add3A_24 = arith.addi %mul3A_2, %add3A_23 : i32
    %run_scoped3A_25 = arith.constant 3 : i32
    "tpu.region"() ({
      %run_scoped3A_2108 = tpu.sem_alloc : memref<!tpu.dma_semaphore, #tpu.memory_space<semaphore_mem>>
      %dma_start3A_2109 = arith.constant 0 : i32
      %dma_start3A_2110 = tpu.memref_slice %arg11[%run_scoped3A_25, %dma_start3A_2109] : memref<4x128xi32, #tpu.memory_space<vmem>> -> memref<1x128xi32, #tpu.memory_space<vmem>>
      %dma_start3A_2111 = tpu.memref_squeeze %dma_start3A_2110 : memref<1x128xi32, #tpu.memory_space<vmem>> -> memref<128xi32, #tpu.memory_space<vmem>>
      %dma_start3A_2112 = tpu.memref_slice %arg3[%add3A_24] : memref<16384xi32, #tpu.memory_space<hbm>> -> memref<128xi32, #tpu.memory_space<hbm>>
      %dma_start3A_2113 = arith.constant 0 : i32
      %dma_start3A_2114 = tpu.memref_slice %arg11[%run_scoped3A_25, %dma_start3A_2113] : memref<4x128xi32, #tpu.memory_space<vmem>> -> memref<1x128xi32, #tpu.memory_space<vmem>>
      %dma_start3A_2115 = tpu.memref_squeeze %dma_start3A_2114 : memref<1x128xi32, #tpu.memory_space<vmem>> -> memref<128xi32, #tpu.memory_space<vmem>>
      %dma_start3A_2116 = tpu.memref_slice %arg3[%add3A_24] : memref<16384xi32, #tpu.memory_space<hbm>> -> memref<128xi32, #tpu.memory_space<hbm>>
      tpu.enqueue_dma source(%dma_start3A_2116 : memref<128xi32, #tpu.memory_space<hbm>>) target(%dma_start3A_2115 : memref<128xi32, #tpu.memory_space<vmem>>) target_semaphore(%run_scoped3A_2108 : memref<!tpu.dma_semaphore, #tpu.memory_space<semaphore_mem>>)
      %dma_wait3A_2117 = arith.constant 0 : i32
      %dma_wait3A_2118 = tpu.memref_slice %arg11[%run_scoped3A_25, %dma_wait3A_2117] : memref<4x128xi32, #tpu.memory_space<vmem>> -> memref<1x128xi32, #tpu.memory_space<vmem>>
      %dma_wait3A_2119 = tpu.memref_squeeze %dma_wait3A_2118 : memref<1x128xi32, #tpu.memory_space<vmem>> -> memref<128xi32, #tpu.memory_space<vmem>>
      %dma_wait3A_2120 = tpu.memref_slice %arg3[%add3A_24] : memref<16384xi32, #tpu.memory_space<hbm>> -> memref<128xi32, #tpu.memory_space<hbm>>
      %dma_wait3A_2121 = arith.constant 0 : i32
      %dma_wait3A_2122 = tpu.memref_slice %arg11[%run_scoped3A_25, %dma_wait3A_2121] : memref<4x128xi32, #tpu.memory_space<vmem>> -> memref<1x128xi32, #tpu.memory_space<vmem>>
      %dma_wait3A_2123 = tpu.memref_squeeze %dma_wait3A_2122 : memref<1x128xi32, #tpu.memory_space<vmem>> -> memref<128xi32, #tpu.memory_space<vmem>>
      %dma_wait3A_2124 = tpu.memref_slice %arg3[%add3A_24] : memref<16384xi32, #tpu.memory_space<hbm>> -> memref<128xi32, #tpu.memory_space<hbm>>
      tpu.wait_dma2 semaphore(%run_scoped3A_2108 : memref<!tpu.dma_semaphore, #tpu.memory_space<semaphore_mem>>) src(%dma_wait3A_2124 : memref<128xi32, #tpu.memory_space<hbm>>) dst(%dma_wait3A_2123 : memref<128xi32, #tpu.memory_space<vmem>>)
      tpu.yield
    }) : () -> ()
    %dma_start3A = arith.constant 0 : i32
    %dma_start3A_26 = arith.constant 0 : i32
    %dma_start3A_27 = tpu.memref_slice %arg12[%dma_start3A_26] : memref<512xf32, #tpu.memory_space<vmem>> -> memref<128xf32, #tpu.memory_space<vmem>>
    %dma_start3A_28 = arith.constant 0 : i32
    %dma_start3A_29 = tpu.memref_slice %arg10[%dma_start3A, %dma_start3A_28] : memref<4x128xi32, #tpu.memory_space<vmem>> -> memref<1x128xi32, #tpu.memory_space<vmem>>
    %dma_start3A_30 = tpu.memref_squeeze %dma_start3A_29 : memref<1x128xi32, #tpu.memory_space<vmem>> -> memref<128xi32, #tpu.memory_space<vmem>>
    %dma_start3A_31 = arith.constant 0 : i32
    %dma_start3A_32 = tpu.memref_slice %arg6[%dma_start3A_31] : memref<1000000xf32, #tpu.memory_space<hbm>> -> memref<1000000xf32, #tpu.memory_space<hbm>>
    tpu.enqueue_indirect_dma source(%dma_start3A_32 : memref<1000000xf32, #tpu.memory_space<hbm>>) target(%dma_start3A_27 : memref<128xf32, #tpu.memory_space<vmem>>) offsets(%dma_start3A_30 : memref<128xi32, #tpu.memory_space<vmem>>) semaphore(%arg52 : memref<!tpu.dma_semaphore, #tpu.memory_space<semaphore_mem>>)
    %dma_start3A_33 = arith.constant 0 : i32
    %dma_start3A_34 = arith.constant 0 : i32
    %dma_start3A_35 = tpu.memref_slice %arg13[%dma_start3A_34] : memref<512xf32, #tpu.memory_space<vmem>> -> memref<128xf32, #tpu.memory_space<vmem>>
    %dma_start3A_36 = arith.constant 0 : i32
    %dma_start3A_37 = tpu.memref_slice %arg11[%dma_start3A_33, %dma_start3A_36] : memref<4x128xi32, #tpu.memory_space<vmem>> -> memref<1x128xi32, #tpu.memory_space<vmem>>
    %dma_start3A_38 = tpu.memref_squeeze %dma_start3A_37 : memref<1x128xi32, #tpu.memory_space<vmem>> -> memref<128xi32, #tpu.memory_space<vmem>>
    %dma_start3A_39 = arith.constant 0 : i32
    %dma_start3A_40 = tpu.memref_slice %arg7[%dma_start3A_39] : memref<1000000xf32, #tpu.memory_space<hbm>> -> memref<1000000xf32, #tpu.memory_space<hbm>>
    tpu.enqueue_indirect_dma source(%dma_start3A_40 : memref<1000000xf32, #tpu.memory_space<hbm>>) target(%dma_start3A_35 : memref<128xf32, #tpu.memory_space<vmem>>) offsets(%dma_start3A_38 : memref<128xi32, #tpu.memory_space<vmem>>) semaphore(%arg52 : memref<!tpu.dma_semaphore, #tpu.memory_space<semaphore_mem>>)
    %dma_start3A_41 = arith.constant 1 : i32
    %dma_start3A_42 = arith.constant 128 : i32
    %dma_start3A_43 = tpu.memref_slice %arg12[%dma_start3A_42] : memref<512xf32, #tpu.memory_space<vmem>> -> memref<128xf32, #tpu.memory_space<vmem>>
    %dma_start3A_44 = arith.constant 0 : i32
    %dma_start3A_45 = tpu.memref_slice %arg10[%dma_start3A_41, %dma_start3A_44] : memref<4x128xi32, #tpu.memory_space<vmem>> -> memref<1x128xi32, #tpu.memory_space<vmem>>
    %dma_start3A_46 = tpu.memref_squeeze %dma_start3A_45 : memref<1x128xi32, #tpu.memory_space<vmem>> -> memref<128xi32, #tpu.memory_space<vmem>>
    %dma_start3A_47 = arith.constant 0 : i32
    %dma_start3A_48 = tpu.memref_slice %arg6[%dma_start3A_47] : memref<1000000xf32, #tpu.memory_space<hbm>> -> memref<1000000xf32, #tpu.memory_space<hbm>>
    tpu.enqueue_indirect_dma source(%dma_start3A_48 : memref<1000000xf32, #tpu.memory_space<hbm>>) target(%dma_start3A_43 : memref<128xf32, #tpu.memory_space<vmem>>) offsets(%dma_start3A_46 : memref<128xi32, #tpu.memory_space<vmem>>) semaphore(%arg52 : memref<!tpu.dma_semaphore, #tpu.memory_space<semaphore_mem>>)
    %dma_start3A_49 = arith.constant 1 : i32
    %dma_start3A_50 = arith.constant 128 : i32
    %dma_start3A_51 = tpu.memref_slice %arg13[%dma_start3A_50] : memref<512xf32, #tpu.memory_space<vmem>> -> memref<128xf32, #tpu.memory_space<vmem>>
    %dma_start3A_52 = arith.constant 0 : i32
    %dma_start3A_53 = tpu.memref_slice %arg11[%dma_start3A_49, %dma_start3A_52] : memref<4x128xi32, #tpu.memory_space<vmem>> -> memref<1x128xi32, #tpu.memory_space<vmem>>
    %dma_start3A_54 = tpu.memref_squeeze %dma_start3A_53 : memref<1x128xi32, #tpu.memory_space<vmem>> -> memref<128xi32, #tpu.memory_space<vmem>>
    %dma_start3A_55 = arith.constant 0 : i32
    %dma_start3A_56 = tpu.memref_slice %arg7[%dma_start3A_55] : memref<1000000xf32, #tpu.memory_space<hbm>> -> memref<1000000xf32, #tpu.memory_space<hbm>>
    tpu.enqueue_indirect_dma source(%dma_start3A_56 : memref<1000000xf32, #tpu.memory_space<hbm>>) target(%dma_start3A_51 : memref<128xf32, #tpu.memory_space<vmem>>) offsets(%dma_start3A_54 : memref<128xi32, #tpu.memory_space<vmem>>) semaphore(%arg52 : memref<!tpu.dma_semaphore, #tpu.memory_space<semaphore_mem>>)
    %dma_start3A_57 = arith.constant 2 : i32
    %dma_start3A_58 = arith.constant 256 : i32
    %dma_start3A_59 = tpu.memref_slice %arg12[%dma_start3A_58] : memref<512xf32, #tpu.memory_space<vmem>> -> memref<128xf32, #tpu.memory_space<vmem>>
    %dma_start3A_60 = arith.constant 0 : i32
    %dma_start3A_61 = tpu.memref_slice %arg10[%dma_start3A_57, %dma_start3A_60] : memref<4x128xi32, #tpu.memory_space<vmem>> -> memref<1x128xi32, #tpu.memory_space<vmem>>
    %dma_start3A_62 = tpu.memref_squeeze %dma_start3A_61 : memref<1x128xi32, #tpu.memory_space<vmem>> -> memref<128xi32, #tpu.memory_space<vmem>>
    %dma_start3A_63 = arith.constant 0 : i32
    %dma_start3A_64 = tpu.memref_slice %arg6[%dma_start3A_63] : memref<1000000xf32, #tpu.memory_space<hbm>> -> memref<1000000xf32, #tpu.memory_space<hbm>>
    tpu.enqueue_indirect_dma source(%dma_start3A_64 : memref<1000000xf32, #tpu.memory_space<hbm>>) target(%dma_start3A_59 : memref<128xf32, #tpu.memory_space<vmem>>) offsets(%dma_start3A_62 : memref<128xi32, #tpu.memory_space<vmem>>) semaphore(%arg52 : memref<!tpu.dma_semaphore, #tpu.memory_space<semaphore_mem>>)
    %dma_start3A_65 = arith.constant 2 : i32
    %dma_start3A_66 = arith.constant 256 : i32
    %dma_start3A_67 = tpu.memref_slice %arg13[%dma_start3A_66] : memref<512xf32, #tpu.memory_space<vmem>> -> memref<128xf32, #tpu.memory_space<vmem>>
    %dma_start3A_68 = arith.constant 0 : i32
    %dma_start3A_69 = tpu.memref_slice %arg11[%dma_start3A_65, %dma_start3A_68] : memref<4x128xi32, #tpu.memory_space<vmem>> -> memref<1x128xi32, #tpu.memory_space<vmem>>
    %dma_start3A_70 = tpu.memref_squeeze %dma_start3A_69 : memref<1x128xi32, #tpu.memory_space<vmem>> -> memref<128xi32, #tpu.memory_space<vmem>>
    %dma_start3A_71 = arith.constant 0 : i32
    %dma_start3A_72 = tpu.memref_slice %arg7[%dma_start3A_71] : memref<1000000xf32, #tpu.memory_space<hbm>> -> memref<1000000xf32, #tpu.memory_space<hbm>>
    tpu.enqueue_indirect_dma source(%dma_start3A_72 : memref<1000000xf32, #tpu.memory_space<hbm>>) target(%dma_start3A_67 : memref<128xf32, #tpu.memory_space<vmem>>) offsets(%dma_start3A_70 : memref<128xi32, #tpu.memory_space<vmem>>) semaphore(%arg52 : memref<!tpu.dma_semaphore, #tpu.memory_space<semaphore_mem>>)
    %dma_start3A_73 = arith.constant 3 : i32
    %dma_start3A_74 = arith.constant 384 : i32
    %dma_start3A_75 = tpu.memref_slice %arg12[%dma_start3A_74] : memref<512xf32, #tpu.memory_space<vmem>> -> memref<128xf32, #tpu.memory_space<vmem>>
    %dma_start3A_76 = arith.constant 0 : i32
    %dma_start3A_77 = tpu.memref_slice %arg10[%dma_start3A_73, %dma_start3A_76] : memref<4x128xi32, #tpu.memory_space<vmem>> -> memref<1x128xi32, #tpu.memory_space<vmem>>
    %dma_start3A_78 = tpu.memref_squeeze %dma_start3A_77 : memref<1x128xi32, #tpu.memory_space<vmem>> -> memref<128xi32, #tpu.memory_space<vmem>>
    %dma_start3A_79 = arith.constant 0 : i32
    %dma_start3A_80 = tpu.memref_slice %arg6[%dma_start3A_79] : memref<1000000xf32, #tpu.memory_space<hbm>> -> memref<1000000xf32, #tpu.memory_space<hbm>>
    tpu.enqueue_indirect_dma source(%dma_start3A_80 : memref<1000000xf32, #tpu.memory_space<hbm>>) target(%dma_start3A_75 : memref<128xf32, #tpu.memory_space<vmem>>) offsets(%dma_start3A_78 : memref<128xi32, #tpu.memory_space<vmem>>) semaphore(%arg52 : memref<!tpu.dma_semaphore, #tpu.memory_space<semaphore_mem>>)
    %dma_start3A_81 = arith.constant 3 : i32
    %dma_start3A_82 = arith.constant 384 : i32
    %dma_start3A_83 = tpu.memref_slice %arg13[%dma_start3A_82] : memref<512xf32, #tpu.memory_space<vmem>> -> memref<128xf32, #tpu.memory_space<vmem>>
    %dma_start3A_84 = arith.constant 0 : i32
    %dma_start3A_85 = tpu.memref_slice %arg11[%dma_start3A_81, %dma_start3A_84] : memref<4x128xi32, #tpu.memory_space<vmem>> -> memref<1x128xi32, #tpu.memory_space<vmem>>
    %dma_start3A_86 = tpu.memref_squeeze %dma_start3A_85 : memref<1x128xi32, #tpu.memory_space<vmem>> -> memref<128xi32, #tpu.memory_space<vmem>>
    %dma_start3A_87 = arith.constant 0 : i32
    %dma_start3A_88 = tpu.memref_slice %arg7[%dma_start3A_87] : memref<1000000xf32, #tpu.memory_space<hbm>> -> memref<1000000xf32, #tpu.memory_space<hbm>>
    tpu.enqueue_indirect_dma source(%dma_start3A_88 : memref<1000000xf32, #tpu.memory_space<hbm>>) target(%dma_start3A_83 : memref<128xf32, #tpu.memory_space<vmem>>) offsets(%dma_start3A_86 : memref<128xi32, #tpu.memory_space<vmem>>) semaphore(%arg52 : memref<!tpu.dma_semaphore, #tpu.memory_space<semaphore_mem>>)
    %dma_wait3A = arith.constant 0 : i32
    %dma_wait3A_89 = arith.constant 0 : i32
    %dma_wait3A_90 = tpu.memref_slice %arg12[%dma_wait3A_89] : memref<512xf32, #tpu.memory_space<vmem>> -> memref<128xf32, #tpu.memory_space<vmem>>
    %dma_wait3A_91 = arith.constant 0 : i32
    %dma_wait3A_92 = tpu.memref_slice %arg10[%dma_wait3A, %dma_wait3A_91] : memref<4x128xi32, #tpu.memory_space<vmem>> -> memref<1x128xi32, #tpu.memory_space<vmem>>
    %dma_wait3A_93 = tpu.memref_squeeze %dma_wait3A_92 : memref<1x128xi32, #tpu.memory_space<vmem>> -> memref<128xi32, #tpu.memory_space<vmem>>
    %dma_wait3A_94 = arith.constant 0 : i32
    %dma_wait3A_95 = tpu.memref_slice %arg6[%dma_wait3A_94] : memref<1000000xf32, #tpu.memory_space<hbm>> -> memref<1000000xf32, #tpu.memory_space<hbm>>
    tpu.wait_indirect_dma semaphore(%arg52 : memref<!tpu.dma_semaphore, #tpu.memory_space<semaphore_mem>>) src(%dma_wait3A_95 : memref<1000000xf32, #tpu.memory_space<hbm>>) dst(%dma_wait3A_90 : memref<128xf32, #tpu.memory_space<vmem>>)
    %dma_wait3A_96 = arith.constant 0 : i32
    %dma_wait3A_97 = arith.constant 0 : i32
    %dma_wait3A_98 = tpu.memref_slice %arg13[%dma_wait3A_97] : memref<512xf32, #tpu.memory_space<vmem>> -> memref<128xf32, #tpu.memory_space<vmem>>
    %dma_wait3A_99 = arith.constant 0 : i32
    %dma_wait3A_100 = tpu.memref_slice %arg11[%dma_wait3A_96, %dma_wait3A_99] : memref<4x128xi32, #tpu.memory_space<vmem>> -> memref<1x128xi32, #tpu.memory_space<vmem>>
    %dma_wait3A_101 = tpu.memref_squeeze %dma_wait3A_100 : memref<1x128xi32, #tpu.memory_space<vmem>> -> memref<128xi32, #tpu.memory_space<vmem>>
    %dma_wait3A_102 = arith.constant 0 : i32
    %dma_wait3A_103 = tpu.memref_slice %arg7[%dma_wait3A_102] : memref<1000000xf32, #tpu.memory_space<hbm>> -> memref<1000000xf32, #tpu.memory_space<hbm>>
    tpu.wait_indirect_dma semaphore(%arg52 : memref<!tpu.dma_semaphore, #tpu.memory_space<semaphore_mem>>) src(%dma_wait3A_103 : memref<1000000xf32, #tpu.memory_space<hbm>>) dst(%dma_wait3A_98 : memref<128xf32, #tpu.memory_space<vmem>>)
    %dma_wait3A_104 = arith.constant 1 : i32
    %dma_wait3A_105 = arith.constant 128 : i32
    %dma_wait3A_106 = tpu.memref_slice %arg12[%dma_wait3A_105] : memref<512xf32, #tpu.memory_space<vmem>> -> memref<128xf32, #tpu.memory_space<vmem>>
    %dma_wait3A_107 = arith.constant 0 : i32
    %dma_wait3A_108 = tpu.memref_slice %arg10[%dma_wait3A_104, %dma_wait3A_107] : memref<4x128xi32, #tpu.memory_space<vmem>> -> memref<1x128xi32, #tpu.memory_space<vmem>>
    %dma_wait3A_109 = tpu.memref_squeeze %dma_wait3A_108 : memref<1x128xi32, #tpu.memory_space<vmem>> -> memref<128xi32, #tpu.memory_space<vmem>>
    %dma_wait3A_110 = arith.constant 0 : i32
    %dma_wait3A_111 = tpu.memref_slice %arg6[%dma_wait3A_110] : memref<1000000xf32, #tpu.memory_space<hbm>> -> memref<1000000xf32, #tpu.memory_space<hbm>>
    tpu.wait_indirect_dma semaphore(%arg52 : memref<!tpu.dma_semaphore, #tpu.memory_space<semaphore_mem>>) src(%dma_wait3A_111 : memref<1000000xf32, #tpu.memory_space<hbm>>) dst(%dma_wait3A_106 : memref<128xf32, #tpu.memory_space<vmem>>)
    %dma_wait3A_112 = arith.constant 1 : i32
    %dma_wait3A_113 = arith.constant 128 : i32
    %dma_wait3A_114 = tpu.memref_slice %arg13[%dma_wait3A_113] : memref<512xf32, #tpu.memory_space<vmem>> -> memref<128xf32, #tpu.memory_space<vmem>>
    %dma_wait3A_115 = arith.constant 0 : i32
    %dma_wait3A_116 = tpu.memref_slice %arg11[%dma_wait3A_112, %dma_wait3A_115] : memref<4x128xi32, #tpu.memory_space<vmem>> -> memref<1x128xi32, #tpu.memory_space<vmem>>
    %dma_wait3A_117 = tpu.memref_squeeze %dma_wait3A_116 : memref<1x128xi32, #tpu.memory_space<vmem>> -> memref<128xi32, #tpu.memory_space<vmem>>
    %dma_wait3A_118 = arith.constant 0 : i32
    %dma_wait3A_119 = tpu.memref_slice %arg7[%dma_wait3A_118] : memref<1000000xf32, #tpu.memory_space<hbm>> -> memref<1000000xf32, #tpu.memory_space<hbm>>
    tpu.wait_indirect_dma semaphore(%arg52 : memref<!tpu.dma_semaphore, #tpu.memory_space<semaphore_mem>>) src(%dma_wait3A_119 : memref<1000000xf32, #tpu.memory_space<hbm>>) dst(%dma_wait3A_114 : memref<128xf32, #tpu.memory_space<vmem>>)
    %dma_wait3A_120 = arith.constant 2 : i32
    %dma_wait3A_121 = arith.constant 256 : i32
    %dma_wait3A_122 = tpu.memref_slice %arg12[%dma_wait3A_121] : memref<512xf32, #tpu.memory_space<vmem>> -> memref<128xf32, #tpu.memory_space<vmem>>
    %dma_wait3A_123 = arith.constant 0 : i32
    %dma_wait3A_124 = tpu.memref_slice %arg10[%dma_wait3A_120, %dma_wait3A_123] : memref<4x128xi32, #tpu.memory_space<vmem>> -> memref<1x128xi32, #tpu.memory_space<vmem>>
    %dma_wait3A_125 = tpu.memref_squeeze %dma_wait3A_124 : memref<1x128xi32, #tpu.memory_space<vmem>> -> memref<128xi32, #tpu.memory_space<vmem>>
    %dma_wait3A_126 = arith.constant 0 : i32
    %dma_wait3A_127 = tpu.memref_slice %arg6[%dma_wait3A_126] : memref<1000000xf32, #tpu.memory_space<hbm>> -> memref<1000000xf32, #tpu.memory_space<hbm>>
    tpu.wait_indirect_dma semaphore(%arg52 : memref<!tpu.dma_semaphore, #tpu.memory_space<semaphore_mem>>) src(%dma_wait3A_127 : memref<1000000xf32, #tpu.memory_space<hbm>>) dst(%dma_wait3A_122 : memref<128xf32, #tpu.memory_space<vmem>>)
    %dma_wait3A_128 = arith.constant 2 : i32
    %dma_wait3A_129 = arith.constant 256 : i32
    %dma_wait3A_130 = tpu.memref_slice %arg13[%dma_wait3A_129] : memref<512xf32, #tpu.memory_space<vmem>> -> memref<128xf32, #tpu.memory_space<vmem>>
    %dma_wait3A_131 = arith.constant 0 : i32
    %dma_wait3A_132 = tpu.memref_slice %arg11[%dma_wait3A_128, %dma_wait3A_131] : memref<4x128xi32, #tpu.memory_space<vmem>> -> memref<1x128xi32, #tpu.memory_space<vmem>>
    %dma_wait3A_133 = tpu.memref_squeeze %dma_wait3A_132 : memref<1x128xi32, #tpu.memory_space<vmem>> -> memref<128xi32, #tpu.memory_space<vmem>>
    %dma_wait3A_134 = arith.constant 0 : i32
    %dma_wait3A_135 = tpu.memref_slice %arg7[%dma_wait3A_134] : memref<1000000xf32, #tpu.memory_space<hbm>> -> memref<1000000xf32, #tpu.memory_space<hbm>>
    tpu.wait_indirect_dma semaphore(%arg52 : memref<!tpu.dma_semaphore, #tpu.memory_space<semaphore_mem>>) src(%dma_wait3A_135 : memref<1000000xf32, #tpu.memory_space<hbm>>) dst(%dma_wait3A_130 : memref<128xf32, #tpu.memory_space<vmem>>)
    %dma_wait3A_136 = arith.constant 3 : i32
    %dma_wait3A_137 = arith.constant 384 : i32
    %dma_wait3A_138 = tpu.memref_slice %arg12[%dma_wait3A_137] : memref<512xf32, #tpu.memory_space<vmem>> -> memref<128xf32, #tpu.memory_space<vmem>>
    %dma_wait3A_139 = arith.constant 0 : i32
    %dma_wait3A_140 = tpu.memref_slice %arg10[%dma_wait3A_136, %dma_wait3A_139] : memref<4x128xi32, #tpu.memory_space<vmem>> -> memref<1x128xi32, #tpu.memory_space<vmem>>
    %dma_wait3A_141 = tpu.memref_squeeze %dma_wait3A_140 : memref<1x128xi32, #tpu.memory_space<vmem>> -> memref<128xi32, #tpu.memory_space<vmem>>
    %dma_wait3A_142 = arith.constant 0 : i32
    %dma_wait3A_143 = tpu.memref_slice %arg6[%dma_wait3A_142] : memref<1000000xf32, #tpu.memory_space<hbm>> -> memref<1000000xf32, #tpu.memory_space<hbm>>
    tpu.wait_indirect_dma semaphore(%arg52 : memref<!tpu.dma_semaphore, #tpu.memory_space<semaphore_mem>>) src(%dma_wait3A_143 : memref<1000000xf32, #tpu.memory_space<hbm>>) dst(%dma_wait3A_138 : memref<128xf32, #tpu.memory_space<vmem>>)
    %dma_wait3A_144 = arith.constant 3 : i32
    %dma_wait3A_145 = arith.constant 384 : i32
    %dma_wait3A_146 = tpu.memref_slice %arg13[%dma_wait3A_145] : memref<512xf32, #tpu.memory_space<vmem>> -> memref<128xf32, #tpu.memory_space<vmem>>
    %dma_wait3A_147 = arith.constant 0 : i32
    %dma_wait3A_148 = tpu.memref_slice %arg11[%dma_wait3A_144, %dma_wait3A_147] : memref<4x128xi32, #tpu.memory_space<vmem>> -> memref<1x128xi32, #tpu.memory_space<vmem>>
    %dma_wait3A_149 = tpu.memref_squeeze %dma_wait3A_148 : memref<1x128xi32, #tpu.memory_space<vmem>> -> memref<128xi32, #tpu.memory_space<vmem>>
    %dma_wait3A_150 = arith.constant 0 : i32
    %dma_wait3A_151 = tpu.memref_slice %arg7[%dma_wait3A_150] : memref<1000000xf32, #tpu.memory_space<hbm>> -> memref<1000000xf32, #tpu.memory_space<hbm>>
    tpu.wait_indirect_dma semaphore(%arg52 : memref<!tpu.dma_semaphore, #tpu.memory_space<semaphore_mem>>) src(%dma_wait3A_151 : memref<1000000xf32, #tpu.memory_space<hbm>>) dst(%dma_wait3A_146 : memref<128xf32, #tpu.memory_space<vmem>>)
    %get3A = arith.constant 0 : index
    %get3A_152 = tpu.vector_load %arg15[%get3A] {strides = array<i32>} : memref<16xf32, #tpu.memory_space<vmem>>, vector<16xf32>,
    %iota3A = tpu.iota {dimensions = array<i32: 0>} : vector<16xi32>
    %get3A_153 = arith.constant 0 : i32
    %get3A_154 = arith.index_cast %get3A_153 : i32 to index
    %get3A_155 = arith.constant 0 : index
    %get3A_156 = tpu.vector_load %arg10[%get3A_154, %get3A_155] {strides = array<i32>} : memref<4x128xi32, #tpu.memory_space<vmem>>, vector<16xi32>,
    %get3A_157 = arith.constant 0 : i32
    %get3A_158 = arith.index_cast %get3A_157 : i32 to index
    %get3A_159 = arith.constant 0 : index
    %get3A_160 = tpu.vector_load %arg11[%get3A_158, %get3A_159] {strides = array<i32>} : memref<4x128xi32, #tpu.memory_space<vmem>>, vector<16xi32>,
    %slice3A = vector.extract_strided_slice %get3A_156 {offsets = [0], sizes = [1], strides = [1]} : vector<16xi32> to vector<1xi32>
    %squeeze3A = vector.extract %slice3A[0] : i32 from vector<1xi32>
    %jit3A = arith.constant 128 : i32
    %div3A = arith.divsi %squeeze3A, %jit3A : i32
    %sign3A = arith.constant 0 : i32
    %sign3A_161 = arith.cmpi sgt, %squeeze3A, %sign3A : i32
    %sign3A_162 = arith.extui %sign3A_161 : i1 to i32
    %sign3A_163 = arith.constant 0 : i32
    %sign3A_164 = arith.cmpi slt, %squeeze3A, %sign3A_163 : i32
    %sign3A_165 = arith.extui %sign3A_164 : i1 to i32
    %sign3A_166 = arith.subi %sign3A_162, %sign3A_165 : i32
    %sign3A_167 = arith.constant 0 : i32
    %sign3A_168 = arith.cmpi sgt, %jit3A, %sign3A_167 : i32
    %sign3A_169 = arith.extui %sign3A_168 : i1 to i32
    %sign3A_170 = arith.constant 0 : i32
    %sign3A_171 = arith.cmpi slt, %jit3A, %sign3A_170 : i32
    %sign3A_172 = arith.extui %sign3A_171 : i1 to i32
    %sign3A_173 = arith.subi %sign3A_169, %sign3A_172 : i32
    %ne3A = arith.cmpi ne, %sign3A_166, %sign3A_173 : i32
    %rem3A = arith.remsi %squeeze3A, %jit3A : i32
    %ne3A_174 = arith.constant 0 : i32
    %ne3A_175 = arith.cmpi ne, %rem3A, %ne3A_174 : i32
    %and3A = arith.andi %ne3A, %ne3A_175 : i1
    %sub3A = arith.constant 1 : i32
    %sub3A_176 = arith.subi %div3A, %sub3A : i32
    %select_n3A = arith.select %and3A, %sub3A_176, %div3A : i32
    %mul3A_177 = arith.constant 128 : i32
    %mul3A_178 = arith.muli %select_n3A, %mul3A_177 : i32
    %multiple_of3A = tpu.assume_multiple %mul3A_178, 128 : i32
    %slice3A_179 = vector.extract_strided_slice %get3A_160 {offsets = [0], sizes = [1], strides = [1]} : vector<16xi32> to vector<1xi32>
    %squeeze3A_180 = vector.extract %slice3A_179[0] : i32 from vector<1xi32>
    %jit3A_181 = arith.constant 128 : i32
    %div3A_182 = arith.divsi %squeeze3A_180, %jit3A_181 : i32
    %sign3A_183 = arith.constant 0 : i32
    %sign3A_184 = arith.cmpi sgt, %squeeze3A_180, %sign3A_183 : i32
    %sign3A_185 = arith.extui %sign3A_184 : i1 to i32
    %sign3A_186 = arith.constant 0 : i32
    %sign3A_187 = arith.cmpi slt, %squeeze3A_180, %sign3A_186 : i32
    %sign3A_188 = arith.extui %sign3A_187 : i1 to i32
    %sign3A_189 = arith.subi %sign3A_185, %sign3A_188 : i32
    %sign3A_190 = arith.constant 0 : i32
    %sign3A_191 = arith.cmpi sgt, %jit3A_181, %sign3A_190 : i32
    %sign3A_192 = arith.extui %sign3A_191 : i1 to i32
    %sign3A_193 = arith.constant 0 : i32
    %sign3A_194 = arith.cmpi slt, %jit3A_181, %sign3A_193 : i32
    %sign3A_195 = arith.extui %sign3A_194 : i1 to i32
    %sign3A_196 = arith.subi %sign3A_192, %sign3A_195 : i32
    %ne3A_197 = arith.cmpi ne, %sign3A_189, %sign3A_196 : i32
    %rem3A_198 = arith.remsi %squeeze3A_180, %jit3A_181 : i32
    %ne3A_199 = arith.constant 0 : i32
    %ne3A_200 = arith.cmpi ne, %rem3A_198, %ne3A_199 : i32
    %and3A_201 = arith.andi %ne3A_197, %ne3A_200 : i1
    %sub3A_202 = arith.constant 1 : i32
    %sub3A_203 = arith.subi %div3A_182, %sub3A_202 : i32
    %select_n3A_204 = arith.select %and3A_201, %sub3A_203, %div3A_182 : i32
    %mul3A_205 = arith.constant 128 : i32
    %mul3A_206 = arith.muli %select_n3A_204, %mul3A_205 : i32
    %multiple_of3A_207 = tpu.assume_multiple %mul3A_206, 128 : i32
    %dma_start3A_208 = arith.constant 0 : i32
    %dma_start3A_209 = tpu.memref_slice %arg4[%dma_start3A_208, %multiple_of3A] : memref<16x1000000xf32, #tpu.memory_space<hbm>> -> memref<16x128xf32, #tpu.memory_space<hbm>>
    %dma_start3A_210 = arith.constant 0 : i32
    %dma_start3A_211 = tpu.memref_slice %arg4[%dma_start3A_210, %multiple_of3A] : memref<16x1000000xf32, #tpu.memory_space<hbm>> -> memref<16x128xf32, #tpu.memory_space<hbm>>
    tpu.enqueue_dma source(%dma_start3A_211 : memref<16x128xf32, #tpu.memory_space<hbm>>) target(%arg16 : memref<16x128xf32, #tpu.memory_space<vmem>>) target_semaphore(%arg50 : memref<!tpu.dma_semaphore, #tpu.memory_space<semaphore_mem>>)
    %dma_start3A_212 = arith.constant 0 : i32
    %dma_start3A_213 = tpu.memref_slice %arg5[%dma_start3A_212, %multiple_of3A_207] : memref<16x1000000xf32, #tpu.memory_space<hbm>> -> memref<16x128xf32, #tpu.memory_space<hbm>>
    %dma_start3A_214 = arith.constant 0 : i32
    %dma_start3A_215 = tpu.memref_slice %arg5[%dma_start3A_214, %multiple_of3A_207] : memref<16x1000000xf32, #tpu.memory_space<hbm>> -> memref<16x128xf32, #tpu.memory_space<hbm>>
    tpu.enqueue_dma source(%dma_start3A_215 : memref<16x128xf32, #tpu.memory_space<hbm>>) target(%arg17 : memref<16x128xf32, #tpu.memory_space<vmem>>) target_semaphore(%arg50 : memref<!tpu.dma_semaphore, #tpu.memory_space<semaphore_mem>>)
    %slice3A_216 = vector.extract_strided_slice %get3A_156 {offsets = [1], sizes = [1], strides = [1]} : vector<16xi32> to vector<1xi32>
    %squeeze3A_217 = vector.extract %slice3A_216[0] : i32 from vector<1xi32>
    %jit3A_218 = arith.constant 128 : i32
    %div3A_219 = arith.divsi %squeeze3A_217, %jit3A_218 : i32
    %sign3A_220 = arith.constant 0 : i32
    %sign3A_221 = arith.cmpi sgt, %squeeze3A_217, %sign3A_220 : i32
    %sign3A_222 = arith.extui %sign3A_221 : i1 to i32
    %sign3A_223 = arith.constant 0 : i32
    %sign3A_224 = arith.cmpi slt, %squeeze3A_217, %sign3A_223 : i32
    %sign3A_225 = arith.extui %sign3A_224 : i1 to i32
    %sign3A_226 = arith.subi %sign3A_222, %sign3A_225 : i32
    %sign3A_227 = arith.constant 0 : i32
    %sign3A_228 = arith.cmpi sgt, %jit3A_218, %sign3A_227 : i32
    %sign3A_229 = arith.extui %sign3A_228 : i1 to i32
    %sign3A_230 = arith.constant 0 : i32
    %sign3A_231 = arith.cmpi slt, %jit3A_218, %sign3A_230 : i32
    %sign3A_232 = arith.extui %sign3A_231 : i1 to i32
    %sign3A_233 = arith.subi %sign3A_229, %sign3A_232 : i32
    %ne3A_234 = arith.cmpi ne, %sign3A_226, %sign3A_233 : i32
    %rem3A_235 = arith.remsi %squeeze3A_217, %jit3A_218 : i32
    %ne3A_236 = arith.constant 0 : i32
    %ne3A_237 = arith.cmpi ne, %rem3A_235, %ne3A_236 : i32
    %and3A_238 = arith.andi %ne3A_234, %ne3A_237 : i1
    %sub3A_239 = arith.constant 1 : i32
    %sub3A_240 = arith.subi %div3A_219, %sub3A_239 : i32
    %select_n3A_241 = arith.select %and3A_238, %sub3A_240, %div3A_219 : i32
    %mul3A_242 = arith.constant 128 : i32
    %mul3A_243 = arith.muli %select_n3A_241, %mul3A_242 : i32
    %multiple_of3A_244 = tpu.assume_multiple %mul3A_243, 128 : i32
    %slice3A_245 = vector.extract_strided_slice %get3A_160 {offsets = [1], sizes = [1], strides = [1]} : vector<16xi32> to vector<1xi32>
    %squeeze3A_246 = vector.extract %slice3A_245[0] : i32 from vector<1xi32>
    %jit3A_247 = arith.constant 128 : i32
    %div3A_248 = arith.divsi %squeeze3A_246, %jit3A_247 : i32
    %sign3A_249 = arith.constant 0 : i32
    %sign3A_250 = arith.cmpi sgt, %squeeze3A_246, %sign3A_249 : i32
    %sign3A_251 = arith.extui %sign3A_250 : i1 to i32
    %sign3A_252 = arith.constant 0 : i32
    %sign3A_253 = arith.cmpi slt, %squeeze3A_246, %sign3A_252 : i32
    %sign3A_254 = arith.extui %sign3A_253 : i1 to i32
    %sign3A_255 = arith.subi %sign3A_251, %sign3A_254 : i32
    %sign3A_256 = arith.constant 0 : i32
    %sign3A_257 = arith.cmpi sgt, %jit3A_247, %sign3A_256 : i32
    %sign3A_258 = arith.extui %sign3A_257 : i1 to i32
    %sign3A_259 = arith.constant 0 : i32
    %sign3A_260 = arith.cmpi slt, %jit3A_247, %sign3A_259 : i32
    %sign3A_261 = arith.extui %sign3A_260 : i1 to i32
    %sign3A_262 = arith.subi %sign3A_258, %sign3A_261 : i32
    %ne3A_263 = arith.cmpi ne, %sign3A_255, %sign3A_262 : i32
    %rem3A_264 = arith.remsi %squeeze3A_246, %jit3A_247 : i32
    %ne3A_265 = arith.constant 0 : i32
    %ne3A_266 = arith.cmpi ne, %rem3A_264, %ne3A_265 : i32
    %and3A_267 = arith.andi %ne3A_263, %ne3A_266 : i1
    %sub3A_268 = arith.constant 1 : i32
    %sub3A_269 = arith.subi %div3A_248, %sub3A_268 : i32
    %select_n3A_270 = arith.select %and3A_267, %sub3A_269, %div3A_248 : i32
    %mul3A_271 = arith.constant 128 : i32
    %mul3A_272 = arith.muli %select_n3A_270, %mul3A_271 : i32
    %multiple_of3A_273 = tpu.assume_multiple %mul3A_272, 128 : i32
    %dma_start3A_274 = arith.constant 0 : i32
    %dma_start3A_275 = tpu.memref_slice %arg4[%dma_start3A_274, %multiple_of3A_244] : memref<16x1000000xf32, #tpu.memory_space<hbm>> -> memref<16x128xf32, #tpu.memory_space<hbm>>
    %dma_start3A_276 = arith.constant 0 : i32
    %dma_start3A_277 = tpu.memref_slice %arg4[%dma_start3A_276, %multiple_of3A_244] : memref<16x1000000xf32, #tpu.memory_space<hbm>> -> memref<16x128xf32, #tpu.memory_space<hbm>>
    tpu.enqueue_dma source(%dma_start3A_277 : memref<16x128xf32, #tpu.memory_space<hbm>>) target(%arg18 : memref<16x128xf32, #tpu.memory_space<vmem>>) target_semaphore(%arg50 : memref<!tpu.dma_semaphore, #tpu.memory_space<semaphore_mem>>)
    %dma_start3A_278 = arith.constant 0 : i32
    %dma_start3A_279 = tpu.memref_slice %arg5[%dma_start3A_278, %multiple_of3A_273] : memref<16x1000000xf32, #tpu.memory_space<hbm>> -> memref<16x128xf32, #tpu.memory_space<hbm>>
    %dma_start3A_280 = arith.constant 0 : i32
    %dma_start3A_281 = tpu.memref_slice %arg5[%dma_start3A_280, %multiple_of3A_273] : memref<16x1000000xf32, #tpu.memory_space<hbm>> -> memref<16x128xf32, #tpu.memory_space<hbm>>
    tpu.enqueue_dma source(%dma_start3A_281 : memref<16x128xf32, #tpu.memory_space<hbm>>) target(%arg19 : memref<16x128xf32, #tpu.memory_space<vmem>>) target_semaphore(%arg50 : memref<!tpu.dma_semaphore, #tpu.memory_space<semaphore_mem>>)
    %slice3A_282 = vector.extract_strided_slice %get3A_156 {offsets = [2], sizes = [1], strides = [1]} : vector<16xi32> to vector<1xi32>
    %squeeze3A_283 = vector.extract %slice3A_282[0] : i32 from vector<1xi32>
    %jit3A_284 = arith.constant 128 : i32
    %div3A_285 = arith.divsi %squeeze3A_283, %jit3A_284 : i32
    %sign3A_286 = arith.constant 0 : i32
    %sign3A_287 = arith.cmpi sgt, %squeeze3A_283, %sign3A_286 : i32
    %sign3A_288 = arith.extui %sign3A_287 : i1 to i32
    %sign3A_289 = arith.constant 0 : i32
    %sign3A_290 = arith.cmpi slt, %squeeze3A_283, %sign3A_289 : i32
    %sign3A_291 = arith.extui %sign3A_290 : i1 to i32
    %sign3A_292 = arith.subi %sign3A_288, %sign3A_291 : i32
    %sign3A_293 = arith.constant 0 : i32
    %sign3A_294 = arith.cmpi sgt, %jit3A_284, %sign3A_293 : i32
    %sign3A_295 = arith.extui %sign3A_294 : i1 to i32
    %sign3A_296 = arith.constant 0 : i32
    %sign3A_297 = arith.cmpi slt, %jit3A_284, %sign3A_296 : i32
    %sign3A_298 = arith.extui %sign3A_297 : i1 to i32
    %sign3A_299 = arith.subi %sign3A_295, %sign3A_298 : i32
    %ne3A_300 = arith.cmpi ne, %sign3A_292, %sign3A_299 : i32
    %rem3A_301 = arith.remsi %squeeze3A_283, %jit3A_284 : i32
    %ne3A_302 = arith.constant 0 : i32
    %ne3A_303 = arith.cmpi ne, %rem3A_301, %ne3A_302 : i32
    %and3A_304 = arith.andi %ne3A_300, %ne3A_303 : i1
    %sub3A_305 = arith.constant 1 : i32
    %sub3A_306 = arith.subi %div3A_285, %sub3A_305 : i32
    %select_n3A_307 = arith.select %and3A_304, %sub3A_306, %div3A_285 : i32
    %mul3A_308 = arith.constant 128 : i32
    %mul3A_309 = arith.muli %select_n3A_307, %mul3A_308 : i32
    %multiple_of3A_310 = tpu.assume_multiple %mul3A_309, 128 : i32
    %slice3A_311 = vector.extract_strided_slice %get3A_160 {offsets = [2], sizes = [1], strides = [1]} : vector<16xi32> to vector<1xi32>
    %squeeze3A_312 = vector.extract %slice3A_311[0] : i32 from vector<1xi32>
    %jit3A_313 = arith.constant 128 : i32
    %div3A_314 = arith.divsi %squeeze3A_312, %jit3A_313 : i32
    %sign3A_315 = arith.constant 0 : i32
    %sign3A_316 = arith.cmpi sgt, %squeeze3A_312, %sign3A_315 : i32
    %sign3A_317 = arith.extui %sign3A_316 : i1 to i32
    %sign3A_318 = arith.constant 0 : i32
    %sign3A_319 = arith.cmpi slt, %squeeze3A_312, %sign3A_318 : i32
    %sign3A_320 = arith.extui %sign3A_319 : i1 to i32
    %sign3A_321 = arith.subi %sign3A_317, %sign3A_320 : i32
    %sign3A_322 = arith.constant 0 : i32
    %sign3A_323 = arith.cmpi sgt, %jit3A_313, %sign3A_322 : i32
    %sign3A_324 = arith.extui %sign3A_323 : i1 to i32
    %sign3A_325 = arith.constant 0 : i32
    %sign3A_326 = arith.cmpi slt, %jit3A_313, %sign3A_325 : i32
    %sign3A_327 = arith.extui %sign3A_326 : i1 to i32
    %sign3A_328 = arith.subi %sign3A_324, %sign3A_327 : i32
    %ne3A_329 = arith.cmpi ne, %sign3A_321, %sign3A_328 : i32
    %rem3A_330 = arith.remsi %squeeze3A_312, %jit3A_313 : i32
    %ne3A_331 = arith.constant 0 : i32
    %ne3A_332 = arith.cmpi ne, %rem3A_330, %ne3A_331 : i32
    %and3A_333 = arith.andi %ne3A_329, %ne3A_332 : i1
    %sub3A_334 = arith.constant 1 : i32
    %sub3A_335 = arith.subi %div3A_314, %sub3A_334 : i32
    %select_n3A_336 = arith.select %and3A_333, %sub3A_335, %div3A_314 : i32
    %mul3A_337 = arith.constant 128 : i32
    %mul3A_338 = arith.muli %select_n3A_336, %mul3A_337 : i32
    %multiple_of3A_339 = tpu.assume_multiple %mul3A_338, 128 : i32
    %dma_start3A_340 = arith.constant 0 : i32
    %dma_start3A_341 = tpu.memref_slice %arg4[%dma_start3A_340, %multiple_of3A_310] : memref<16x1000000xf32, #tpu.memory_space<hbm>> -> memref<16x128xf32, #tpu.memory_space<hbm>>
    %dma_start3A_342 = arith.constant 0 : i32
    %dma_start3A_343 = tpu.memref_slice %arg4[%dma_start3A_342, %multiple_of3A_310] : memref<16x1000000xf32, #tpu.memory_space<hbm>> -> memref<16x128xf32, #tpu.memory_space<hbm>>
    tpu.enqueue_dma source(%dma_start3A_343 : memref<16x128xf32, #tpu.memory_space<hbm>>) target(%arg20 : memref<16x128xf32, #tpu.memory_space<vmem>>) target_semaphore(%arg50 : memref<!tpu.dma_semaphore, #tpu.memory_space<semaphore_mem>>)
    %dma_start3A_344 = arith.constant 0 : i32
    %dma_start3A_345 = tpu.memref_slice %arg5[%dma_start3A_344, %multiple_of3A_339] : memref<16x1000000xf32, #tpu.memory_space<hbm>> -> memref<16x128xf32, #tpu.memory_space<hbm>>
    %dma_start3A_346 = arith.constant 0 : i32
    %dma_start3A_347 = tpu.memref_slice %arg5[%dma_start3A_346, %multiple_of3A_339] : memref<16x1000000xf32, #tpu.memory_space<hbm>> -> memref<16x128xf32, #tpu.memory_space<hbm>>
    tpu.enqueue_dma source(%dma_start3A_347 : memref<16x128xf32, #tpu.memory_space<hbm>>) target(%arg21 : memref<16x128xf32, #tpu.memory_space<vmem>>) target_semaphore(%arg50 : memref<!tpu.dma_semaphore, #tpu.memory_space<semaphore_mem>>)
    %slice3A_348 = vector.extract_strided_slice %get3A_156 {offsets = [3], sizes = [1], strides = [1]} : vector<16xi32> to vector<1xi32>
    %squeeze3A_349 = vector.extract %slice3A_348[0] : i32 from vector<1xi32>
    %jit3A_350 = arith.constant 128 : i32
    %div3A_351 = arith.divsi %squeeze3A_349, %jit3A_350 : i32
    %sign3A_352 = arith.constant 0 : i32
    %sign3A_353 = arith.cmpi sgt, %squeeze3A_349, %sign3A_352 : i32
    %sign3A_354 = arith.extui %sign3A_353 : i1 to i32
    %sign3A_355 = arith.constant 0 : i32
    %sign3A_356 = arith.cmpi slt, %squeeze3A_349, %sign3A_355 : i32
    %sign3A_357 = arith.extui %sign3A_356 : i1 to i32
    %sign3A_358 = arith.subi %sign3A_354, %sign3A_357 : i32
    %sign3A_359 = arith.constant 0 : i32
    %sign3A_360 = arith.cmpi sgt, %jit3A_350, %sign3A_359 : i32
    %sign3A_361 = arith.extui %sign3A_360 : i1 to i32
    %sign3A_362 = arith.constant 0 : i32
    %sign3A_363 = arith.cmpi slt, %jit3A_350, %sign3A_362 : i32
    %sign3A_364 = arith.extui %sign3A_363 : i1 to i32
    %sign3A_365 = arith.subi %sign3A_361, %sign3A_364 : i32
    %ne3A_366 = arith.cmpi ne, %sign3A_358, %sign3A_365 : i32
    %rem3A_367 = arith.remsi %squeeze3A_349, %jit3A_350 : i32
    %ne3A_368 = arith.constant 0 : i32
    %ne3A_369 = arith.cmpi ne, %rem3A_367, %ne3A_368 : i32
    %and3A_370 = arith.andi %ne3A_366, %ne3A_369 : i1
    %sub3A_371 = arith.constant 1 : i32
    %sub3A_372 = arith.subi %div3A_351, %sub3A_371 : i32
    %select_n3A_373 = arith.select %and3A_370, %sub3A_372, %div3A_351 : i32
    %mul3A_374 = arith.constant 128 : i32
    %mul3A_375 = arith.muli %select_n3A_373, %mul3A_374 : i32
    %multiple_of3A_376 = tpu.assume_multiple %mul3A_375, 128 : i32
    %slice3A_377 = vector.extract_strided_slice %get3A_160 {offsets = [3], sizes = [1], strides = [1]} : vector<16xi32> to vector<1xi32>
    %squeeze3A_378 = vector.extract %slice3A_377[0] : i32 from vector<1xi32>
    %jit3A_379 = arith.constant 128 : i32
    %div3A_380 = arith.divsi %squeeze3A_378, %jit3A_379 : i32
    %sign3A_381 = arith.constant 0 : i32
    %sign3A_382 = arith.cmpi sgt, %squeeze3A_378, %sign3A_381 : i32
    %sign3A_383 = arith.extui %sign3A_382 : i1 to i32
    %sign3A_384 = arith.constant 0 : i32
    %sign3A_385 = arith.cmpi slt, %squeeze3A_378, %sign3A_384 : i32
    %sign3A_386 = arith.extui %sign3A_385 : i1 to i32
    %sign3A_387 = arith.subi %sign3A_383, %sign3A_386 : i32
    %sign3A_388 = arith.constant 0 : i32
    %sign3A_389 = arith.cmpi sgt, %jit3A_379, %sign3A_388 : i32
    %sign3A_390 = arith.extui %sign3A_389 : i1 to i32
    %sign3A_391 = arith.constant 0 : i32
    %sign3A_392 = arith.cmpi slt, %jit3A_379, %sign3A_391 : i32
    %sign3A_393 = arith.extui %sign3A_392 : i1 to i32
    %sign3A_394 = arith.subi %sign3A_390, %sign3A_393 : i32
    %ne3A_395 = arith.cmpi ne, %sign3A_387, %sign3A_394 : i32
    %rem3A_396 = arith.remsi %squeeze3A_378, %jit3A_379 : i32
    %ne3A_397 = arith.constant 0 : i32
    %ne3A_398 = arith.cmpi ne, %rem3A_396, %ne3A_397 : i32
    %and3A_399 = arith.andi %ne3A_395, %ne3A_398 : i1
    %sub3A_400 = arith.constant 1 : i32
    %sub3A_401 = arith.subi %div3A_380, %sub3A_400 : i32
    %select_n3A_402 = arith.select %and3A_399, %sub3A_401, %div3A_380 : i32
    %mul3A_403 = arith.constant 128 : i32
    %mul3A_404 = arith.muli %select_n3A_402, %mul3A_403 : i32
    %multiple_of3A_405 = tpu.assume_multiple %mul3A_404, 128 : i32
    %dma_start3A_406 = arith.constant 0 : i32
    %dma_start3A_407 = tpu.memref_slice %arg4[%dma_start3A_406, %multiple_of3A_376] : memref<16x1000000xf32, #tpu.memory_space<hbm>> -> memref<16x128xf32, #tpu.memory_space<hbm>>
    %dma_start3A_408 = arith.constant 0 : i32
    %dma_start3A_409 = tpu.memref_slice %arg4[%dma_start3A_408, %multiple_of3A_376] : memref<16x1000000xf32, #tpu.memory_space<hbm>> -> memref<16x128xf32, #tpu.memory_space<hbm>>
    tpu.enqueue_dma source(%dma_start3A_409 : memref<16x128xf32, #tpu.memory_space<hbm>>) target(%arg22 : memref<16x128xf32, #tpu.memory_space<vmem>>) target_semaphore(%arg50 : memref<!tpu.dma_semaphore, #tpu.memory_space<semaphore_mem>>)
    %dma_start3A_410 = arith.constant 0 : i32
    %dma_start3A_411 = tpu.memref_slice %arg5[%dma_start3A_410, %multiple_of3A_405] : memref<16x1000000xf32, #tpu.memory_space<hbm>> -> memref<16x128xf32, #tpu.memory_space<hbm>>
    %dma_start3A_412 = arith.constant 0 : i32
    %dma_start3A_413 = tpu.memref_slice %arg5[%dma_start3A_412, %multiple_of3A_405] : memref<16x1000000xf32, #tpu.memory_space<hbm>> -> memref<16x128xf32, #tpu.memory_space<hbm>>
    tpu.enqueue_dma source(%dma_start3A_413 : memref<16x128xf32, #tpu.memory_space<hbm>>) target(%arg23 : memref<16x128xf32, #tpu.memory_space<vmem>>) target_semaphore(%arg50 : memref<!tpu.dma_semaphore, #tpu.memory_space<semaphore_mem>>)
    %slice3A_414 = vector.extract_strided_slice %get3A_156 {offsets = [4], sizes = [1], strides = [1]} : vector<16xi32> to vector<1xi32>
    %squeeze3A_415 = vector.extract %slice3A_414[0] : i32 from vector<1xi32>
    %jit3A_416 = arith.constant 128 : i32
    %div3A_417 = arith.divsi %squeeze3A_415, %jit3A_416 : i32
    %sign3A_418 = arith.constant 0 : i32
    %sign3A_419 = arith.cmpi sgt, %squeeze3A_415, %sign3A_418 : i32
    %sign3A_420 = arith.extui %sign3A_419 : i1 to i32
    %sign3A_421 = arith.constant 0 : i32
    %sign3A_422 = arith.cmpi slt, %squeeze3A_415, %sign3A_421 : i32
    %sign3A_423 = arith.extui %sign3A_422 : i1 to i32
    %sign3A_424 = arith.subi %sign3A_420, %sign3A_423 : i32
    %sign3A_425 = arith.constant 0 : i32
    %sign3A_426 = arith.cmpi sgt, %jit3A_416, %sign3A_425 : i32
    %sign3A_427 = arith.extui %sign3A_426 : i1 to i32
    %sign3A_428 = arith.constant 0 : i32
    %sign3A_429 = arith.cmpi slt, %jit3A_416, %sign3A_428 : i32
    %sign3A_430 = arith.extui %sign3A_429 : i1 to i32
    %sign3A_431 = arith.subi %sign3A_427, %sign3A_430 : i32
    %ne3A_432 = arith.cmpi ne, %sign3A_424, %sign3A_431 : i32
    %rem3A_433 = arith.remsi %squeeze3A_415, %jit3A_416 : i32
    %ne3A_434 = arith.constant 0 : i32
    %ne3A_435 = arith.cmpi ne, %rem3A_433, %ne3A_434 : i32
    %and3A_436 = arith.andi %ne3A_432, %ne3A_435 : i1
    %sub3A_437 = arith.constant 1 : i32
    %sub3A_438 = arith.subi %div3A_417, %sub3A_437 : i32
    %select_n3A_439 = arith.select %and3A_436, %sub3A_438, %div3A_417 : i32
    %mul3A_440 = arith.constant 128 : i32
    %mul3A_441 = arith.muli %select_n3A_439, %mul3A_440 : i32
    %multiple_of3A_442 = tpu.assume_multiple %mul3A_441, 128 : i32
    %slice3A_443 = vector.extract_strided_slice %get3A_160 {offsets = [4], sizes = [1], strides = [1]} : vector<16xi32> to vector<1xi32>
    %squeeze3A_444 = vector.extract %slice3A_443[0] : i32 from vector<1xi32>
    %jit3A_445 = arith.constant 128 : i32
    %div3A_446 = arith.divsi %squeeze3A_444, %jit3A_445 : i32
    %sign3A_447 = arith.constant 0 : i32
    %sign3A_448 = arith.cmpi sgt, %squeeze3A_444, %sign3A_447 : i32
    %sign3A_449 = arith.extui %sign3A_448 : i1 to i32
    %sign3A_450 = arith.constant 0 : i32
    %sign3A_451 = arith.cmpi slt, %squeeze3A_444, %sign3A_450 : i32
    %sign3A_452 = arith.extui %sign3A_451 : i1 to i32
    %sign3A_453 = arith.subi %sign3A_449, %sign3A_452 : i32
    %sign3A_454 = arith.constant 0 : i32
    %sign3A_455 = arith.cmpi sgt, %jit3A_445, %sign3A_454 : i32
    %sign3A_456 = arith.extui %sign3A_455 : i1 to i32
    %sign3A_457 = arith.constant 0 : i32
    %sign3A_458 = arith.cmpi slt, %jit3A_445, %sign3A_457 : i32
    %sign3A_459 = arith.extui %sign3A_458 : i1 to i32
    %sign3A_460 = arith.subi %sign3A_456, %sign3A_459 : i32
    %ne3A_461 = arith.cmpi ne, %sign3A_453, %sign3A_460 : i32
    %rem3A_462 = arith.remsi %squeeze3A_444, %jit3A_445 : i32
    %ne3A_463 = arith.constant 0 : i32
    %ne3A_464 = arith.cmpi ne, %rem3A_462, %ne3A_463 : i32
    %and3A_465 = arith.andi %ne3A_461, %ne3A_464 : i1
    %sub3A_466 = arith.constant 1 : i32
    %sub3A_467 = arith.subi %div3A_446, %sub3A_466 : i32
    %select_n3A_468 = arith.select %and3A_465, %sub3A_467, %div3A_446 : i32
    %mul3A_469 = arith.constant 128 : i32
    %mul3A_470 = arith.muli %select_n3A_468, %mul3A_469 : i32
    %multiple_of3A_471 = tpu.assume_multiple %mul3A_470, 128 : i32
    %dma_start3A_472 = arith.constant 0 : i32
    %dma_start3A_473 = tpu.memref_slice %arg4[%dma_start3A_472, %multiple_of3A_442] : memref<16x1000000xf32, #tpu.memory_space<hbm>> -> memref<16x128xf32, #tpu.memory_space<hbm>>
    %dma_start3A_474 = arith.constant 0 : i32
    %dma_start3A_475 = tpu.memref_slice %arg4[%dma_start3A_474, %multiple_of3A_442] : memref<16x1000000xf32, #tpu.memory_space<hbm>> -> memref<16x128xf32, #tpu.memory_space<hbm>>
    tpu.enqueue_dma source(%dma_start3A_475 : memref<16x128xf32, #tpu.memory_space<hbm>>) target(%arg24 : memref<16x128xf32, #tpu.memory_space<vmem>>) target_semaphore(%arg50 : memref<!tpu.dma_semaphore, #tpu.memory_space<semaphore_mem>>)
    %dma_start3A_476 = arith.constant 0 : i32
    %dma_start3A_477 = tpu.memref_slice %arg5[%dma_start3A_476, %multiple_of3A_471] : memref<16x1000000xf32, #tpu.memory_space<hbm>> -> memref<16x128xf32, #tpu.memory_space<hbm>>
    %dma_start3A_478 = arith.constant 0 : i32
    %dma_start3A_479 = tpu.memref_slice %arg5[%dma_start3A_478, %multiple_of3A_471] : memref<16x1000000xf32, #tpu.memory_space<hbm>> -> memref<16x128xf32, #tpu.memory_space<hbm>>
    tpu.enqueue_dma source(%dma_start3A_479 : memref<16x128xf32, #tpu.memory_space<hbm>>) target(%arg25 : memref<16x128xf32, #tpu.memory_space<vmem>>) target_semaphore(%arg50 : memref<!tpu.dma_semaphore, #tpu.memory_space<semaphore_mem>>)
    %slice3A_480 = vector.extract_strided_slice %get3A_156 {offsets = [5], sizes = [1], strides = [1]} : vector<16xi32> to vector<1xi32>
    %squeeze3A_481 = vector.extract %slice3A_480[0] : i32 from vector<1xi32>
    %jit3A_482 = arith.constant 128 : i32
    %div3A_483 = arith.divsi %squeeze3A_481, %jit3A_482 : i32
    %sign3A_484 = arith.constant 0 : i32
    %sign3A_485 = arith.cmpi sgt, %squeeze3A_481, %sign3A_484 : i32
    %sign3A_486 = arith.extui %sign3A_485 : i1 to i32
    %sign3A_487 = arith.constant 0 : i32
    %sign3A_488 = arith.cmpi slt, %squeeze3A_481, %sign3A_487 : i32
    %sign3A_489 = arith.extui %sign3A_488 : i1 to i32
    %sign3A_490 = arith.subi %sign3A_486, %sign3A_489 : i32
    %sign3A_491 = arith.constant 0 : i32
    %sign3A_492 = arith.cmpi sgt, %jit3A_482, %sign3A_491 : i32
    %sign3A_493 = arith.extui %sign3A_492 : i1 to i32
    %sign3A_494 = arith.constant 0 : i32
    %sign3A_495 = arith.cmpi slt, %jit3A_482, %sign3A_494 : i32
    %sign3A_496 = arith.extui %sign3A_495 : i1 to i32
    %sign3A_497 = arith.subi %sign3A_493, %sign3A_496 : i32
    %ne3A_498 = arith.cmpi ne, %sign3A_490, %sign3A_497 : i32
    %rem3A_499 = arith.remsi %squeeze3A_481, %jit3A_482 : i32
    %ne3A_500 = arith.constant 0 : i32
    %ne3A_501 = arith.cmpi ne, %rem3A_499, %ne3A_500 : i32
    %and3A_502 = arith.andi %ne3A_498, %ne3A_501 : i1
    %sub3A_503 = arith.constant 1 : i32
    %sub3A_504 = arith.subi %div3A_483, %sub3A_503 : i32
    %select_n3A_505 = arith.select %and3A_502, %sub3A_504, %div3A_483 : i32
    %mul3A_506 = arith.constant 128 : i32
    %mul3A_507 = arith.muli %select_n3A_505, %mul3A_506 : i32
    %multiple_of3A_508 = tpu.assume_multiple %mul3A_507, 128 : i32
    %slice3A_509 = vector.extract_strided_slice %get3A_160 {offsets = [5], sizes = [1], strides = [1]} : vector<16xi32> to vector<1xi32>
    %squeeze3A_510 = vector.extract %slice3A_509[0] : i32 from vector<1xi32>
    %jit3A_511 = arith.constant 128 : i32
    %div3A_512 = arith.divsi %squeeze3A_510, %jit3A_511 : i32
    %sign3A_513 = arith.constant 0 : i32
    %sign3A_514 = arith.cmpi sgt, %squeeze3A_510, %sign3A_513 : i32
    %sign3A_515 = arith.extui %sign3A_514 : i1 to i32
    %sign3A_516 = arith.constant 0 : i32
    %sign3A_517 = arith.cmpi slt, %squeeze3A_510, %sign3A_516 : i32
    %sign3A_518 = arith.extui %sign3A_517 : i1 to i32
    %sign3A_519 = arith.subi %sign3A_515, %sign3A_518 : i32
    %sign3A_520 = arith.constant 0 : i32
    %sign3A_521 = arith.cmpi sgt, %jit3A_511, %sign3A_520 : i32
    %sign3A_522 = arith.extui %sign3A_521 : i1 to i32
    %sign3A_523 = arith.constant 0 : i32
    %sign3A_524 = arith.cmpi slt, %jit3A_511, %sign3A_523 : i32
    %sign3A_525 = arith.extui %sign3A_524 : i1 to i32
    %sign3A_526 = arith.subi %sign3A_522, %sign3A_525 : i32
    %ne3A_527 = arith.cmpi ne, %sign3A_519, %sign3A_526 : i32
    %rem3A_528 = arith.remsi %squeeze3A_510, %jit3A_511 : i32
    %ne3A_529 = arith.constant 0 : i32
    %ne3A_530 = arith.cmpi ne, %rem3A_528, %ne3A_529 : i32
    %and3A_531 = arith.andi %ne3A_527, %ne3A_530 : i1
    %sub3A_532 = arith.constant 1 : i32
    %sub3A_533 = arith.subi %div3A_512, %sub3A_532 : i32
    %select_n3A_534 = arith.select %and3A_531, %sub3A_533, %div3A_512 : i32
    %mul3A_535 = arith.constant 128 : i32
    %mul3A_536 = arith.muli %select_n3A_534, %mul3A_535 : i32
    %multiple_of3A_537 = tpu.assume_multiple %mul3A_536, 128 : i32
    %dma_start3A_538 = arith.constant 0 : i32
    %dma_start3A_539 = tpu.memref_slice %arg4[%dma_start3A_538, %multiple_of3A_508] : memref<16x1000000xf32, #tpu.memory_space<hbm>> -> memref<16x128xf32, #tpu.memory_space<hbm>>
    %dma_start3A_540 = arith.constant 0 : i32
    %dma_start3A_541 = tpu.memref_slice %arg4[%dma_start3A_540, %multiple_of3A_508] : memref<16x1000000xf32, #tpu.memory_space<hbm>> -> memref<16x128xf32, #tpu.memory_space<hbm>>
    tpu.enqueue_dma source(%dma_start3A_541 : memref<16x128xf32, #tpu.memory_space<hbm>>) target(%arg26 : memref<16x128xf32, #tpu.memory_space<vmem>>) target_semaphore(%arg50 : memref<!tpu.dma_semaphore, #tpu.memory_space<semaphore_mem>>)
    %dma_start3A_542 = arith.constant 0 : i32
    %dma_start3A_543 = tpu.memref_slice %arg5[%dma_start3A_542, %multiple_of3A_537] : memref<16x1000000xf32, #tpu.memory_space<hbm>> -> memref<16x128xf32, #tpu.memory_space<hbm>>
    %dma_start3A_544 = arith.constant 0 : i32
    %dma_start3A_545 = tpu.memref_slice %arg5[%dma_start3A_544, %multiple_of3A_537] : memref<16x1000000xf32, #tpu.memory_space<hbm>> -> memref<16x128xf32, #tpu.memory_space<hbm>>
    tpu.enqueue_dma source(%dma_start3A_545 : memref<16x128xf32, #tpu.memory_space<hbm>>) target(%arg27 : memref<16x128xf32, #tpu.memory_space<vmem>>) target_semaphore(%arg50 : memref<!tpu.dma_semaphore, #tpu.memory_space<semaphore_mem>>)
    %slice3A_546 = vector.extract_strided_slice %get3A_156 {offsets = [6], sizes = [1], strides = [1]} : vector<16xi32> to vector<1xi32>
    %squeeze3A_547 = vector.extract %slice3A_546[0] : i32 from vector<1xi32>
    %jit3A_548 = arith.constant 128 : i32
    %div3A_549 = arith.divsi %squeeze3A_547, %jit3A_548 : i32
    %sign3A_550 = arith.constant 0 : i32
    %sign3A_551 = arith.cmpi sgt, %squeeze3A_547, %sign3A_550 : i32
    %sign3A_552 = arith.extui %sign3A_551 : i1 to i32
    %sign3A_553 = arith.constant 0 : i32
    %sign3A_554 = arith.cmpi slt, %squeeze3A_547, %sign3A_553 : i32
    %sign3A_555 = arith.extui %sign3A_554 : i1 to i32
    %sign3A_556 = arith.subi %sign3A_552, %sign3A_555 : i32
    %sign3A_557 = arith.constant 0 : i32
    %sign3A_558 = arith.cmpi sgt, %jit3A_548, %sign3A_557 : i32
    %sign3A_559 = arith.extui %sign3A_558 : i1 to i32
    %sign3A_560 = arith.constant 0 : i32
    %sign3A_561 = arith.cmpi slt, %jit3A_548, %sign3A_560 : i32
    %sign3A_562 = arith.extui %sign3A_561 : i1 to i32
    %sign3A_563 = arith.subi %sign3A_559, %sign3A_562 : i32
    %ne3A_564 = arith.cmpi ne, %sign3A_556, %sign3A_563 : i32
    %rem3A_565 = arith.remsi %squeeze3A_547, %jit3A_548 : i32
    %ne3A_566 = arith.constant 0 : i32
    %ne3A_567 = arith.cmpi ne, %rem3A_565, %ne3A_566 : i32
    %and3A_568 = arith.andi %ne3A_564, %ne3A_567 : i1
    %sub3A_569 = arith.constant 1 : i32
    %sub3A_570 = arith.subi %div3A_549, %sub3A_569 : i32
    %select_n3A_571 = arith.select %and3A_568, %sub3A_570, %div3A_549 : i32
    %mul3A_572 = arith.constant 128 : i32
    %mul3A_573 = arith.muli %select_n3A_571, %mul3A_572 : i32
    %multiple_of3A_574 = tpu.assume_multiple %mul3A_573, 128 : i32
    %slice3A_575 = vector.extract_strided_slice %get3A_160 {offsets = [6], sizes = [1], strides = [1]} : vector<16xi32> to vector<1xi32>
    %squeeze3A_576 = vector.extract %slice3A_575[0] : i32 from vector<1xi32>
    %jit3A_577 = arith.constant 128 : i32
    %div3A_578 = arith.divsi %squeeze3A_576, %jit3A_577 : i32
    %sign3A_579 = arith.constant 0 : i32
    %sign3A_580 = arith.cmpi sgt, %squeeze3A_576, %sign3A_579 : i32
    %sign3A_581 = arith.extui %sign3A_580 : i1 to i32
    %sign3A_582 = arith.constant 0 : i32
    %sign3A_583 = arith.cmpi slt, %squeeze3A_576, %sign3A_582 : i32
    %sign3A_584 = arith.extui %sign3A_583 : i1 to i32
    %sign3A_585 = arith.subi %sign3A_581, %sign3A_584 : i32
    %sign3A_586 = arith.constant 0 : i32
    %sign3A_587 = arith.cmpi sgt, %jit3A_577, %sign3A_586 : i32
    %sign3A_588 = arith.extui %sign3A_587 : i1 to i32
    %sign3A_589 = arith.constant 0 : i32
    %sign3A_590 = arith.cmpi slt, %jit3A_577, %sign3A_589 : i32
    %sign3A_591 = arith.extui %sign3A_590 : i1 to i32
    %sign3A_592 = arith.subi %sign3A_588, %sign3A_591 : i32
    %ne3A_593 = arith.cmpi ne, %sign3A_585, %sign3A_592 : i32
    %rem3A_594 = arith.remsi %squeeze3A_576, %jit3A_577 : i32
    %ne3A_595 = arith.constant 0 : i32
    %ne3A_596 = arith.cmpi ne, %rem3A_594, %ne3A_595 : i32
    %and3A_597 = arith.andi %ne3A_593, %ne3A_596 : i1
    %sub3A_598 = arith.constant 1 : i32
    %sub3A_599 = arith.subi %div3A_578, %sub3A_598 : i32
    %select_n3A_600 = arith.select %and3A_597, %sub3A_599, %div3A_578 : i32
    %mul3A_601 = arith.constant 128 : i32
    %mul3A_602 = arith.muli %select_n3A_600, %mul3A_601 : i32
    %multiple_of3A_603 = tpu.assume_multiple %mul3A_602, 128 : i32
    %dma_start3A_604 = arith.constant 0 : i32
    %dma_start3A_605 = tpu.memref_slice %arg4[%dma_start3A_604, %multiple_of3A_574] : memref<16x1000000xf32, #tpu.memory_space<hbm>> -> memref<16x128xf32, #tpu.memory_space<hbm>>
    %dma_start3A_606 = arith.constant 0 : i32
    %dma_start3A_607 = tpu.memref_slice %arg4[%dma_start3A_606, %multiple_of3A_574] : memref<16x1000000xf32, #tpu.memory_space<hbm>> -> memref<16x128xf32, #tpu.memory_space<hbm>>
    tpu.enqueue_dma source(%dma_start3A_607 : memref<16x128xf32, #tpu.memory_space<hbm>>) target(%arg28 : memref<16x128xf32, #tpu.memory_space<vmem>>) target_semaphore(%arg50 : memref<!tpu.dma_semaphore, #tpu.memory_space<semaphore_mem>>)
    %dma_start3A_608 = arith.constant 0 : i32
    %dma_start3A_609 = tpu.memref_slice %arg5[%dma_start3A_608, %multiple_of3A_603] : memref<16x1000000xf32, #tpu.memory_space<hbm>> -> memref<16x128xf32, #tpu.memory_space<hbm>>
    %dma_start3A_610 = arith.constant 0 : i32
    %dma_start3A_611 = tpu.memref_slice %arg5[%dma_start3A_610, %multiple_of3A_603] : memref<16x1000000xf32, #tpu.memory_space<hbm>> -> memref<16x128xf32, #tpu.memory_space<hbm>>
    tpu.enqueue_dma source(%dma_start3A_611 : memref<16x128xf32, #tpu.memory_space<hbm>>) target(%arg29 : memref<16x128xf32, #tpu.memory_space<vmem>>) target_semaphore(%arg50 : memref<!tpu.dma_semaphore, #tpu.memory_space<semaphore_mem>>)
    %slice3A_612 = vector.extract_strided_slice %get3A_156 {offsets = [7], sizes = [1], strides = [1]} : vector<16xi32> to vector<1xi32>
    %squeeze3A_613 = vector.extract %slice3A_612[0] : i32 from vector<1xi32>
    %jit3A_614 = arith.constant 128 : i32
    %div3A_615 = arith.divsi %squeeze3A_613, %jit3A_614 : i32
    %sign3A_616 = arith.constant 0 : i32
    %sign3A_617 = arith.cmpi sgt, %squeeze3A_613, %sign3A_616 : i32
    %sign3A_618 = arith.extui %sign3A_617 : i1 to i32
    %sign3A_619 = arith.constant 0 : i32
    %sign3A_620 = arith.cmpi slt, %squeeze3A_613, %sign3A_619 : i32
    %sign3A_621 = arith.extui %sign3A_620 : i1 to i32
    %sign3A_622 = arith.subi %sign3A_618, %sign3A_621 : i32
    %sign3A_623 = arith.constant 0 : i32
    %sign3A_624 = arith.cmpi sgt, %jit3A_614, %sign3A_623 : i32
    %sign3A_625 = arith.extui %sign3A_624 : i1 to i32
    %sign3A_626 = arith.constant 0 : i32
    %sign3A_627 = arith.cmpi slt, %jit3A_614, %sign3A_626 : i32
    %sign3A_628 = arith.extui %sign3A_627 : i1 to i32
    %sign3A_629 = arith.subi %sign3A_625, %sign3A_628 : i32
    %ne3A_630 = arith.cmpi ne, %sign3A_622, %sign3A_629 : i32
    %rem3A_631 = arith.remsi %squeeze3A_613, %jit3A_614 : i32
    %ne3A_632 = arith.constant 0 : i32
    %ne3A_633 = arith.cmpi ne, %rem3A_631, %ne3A_632 : i32
    %and3A_634 = arith.andi %ne3A_630, %ne3A_633 : i1
    %sub3A_635 = arith.constant 1 : i32
    %sub3A_636 = arith.subi %div3A_615, %sub3A_635 : i32
    %select_n3A_637 = arith.select %and3A_634, %sub3A_636, %div3A_615 : i32
    %mul3A_638 = arith.constant 128 : i32
    %mul3A_639 = arith.muli %select_n3A_637, %mul3A_638 : i32
    %multiple_of3A_640 = tpu.assume_multiple %mul3A_639, 128 : i32
    %slice3A_641 = vector.extract_strided_slice %get3A_160 {offsets = [7], sizes = [1], strides = [1]} : vector<16xi32> to vector<1xi32>
    %squeeze3A_642 = vector.extract %slice3A_641[0] : i32 from vector<1xi32>
    %jit3A_643 = arith.constant 128 : i32
    %div3A_644 = arith.divsi %squeeze3A_642, %jit3A_643 : i32
    %sign3A_645 = arith.constant 0 : i32
    %sign3A_646 = arith.cmpi sgt, %squeeze3A_642, %sign3A_645 : i32
    %sign3A_647 = arith.extui %sign3A_646 : i1 to i32
    %sign3A_648 = arith.constant 0 : i32
    %sign3A_649 = arith.cmpi slt, %squeeze3A_642, %sign3A_648 : i32
    %sign3A_650 = arith.extui %sign3A_649 : i1 to i32
    %sign3A_651 = arith.subi %sign3A_647, %sign3A_650 : i32
    %sign3A_652 = arith.constant 0 : i32
    %sign3A_653 = arith.cmpi sgt, %jit3A_643, %sign3A_652 : i32
    %sign3A_654 = arith.extui %sign3A_653 : i1 to i32
    %sign3A_655 = arith.constant 0 : i32
    %sign3A_656 = arith.cmpi slt, %jit3A_643, %sign3A_655 : i32
    %sign3A_657 = arith.extui %sign3A_656 : i1 to i32
    %sign3A_658 = arith.subi %sign3A_654, %sign3A_657 : i32
    %ne3A_659 = arith.cmpi ne, %sign3A_651, %sign3A_658 : i32
    %rem3A_660 = arith.remsi %squeeze3A_642, %jit3A_643 : i32
    %ne3A_661 = arith.constant 0 : i32
    %ne3A_662 = arith.cmpi ne, %rem3A_660, %ne3A_661 : i32
    %and3A_663 = arith.andi %ne3A_659, %ne3A_662 : i1
    %sub3A_664 = arith.constant 1 : i32
    %sub3A_665 = arith.subi %div3A_644, %sub3A_664 : i32
    %select_n3A_666 = arith.select %and3A_663, %sub3A_665, %div3A_644 : i32
    %mul3A_667 = arith.constant 128 : i32
    %mul3A_668 = arith.muli %select_n3A_666, %mul3A_667 : i32
    %multiple_of3A_669 = tpu.assume_multiple %mul3A_668, 128 : i32
    %dma_start3A_670 = arith.constant 0 : i32
    %dma_start3A_671 = tpu.memref_slice %arg4[%dma_start3A_670, %multiple_of3A_640] : memref<16x1000000xf32, #tpu.memory_space<hbm>> -> memref<16x128xf32, #tpu.memory_space<hbm>>
    %dma_start3A_672 = arith.constant 0 : i32
    %dma_start3A_673 = tpu.memref_slice %arg4[%dma_start3A_672, %multiple_of3A_640] : memref<16x1000000xf32, #tpu.memory_space<hbm>> -> memref<16x128xf32, #tpu.memory_space<hbm>>
    tpu.enqueue_dma source(%dma_start3A_673 : memref<16x128xf32, #tpu.memory_space<hbm>>) target(%arg30 : memref<16x128xf32, #tpu.memory_space<vmem>>) target_semaphore(%arg50 : memref<!tpu.dma_semaphore, #tpu.memory_space<semaphore_mem>>)
    %dma_start3A_674 = arith.constant 0 : i32
    %dma_start3A_675 = tpu.memref_slice %arg5[%dma_start3A_674, %multiple_of3A_669] : memref<16x1000000xf32, #tpu.memory_space<hbm>> -> memref<16x128xf32, #tpu.memory_space<hbm>>
    %dma_start3A_676 = arith.constant 0 : i32
    %dma_start3A_677 = tpu.memref_slice %arg5[%dma_start3A_676, %multiple_of3A_669] : memref<16x1000000xf32, #tpu.memory_space<hbm>> -> memref<16x128xf32, #tpu.memory_space<hbm>>
    tpu.enqueue_dma source(%dma_start3A_677 : memref<16x128xf32, #tpu.memory_space<hbm>>) target(%arg31 : memref<16x128xf32, #tpu.memory_space<vmem>>) target_semaphore(%arg50 : memref<!tpu.dma_semaphore, #tpu.memory_space<semaphore_mem>>)
    %scan3A = arith.constant 0 : i32
    %scan3A_678 = arith.constant 31 : i32
    %scan3A_679 = arith.addi %scan3A, %scan3A_678 : i32
    %scan3A_680 = arith.constant 1 : i32
    %scan3A_681:2 = scf.for %scan3A_2108 = %scan3A to %scan3A_679 step %scan3A_680 iter_args(%scan3A_2109 = %get3A_156, %scan3A_2110 = %get3A_160) -> (vector<16xi32>, vector<16xi32>)  : i32 {
      %slice3A_2111 = vector.extract_strided_slice %scan3A_2109 {offsets = [8], sizes = [1], strides = [1]} : vector<16xi32> to vector<1xi32>
      %squeeze3A_2112 = vector.extract %slice3A_2111[0] : i32 from vector<1xi32>
      %jit3A_2113 = arith.constant 128 : i32
      %div3A_2114 = arith.divsi %squeeze3A_2112, %jit3A_2113 : i32
      %sign3A_2115 = arith.constant 0 : i32
      %sign3A_2116 = arith.cmpi sgt, %squeeze3A_2112, %sign3A_2115 : i32
      %sign3A_2117 = arith.extui %sign3A_2116 : i1 to i32
      %sign3A_2118 = arith.constant 0 : i32
      %sign3A_2119 = arith.cmpi slt, %squeeze3A_2112, %sign3A_2118 : i32
      %sign3A_2120 = arith.extui %sign3A_2119 : i1 to i32
      %sign3A_2121 = arith.subi %sign3A_2117, %sign3A_2120 : i32
      %sign3A_2122 = arith.constant 0 : i32
      %sign3A_2123 = arith.cmpi sgt, %jit3A_2113, %sign3A_2122 : i32
      %sign3A_2124 = arith.extui %sign3A_2123 : i1 to i32
      %sign3A_2125 = arith.constant 0 : i32
      %sign3A_2126 = arith.cmpi slt, %jit3A_2113, %sign3A_2125 : i32
      %sign3A_2127 = arith.extui %sign3A_2126 : i1 to i32
      %sign3A_2128 = arith.subi %sign3A_2124, %sign3A_2127 : i32
      %ne3A_2129 = arith.cmpi ne, %sign3A_2121, %sign3A_2128 : i32
      %rem3A_2130 = arith.remsi %squeeze3A_2112, %jit3A_2113 : i32
      %ne3A_2131 = arith.constant 0 : i32
      %ne3A_2132 = arith.cmpi ne, %rem3A_2130, %ne3A_2131 : i32
      %and3A_2133 = arith.andi %ne3A_2129, %ne3A_2132 : i1
      %sub3A_2134 = arith.constant 1 : i32
      %sub3A_2135 = arith.subi %div3A_2114, %sub3A_2134 : i32
      %select_n3A_2136 = arith.select %and3A_2133, %sub3A_2135, %div3A_2114 : i32
      %mul3A_2137 = arith.constant 128 : i32
      %mul3A_2138 = arith.muli %select_n3A_2136, %mul3A_2137 : i32
      %multiple_of3A_2139 = tpu.assume_multiple %mul3A_2138, 128 : i32
      %slice3A_2140 = vector.extract_strided_slice %scan3A_2110 {offsets = [8], sizes = [1], strides = [1]} : vector<16xi32> to vector<1xi32>
      %squeeze3A_2141 = vector.extract %slice3A_2140[0] : i32 from vector<1xi32>
      %jit3A_2142 = arith.constant 128 : i32
      %div3A_2143 = arith.divsi %squeeze3A_2141, %jit3A_2142 : i32
      %sign3A_2144 = arith.constant 0 : i32
      %sign3A_2145 = arith.cmpi sgt, %squeeze3A_2141, %sign3A_2144 : i32
      %sign3A_2146 = arith.extui %sign3A_2145 : i1 to i32
      %sign3A_2147 = arith.constant 0 : i32
      %sign3A_2148 = arith.cmpi slt, %squeeze3A_2141, %sign3A_2147 : i32
      %sign3A_2149 = arith.extui %sign3A_2148 : i1 to i32
      %sign3A_2150 = arith.subi %sign3A_2146, %sign3A_2149 : i32
      %sign3A_2151 = arith.constant 0 : i32
      %sign3A_2152 = arith.cmpi sgt, %jit3A_2142, %sign3A_2151 : i32
      %sign3A_2153 = arith.extui %sign3A_2152 : i1 to i32
      %sign3A_2154 = arith.constant 0 : i32
      %sign3A_2155 = arith.cmpi slt, %jit3A_2142, %sign3A_2154 : i32
      %sign3A_2156 = arith.extui %sign3A_2155 : i1 to i32
      %sign3A_2157 = arith.subi %sign3A_2153, %sign3A_2156 : i32
      %ne3A_2158 = arith.cmpi ne, %sign3A_2150, %sign3A_2157 : i32
      %rem3A_2159 = arith.remsi %squeeze3A_2141, %jit3A_2142 : i32
      %ne3A_2160 = arith.constant 0 : i32
      %ne3A_2161 = arith.cmpi ne, %rem3A_2159, %ne3A_2160 : i32
      %and3A_2162 = arith.andi %ne3A_2158, %ne3A_2161 : i1
      %sub3A_2163 = arith.constant 1 : i32
      %sub3A_2164 = arith.subi %div3A_2143, %sub3A_2163 : i32
      %select_n3A_2165 = arith.select %and3A_2162, %sub3A_2164, %div3A_2143 : i32
      %mul3A_2166 = arith.constant 128 : i32
      %mul3A_2167 = arith.muli %select_n3A_2165, %mul3A_2166 : i32
      %multiple_of3A_2168 = tpu.assume_multiple %mul3A_2167, 128 : i32
      %dma_start3A_2169 = arith.constant 0 : i32
      %dma_start3A_2170 = tpu.memref_slice %arg4[%dma_start3A_2169, %multiple_of3A_2139] : memref<16x1000000xf32, #tpu.memory_space<hbm>> -> memref<16x128xf32, #tpu.memory_space<hbm>>
      %dma_start3A_2171 = arith.constant 0 : i32
      %dma_start3A_2172 = tpu.memref_slice %arg4[%dma_start3A_2171, %multiple_of3A_2139] : memref<16x1000000xf32, #tpu.memory_space<hbm>> -> memref<16x128xf32, #tpu.memory_space<hbm>>
      tpu.enqueue_dma source(%dma_start3A_2172 : memref<16x128xf32, #tpu.memory_space<hbm>>) target(%arg32 : memref<16x128xf32, #tpu.memory_space<vmem>>) target_semaphore(%arg51 : memref<!tpu.dma_semaphore, #tpu.memory_space<semaphore_mem>>)
      %dma_start3A_2173 = arith.constant 0 : i32
      %dma_start3A_2174 = tpu.memref_slice %arg5[%dma_start3A_2173, %multiple_of3A_2168] : memref<16x1000000xf32, #tpu.memory_space<hbm>> -> memref<16x128xf32, #tpu.memory_space<hbm>>
      %dma_start3A_2175 = arith.constant 0 : i32
      %dma_start3A_2176 = tpu.memref_slice %arg5[%dma_start3A_2175, %multiple_of3A_2168] : memref<16x1000000xf32, #tpu.memory_space<hbm>> -> memref<16x128xf32, #tpu.memory_space<hbm>>
      tpu.enqueue_dma source(%dma_start3A_2176 : memref<16x128xf32, #tpu.memory_space<hbm>>) target(%arg33 : memref<16x128xf32, #tpu.memory_space<vmem>>) target_semaphore(%arg51 : memref<!tpu.dma_semaphore, #tpu.memory_space<semaphore_mem>>)
      %slice3A_2177 = vector.extract_strided_slice %scan3A_2109 {offsets = [9], sizes = [1], strides = [1]} : vector<16xi32> to vector<1xi32>
      %squeeze3A_2178 = vector.extract %slice3A_2177[0] : i32 from vector<1xi32>
      %jit3A_2179 = arith.constant 128 : i32
      %div3A_2180 = arith.divsi %squeeze3A_2178, %jit3A_2179 : i32
      %sign3A_2181 = arith.constant 0 : i32
      %sign3A_2182 = arith.cmpi sgt, %squeeze3A_2178, %sign3A_2181 : i32
      %sign3A_2183 = arith.extui %sign3A_2182 : i1 to i32
      %sign3A_2184 = arith.constant 0 : i32
      %sign3A_2185 = arith.cmpi slt, %squeeze3A_2178, %sign3A_2184 : i32
      %sign3A_2186 = arith.extui %sign3A_2185 : i1 to i32
      %sign3A_2187 = arith.subi %sign3A_2183, %sign3A_2186 : i32
      %sign3A_2188 = arith.constant 0 : i32
      %sign3A_2189 = arith.cmpi sgt, %jit3A_2179, %sign3A_2188 : i32
      %sign3A_2190 = arith.extui %sign3A_2189 : i1 to i32
      %sign3A_2191 = arith.constant 0 : i32
      %sign3A_2192 = arith.cmpi slt, %jit3A_2179, %sign3A_2191 : i32
      %sign3A_2193 = arith.extui %sign3A_2192 : i1 to i32
      %sign3A_2194 = arith.subi %sign3A_2190, %sign3A_2193 : i32
      %ne3A_2195 = arith.cmpi ne, %sign3A_2187, %sign3A_2194 : i32
      %rem3A_2196 = arith.remsi %squeeze3A_2178, %jit3A_2179 : i32
      %ne3A_2197 = arith.constant 0 : i32
      %ne3A_2198 = arith.cmpi ne, %rem3A_2196, %ne3A_2197 : i32
      %and3A_2199 = arith.andi %ne3A_2195, %ne3A_2198 : i1
      %sub3A_2200 = arith.constant 1 : i32
      %sub3A_2201 = arith.subi %div3A_2180, %sub3A_2200 : i32
      %select_n3A_2202 = arith.select %and3A_2199, %sub3A_2201, %div3A_2180 : i32
      %mul3A_2203 = arith.constant 128 : i32
      %mul3A_2204 = arith.muli %select_n3A_2202, %mul3A_2203 : i32
      %multiple_of3A_2205 = tpu.assume_multiple %mul3A_2204, 128 : i32
      %slice3A_2206 = vector.extract_strided_slice %scan3A_2110 {offsets = [9], sizes = [1], strides = [1]} : vector<16xi32> to vector<1xi32>
      %squeeze3A_2207 = vector.extract %slice3A_2206[0] : i32 from vector<1xi32>
      %jit3A_2208 = arith.constant 128 : i32
      %div3A_2209 = arith.divsi %squeeze3A_2207, %jit3A_2208 : i32
      %sign3A_2210 = arith.constant 0 : i32
      %sign3A_2211 = arith.cmpi sgt, %squeeze3A_2207, %sign3A_2210 : i32
      %sign3A_2212 = arith.extui %sign3A_2211 : i1 to i32
      %sign3A_2213 = arith.constant 0 : i32
      %sign3A_2214 = arith.cmpi slt, %squeeze3A_2207, %sign3A_2213 : i32
      %sign3A_2215 = arith.extui %sign3A_2214 : i1 to i32
      %sign3A_2216 = arith.subi %sign3A_2212, %sign3A_2215 : i32
      %sign3A_2217 = arith.constant 0 : i32
      %sign3A_2218 = arith.cmpi sgt, %jit3A_2208, %sign3A_2217 : i32
      %sign3A_2219 = arith.extui %sign3A_2218 : i1 to i32
      %sign3A_2220 = arith.constant 0 : i32
      %sign3A_2221 = arith.cmpi slt, %jit3A_2208, %sign3A_2220 : i32
      %sign3A_2222 = arith.extui %sign3A_2221 : i1 to i32
      %sign3A_2223 = arith.subi %sign3A_2219, %sign3A_2222 : i32
      %ne3A_2224 = arith.cmpi ne, %sign3A_2216, %sign3A_2223 : i32
      %rem3A_2225 = arith.remsi %squeeze3A_2207, %jit3A_2208 : i32
      %ne3A_2226 = arith.constant 0 : i32
      %ne3A_2227 = arith.cmpi ne, %rem3A_2225, %ne3A_2226 : i32
      %and3A_2228 = arith.andi %ne3A_2224, %ne3A_2227 : i1
      %sub3A_2229 = arith.constant 1 : i32
      %sub3A_2230 = arith.subi %div3A_2209, %sub3A_2229 : i32
      %select_n3A_2231 = arith.select %and3A_2228, %sub3A_2230, %div3A_2209 : i32
      %mul3A_2232 = arith.constant 128 : i32
      %mul3A_2233 = arith.muli %select_n3A_2231, %mul3A_2232 : i32
      %multiple_of3A_2234 = tpu.assume_multiple %mul3A_2233, 128 : i32
      %dma_start3A_2235 = arith.constant 0 : i32
      %dma_start3A_2236 = tpu.memref_slice %arg4[%dma_start3A_2235, %multiple_of3A_2205] : memref<16x1000000xf32, #tpu.memory_space<hbm>> -> memref<16x128xf32, #tpu.memory_space<hbm>>
      %dma_start3A_2237 = arith.constant 0 : i32
      %dma_start3A_2238 = tpu.memref_slice %arg4[%dma_start3A_2237, %multiple_of3A_2205] : memref<16x1000000xf32, #tpu.memory_space<hbm>> -> memref<16x128xf32, #tpu.memory_space<hbm>>
      tpu.enqueue_dma source(%dma_start3A_2238 : memref<16x128xf32, #tpu.memory_space<hbm>>) target(%arg34 : memref<16x128xf32, #tpu.memory_space<vmem>>) target_semaphore(%arg51 : memref<!tpu.dma_semaphore, #tpu.memory_space<semaphore_mem>>)
      %dma_start3A_2239 = arith.constant 0 : i32
      %dma_start3A_2240 = tpu.memref_slice %arg5[%dma_start3A_2239, %multiple_of3A_2234] : memref<16x1000000xf32, #tpu.memory_space<hbm>> -> memref<16x128xf32, #tpu.memory_space<hbm>>
      %dma_start3A_2241 = arith.constant 0 : i32
      %dma_start3A_2242 = tpu.memref_slice %arg5[%dma_start3A_2241, %multiple_of3A_2234] : memref<16x1000000xf32, #tpu.memory_space<hbm>> -> memref<16x128xf32, #tpu.memory_space<hbm>>
      tpu.enqueue_dma source(%dma_start3A_2242 : memref<16x128xf32, #tpu.memory_space<hbm>>) target(%arg35 : memref<16x128xf32, #tpu.memory_space<vmem>>) target_semaphore(%arg51 : memref<!tpu.dma_semaphore, #tpu.memory_space<semaphore_mem>>)
      %slice3A_2243 = vector.extract_strided_slice %scan3A_2109 {offsets = [10], sizes = [1], strides = [1]} : vector<16xi32> to vector<1xi32>
      %squeeze3A_2244 = vector.extract %slice3A_2243[0] : i32 from vector<1xi32>
      %jit3A_2245 = arith.constant 128 : i32
      %div3A_2246 = arith.divsi %squeeze3A_2244, %jit3A_2245 : i32
      %sign3A_2247 = arith.constant 0 : i32
      %sign3A_2248 = arith.cmpi sgt, %squeeze3A_2244, %sign3A_2247 : i32
      %sign3A_2249 = arith.extui %sign3A_2248 : i1 to i32
      %sign3A_2250 = arith.constant 0 : i32
      %sign3A_2251 = arith.cmpi slt, %squeeze3A_2244, %sign3A_2250 : i32
      %sign3A_2252 = arith.extui %sign3A_2251 : i1 to i32
      %sign3A_2253 = arith.subi %sign3A_2249, %sign3A_2252 : i32
      %sign3A_2254 = arith.constant 0 : i32
      %sign3A_2255 = arith.cmpi sgt, %jit3A_2245, %sign3A_2254 : i32
      %sign3A_2256 = arith.extui %sign3A_2255 : i1 to i32
      %sign3A_2257 = arith.constant 0 : i32
      %sign3A_2258 = arith.cmpi slt, %jit3A_2245, %sign3A_2257 : i32
      %sign3A_2259 = arith.extui %sign3A_2258 : i1 to i32
      %sign3A_2260 = arith.subi %sign3A_2256, %sign3A_2259 : i32
      %ne3A_2261 = arith.cmpi ne, %sign3A_2253, %sign3A_2260 : i32
      %rem3A_2262 = arith.remsi %squeeze3A_2244, %jit3A_2245 : i32
      %ne3A_2263 = arith.constant 0 : i32
      %ne3A_2264 = arith.cmpi ne, %rem3A_2262, %ne3A_2263 : i32
      %and3A_2265 = arith.andi %ne3A_2261, %ne3A_2264 : i1
      %sub3A_2266 = arith.constant 1 : i32
      %sub3A_2267 = arith.subi %div3A_2246, %sub3A_2266 : i32
      %select_n3A_2268 = arith.select %and3A_2265, %sub3A_2267, %div3A_2246 : i32
      %mul3A_2269 = arith.constant 128 : i32
      %mul3A_2270 = arith.muli %select_n3A_2268, %mul3A_2269 : i32
      %multiple_of3A_2271 = tpu.assume_multiple %mul3A_2270, 128 : i32
      %slice3A_2272 = vector.extract_strided_slice %scan3A_2110 {offsets = [10], sizes = [1], strides = [1]} : vector<16xi32> to vector<1xi32>
      %squeeze3A_2273 = vector.extract %slice3A_2272[0] : i32 from vector<1xi32>
      %jit3A_2274 = arith.constant 128 : i32
      %div3A_2275 = arith.divsi %squeeze3A_2273, %jit3A_2274 : i32
      %sign3A_2276 = arith.constant 0 : i32
      %sign3A_2277 = arith.cmpi sgt, %squeeze3A_2273, %sign3A_2276 : i32
      %sign3A_2278 = arith.extui %sign3A_2277 : i1 to i32
      %sign3A_2279 = arith.constant 0 : i32
      %sign3A_2280 = arith.cmpi slt, %squeeze3A_2273, %sign3A_2279 : i32
      %sign3A_2281 = arith.extui %sign3A_2280 : i1 to i32
      %sign3A_2282 = arith.subi %sign3A_2278, %sign3A_2281 : i32
      %sign3A_2283 = arith.constant 0 : i32
      %sign3A_2284 = arith.cmpi sgt, %jit3A_2274, %sign3A_2283 : i32
      %sign3A_2285 = arith.extui %sign3A_2284 : i1 to i32
      %sign3A_2286 = arith.constant 0 : i32
      %sign3A_2287 = arith.cmpi slt, %jit3A_2274, %sign3A_2286 : i32
      %sign3A_2288 = arith.extui %sign3A_2287 : i1 to i32
      %sign3A_2289 = arith.subi %sign3A_2285, %sign3A_2288 : i32
      %ne3A_2290 = arith.cmpi ne, %sign3A_2282, %sign3A_2289 : i32
      %rem3A_2291 = arith.remsi %squeeze3A_2273, %jit3A_2274 : i32
      %ne3A_2292 = arith.constant 0 : i32
      %ne3A_2293 = arith.cmpi ne, %rem3A_2291, %ne3A_2292 : i32
      %and3A_2294 = arith.andi %ne3A_2290, %ne3A_2293 : i1
      %sub3A_2295 = arith.constant 1 : i32
      %sub3A_2296 = arith.subi %div3A_2275, %sub3A_2295 : i32
      %select_n3A_2297 = arith.select %and3A_2294, %sub3A_2296, %div3A_2275 : i32
      %mul3A_2298 = arith.constant 128 : i32
      %mul3A_2299 = arith.muli %select_n3A_2297, %mul3A_2298 : i32
      %multiple_of3A_2300 = tpu.assume_multiple %mul3A_2299, 128 : i32
      %dma_start3A_2301 = arith.constant 0 : i32
      %dma_start3A_2302 = tpu.memref_slice %arg4[%dma_start3A_2301, %multiple_of3A_2271] : memref<16x1000000xf32, #tpu.memory_space<hbm>> -> memref<16x128xf32, #tpu.memory_space<hbm>>
      %dma_start3A_2303 = arith.constant 0 : i32
      %dma_start3A_2304 = tpu.memref_slice %arg4[%dma_start3A_2303, %multiple_of3A_2271] : memref<16x1000000xf32, #tpu.memory_space<hbm>> -> memref<16x128xf32, #tpu.memory_space<hbm>>
      tpu.enqueue_dma source(%dma_start3A_2304 : memref<16x128xf32, #tpu.memory_space<hbm>>) target(%arg36 : memref<16x128xf32, #tpu.memory_space<vmem>>) target_semaphore(%arg51 : memref<!tpu.dma_semaphore, #tpu.memory_space<semaphore_mem>>)
      %dma_start3A_2305 = arith.constant 0 : i32
      %dma_start3A_2306 = tpu.memref_slice %arg5[%dma_start3A_2305, %multiple_of3A_2300] : memref<16x1000000xf32, #tpu.memory_space<hbm>> -> memref<16x128xf32, #tpu.memory_space<hbm>>
      %dma_start3A_2307 = arith.constant 0 : i32
      %dma_start3A_2308 = tpu.memref_slice %arg5[%dma_start3A_2307, %multiple_of3A_2300] : memref<16x1000000xf32, #tpu.memory_space<hbm>> -> memref<16x128xf32, #tpu.memory_space<hbm>>
      tpu.enqueue_dma source(%dma_start3A_2308 : memref<16x128xf32, #tpu.memory_space<hbm>>) target(%arg37 : memref<16x128xf32, #tpu.memory_space<vmem>>) target_semaphore(%arg51 : memref<!tpu.dma_semaphore, #tpu.memory_space<semaphore_mem>>)
      %slice3A_2309 = vector.extract_strided_slice %scan3A_2109 {offsets = [11], sizes = [1], strides = [1]} : vector<16xi32> to vector<1xi32>
      %squeeze3A_2310 = vector.extract %slice3A_2309[0] : i32 from vector<1xi32>
      %jit3A_2311 = arith.constant 128 : i32
      %div3A_2312 = arith.divsi %squeeze3A_2310, %jit3A_2311 : i32
      %sign3A_2313 = arith.constant 0 : i32
      %sign3A_2314 = arith.cmpi sgt, %squeeze3A_2310, %sign3A_2313 : i32
      %sign3A_2315 = arith.extui %sign3A_2314 : i1 to i32
      %sign3A_2316 = arith.constant 0 : i32
      %sign3A_2317 = arith.cmpi slt, %squeeze3A_2310, %sign3A_2316 : i32
      %sign3A_2318 = arith.extui %sign3A_2317 : i1 to i32
      %sign3A_2319 = arith.subi %sign3A_2315, %sign3A_2318 : i32
      %sign3A_2320 = arith.constant 0 : i32
      %sign3A_2321 = arith.cmpi sgt, %jit3A_2311, %sign3A_2320 : i32
      %sign3A_2322 = arith.extui %sign3A_2321 : i1 to i32
      %sign3A_2323 = arith.constant 0 : i32
      %sign3A_2324 = arith.cmpi slt, %jit3A_2311, %sign3A_2323 : i32
      %sign3A_2325 = arith.extui %sign3A_2324 : i1 to i32
      %sign3A_2326 = arith.subi %sign3A_2322, %sign3A_2325 : i32
      %ne3A_2327 = arith.cmpi ne, %sign3A_2319, %sign3A_2326 : i32
      %rem3A_2328 = arith.remsi %squeeze3A_2310, %jit3A_2311 : i32
      %ne3A_2329 = arith.constant 0 : i32
      %ne3A_2330 = arith.cmpi ne, %rem3A_2328, %ne3A_2329 : i32
      %and3A_2331 = arith.andi %ne3A_2327, %ne3A_2330 : i1
      %sub3A_2332 = arith.constant 1 : i32
      %sub3A_2333 = arith.subi %div3A_2312, %sub3A_2332 : i32
      %select_n3A_2334 = arith.select %and3A_2331, %sub3A_2333, %div3A_2312 : i32
      %mul3A_2335 = arith.constant 128 : i32
      %mul3A_2336 = arith.muli %select_n3A_2334, %mul3A_2335 : i32
      %multiple_of3A_2337 = tpu.assume_multiple %mul3A_2336, 128 : i32
      %slice3A_2338 = vector.extract_strided_slice %scan3A_2110 {offsets = [11], sizes = [1], strides = [1]} : vector<16xi32> to vector<1xi32>
      %squeeze3A_2339 = vector.extract %slice3A_2338[0] : i32 from vector<1xi32>
      %jit3A_2340 = arith.constant 128 : i32
      %div3A_2341 = arith.divsi %squeeze3A_2339, %jit3A_2340 : i32
      %sign3A_2342 = arith.constant 0 : i32
      %sign3A_2343 = arith.cmpi sgt, %squeeze3A_2339, %sign3A_2342 : i32
      %sign3A_2344 = arith.extui %sign3A_2343 : i1 to i32
      %sign3A_2345 = arith.constant 0 : i32
      %sign3A_2346 = arith.cmpi slt, %squeeze3A_2339, %sign3A_2345 : i32
      %sign3A_2347 = arith.extui %sign3A_2346 : i1 to i32
      %sign3A_2348 = arith.subi %sign3A_2344, %sign3A_2347 : i32
      %sign3A_2349 = arith.constant 0 : i32
      %sign3A_2350 = arith.cmpi sgt, %jit3A_2340, %sign3A_2349 : i32
      %sign3A_2351 = arith.extui %sign3A_2350 : i1 to i32
      %sign3A_2352 = arith.constant 0 : i32
      %sign3A_2353 = arith.cmpi slt, %jit3A_2340, %sign3A_2352 : i32
      %sign3A_2354 = arith.extui %sign3A_2353 : i1 to i32
      %sign3A_2355 = arith.subi %sign3A_2351, %sign3A_2354 : i32
      %ne3A_2356 = arith.cmpi ne, %sign3A_2348, %sign3A_2355 : i32
      %rem3A_2357 = arith.remsi %squeeze3A_2339, %jit3A_2340 : i32
      %ne3A_2358 = arith.constant 0 : i32
      %ne3A_2359 = arith.cmpi ne, %rem3A_2357, %ne3A_2358 : i32
      %and3A_2360 = arith.andi %ne3A_2356, %ne3A_2359 : i1
      %sub3A_2361 = arith.constant 1 : i32
      %sub3A_2362 = arith.subi %div3A_2341, %sub3A_2361 : i32
      %select_n3A_2363 = arith.select %and3A_2360, %sub3A_2362, %div3A_2341 : i32
      %mul3A_2364 = arith.constant 128 : i32
      %mul3A_2365 = arith.muli %select_n3A_2363, %mul3A_2364 : i32
      %multiple_of3A_2366 = tpu.assume_multiple %mul3A_2365, 128 : i32
      %dma_start3A_2367 = arith.constant 0 : i32
      %dma_start3A_2368 = tpu.memref_slice %arg4[%dma_start3A_2367, %multiple_of3A_2337] : memref<16x1000000xf32, #tpu.memory_space<hbm>> -> memref<16x128xf32, #tpu.memory_space<hbm>>
      %dma_start3A_2369 = arith.constant 0 : i32
      %dma_start3A_2370 = tpu.memref_slice %arg4[%dma_start3A_2369, %multiple_of3A_2337] : memref<16x1000000xf32, #tpu.memory_space<hbm>> -> memref<16x128xf32, #tpu.memory_space<hbm>>
      tpu.enqueue_dma source(%dma_start3A_2370 : memref<16x128xf32, #tpu.memory_space<hbm>>) target(%arg38 : memref<16x128xf32, #tpu.memory_space<vmem>>) target_semaphore(%arg51 : memref<!tpu.dma_semaphore, #tpu.memory_space<semaphore_mem>>)
      %dma_start3A_2371 = arith.constant 0 : i32
      %dma_start3A_2372 = tpu.memref_slice %arg5[%dma_start3A_2371, %multiple_of3A_2366] : memref<16x1000000xf32, #tpu.memory_space<hbm>> -> memref<16x128xf32, #tpu.memory_space<hbm>>
      %dma_start3A_2373 = arith.constant 0 : i32
      %dma_start3A_2374 = tpu.memref_slice %arg5[%dma_start3A_2373, %multiple_of3A_2366] : memref<16x1000000xf32, #tpu.memory_space<hbm>> -> memref<16x128xf32, #tpu.memory_space<hbm>>
      tpu.enqueue_dma source(%dma_start3A_2374 : memref<16x128xf32, #tpu.memory_space<hbm>>) target(%arg39 : memref<16x128xf32, #tpu.memory_space<vmem>>) target_semaphore(%arg51 : memref<!tpu.dma_semaphore, #tpu.memory_space<semaphore_mem>>)
      %slice3A_2375 = vector.extract_strided_slice %scan3A_2109 {offsets = [12], sizes = [1], strides = [1]} : vector<16xi32> to vector<1xi32>
      %squeeze3A_2376 = vector.extract %slice3A_2375[0] : i32 from vector<1xi32>
      %jit3A_2377 = arith.constant 128 : i32
      %div3A_2378 = arith.divsi %squeeze3A_2376, %jit3A_2377 : i32
      %sign3A_2379 = arith.constant 0 : i32
      %sign3A_2380 = arith.cmpi sgt, %squeeze3A_2376, %sign3A_2379 : i32
      %sign3A_2381 = arith.extui %sign3A_2380 : i1 to i32
      %sign3A_2382 = arith.constant 0 : i32
      %sign3A_2383 = arith.cmpi slt, %squeeze3A_2376, %sign3A_2382 : i32
      %sign3A_2384 = arith.extui %sign3A_2383 : i1 to i32
      %sign3A_2385 = arith.subi %sign3A_2381, %sign3A_2384 : i32
      %sign3A_2386 = arith.constant 0 : i32
      %sign3A_2387 = arith.cmpi sgt, %jit3A_2377, %sign3A_2386 : i32
      %sign3A_2388 = arith.extui %sign3A_2387 : i1 to i32
      %sign3A_2389 = arith.constant 0 : i32
      %sign3A_2390 = arith.cmpi slt, %jit3A_2377, %sign3A_2389 : i32
      %sign3A_2391 = arith.extui %sign3A_2390 : i1 to i32
      %sign3A_2392 = arith.subi %sign3A_2388, %sign3A_2391 : i32
      %ne3A_2393 = arith.cmpi ne, %sign3A_2385, %sign3A_2392 : i32
      %rem3A_2394 = arith.remsi %squeeze3A_2376, %jit3A_2377 : i32
      %ne3A_2395 = arith.constant 0 : i32
      %ne3A_2396 = arith.cmpi ne, %rem3A_2394, %ne3A_2395 : i32
      %and3A_2397 = arith.andi %ne3A_2393, %ne3A_2396 : i1
      %sub3A_2398 = arith.constant 1 : i32
      %sub3A_2399 = arith.subi %div3A_2378, %sub3A_2398 : i32
      %select_n3A_2400 = arith.select %and3A_2397, %sub3A_2399, %div3A_2378 : i32
      %mul3A_2401 = arith.constant 128 : i32
      %mul3A_2402 = arith.muli %select_n3A_2400, %mul3A_2401 : i32
      %multiple_of3A_2403 = tpu.assume_multiple %mul3A_2402, 128 : i32
      %slice3A_2404 = vector.extract_strided_slice %scan3A_2110 {offsets = [12], sizes = [1], strides = [1]} : vector<16xi32> to vector<1xi32>
      %squeeze3A_2405 = vector.extract %slice3A_2404[0] : i32 from vector<1xi32>
      %jit3A_2406 = arith.constant 128 : i32
      %div3A_2407 = arith.divsi %squeeze3A_2405, %jit3A_2406 : i32
      %sign3A_2408 = arith.constant 0 : i32
      %sign3A_2409 = arith.cmpi sgt, %squeeze3A_2405, %sign3A_2408 : i32
      %sign3A_2410 = arith.extui %sign3A_2409 : i1 to i32
      %sign3A_2411 = arith.constant 0 : i32
      %sign3A_2412 = arith.cmpi slt, %squeeze3A_2405, %sign3A_2411 : i32
      %sign3A_2413 = arith.extui %sign3A_2412 : i1 to i32
      %sign3A_2414 = arith.subi %sign3A_2410, %sign3A_2413 : i32
      %sign3A_2415 = arith.constant 0 : i32
      %sign3A_2416 = arith.cmpi sgt, %jit3A_2406, %sign3A_2415 : i32
      %sign3A_2417 = arith.extui %sign3A_2416 : i1 to i32
      %sign3A_2418 = arith.constant 0 : i32
      %sign3A_2419 = arith.cmpi slt, %jit3A_2406, %sign3A_2418 : i32
      %sign3A_2420 = arith.extui %sign3A_2419 : i1 to i32
      %sign3A_2421 = arith.subi %sign3A_2417, %sign3A_2420 : i32
      %ne3A_2422 = arith.cmpi ne, %sign3A_2414, %sign3A_2421 : i32
      %rem3A_2423 = arith.remsi %squeeze3A_2405, %jit3A_2406 : i32
      %ne3A_2424 = arith.constant 0 : i32
      %ne3A_2425 = arith.cmpi ne, %rem3A_2423, %ne3A_2424 : i32
      %and3A_2426 = arith.andi %ne3A_2422, %ne3A_2425 : i1
      %sub3A_2427 = arith.constant 1 : i32
      %sub3A_2428 = arith.subi %div3A_2407, %sub3A_2427 : i32
      %select_n3A_2429 = arith.select %and3A_2426, %sub3A_2428, %div3A_2407 : i32
      %mul3A_2430 = arith.constant 128 : i32
      %mul3A_2431 = arith.muli %select_n3A_2429, %mul3A_2430 : i32
      %multiple_of3A_2432 = tpu.assume_multiple %mul3A_2431, 128 : i32
      %dma_start3A_2433 = arith.constant 0 : i32
      %dma_start3A_2434 = tpu.memref_slice %arg4[%dma_start3A_2433, %multiple_of3A_2403] : memref<16x1000000xf32, #tpu.memory_space<hbm>> -> memref<16x128xf32, #tpu.memory_space<hbm>>
      %dma_start3A_2435 = arith.constant 0 : i32
      %dma_start3A_2436 = tpu.memref_slice %arg4[%dma_start3A_2435, %multiple_of3A_2403] : memref<16x1000000xf32, #tpu.memory_space<hbm>> -> memref<16x128xf32, #tpu.memory_space<hbm>>
      tpu.enqueue_dma source(%dma_start3A_2436 : memref<16x128xf32, #tpu.memory_space<hbm>>) target(%arg40 : memref<16x128xf32, #tpu.memory_space<vmem>>) target_semaphore(%arg51 : memref<!tpu.dma_semaphore, #tpu.memory_space<semaphore_mem>>)
      %dma_start3A_2437 = arith.constant 0 : i32
      %dma_start3A_2438 = tpu.memref_slice %arg5[%dma_start3A_2437, %multiple_of3A_2432] : memref<16x1000000xf32, #tpu.memory_space<hbm>> -> memref<16x128xf32, #tpu.memory_space<hbm>>
      %dma_start3A_2439 = arith.constant 0 : i32
      %dma_start3A_2440 = tpu.memref_slice %arg5[%dma_start3A_2439, %multiple_of3A_2432] : memref<16x1000000xf32, #tpu.memory_space<hbm>> -> memref<16x128xf32, #tpu.memory_space<hbm>>
      tpu.enqueue_dma source(%dma_start3A_2440 : memref<16x128xf32, #tpu.memory_space<hbm>>) target(%arg41 : memref<16x128xf32, #tpu.memory_space<vmem>>) target_semaphore(%arg51 : memref<!tpu.dma_semaphore, #tpu.memory_space<semaphore_mem>>)
      %slice3A_2441 = vector.extract_strided_slice %scan3A_2109 {offsets = [13], sizes = [1], strides = [1]} : vector<16xi32> to vector<1xi32>
      %squeeze3A_2442 = vector.extract %slice3A_2441[0] : i32 from vector<1xi32>
      %jit3A_2443 = arith.constant 128 : i32
      %div3A_2444 = arith.divsi %squeeze3A_2442, %jit3A_2443 : i32
      %sign3A_2445 = arith.constant 0 : i32
      %sign3A_2446 = arith.cmpi sgt, %squeeze3A_2442, %sign3A_2445 : i32
      %sign3A_2447 = arith.extui %sign3A_2446 : i1 to i32
      %sign3A_2448 = arith.constant 0 : i32
      %sign3A_2449 = arith.cmpi slt, %squeeze3A_2442, %sign3A_2448 : i32
      %sign3A_2450 = arith.extui %sign3A_2449 : i1 to i32
      %sign3A_2451 = arith.subi %sign3A_2447, %sign3A_2450 : i32
      %sign3A_2452 = arith.constant 0 : i32
      %sign3A_2453 = arith.cmpi sgt, %jit3A_2443, %sign3A_2452 : i32
      %sign3A_2454 = arith.extui %sign3A_2453 : i1 to i32
      %sign3A_2455 = arith.constant 0 : i32
      %sign3A_2456 = arith.cmpi slt, %jit3A_2443, %sign3A_2455 : i32
      %sign3A_2457 = arith.extui %sign3A_2456 : i1 to i32
      %sign3A_2458 = arith.subi %sign3A_2454, %sign3A_2457 : i32
      %ne3A_2459 = arith.cmpi ne, %sign3A_2451, %sign3A_2458 : i32
      %rem3A_2460 = arith.remsi %squeeze3A_2442, %jit3A_2443 : i32
      %ne3A_2461 = arith.constant 0 : i32
      %ne3A_2462 = arith.cmpi ne, %rem3A_2460, %ne3A_2461 : i32
      %and3A_2463 = arith.andi %ne3A_2459, %ne3A_2462 : i1
      %sub3A_2464 = arith.constant 1 : i32
      %sub3A_2465 = arith.subi %div3A_2444, %sub3A_2464 : i32
      %select_n3A_2466 = arith.select %and3A_2463, %sub3A_2465, %div3A_2444 : i32
      %mul3A_2467 = arith.constant 128 : i32
      %mul3A_2468 = arith.muli %select_n3A_2466, %mul3A_2467 : i32
      %multiple_of3A_2469 = tpu.assume_multiple %mul3A_2468, 128 : i32
      %slice3A_2470 = vector.extract_strided_slice %scan3A_2110 {offsets = [13], sizes = [1], strides = [1]} : vector<16xi32> to vector<1xi32>
      %squeeze3A_2471 = vector.extract %slice3A_2470[0] : i32 from vector<1xi32>
      %jit3A_2472 = arith.constant 128 : i32
      %div3A_2473 = arith.divsi %squeeze3A_2471, %jit3A_2472 : i32
      %sign3A_2474 = arith.constant 0 : i32
      %sign3A_2475 = arith.cmpi sgt, %squeeze3A_2471, %sign3A_2474 : i32
      %sign3A_2476 = arith.extui %sign3A_2475 : i1 to i32
      %sign3A_2477 = arith.constant 0 : i32
      %sign3A_2478 = arith.cmpi slt, %squeeze3A_2471, %sign3A_2477 : i32
      %sign3A_2479 = arith.extui %sign3A_2478 : i1 to i32
      %sign3A_2480 = arith.subi %sign3A_2476, %sign3A_2479 : i32
      %sign3A_2481 = arith.constant 0 : i32
      %sign3A_2482 = arith.cmpi sgt, %jit3A_2472, %sign3A_2481 : i32
      %sign3A_2483 = arith.extui %sign3A_2482 : i1 to i32
      %sign3A_2484 = arith.constant 0 : i32
      %sign3A_2485 = arith.cmpi slt, %jit3A_2472, %sign3A_2484 : i32
      %sign3A_2486 = arith.extui %sign3A_2485 : i1 to i32
      %sign3A_2487 = arith.subi %sign3A_2483, %sign3A_2486 : i32
      %ne3A_2488 = arith.cmpi ne, %sign3A_2480, %sign3A_2487 : i32
      %rem3A_2489 = arith.remsi %squeeze3A_2471, %jit3A_2472 : i32
      %ne3A_2490 = arith.constant 0 : i32
      %ne3A_2491 = arith.cmpi ne, %rem3A_2489, %ne3A_2490 : i32
      %and3A_2492 = arith.andi %ne3A_2488, %ne3A_2491 : i1
      %sub3A_2493 = arith.constant 1 : i32
      %sub3A_2494 = arith.subi %div3A_2473, %sub3A_2493 : i32
      %select_n3A_2495 = arith.select %and3A_2492, %sub3A_2494, %div3A_2473 : i32
      %mul3A_2496 = arith.constant 128 : i32
      %mul3A_2497 = arith.muli %select_n3A_2495, %mul3A_2496 : i32
      %multiple_of3A_2498 = tpu.assume_multiple %mul3A_2497, 128 : i32
      %dma_start3A_2499 = arith.constant 0 : i32
      %dma_start3A_2500 = tpu.memref_slice %arg4[%dma_start3A_2499, %multiple_of3A_2469] : memref<16x1000000xf32, #tpu.memory_space<hbm>> -> memref<16x128xf32, #tpu.memory_space<hbm>>
      %dma_start3A_2501 = arith.constant 0 : i32
      %dma_start3A_2502 = tpu.memref_slice %arg4[%dma_start3A_2501, %multiple_of3A_2469] : memref<16x1000000xf32, #tpu.memory_space<hbm>> -> memref<16x128xf32, #tpu.memory_space<hbm>>
      tpu.enqueue_dma source(%dma_start3A_2502 : memref<16x128xf32, #tpu.memory_space<hbm>>) target(%arg42 : memref<16x128xf32, #tpu.memory_space<vmem>>) target_semaphore(%arg51 : memref<!tpu.dma_semaphore, #tpu.memory_space<semaphore_mem>>)
      %dma_start3A_2503 = arith.constant 0 : i32
      %dma_start3A_2504 = tpu.memref_slice %arg5[%dma_start3A_2503, %multiple_of3A_2498] : memref<16x1000000xf32, #tpu.memory_space<hbm>> -> memref<16x128xf32, #tpu.memory_space<hbm>>
      %dma_start3A_2505 = arith.constant 0 : i32
      %dma_start3A_2506 = tpu.memref_slice %arg5[%dma_start3A_2505, %multiple_of3A_2498] : memref<16x1000000xf32, #tpu.memory_space<hbm>> -> memref<16x128xf32, #tpu.memory_space<hbm>>
      tpu.enqueue_dma source(%dma_start3A_2506 : memref<16x128xf32, #tpu.memory_space<hbm>>) target(%arg43 : memref<16x128xf32, #tpu.memory_space<vmem>>) target_semaphore(%arg51 : memref<!tpu.dma_semaphore, #tpu.memory_space<semaphore_mem>>)
      %slice3A_2507 = vector.extract_strided_slice %scan3A_2109 {offsets = [14], sizes = [1], strides = [1]} : vector<16xi32> to vector<1xi32>
      %squeeze3A_2508 = vector.extract %slice3A_2507[0] : i32 from vector<1xi32>
      %jit3A_2509 = arith.constant 128 : i32
      %div3A_2510 = arith.divsi %squeeze3A_2508, %jit3A_2509 : i32
      %sign3A_2511 = arith.constant 0 : i32
      %sign3A_2512 = arith.cmpi sgt, %squeeze3A_2508, %sign3A_2511 : i32
      %sign3A_2513 = arith.extui %sign3A_2512 : i1 to i32
      %sign3A_2514 = arith.constant 0 : i32
      %sign3A_2515 = arith.cmpi slt, %squeeze3A_2508, %sign3A_2514 : i32
      %sign3A_2516 = arith.extui %sign3A_2515 : i1 to i32
      %sign3A_2517 = arith.subi %sign3A_2513, %sign3A_2516 : i32
      %sign3A_2518 = arith.constant 0 : i32
      %sign3A_2519 = arith.cmpi sgt, %jit3A_2509, %sign3A_2518 : i32
      %sign3A_2520 = arith.extui %sign3A_2519 : i1 to i32
      %sign3A_2521 = arith.constant 0 : i32
      %sign3A_2522 = arith.cmpi slt, %jit3A_2509, %sign3A_2521 : i32
      %sign3A_2523 = arith.extui %sign3A_2522 : i1 to i32
      %sign3A_2524 = arith.subi %sign3A_2520, %sign3A_2523 : i32
      %ne3A_2525 = arith.cmpi ne, %sign3A_2517, %sign3A_2524 : i32
      %rem3A_2526 = arith.remsi %squeeze3A_2508, %jit3A_2509 : i32
      %ne3A_2527 = arith.constant 0 : i32
      %ne3A_2528 = arith.cmpi ne, %rem3A_2526, %ne3A_2527 : i32
      %and3A_2529 = arith.andi %ne3A_2525, %ne3A_2528 : i1
      %sub3A_2530 = arith.constant 1 : i32
      %sub3A_2531 = arith.subi %div3A_2510, %sub3A_2530 : i32
      %select_n3A_2532 = arith.select %and3A_2529, %sub3A_2531, %div3A_2510 : i32
      %mul3A_2533 = arith.constant 128 : i32
      %mul3A_2534 = arith.muli %select_n3A_2532, %mul3A_2533 : i32
      %multiple_of3A_2535 = tpu.assume_multiple %mul3A_2534, 128 : i32
      %slice3A_2536 = vector.extract_strided_slice %scan3A_2110 {offsets = [14], sizes = [1], strides = [1]} : vector<16xi32> to vector<1xi32>
      %squeeze3A_2537 = vector.extract %slice3A_2536[0] : i32 from vector<1xi32>
      %jit3A_2538 = arith.constant 128 : i32
      %div3A_2539 = arith.divsi %squeeze3A_2537, %jit3A_2538 : i32
      %sign3A_2540 = arith.constant 0 : i32
      %sign3A_2541 = arith.cmpi sgt, %squeeze3A_2537, %sign3A_2540 : i32
      %sign3A_2542 = arith.extui %sign3A_2541 : i1 to i32
      %sign3A_2543 = arith.constant 0 : i32
      %sign3A_2544 = arith.cmpi slt, %squeeze3A_2537, %sign3A_2543 : i32
      %sign3A_2545 = arith.extui %sign3A_2544 : i1 to i32
      %sign3A_2546 = arith.subi %sign3A_2542, %sign3A_2545 : i32
      %sign3A_2547 = arith.constant 0 : i32
      %sign3A_2548 = arith.cmpi sgt, %jit3A_2538, %sign3A_2547 : i32
      %sign3A_2549 = arith.extui %sign3A_2548 : i1 to i32
      %sign3A_2550 = arith.constant 0 : i32
      %sign3A_2551 = arith.cmpi slt, %jit3A_2538, %sign3A_2550 : i32
      %sign3A_2552 = arith.extui %sign3A_2551 : i1 to i32
      %sign3A_2553 = arith.subi %sign3A_2549, %sign3A_2552 : i32
      %ne3A_2554 = arith.cmpi ne, %sign3A_2546, %sign3A_2553 : i32
      %rem3A_2555 = arith.remsi %squeeze3A_2537, %jit3A_2538 : i32
      %ne3A_2556 = arith.constant 0 : i32
      %ne3A_2557 = arith.cmpi ne, %rem3A_2555, %ne3A_2556 : i32
      %and3A_2558 = arith.andi %ne3A_2554, %ne3A_2557 : i1
      %sub3A_2559 = arith.constant 1 : i32
      %sub3A_2560 = arith.subi %div3A_2539, %sub3A_2559 : i32
      %select_n3A_2561 = arith.select %and3A_2558, %sub3A_2560, %div3A_2539 : i32
      %mul3A_2562 = arith.constant 128 : i32
      %mul3A_2563 = arith.muli %select_n3A_2561, %mul3A_2562 : i32
      %multiple_of3A_2564 = tpu.assume_multiple %mul3A_2563, 128 : i32
      %dma_start3A_2565 = arith.constant 0 : i32
      %dma_start3A_2566 = tpu.memref_slice %arg4[%dma_start3A_2565, %multiple_of3A_2535] : memref<16x1000000xf32, #tpu.memory_space<hbm>> -> memref<16x128xf32, #tpu.memory_space<hbm>>
      %dma_start3A_2567 = arith.constant 0 : i32
      %dma_start3A_2568 = tpu.memref_slice %arg4[%dma_start3A_2567, %multiple_of3A_2535] : memref<16x1000000xf32, #tpu.memory_space<hbm>> -> memref<16x128xf32, #tpu.memory_space<hbm>>
      tpu.enqueue_dma source(%dma_start3A_2568 : memref<16x128xf32, #tpu.memory_space<hbm>>) target(%arg44 : memref<16x128xf32, #tpu.memory_space<vmem>>) target_semaphore(%arg51 : memref<!tpu.dma_semaphore, #tpu.memory_space<semaphore_mem>>)
      %dma_start3A_2569 = arith.constant 0 : i32
      %dma_start3A_2570 = tpu.memref_slice %arg5[%dma_start3A_2569, %multiple_of3A_2564] : memref<16x1000000xf32, #tpu.memory_space<hbm>> -> memref<16x128xf32, #tpu.memory_space<hbm>>
      %dma_start3A_2571 = arith.constant 0 : i32
      %dma_start3A_2572 = tpu.memref_slice %arg5[%dma_start3A_2571, %multiple_of3A_2564] : memref<16x1000000xf32, #tpu.memory_space<hbm>> -> memref<16x128xf32, #tpu.memory_space<hbm>>
      tpu.enqueue_dma source(%dma_start3A_2572 : memref<16x128xf32, #tpu.memory_space<hbm>>) target(%arg45 : memref<16x128xf32, #tpu.memory_space<vmem>>) target_semaphore(%arg51 : memref<!tpu.dma_semaphore, #tpu.memory_space<semaphore_mem>>)
      %slice3A_2573 = vector.extract_strided_slice %scan3A_2109 {offsets = [15], sizes = [1], strides = [1]} : vector<16xi32> to vector<1xi32>
      %squeeze3A_2574 = vector.extract %slice3A_2573[0] : i32 from vector<1xi32>
      %jit3A_2575 = arith.constant 128 : i32
      %div3A_2576 = arith.divsi %squeeze3A_2574, %jit3A_2575 : i32
      %sign3A_2577 = arith.constant 0 : i32
      %sign3A_2578 = arith.cmpi sgt, %squeeze3A_2574, %sign3A_2577 : i32
      %sign3A_2579 = arith.extui %sign3A_2578 : i1 to i32
      %sign3A_2580 = arith.constant 0 : i32
      %sign3A_2581 = arith.cmpi slt, %squeeze3A_2574, %sign3A_2580 : i32
      %sign3A_2582 = arith.extui %sign3A_2581 : i1 to i32
      %sign3A_2583 = arith.subi %sign3A_2579, %sign3A_2582 : i32
      %sign3A_2584 = arith.constant 0 : i32
      %sign3A_2585 = arith.cmpi sgt, %jit3A_2575, %sign3A_2584 : i32
      %sign3A_2586 = arith.extui %sign3A_2585 : i1 to i32
      %sign3A_2587 = arith.constant 0 : i32
      %sign3A_2588 = arith.cmpi slt, %jit3A_2575, %sign3A_2587 : i32
      %sign3A_2589 = arith.extui %sign3A_2588 : i1 to i32
      %sign3A_2590 = arith.subi %sign3A_2586, %sign3A_2589 : i32
      %ne3A_2591 = arith.cmpi ne, %sign3A_2583, %sign3A_2590 : i32
      %rem3A_2592 = arith.remsi %squeeze3A_2574, %jit3A_2575 : i32
      %ne3A_2593 = arith.constant 0 : i32
      %ne3A_2594 = arith.cmpi ne, %rem3A_2592, %ne3A_2593 : i32
      %and3A_2595 = arith.andi %ne3A_2591, %ne3A_2594 : i1
      %sub3A_2596 = arith.constant 1 : i32
      %sub3A_2597 = arith.subi %div3A_2576, %sub3A_2596 : i32
      %select_n3A_2598 = arith.select %and3A_2595, %sub3A_2597, %div3A_2576 : i32
      %mul3A_2599 = arith.constant 128 : i32
      %mul3A_2600 = arith.muli %select_n3A_2598, %mul3A_2599 : i32
      %multiple_of3A_2601 = tpu.assume_multiple %mul3A_2600, 128 : i32
      %slice3A_2602 = vector.extract_strided_slice %scan3A_2110 {offsets = [15], sizes = [1], strides = [1]} : vector<16xi32> to vector<1xi32>
      %squeeze3A_2603 = vector.extract %slice3A_2602[0] : i32 from vector<1xi32>
      %jit3A_2604 = arith.constant 128 : i32
      %div3A_2605 = arith.divsi %squeeze3A_2603, %jit3A_2604 : i32
      %sign3A_2606 = arith.constant 0 : i32
      %sign3A_2607 = arith.cmpi sgt, %squeeze3A_2603, %sign3A_2606 : i32
      %sign3A_2608 = arith.extui %sign3A_2607 : i1 to i32
      %sign3A_2609 = arith.constant 0 : i32
      %sign3A_2610 = arith.cmpi slt, %squeeze3A_2603, %sign3A_2609 : i32
      %sign3A_2611 = arith.extui %sign3A_2610 : i1 to i32
      %sign3A_2612 = arith.subi %sign3A_2608, %sign3A_2611 : i32
      %sign3A_2613 = arith.constant 0 : i32
      %sign3A_2614 = arith.cmpi sgt, %jit3A_2604, %sign3A_2613 : i32
      %sign3A_2615 = arith.extui %sign3A_2614 : i1 to i32
      %sign3A_2616 = arith.constant 0 : i32
      %sign3A_2617 = arith.cmpi slt, %jit3A_2604, %sign3A_2616 : i32
      %sign3A_2618 = arith.extui %sign3A_2617 : i1 to i32
      %sign3A_2619 = arith.subi %sign3A_2615, %sign3A_2618 : i32
      %ne3A_2620 = arith.cmpi ne, %sign3A_2612, %sign3A_2619 : i32
      %rem3A_2621 = arith.remsi %squeeze3A_2603, %jit3A_2604 : i32
      %ne3A_2622 = arith.constant 0 : i32
      %ne3A_2623 = arith.cmpi ne, %rem3A_2621, %ne3A_2622 : i32
      %and3A_2624 = arith.andi %ne3A_2620, %ne3A_2623 : i1
      %sub3A_2625 = arith.constant 1 : i32
      %sub3A_2626 = arith.subi %div3A_2605, %sub3A_2625 : i32
      %select_n3A_2627 = arith.select %and3A_2624, %sub3A_2626, %div3A_2605 : i32
      %mul3A_2628 = arith.constant 128 : i32
      %mul3A_2629 = arith.muli %select_n3A_2627, %mul3A_2628 : i32
      %multiple_of3A_2630 = tpu.assume_multiple %mul3A_2629, 128 : i32
      %dma_start3A_2631 = arith.constant 0 : i32
      %dma_start3A_2632 = tpu.memref_slice %arg4[%dma_start3A_2631, %multiple_of3A_2601] : memref<16x1000000xf32, #tpu.memory_space<hbm>> -> memref<16x128xf32, #tpu.memory_space<hbm>>
      %dma_start3A_2633 = arith.constant 0 : i32
      %dma_start3A_2634 = tpu.memref_slice %arg4[%dma_start3A_2633, %multiple_of3A_2601] : memref<16x1000000xf32, #tpu.memory_space<hbm>> -> memref<16x128xf32, #tpu.memory_space<hbm>>
      tpu.enqueue_dma source(%dma_start3A_2634 : memref<16x128xf32, #tpu.memory_space<hbm>>) target(%arg46 : memref<16x128xf32, #tpu.memory_space<vmem>>) target_semaphore(%arg51 : memref<!tpu.dma_semaphore, #tpu.memory_space<semaphore_mem>>)
      %dma_start3A_2635 = arith.constant 0 : i32
      %dma_start3A_2636 = tpu.memref_slice %arg5[%dma_start3A_2635, %multiple_of3A_2630] : memref<16x1000000xf32, #tpu.memory_space<hbm>> -> memref<16x128xf32, #tpu.memory_space<hbm>>
      %dma_start3A_2637 = arith.constant 0 : i32
      %dma_start3A_2638 = tpu.memref_slice %arg5[%dma_start3A_2637, %multiple_of3A_2630] : memref<16x1000000xf32, #tpu.memory_space<hbm>> -> memref<16x128xf32, #tpu.memory_space<hbm>>
      tpu.enqueue_dma source(%dma_start3A_2638 : memref<16x128xf32, #tpu.memory_space<hbm>>) target(%arg47 : memref<16x128xf32, #tpu.memory_space<vmem>>) target_semaphore(%arg51 : memref<!tpu.dma_semaphore, #tpu.memory_space<semaphore_mem>>)
      %dma_wait3A_2639 = arith.constant 0 : i32
      %dma_wait3A_2640 = arith.constant 0 : i32
      %dma_wait3A_2641 = tpu.memref_slice %arg4[%dma_wait3A_2639, %dma_wait3A_2640] : memref<16x1000000xf32, #tpu.memory_space<hbm>> -> memref<16x128xf32, #tpu.memory_space<hbm>>
      %dma_wait3A_2642 = arith.constant 0 : i32
      %dma_wait3A_2643 = arith.constant 0 : i32
      %dma_wait3A_2644 = tpu.memref_slice %arg4[%dma_wait3A_2642, %dma_wait3A_2643] : memref<16x1000000xf32, #tpu.memory_space<hbm>> -> memref<16x128xf32, #tpu.memory_space<hbm>>
      tpu.wait_dma2 semaphore(%arg50 : memref<!tpu.dma_semaphore, #tpu.memory_space<semaphore_mem>>) src(%dma_wait3A_2644 : memref<16x128xf32, #tpu.memory_space<hbm>>) dst(%arg16 : memref<16x128xf32, #tpu.memory_space<vmem>>)
      %dma_wait3A_2645 = arith.constant 0 : i32
      %dma_wait3A_2646 = arith.constant 0 : i32
      %dma_wait3A_2647 = tpu.memref_slice %arg4[%dma_wait3A_2645, %dma_wait3A_2646] : memref<16x1000000xf32, #tpu.memory_space<hbm>> -> memref<16x128xf32, #tpu.memory_space<hbm>>
      %dma_wait3A_2648 = arith.constant 0 : i32
      %dma_wait3A_2649 = arith.constant 0 : i32
      %dma_wait3A_2650 = tpu.memref_slice %arg4[%dma_wait3A_2648, %dma_wait3A_2649] : memref<16x1000000xf32, #tpu.memory_space<hbm>> -> memref<16x128xf32, #tpu.memory_space<hbm>>
      tpu.wait_dma2 semaphore(%arg50 : memref<!tpu.dma_semaphore, #tpu.memory_space<semaphore_mem>>) src(%dma_wait3A_2650 : memref<16x128xf32, #tpu.memory_space<hbm>>) dst(%arg17 : memref<16x128xf32, #tpu.memory_space<vmem>>)
      %dma_wait3A_2651 = arith.constant 0 : i32
      %dma_wait3A_2652 = arith.constant 0 : i32
      %dma_wait3A_2653 = tpu.memref_slice %arg4[%dma_wait3A_2651, %dma_wait3A_2652] : memref<16x1000000xf32, #tpu.memory_space<hbm>> -> memref<16x128xf32, #tpu.memory_space<hbm>>
      %dma_wait3A_2654 = arith.constant 0 : i32
      %dma_wait3A_2655 = arith.constant 0 : i32
      %dma_wait3A_2656 = tpu.memref_slice %arg4[%dma_wait3A_2654, %dma_wait3A_2655] : memref<16x1000000xf32, #tpu.memory_space<hbm>> -> memref<16x128xf32, #tpu.memory_space<hbm>>
      tpu.wait_dma2 semaphore(%arg50 : memref<!tpu.dma_semaphore, #tpu.memory_space<semaphore_mem>>) src(%dma_wait3A_2656 : memref<16x128xf32, #tpu.memory_space<hbm>>) dst(%arg18 : memref<16x128xf32, #tpu.memory_space<vmem>>)
      %dma_wait3A_2657 = arith.constant 0 : i32
      %dma_wait3A_2658 = arith.constant 0 : i32
      %dma_wait3A_2659 = tpu.memref_slice %arg4[%dma_wait3A_2657, %dma_wait3A_2658] : memref<16x1000000xf32, #tpu.memory_space<hbm>> -> memref<16x128xf32, #tpu.memory_space<hbm>>
      %dma_wait3A_2660 = arith.constant 0 : i32
      %dma_wait3A_2661 = arith.constant 0 : i32
      %dma_wait3A_2662 = tpu.memref_slice %arg4[%dma_wait3A_2660, %dma_wait3A_2661] : memref<16x1000000xf32, #tpu.memory_space<hbm>> -> memref<16x128xf32, #tpu.memory_space<hbm>>
      tpu.wait_dma2 semaphore(%arg50 : memref<!tpu.dma_semaphore, #tpu.memory_space<semaphore_mem>>) src(%dma_wait3A_2662 : memref<16x128xf32, #tpu.memory_space<hbm>>) dst(%arg19 : memref<16x128xf32, #tpu.memory_space<vmem>>)
      %dma_wait3A_2663 = arith.constant 0 : i32
      %dma_wait3A_2664 = arith.constant 0 : i32
      %dma_wait3A_2665 = tpu.memref_slice %arg4[%dma_wait3A_2663, %dma_wait3A_2664] : memref<16x1000000xf32, #tpu.memory_space<hbm>> -> memref<16x128xf32, #tpu.memory_space<hbm>>
      %dma_wait3A_2666 = arith.constant 0 : i32
      %dma_wait3A_2667 = arith.constant 0 : i32
      %dma_wait3A_2668 = tpu.memref_slice %arg4[%dma_wait3A_2666, %dma_wait3A_2667] : memref<16x1000000xf32, #tpu.memory_space<hbm>> -> memref<16x128xf32, #tpu.memory_space<hbm>>
      tpu.wait_dma2 semaphore(%arg50 : memref<!tpu.dma_semaphore, #tpu.memory_space<semaphore_mem>>) src(%dma_wait3A_2668 : memref<16x128xf32, #tpu.memory_space<hbm>>) dst(%arg20 : memref<16x128xf32, #tpu.memory_space<vmem>>)
      %dma_wait3A_2669 = arith.constant 0 : i32
      %dma_wait3A_2670 = arith.constant 0 : i32
      %dma_wait3A_2671 = tpu.memref_slice %arg4[%dma_wait3A_2669, %dma_wait3A_2670] : memref<16x1000000xf32, #tpu.memory_space<hbm>> -> memref<16x128xf32, #tpu.memory_space<hbm>>
      %dma_wait3A_2672 = arith.constant 0 : i32
      %dma_wait3A_2673 = arith.constant 0 : i32
      %dma_wait3A_2674 = tpu.memref_slice %arg4[%dma_wait3A_2672, %dma_wait3A_2673] : memref<16x1000000xf32, #tpu.memory_space<hbm>> -> memref<16x128xf32, #tpu.memory_space<hbm>>
      tpu.wait_dma2 semaphore(%arg50 : memref<!tpu.dma_semaphore, #tpu.memory_space<semaphore_mem>>) src(%dma_wait3A_2674 : memref<16x128xf32, #tpu.memory_space<hbm>>) dst(%arg21 : memref<16x128xf32, #tpu.memory_space<vmem>>)
      %dma_wait3A_2675 = arith.constant 0 : i32
      %dma_wait3A_2676 = arith.constant 0 : i32
      %dma_wait3A_2677 = tpu.memref_slice %arg4[%dma_wait3A_2675, %dma_wait3A_2676] : memref<16x1000000xf32, #tpu.memory_space<hbm>> -> memref<16x128xf32, #tpu.memory_space<hbm>>
      %dma_wait3A_2678 = arith.constant 0 : i32
      %dma_wait3A_2679 = arith.constant 0 : i32
      %dma_wait3A_2680 = tpu.memref_slice %arg4[%dma_wait3A_2678, %dma_wait3A_2679] : memref<16x1000000xf32, #tpu.memory_space<hbm>> -> memref<16x128xf32, #tpu.memory_space<hbm>>
      tpu.wait_dma2 semaphore(%arg50 : memref<!tpu.dma_semaphore, #tpu.memory_space<semaphore_mem>>) src(%dma_wait3A_2680 : memref<16x128xf32, #tpu.memory_space<hbm>>) dst(%arg22 : memref<16x128xf32, #tpu.memory_space<vmem>>)
      %dma_wait3A_2681 = arith.constant 0 : i32
      %dma_wait3A_2682 = arith.constant 0 : i32
      %dma_wait3A_2683 = tpu.memref_slice %arg4[%dma_wait3A_2681, %dma_wait3A_2682] : memref<16x1000000xf32, #tpu.memory_space<hbm>> -> memref<16x128xf32, #tpu.memory_space<hbm>>
      %dma_wait3A_2684 = arith.constant 0 : i32
      %dma_wait3A_2685 = arith.constant 0 : i32
      %dma_wait3A_2686 = tpu.memref_slice %arg4[%dma_wait3A_2684, %dma_wait3A_2685] : memref<16x1000000xf32, #tpu.memory_space<hbm>> -> memref<16x128xf32, #tpu.memory_space<hbm>>
      tpu.wait_dma2 semaphore(%arg50 : memref<!tpu.dma_semaphore, #tpu.memory_space<semaphore_mem>>) src(%dma_wait3A_2686 : memref<16x128xf32, #tpu.memory_space<hbm>>) dst(%arg23 : memref<16x128xf32, #tpu.memory_space<vmem>>)
      %dma_wait3A_2687 = arith.constant 0 : i32
      %dma_wait3A_2688 = arith.constant 0 : i32
      %dma_wait3A_2689 = tpu.memref_slice %arg4[%dma_wait3A_2687, %dma_wait3A_2688] : memref<16x1000000xf32, #tpu.memory_space<hbm>> -> memref<16x128xf32, #tpu.memory_space<hbm>>
      %dma_wait3A_2690 = arith.constant 0 : i32
      %dma_wait3A_2691 = arith.constant 0 : i32
      %dma_wait3A_2692 = tpu.memref_slice %arg4[%dma_wait3A_2690, %dma_wait3A_2691] : memref<16x1000000xf32, #tpu.memory_space<hbm>> -> memref<16x128xf32, #tpu.memory_space<hbm>>
      tpu.wait_dma2 semaphore(%arg50 : memref<!tpu.dma_semaphore, #tpu.memory_space<semaphore_mem>>) src(%dma_wait3A_2692 : memref<16x128xf32, #tpu.memory_space<hbm>>) dst(%arg24 : memref<16x128xf32, #tpu.memory_space<vmem>>)
      %dma_wait3A_2693 = arith.constant 0 : i32
      %dma_wait3A_2694 = arith.constant 0 : i32
      %dma_wait3A_2695 = tpu.memref_slice %arg4[%dma_wait3A_2693, %dma_wait3A_2694] : memref<16x1000000xf32, #tpu.memory_space<hbm>> -> memref<16x128xf32, #tpu.memory_space<hbm>>
      %dma_wait3A_2696 = arith.constant 0 : i32
      %dma_wait3A_2697 = arith.constant 0 : i32
      %dma_wait3A_2698 = tpu.memref_slice %arg4[%dma_wait3A_2696, %dma_wait3A_2697] : memref<16x1000000xf32, #tpu.memory_space<hbm>> -> memref<16x128xf32, #tpu.memory_space<hbm>>
      tpu.wait_dma2 semaphore(%arg50 : memref<!tpu.dma_semaphore, #tpu.memory_space<semaphore_mem>>) src(%dma_wait3A_2698 : memref<16x128xf32, #tpu.memory_space<hbm>>) dst(%arg25 : memref<16x128xf32, #tpu.memory_space<vmem>>)
      %dma_wait3A_2699 = arith.constant 0 : i32
      %dma_wait3A_2700 = arith.constant 0 : i32
      %dma_wait3A_2701 = tpu.memref_slice %arg4[%dma_wait3A_2699, %dma_wait3A_2700] : memref<16x1000000xf32, #tpu.memory_space<hbm>> -> memref<16x128xf32, #tpu.memory_space<hbm>>
      %dma_wait3A_2702 = arith.constant 0 : i32
      %dma_wait3A_2703 = arith.constant 0 : i32
      %dma_wait3A_2704 = tpu.memref_slice %arg4[%dma_wait3A_2702, %dma_wait3A_2703] : memref<16x1000000xf32, #tpu.memory_space<hbm>> -> memref<16x128xf32, #tpu.memory_space<hbm>>
      tpu.wait_dma2 semaphore(%arg50 : memref<!tpu.dma_semaphore, #tpu.memory_space<semaphore_mem>>) src(%dma_wait3A_2704 : memref<16x128xf32, #tpu.memory_space<hbm>>) dst(%arg26 : memref<16x128xf32, #tpu.memory_space<vmem>>)
      %dma_wait3A_2705 = arith.constant 0 : i32
      %dma_wait3A_2706 = arith.constant 0 : i32
      %dma_wait3A_2707 = tpu.memref_slice %arg4[%dma_wait3A_2705, %dma_wait3A_2706] : memref<16x1000000xf32, #tpu.memory_space<hbm>> -> memref<16x128xf32, #tpu.memory_space<hbm>>
      %dma_wait3A_2708 = arith.constant 0 : i32
      %dma_wait3A_2709 = arith.constant 0 : i32
      %dma_wait3A_2710 = tpu.memref_slice %arg4[%dma_wait3A_2708, %dma_wait3A_2709] : memref<16x1000000xf32, #tpu.memory_space<hbm>> -> memref<16x128xf32, #tpu.memory_space<hbm>>
      tpu.wait_dma2 semaphore(%arg50 : memref<!tpu.dma_semaphore, #tpu.memory_space<semaphore_mem>>) src(%dma_wait3A_2710 : memref<16x128xf32, #tpu.memory_space<hbm>>) dst(%arg27 : memref<16x128xf32, #tpu.memory_space<vmem>>)
      %dma_wait3A_2711 = arith.constant 0 : i32
      %dma_wait3A_2712 = arith.constant 0 : i32
      %dma_wait3A_2713 = tpu.memref_slice %arg4[%dma_wait3A_2711, %dma_wait3A_2712] : memref<16x1000000xf32, #tpu.memory_space<hbm>> -> memref<16x128xf32, #tpu.memory_space<hbm>>
      %dma_wait3A_2714 = arith.constant 0 : i32
      %dma_wait3A_2715 = arith.constant 0 : i32
      %dma_wait3A_2716 = tpu.memref_slice %arg4[%dma_wait3A_2714, %dma_wait3A_2715] : memref<16x1000000xf32, #tpu.memory_space<hbm>> -> memref<16x128xf32, #tpu.memory_space<hbm>>
      tpu.wait_dma2 semaphore(%arg50 : memref<!tpu.dma_semaphore, #tpu.memory_space<semaphore_mem>>) src(%dma_wait3A_2716 : memref<16x128xf32, #tpu.memory_space<hbm>>) dst(%arg28 : memref<16x128xf32, #tpu.memory_space<vmem>>)
      %dma_wait3A_2717 = arith.constant 0 : i32
      %dma_wait3A_2718 = arith.constant 0 : i32
      %dma_wait3A_2719 = tpu.memref_slice %arg4[%dma_wait3A_2717, %dma_wait3A_2718] : memref<16x1000000xf32, #tpu.memory_space<hbm>> -> memref<16x128xf32, #tpu.memory_space<hbm>>
      %dma_wait3A_2720 = arith.constant 0 : i32
      %dma_wait3A_2721 = arith.constant 0 : i32
      %dma_wait3A_2722 = tpu.memref_slice %arg4[%dma_wait3A_2720, %dma_wait3A_2721] : memref<16x1000000xf32, #tpu.memory_space<hbm>> -> memref<16x128xf32, #tpu.memory_space<hbm>>
      tpu.wait_dma2 semaphore(%arg50 : memref<!tpu.dma_semaphore, #tpu.memory_space<semaphore_mem>>) src(%dma_wait3A_2722 : memref<16x128xf32, #tpu.memory_space<hbm>>) dst(%arg29 : memref<16x128xf32, #tpu.memory_space<vmem>>)
      %dma_wait3A_2723 = arith.constant 0 : i32
      %dma_wait3A_2724 = arith.constant 0 : i32
      %dma_wait3A_2725 = tpu.memref_slice %arg4[%dma_wait3A_2723, %dma_wait3A_2724] : memref<16x1000000xf32, #tpu.memory_space<hbm>> -> memref<16x128xf32, #tpu.memory_space<hbm>>
      %dma_wait3A_2726 = arith.constant 0 : i32
      %dma_wait3A_2727 = arith.constant 0 : i32
      %dma_wait3A_2728 = tpu.memref_slice %arg4[%dma_wait3A_2726, %dma_wait3A_2727] : memref<16x1000000xf32, #tpu.memory_space<hbm>> -> memref<16x128xf32, #tpu.memory_space<hbm>>
      tpu.wait_dma2 semaphore(%arg50 : memref<!tpu.dma_semaphore, #tpu.memory_space<semaphore_mem>>) src(%dma_wait3A_2728 : memref<16x128xf32, #tpu.memory_space<hbm>>) dst(%arg30 : memref<16x128xf32, #tpu.memory_space<vmem>>)
      %dma_wait3A_2729 = arith.constant 0 : i32
      %dma_wait3A_2730 = arith.constant 0 : i32
      %dma_wait3A_2731 = tpu.memref_slice %arg4[%dma_wait3A_2729, %dma_wait3A_2730] : memref<16x1000000xf32, #tpu.memory_space<hbm>> -> memref<16x128xf32, #tpu.memory_space<hbm>>
      %dma_wait3A_2732 = arith.constant 0 : i32
      %dma_wait3A_2733 = arith.constant 0 : i32
      %dma_wait3A_2734 = tpu.memref_slice %arg4[%dma_wait3A_2732, %dma_wait3A_2733] : memref<16x1000000xf32, #tpu.memory_space<hbm>> -> memref<16x128xf32, #tpu.memory_space<hbm>>
      tpu.wait_dma2 semaphore(%arg50 : memref<!tpu.dma_semaphore, #tpu.memory_space<semaphore_mem>>) src(%dma_wait3A_2734 : memref<16x128xf32, #tpu.memory_space<hbm>>) dst(%arg31 : memref<16x128xf32, #tpu.memory_space<vmem>>)
      %slice3A_2735 = vector.extract_strided_slice %scan3A_2109 {offsets = [0], sizes = [1], strides = [1]} : vector<16xi32> to vector<1xi32>
      %squeeze3A_2736 = vector.extract %slice3A_2735[0] : i32 from vector<1xi32>
      %jit3A_2737 = arith.constant 128 : i32
      %eq3A_2738 = arith.constant 0 : i32
      %eq3A_2739 = arith.cmpi eq, %jit3A_2737, %eq3A_2738 : i32
      %jit3A_2740 = arith.constant 1 : i32
      %select_n3A_2741 = arith.select %eq3A_2739, %jit3A_2740, %jit3A_2737 : i32
      %rem3A_2742 = arith.remsi %squeeze3A_2736, %select_n3A_2741 : i32
      %ne3A_2743 = arith.constant 0 : i32
      %ne3A_2744 = arith.cmpi ne, %rem3A_2742, %ne3A_2743 : i32
      %lt3A_2745 = arith.constant 0 : i32
      %lt3A_2746 = arith.cmpi slt, %rem3A_2742, %lt3A_2745 : i32
      %lt3A_2747 = arith.constant 0 : i32
      %lt3A_2748 = arith.cmpi slt, %select_n3A_2741, %lt3A_2747 : i32
      %ne3A_2749 = arith.xori %lt3A_2746, %lt3A_2748 : i1
      %and3A_2750 = arith.andi %ne3A_2749, %ne3A_2744 : i1
      %add3A_2751 = arith.addi %rem3A_2742, %select_n3A_2741 : i32
      %select_n3A_2752 = arith.select %and3A_2750, %add3A_2751, %rem3A_2742 : i32
      %broadcast_in_dim3A_2753 = vector.broadcast %select_n3A_2752 : i32 to vector<16xi32>
      %slice3A_2754 = vector.extract_strided_slice %scan3A_2110 {offsets = [0], sizes = [1], strides = [1]} : vector<16xi32> to vector<1xi32>
      %squeeze3A_2755 = vector.extract %slice3A_2754[0] : i32 from vector<1xi32>
      %jit3A_2756 = arith.constant 128 : i32
      %eq3A_2757 = arith.constant 0 : i32
      %eq3A_2758 = arith.cmpi eq, %jit3A_2756, %eq3A_2757 : i32
      %jit3A_2759 = arith.constant 1 : i32
      %select_n3A_2760 = arith.select %eq3A_2758, %jit3A_2759, %jit3A_2756 : i32
      %rem3A_2761 = arith.remsi %squeeze3A_2755, %select_n3A_2760 : i32
      %ne3A_2762 = arith.constant 0 : i32
      %ne3A_2763 = arith.cmpi ne, %rem3A_2761, %ne3A_2762 : i32
      %lt3A_2764 = arith.constant 0 : i32
      %lt3A_2765 = arith.cmpi slt, %rem3A_2761, %lt3A_2764 : i32
      %lt3A_2766 = arith.constant 0 : i32
      %lt3A_2767 = arith.cmpi slt, %select_n3A_2760, %lt3A_2766 : i32
      %ne3A_2768 = arith.xori %lt3A_2765, %lt3A_2767 : i1
      %and3A_2769 = arith.andi %ne3A_2768, %ne3A_2763 : i1
      %add3A_2770 = arith.addi %rem3A_2761, %select_n3A_2760 : i32
      %select_n3A_2771 = arith.select %and3A_2769, %add3A_2770, %rem3A_2761 : i32
      %broadcast_in_dim3A_2772 = vector.broadcast %select_n3A_2771 : i32 to vector<16xi32>
      %gather3A_2773 = tpu.vector_load_idx %arg16[%iota3A, %broadcast_in_dim3A_2753] : memref<16x128xf32, #tpu.memory_space<vmem>>[vector<16xi32>, vector<16xi32>], vector<16xf32>,
      %gather3A_2774 = tpu.vector_load_idx %arg17[%iota3A, %broadcast_in_dim3A_2772] : memref<16x128xf32, #tpu.memory_space<vmem>>[vector<16xi32>, vector<16xi32>], vector<16xf32>,
      %mul3A_2775 = arith.constant 16 : i32
      %mul3A_2776 = arith.muli %scan3A_2108, %mul3A_2775 : i32
      %add3A_2777 = arith.constant 0 : i32
      %add3A_2778 = arith.addi %mul3A_2776, %add3A_2777 : i32
      %mul3A_2779 = arith.constant 16 : i32
      %mul3A_2780 = arith.muli %add3A_2778, %mul3A_2779 : i32
      %swap3A_2781 = arith.index_cast %mul3A_2780 : i32 to index
      %swap3A_2782 = tpu.vector_load %arg48[%swap3A_2781] {strides = array<i32>} : memref<8192xf32, #tpu.memory_space<vmem>>, vector<16xf32>,
      tpu.vector_store %arg48[%swap3A_2781], %gather3A_2773 {strides = array<i32>} : memref<8192xf32, #tpu.memory_space<vmem>>, vector<16xf32>,
      %mul3A_2783 = arith.constant 16 : i32
      %mul3A_2784 = arith.muli %scan3A_2108, %mul3A_2783 : i32
      %add3A_2785 = arith.constant 0 : i32
      %add3A_2786 = arith.addi %mul3A_2784, %add3A_2785 : i32
      %mul3A_2787 = arith.constant 16 : i32
      %mul3A_2788 = arith.muli %add3A_2786, %mul3A_2787 : i32
      %swap3A_2789 = arith.index_cast %mul3A_2788 : i32 to index
      %swap3A_2790 = tpu.vector_load %arg49[%swap3A_2789] {strides = array<i32>} : memref<8192xf32, #tpu.memory_space<vmem>>, vector<16xf32>,
      tpu.vector_store %arg49[%swap3A_2789], %gather3A_2774 {strides = array<i32>} : memref<8192xf32, #tpu.memory_space<vmem>>, vector<16xf32>,
      %slice3A_2791 = vector.extract_strided_slice %scan3A_2109 {offsets = [1], sizes = [1], strides = [1]} : vector<16xi32> to vector<1xi32>
      %squeeze3A_2792 = vector.extract %slice3A_2791[0] : i32 from vector<1xi32>
      %jit3A_2793 = arith.constant 128 : i32
      %eq3A_2794 = arith.constant 0 : i32
      %eq3A_2795 = arith.cmpi eq, %jit3A_2793, %eq3A_2794 : i32
      %jit3A_2796 = arith.constant 1 : i32
      %select_n3A_2797 = arith.select %eq3A_2795, %jit3A_2796, %jit3A_2793 : i32
      %rem3A_2798 = arith.remsi %squeeze3A_2792, %select_n3A_2797 : i32
      %ne3A_2799 = arith.constant 0 : i32
      %ne3A_2800 = arith.cmpi ne, %rem3A_2798, %ne3A_2799 : i32
      %lt3A_2801 = arith.constant 0 : i32
      %lt3A_2802 = arith.cmpi slt, %rem3A_2798, %lt3A_2801 : i32
      %lt3A_2803 = arith.constant 0 : i32
      %lt3A_2804 = arith.cmpi slt, %select_n3A_2797, %lt3A_2803 : i32
      %ne3A_2805 = arith.xori %lt3A_2802, %lt3A_2804 : i1
      %and3A_2806 = arith.andi %ne3A_2805, %ne3A_2800 : i1
      %add3A_2807 = arith.addi %rem3A_2798, %select_n3A_2797 : i32
      %select_n3A_2808 = arith.select %and3A_2806, %add3A_2807, %rem3A_2798 : i32
      %broadcast_in_dim3A_2809 = vector.broadcast %select_n3A_2808 : i32 to vector<16xi32>
      %slice3A_2810 = vector.extract_strided_slice %scan3A_2110 {offsets = [1], sizes = [1], strides = [1]} : vector<16xi32> to vector<1xi32>
      %squeeze3A_2811 = vector.extract %slice3A_2810[0] : i32 from vector<1xi32>
      %jit3A_2812 = arith.constant 128 : i32
      %eq3A_2813 = arith.constant 0 : i32
      %eq3A_2814 = arith.cmpi eq, %jit3A_2812, %eq3A_2813 : i32
      %jit3A_2815 = arith.constant 1 : i32
      %select_n3A_2816 = arith.select %eq3A_2814, %jit3A_2815, %jit3A_2812 : i32
      %rem3A_2817 = arith.remsi %squeeze3A_2811, %select_n3A_2816 : i32
      %ne3A_2818 = arith.constant 0 : i32
      %ne3A_2819 = arith.cmpi ne, %rem3A_2817, %ne3A_2818 : i32
      %lt3A_2820 = arith.constant 0 : i32
      %lt3A_2821 = arith.cmpi slt, %rem3A_2817, %lt3A_2820 : i32
      %lt3A_2822 = arith.constant 0 : i32
      %lt3A_2823 = arith.cmpi slt, %select_n3A_2816, %lt3A_2822 : i32
      %ne3A_2824 = arith.xori %lt3A_2821, %lt3A_2823 : i1
      %and3A_2825 = arith.andi %ne3A_2824, %ne3A_2819 : i1
      %add3A_2826 = arith.addi %rem3A_2817, %select_n3A_2816 : i32
      %select_n3A_2827 = arith.select %and3A_2825, %add3A_2826, %rem3A_2817 : i32
      %broadcast_in_dim3A_2828 = vector.broadcast %select_n3A_2827 : i32 to vector<16xi32>
      %gather3A_2829 = tpu.vector_load_idx %arg18[%iota3A, %broadcast_in_dim3A_2809] : memref<16x128xf32, #tpu.memory_space<vmem>>[vector<16xi32>, vector<16xi32>], vector<16xf32>,
      %gather3A_2830 = tpu.vector_load_idx %arg19[%iota3A, %broadcast_in_dim3A_2828] : memref<16x128xf32, #tpu.memory_space<vmem>>[vector<16xi32>, vector<16xi32>], vector<16xf32>,
      %mul3A_2831 = arith.constant 16 : i32
      %mul3A_2832 = arith.muli %scan3A_2108, %mul3A_2831 : i32
      %add3A_2833 = arith.constant 1 : i32
      %add3A_2834 = arith.addi %mul3A_2832, %add3A_2833 : i32
      %mul3A_2835 = arith.constant 16 : i32
      %mul3A_2836 = arith.muli %add3A_2834, %mul3A_2835 : i32
      %swap3A_2837 = arith.index_cast %mul3A_2836 : i32 to index
      %swap3A_2838 = tpu.vector_load %arg48[%swap3A_2837] {strides = array<i32>} : memref<8192xf32, #tpu.memory_space<vmem>>, vector<16xf32>,
      tpu.vector_store %arg48[%swap3A_2837], %gather3A_2829 {strides = array<i32>} : memref<8192xf32, #tpu.memory_space<vmem>>, vector<16xf32>,
      %mul3A_2839 = arith.constant 16 : i32
      %mul3A_2840 = arith.muli %scan3A_2108, %mul3A_2839 : i32
      %add3A_2841 = arith.constant 1 : i32
      %add3A_2842 = arith.addi %mul3A_2840, %add3A_2841 : i32
      %mul3A_2843 = arith.constant 16 : i32
      %mul3A_2844 = arith.muli %add3A_2842, %mul3A_2843 : i32
      %swap3A_2845 = arith.index_cast %mul3A_2844 : i32 to index
      %swap3A_2846 = tpu.vector_load %arg49[%swap3A_2845] {strides = array<i32>} : memref<8192xf32, #tpu.memory_space<vmem>>, vector<16xf32>,
      tpu.vector_store %arg49[%swap3A_2845], %gather3A_2830 {strides = array<i32>} : memref<8192xf32, #tpu.memory_space<vmem>>, vector<16xf32>,
      %slice3A_2847 = vector.extract_strided_slice %scan3A_2109 {offsets = [2], sizes = [1], strides = [1]} : vector<16xi32> to vector<1xi32>
      %squeeze3A_2848 = vector.extract %slice3A_2847[0] : i32 from vector<1xi32>
      %jit3A_2849 = arith.constant 128 : i32
      %eq3A_2850 = arith.constant 0 : i32
      %eq3A_2851 = arith.cmpi eq, %jit3A_2849, %eq3A_2850 : i32
      %jit3A_2852 = arith.constant 1 : i32
      %select_n3A_2853 = arith.select %eq3A_2851, %jit3A_2852, %jit3A_2849 : i32
      %rem3A_2854 = arith.remsi %squeeze3A_2848, %select_n3A_2853 : i32
      %ne3A_2855 = arith.constant 0 : i32
      %ne3A_2856 = arith.cmpi ne, %rem3A_2854, %ne3A_2855 : i32
      %lt3A_2857 = arith.constant 0 : i32
      %lt3A_2858 = arith.cmpi slt, %rem3A_2854, %lt3A_2857 : i32
      %lt3A_2859 = arith.constant 0 : i32
      %lt3A_2860 = arith.cmpi slt, %select_n3A_2853, %lt3A_2859 : i32
      %ne3A_2861 = arith.xori %lt3A_2858, %lt3A_2860 : i1
      %and3A_2862 = arith.andi %ne3A_2861, %ne3A_2856 : i1
      %add3A_2863 = arith.addi %rem3A_2854, %select_n3A_2853 : i32
      %select_n3A_2864 = arith.select %and3A_2862, %add3A_2863, %rem3A_2854 : i32
      %broadcast_in_dim3A_2865 = vector.broadcast %select_n3A_2864 : i32 to vector<16xi32>
      %slice3A_2866 = vector.extract_strided_slice %scan3A_2110 {offsets = [2], sizes = [1], strides = [1]} : vector<16xi32> to vector<1xi32>
      %squeeze3A_2867 = vector.extract %slice3A_2866[0] : i32 from vector<1xi32>
      %jit3A_2868 = arith.constant 128 : i32
      %eq3A_2869 = arith.constant 0 : i32
      %eq3A_2870 = arith.cmpi eq, %jit3A_2868, %eq3A_2869 : i32
      %jit3A_2871 = arith.constant 1 : i32
      %select_n3A_2872 = arith.select %eq3A_2870, %jit3A_2871, %jit3A_2868 : i32
      %rem3A_2873 = arith.remsi %squeeze3A_2867, %select_n3A_2872 : i32
      %ne3A_2874 = arith.constant 0 : i32
      %ne3A_2875 = arith.cmpi ne, %rem3A_2873, %ne3A_2874 : i32
      %lt3A_2876 = arith.constant 0 : i32
      %lt3A_2877 = arith.cmpi slt, %rem3A_2873, %lt3A_2876 : i32
      %lt3A_2878 = arith.constant 0 : i32
      %lt3A_2879 = arith.cmpi slt, %select_n3A_2872, %lt3A_2878 : i32
      %ne3A_2880 = arith.xori %lt3A_2877, %lt3A_2879 : i1
      %and3A_2881 = arith.andi %ne3A_2880, %ne3A_2875 : i1
      %add3A_2882 = arith.addi %rem3A_2873, %select_n3A_2872 : i32
      %select_n3A_2883 = arith.select %and3A_2881, %add3A_2882, %rem3A_2873 : i32
      %broadcast_in_dim3A_2884 = vector.broadcast %select_n3A_2883 : i32 to vector<16xi32>
      %gather3A_2885 = tpu.vector_load_idx %arg20[%iota3A, %broadcast_in_dim3A_2865] : memref<16x128xf32, #tpu.memory_space<vmem>>[vector<16xi32>, vector<16xi32>], vector<16xf32>,
      %gather3A_2886 = tpu.vector_load_idx %arg21[%iota3A, %broadcast_in_dim3A_2884] : memref<16x128xf32, #tpu.memory_space<vmem>>[vector<16xi32>, vector<16xi32>], vector<16xf32>,
      %mul3A_2887 = arith.constant 16 : i32
      %mul3A_2888 = arith.muli %scan3A_2108, %mul3A_2887 : i32
      %add3A_2889 = arith.constant 2 : i32
      %add3A_2890 = arith.addi %mul3A_2888, %add3A_2889 : i32
      %mul3A_2891 = arith.constant 16 : i32
      %mul3A_2892 = arith.muli %add3A_2890, %mul3A_2891 : i32
      %swap3A_2893 = arith.index_cast %mul3A_2892 : i32 to index
      %swap3A_2894 = tpu.vector_load %arg48[%swap3A_2893] {strides = array<i32>} : memref<8192xf32, #tpu.memory_space<vmem>>, vector<16xf32>,
      tpu.vector_store %arg48[%swap3A_2893], %gather3A_2885 {strides = array<i32>} : memref<8192xf32, #tpu.memory_space<vmem>>, vector<16xf32>,
      %mul3A_2895 = arith.constant 16 : i32
      %mul3A_2896 = arith.muli %scan3A_2108, %mul3A_2895 : i32
      %add3A_2897 = arith.constant 2 : i32
      %add3A_2898 = arith.addi %mul3A_2896, %add3A_2897 : i32
      %mul3A_2899 = arith.constant 16 : i32
      %mul3A_2900 = arith.muli %add3A_2898, %mul3A_2899 : i32
      %swap3A_2901 = arith.index_cast %mul3A_2900 : i32 to index
      %swap3A_2902 = tpu.vector_load %arg49[%swap3A_2901] {strides = array<i32>} : memref<8192xf32, #tpu.memory_space<vmem>>, vector<16xf32>,
      tpu.vector_store %arg49[%swap3A_2901], %gather3A_2886 {strides = array<i32>} : memref<8192xf32, #tpu.memory_space<vmem>>, vector<16xf32>,
      %slice3A_2903 = vector.extract_strided_slice %scan3A_2109 {offsets = [3], sizes = [1], strides = [1]} : vector<16xi32> to vector<1xi32>
      %squeeze3A_2904 = vector.extract %slice3A_2903[0] : i32 from vector<1xi32>
      %jit3A_2905 = arith.constant 128 : i32
      %eq3A_2906 = arith.constant 0 : i32
      %eq3A_2907 = arith.cmpi eq, %jit3A_2905, %eq3A_2906 : i32
      %jit3A_2908 = arith.constant 1 : i32
      %select_n3A_2909 = arith.select %eq3A_2907, %jit3A_2908, %jit3A_2905 : i32
      %rem3A_2910 = arith.remsi %squeeze3A_2904, %select_n3A_2909 : i32
      %ne3A_2911 = arith.constant 0 : i32
      %ne3A_2912 = arith.cmpi ne, %rem3A_2910, %ne3A_2911 : i32
      %lt3A_2913 = arith.constant 0 : i32
      %lt3A_2914 = arith.cmpi slt, %rem3A_2910, %lt3A_2913 : i32
      %lt3A_2915 = arith.constant 0 : i32
      %lt3A_2916 = arith.cmpi slt, %select_n3A_2909, %lt3A_2915 : i32
      %ne3A_2917 = arith.xori %lt3A_2914, %lt3A_2916 : i1
      %and3A_2918 = arith.andi %ne3A_2917, %ne3A_2912 : i1
      %add3A_2919 = arith.addi %rem3A_2910, %select_n3A_2909 : i32
      %select_n3A_2920 = arith.select %and3A_2918, %add3A_2919, %rem3A_2910 : i32
      %broadcast_in_dim3A_2921 = vector.broadcast %select_n3A_2920 : i32 to vector<16xi32>
      %slice3A_2922 = vector.extract_strided_slice %scan3A_2110 {offsets = [3], sizes = [1], strides = [1]} : vector<16xi32> to vector<1xi32>
      %squeeze3A_2923 = vector.extract %slice3A_2922[0] : i32 from vector<1xi32>
      %jit3A_2924 = arith.constant 128 : i32
      %eq3A_2925 = arith.constant 0 : i32
      %eq3A_2926 = arith.cmpi eq, %jit3A_2924, %eq3A_2925 : i32
      %jit3A_2927 = arith.constant 1 : i32
      %select_n3A_2928 = arith.select %eq3A_2926, %jit3A_2927, %jit3A_2924 : i32
      %rem3A_2929 = arith.remsi %squeeze3A_2923, %select_n3A_2928 : i32
      %ne3A_2930 = arith.constant 0 : i32
      %ne3A_2931 = arith.cmpi ne, %rem3A_2929, %ne3A_2930 : i32
      %lt3A_2932 = arith.constant 0 : i32
      %lt3A_2933 = arith.cmpi slt, %rem3A_2929, %lt3A_2932 : i32
      %lt3A_2934 = arith.constant 0 : i32
      %lt3A_2935 = arith.cmpi slt, %select_n3A_2928, %lt3A_2934 : i32
      %ne3A_2936 = arith.xori %lt3A_2933, %lt3A_2935 : i1
      %and3A_2937 = arith.andi %ne3A_2936, %ne3A_2931 : i1
      %add3A_2938 = arith.addi %rem3A_2929, %select_n3A_2928 : i32
      %select_n3A_2939 = arith.select %and3A_2937, %add3A_2938, %rem3A_2929 : i32
      %broadcast_in_dim3A_2940 = vector.broadcast %select_n3A_2939 : i32 to vector<16xi32>
      %gather3A_2941 = tpu.vector_load_idx %arg22[%iota3A, %broadcast_in_dim3A_2921] : memref<16x128xf32, #tpu.memory_space<vmem>>[vector<16xi32>, vector<16xi32>], vector<16xf32>,
      %gather3A_2942 = tpu.vector_load_idx %arg23[%iota3A, %broadcast_in_dim3A_2940] : memref<16x128xf32, #tpu.memory_space<vmem>>[vector<16xi32>, vector<16xi32>], vector<16xf32>,
      %mul3A_2943 = arith.constant 16 : i32
      %mul3A_2944 = arith.muli %scan3A_2108, %mul3A_2943 : i32
      %add3A_2945 = arith.constant 3 : i32
      %add3A_2946 = arith.addi %mul3A_2944, %add3A_2945 : i32
      %mul3A_2947 = arith.constant 16 : i32
      %mul3A_2948 = arith.muli %add3A_2946, %mul3A_2947 : i32
      %swap3A_2949 = arith.index_cast %mul3A_2948 : i32 to index
      %swap3A_2950 = tpu.vector_load %arg48[%swap3A_2949] {strides = array<i32>} : memref<8192xf32, #tpu.memory_space<vmem>>, vector<16xf32>,
      tpu.vector_store %arg48[%swap3A_2949], %gather3A_2941 {strides = array<i32>} : memref<8192xf32, #tpu.memory_space<vmem>>, vector<16xf32>,
      %mul3A_2951 = arith.constant 16 : i32
      %mul3A_2952 = arith.muli %scan3A_2108, %mul3A_2951 : i32
      %add3A_2953 = arith.constant 3 : i32
      %add3A_2954 = arith.addi %mul3A_2952, %add3A_2953 : i32
      %mul3A_2955 = arith.constant 16 : i32
      %mul3A_2956 = arith.muli %add3A_2954, %mul3A_2955 : i32
      %swap3A_2957 = arith.index_cast %mul3A_2956 : i32 to index
      %swap3A_2958 = tpu.vector_load %arg49[%swap3A_2957] {strides = array<i32>} : memref<8192xf32, #tpu.memory_space<vmem>>, vector<16xf32>,
      tpu.vector_store %arg49[%swap3A_2957], %gather3A_2942 {strides = array<i32>} : memref<8192xf32, #tpu.memory_space<vmem>>, vector<16xf32>,
      %slice3A_2959 = vector.extract_strided_slice %scan3A_2109 {offsets = [4], sizes = [1], strides = [1]} : vector<16xi32> to vector<1xi32>
      %squeeze3A_2960 = vector.extract %slice3A_2959[0] : i32 from vector<1xi32>
      %jit3A_2961 = arith.constant 128 : i32
      %eq3A_2962 = arith.constant 0 : i32
      %eq3A_2963 = arith.cmpi eq, %jit3A_2961, %eq3A_2962 : i32
      %jit3A_2964 = arith.constant 1 : i32
      %select_n3A_2965 = arith.select %eq3A_2963, %jit3A_2964, %jit3A_2961 : i32
      %rem3A_2966 = arith.remsi %squeeze3A_2960, %select_n3A_2965 : i32
      %ne3A_2967 = arith.constant 0 : i32
      %ne3A_2968 = arith.cmpi ne, %rem3A_2966, %ne3A_2967 : i32
      %lt3A_2969 = arith.constant 0 : i32
      %lt3A_2970 = arith.cmpi slt, %rem3A_2966, %lt3A_2969 : i32
      %lt3A_2971 = arith.constant 0 : i32
      %lt3A_2972 = arith.cmpi slt, %select_n3A_2965, %lt3A_2971 : i32
      %ne3A_2973 = arith.xori %lt3A_2970, %lt3A_2972 : i1
      %and3A_2974 = arith.andi %ne3A_2973, %ne3A_2968 : i1
      %add3A_2975 = arith.addi %rem3A_2966, %select_n3A_2965 : i32
      %select_n3A_2976 = arith.select %and3A_2974, %add3A_2975, %rem3A_2966 : i32
      %broadcast_in_dim3A_2977 = vector.broadcast %select_n3A_2976 : i32 to vector<16xi32>
      %slice3A_2978 = vector.extract_strided_slice %scan3A_2110 {offsets = [4], sizes = [1], strides = [1]} : vector<16xi32> to vector<1xi32>
      %squeeze3A_2979 = vector.extract %slice3A_2978[0] : i32 from vector<1xi32>
      %jit3A_2980 = arith.constant 128 : i32
      %eq3A_2981 = arith.constant 0 : i32
      %eq3A_2982 = arith.cmpi eq, %jit3A_2980, %eq3A_2981 : i32
      %jit3A_2983 = arith.constant 1 : i32
      %select_n3A_2984 = arith.select %eq3A_2982, %jit3A_2983, %jit3A_2980 : i32
      %rem3A_2985 = arith.remsi %squeeze3A_2979, %select_n3A_2984 : i32
      %ne3A_2986 = arith.constant 0 : i32
      %ne3A_2987 = arith.cmpi ne, %rem3A_2985, %ne3A_2986 : i32
      %lt3A_2988 = arith.constant 0 : i32
      %lt3A_2989 = arith.cmpi slt, %rem3A_2985, %lt3A_2988 : i32
      %lt3A_2990 = arith.constant 0 : i32
      %lt3A_2991 = arith.cmpi slt, %select_n3A_2984, %lt3A_2990 : i32
      %ne3A_2992 = arith.xori %lt3A_2989, %lt3A_2991 : i1
      %and3A_2993 = arith.andi %ne3A_2992, %ne3A_2987 : i1
      %add3A_2994 = arith.addi %rem3A_2985, %select_n3A_2984 : i32
      %select_n3A_2995 = arith.select %and3A_2993, %add3A_2994, %rem3A_2985 : i32
      %broadcast_in_dim3A_2996 = vector.broadcast %select_n3A_2995 : i32 to vector<16xi32>
      %gather3A_2997 = tpu.vector_load_idx %arg24[%iota3A, %broadcast_in_dim3A_2977] : memref<16x128xf32, #tpu.memory_space<vmem>>[vector<16xi32>, vector<16xi32>], vector<16xf32>,
      %gather3A_2998 = tpu.vector_load_idx %arg25[%iota3A, %broadcast_in_dim3A_2996] : memref<16x128xf32, #tpu.memory_space<vmem>>[vector<16xi32>, vector<16xi32>], vector<16xf32>,
      %mul3A_2999 = arith.constant 16 : i32
      %mul3A_3000 = arith.muli %scan3A_2108, %mul3A_2999 : i32
      %add3A_3001 = arith.constant 4 : i32
      %add3A_3002 = arith.addi %mul3A_3000, %add3A_3001 : i32
      %mul3A_3003 = arith.constant 16 : i32
      %mul3A_3004 = arith.muli %add3A_3002, %mul3A_3003 : i32
      %swap3A_3005 = arith.index_cast %mul3A_3004 : i32 to index
      %swap3A_3006 = tpu.vector_load %arg48[%swap3A_3005] {strides = array<i32>} : memref<8192xf32, #tpu.memory_space<vmem>>, vector<16xf32>,
      tpu.vector_store %arg48[%swap3A_3005], %gather3A_2997 {strides = array<i32>} : memref<8192xf32, #tpu.memory_space<vmem>>, vector<16xf32>,
      %mul3A_3007 = arith.constant 16 : i32
      %mul3A_3008 = arith.muli %scan3A_2108, %mul3A_3007 : i32
      %add3A_3009 = arith.constant 4 : i32
      %add3A_3010 = arith.addi %mul3A_3008, %add3A_3009 : i32
      %mul3A_3011 = arith.constant 16 : i32
      %mul3A_3012 = arith.muli %add3A_3010, %mul3A_3011 : i32
      %swap3A_3013 = arith.index_cast %mul3A_3012 : i32 to index
      %swap3A_3014 = tpu.vector_load %arg49[%swap3A_3013] {strides = array<i32>} : memref<8192xf32, #tpu.memory_space<vmem>>, vector<16xf32>,
      tpu.vector_store %arg49[%swap3A_3013], %gather3A_2998 {strides = array<i32>} : memref<8192xf32, #tpu.memory_space<vmem>>, vector<16xf32>,
      %slice3A_3015 = vector.extract_strided_slice %scan3A_2109 {offsets = [5], sizes = [1], strides = [1]} : vector<16xi32> to vector<1xi32>
      %squeeze3A_3016 = vector.extract %slice3A_3015[0] : i32 from vector<1xi32>
      %jit3A_3017 = arith.constant 128 : i32
      %eq3A_3018 = arith.constant 0 : i32
      %eq3A_3019 = arith.cmpi eq, %jit3A_3017, %eq3A_3018 : i32
      %jit3A_3020 = arith.constant 1 : i32
      %select_n3A_3021 = arith.select %eq3A_3019, %jit3A_3020, %jit3A_3017 : i32
      %rem3A_3022 = arith.remsi %squeeze3A_3016, %select_n3A_3021 : i32
      %ne3A_3023 = arith.constant 0 : i32
      %ne3A_3024 = arith.cmpi ne, %rem3A_3022, %ne3A_3023 : i32
      %lt3A_3025 = arith.constant 0 : i32
      %lt3A_3026 = arith.cmpi slt, %rem3A_3022, %lt3A_3025 : i32
      %lt3A_3027 = arith.constant 0 : i32
      %lt3A_3028 = arith.cmpi slt, %select_n3A_3021, %lt3A_3027 : i32
      %ne3A_3029 = arith.xori %lt3A_3026, %lt3A_3028 : i1
      %and3A_3030 = arith.andi %ne3A_3029, %ne3A_3024 : i1
      %add3A_3031 = arith.addi %rem3A_3022, %select_n3A_3021 : i32
      %select_n3A_3032 = arith.select %and3A_3030, %add3A_3031, %rem3A_3022 : i32
      %broadcast_in_dim3A_3033 = vector.broadcast %select_n3A_3032 : i32 to vector<16xi32>
      %slice3A_3034 = vector.extract_strided_slice %scan3A_2110 {offsets = [5], sizes = [1], strides = [1]} : vector<16xi32> to vector<1xi32>
      %squeeze3A_3035 = vector.extract %slice3A_3034[0] : i32 from vector<1xi32>
      %jit3A_3036 = arith.constant 128 : i32
      %eq3A_3037 = arith.constant 0 : i32
      %eq3A_3038 = arith.cmpi eq, %jit3A_3036, %eq3A_3037 : i32
      %jit3A_3039 = arith.constant 1 : i32
      %select_n3A_3040 = arith.select %eq3A_3038, %jit3A_3039, %jit3A_3036 : i32
      %rem3A_3041 = arith.remsi %squeeze3A_3035, %select_n3A_3040 : i32
      %ne3A_3042 = arith.constant 0 : i32
      %ne3A_3043 = arith.cmpi ne, %rem3A_3041, %ne3A_3042 : i32
      %lt3A_3044 = arith.constant 0 : i32
      %lt3A_3045 = arith.cmpi slt, %rem3A_3041, %lt3A_3044 : i32
      %lt3A_3046 = arith.constant 0 : i32
      %lt3A_3047 = arith.cmpi slt, %select_n3A_3040, %lt3A_3046 : i32
      %ne3A_3048 = arith.xori %lt3A_3045, %lt3A_3047 : i1
      %and3A_3049 = arith.andi %ne3A_3048, %ne3A_3043 : i1
      %add3A_3050 = arith.addi %rem3A_3041, %select_n3A_3040 : i32
      %select_n3A_3051 = arith.select %and3A_3049, %add3A_3050, %rem3A_3041 : i32
      %broadcast_in_dim3A_3052 = vector.broadcast %select_n3A_3051 : i32 to vector<16xi32>
      %gather3A_3053 = tpu.vector_load_idx %arg26[%iota3A, %broadcast_in_dim3A_3033] : memref<16x128xf32, #tpu.memory_space<vmem>>[vector<16xi32>, vector<16xi32>], vector<16xf32>,
      %gather3A_3054 = tpu.vector_load_idx %arg27[%iota3A, %broadcast_in_dim3A_3052] : memref<16x128xf32, #tpu.memory_space<vmem>>[vector<16xi32>, vector<16xi32>], vector<16xf32>,
      %mul3A_3055 = arith.constant 16 : i32
      %mul3A_3056 = arith.muli %scan3A_2108, %mul3A_3055 : i32
      %add3A_3057 = arith.constant 5 : i32
      %add3A_3058 = arith.addi %mul3A_3056, %add3A_3057 : i32
      %mul3A_3059 = arith.constant 16 : i32
      %mul3A_3060 = arith.muli %add3A_3058, %mul3A_3059 : i32
      %swap3A_3061 = arith.index_cast %mul3A_3060 : i32 to index
      %swap3A_3062 = tpu.vector_load %arg48[%swap3A_3061] {strides = array<i32>} : memref<8192xf32, #tpu.memory_space<vmem>>, vector<16xf32>,
      tpu.vector_store %arg48[%swap3A_3061], %gather3A_3053 {strides = array<i32>} : memref<8192xf32, #tpu.memory_space<vmem>>, vector<16xf32>,
      %mul3A_3063 = arith.constant 16 : i32
      %mul3A_3064 = arith.muli %scan3A_2108, %mul3A_3063 : i32
      %add3A_3065 = arith.constant 5 : i32
      %add3A_3066 = arith.addi %mul3A_3064, %add3A_3065 : i32
      %mul3A_3067 = arith.constant 16 : i32
      %mul3A_3068 = arith.muli %add3A_3066, %mul3A_3067 : i32
      %swap3A_3069 = arith.index_cast %mul3A_3068 : i32 to index
      %swap3A_3070 = tpu.vector_load %arg49[%swap3A_3069] {strides = array<i32>} : memref<8192xf32, #tpu.memory_space<vmem>>, vector<16xf32>,
      tpu.vector_store %arg49[%swap3A_3069], %gather3A_3054 {strides = array<i32>} : memref<8192xf32, #tpu.memory_space<vmem>>, vector<16xf32>,
      %slice3A_3071 = vector.extract_strided_slice %scan3A_2109 {offsets = [6], sizes = [1], strides = [1]} : vector<16xi32> to vector<1xi32>
      %squeeze3A_3072 = vector.extract %slice3A_3071[0] : i32 from vector<1xi32>
      %jit3A_3073 = arith.constant 128 : i32
      %eq3A_3074 = arith.constant 0 : i32
      %eq3A_3075 = arith.cmpi eq, %jit3A_3073, %eq3A_3074 : i32
      %jit3A_3076 = arith.constant 1 : i32
      %select_n3A_3077 = arith.select %eq3A_3075, %jit3A_3076, %jit3A_3073 : i32
      %rem3A_3078 = arith.remsi %squeeze3A_3072, %select_n3A_3077 : i32
      %ne3A_3079 = arith.constant 0 : i32
      %ne3A_3080 = arith.cmpi ne, %rem3A_3078, %ne3A_3079 : i32
      %lt3A_3081 = arith.constant 0 : i32
      %lt3A_3082 = arith.cmpi slt, %rem3A_3078, %lt3A_3081 : i32
      %lt3A_3083 = arith.constant 0 : i32
      %lt3A_3084 = arith.cmpi slt, %select_n3A_3077, %lt3A_3083 : i32
      %ne3A_3085 = arith.xori %lt3A_3082, %lt3A_3084 : i1
      %and3A_3086 = arith.andi %ne3A_3085, %ne3A_3080 : i1
      %add3A_3087 = arith.addi %rem3A_3078, %select_n3A_3077 : i32
      %select_n3A_3088 = arith.select %and3A_3086, %add3A_3087, %rem3A_3078 : i32
      %broadcast_in_dim3A_3089 = vector.broadcast %select_n3A_3088 : i32 to vector<16xi32>
      %slice3A_3090 = vector.extract_strided_slice %scan3A_2110 {offsets = [6], sizes = [1], strides = [1]} : vector<16xi32> to vector<1xi32>
      %squeeze3A_3091 = vector.extract %slice3A_3090[0] : i32 from vector<1xi32>
      %jit3A_3092 = arith.constant 128 : i32
      %eq3A_3093 = arith.constant 0 : i32
      %eq3A_3094 = arith.cmpi eq, %jit3A_3092, %eq3A_3093 : i32
      %jit3A_3095 = arith.constant 1 : i32
      %select_n3A_3096 = arith.select %eq3A_3094, %jit3A_3095, %jit3A_3092 : i32
      %rem3A_3097 = arith.remsi %squeeze3A_3091, %select_n3A_3096 : i32
      %ne3A_3098 = arith.constant 0 : i32
      %ne3A_3099 = arith.cmpi ne, %rem3A_3097, %ne3A_3098 : i32
      %lt3A_3100 = arith.constant 0 : i32
      %lt3A_3101 = arith.cmpi slt, %rem3A_3097, %lt3A_3100 : i32
      %lt3A_3102 = arith.constant 0 : i32
      %lt3A_3103 = arith.cmpi slt, %select_n3A_3096, %lt3A_3102 : i32
      %ne3A_3104 = arith.xori %lt3A_3101, %lt3A_3103 : i1
      %and3A_3105 = arith.andi %ne3A_3104, %ne3A_3099 : i1
      %add3A_3106 = arith.addi %rem3A_3097, %select_n3A_3096 : i32
      %select_n3A_3107 = arith.select %and3A_3105, %add3A_3106, %rem3A_3097 : i32
      %broadcast_in_dim3A_3108 = vector.broadcast %select_n3A_3107 : i32 to vector<16xi32>
      %gather3A_3109 = tpu.vector_load_idx %arg28[%iota3A, %broadcast_in_dim3A_3089] : memref<16x128xf32, #tpu.memory_space<vmem>>[vector<16xi32>, vector<16xi32>], vector<16xf32>,
      %gather3A_3110 = tpu.vector_load_idx %arg29[%iota3A, %broadcast_in_dim3A_3108] : memref<16x128xf32, #tpu.memory_space<vmem>>[vector<16xi32>, vector<16xi32>], vector<16xf32>,
      %mul3A_3111 = arith.constant 16 : i32
      %mul3A_3112 = arith.muli %scan3A_2108, %mul3A_3111 : i32
      %add3A_3113 = arith.constant 6 : i32
      %add3A_3114 = arith.addi %mul3A_3112, %add3A_3113 : i32
      %mul3A_3115 = arith.constant 16 : i32
      %mul3A_3116 = arith.muli %add3A_3114, %mul3A_3115 : i32
      %swap3A_3117 = arith.index_cast %mul3A_3116 : i32 to index
      %swap3A_3118 = tpu.vector_load %arg48[%swap3A_3117] {strides = array<i32>} : memref<8192xf32, #tpu.memory_space<vmem>>, vector<16xf32>,
      tpu.vector_store %arg48[%swap3A_3117], %gather3A_3109 {strides = array<i32>} : memref<8192xf32, #tpu.memory_space<vmem>>, vector<16xf32>,
      %mul3A_3119 = arith.constant 16 : i32
      %mul3A_3120 = arith.muli %scan3A_2108, %mul3A_3119 : i32
      %add3A_3121 = arith.constant 6 : i32
      %add3A_3122 = arith.addi %mul3A_3120, %add3A_3121 : i32
      %mul3A_3123 = arith.constant 16 : i32
      %mul3A_3124 = arith.muli %add3A_3122, %mul3A_3123 : i32
      %swap3A_3125 = arith.index_cast %mul3A_3124 : i32 to index
      %swap3A_3126 = tpu.vector_load %arg49[%swap3A_3125] {strides = array<i32>} : memref<8192xf32, #tpu.memory_space<vmem>>, vector<16xf32>,
      tpu.vector_store %arg49[%swap3A_3125], %gather3A_3110 {strides = array<i32>} : memref<8192xf32, #tpu.memory_space<vmem>>, vector<16xf32>,
      %slice3A_3127 = vector.extract_strided_slice %scan3A_2109 {offsets = [7], sizes = [1], strides = [1]} : vector<16xi32> to vector<1xi32>
      %squeeze3A_3128 = vector.extract %slice3A_3127[0] : i32 from vector<1xi32>
      %jit3A_3129 = arith.constant 128 : i32
      %eq3A_3130 = arith.constant 0 : i32
      %eq3A_3131 = arith.cmpi eq, %jit3A_3129, %eq3A_3130 : i32
      %jit3A_3132 = arith.constant 1 : i32
      %select_n3A_3133 = arith.select %eq3A_3131, %jit3A_3132, %jit3A_3129 : i32
      %rem3A_3134 = arith.remsi %squeeze3A_3128, %select_n3A_3133 : i32
      %ne3A_3135 = arith.constant 0 : i32
      %ne3A_3136 = arith.cmpi ne, %rem3A_3134, %ne3A_3135 : i32
      %lt3A_3137 = arith.constant 0 : i32
      %lt3A_3138 = arith.cmpi slt, %rem3A_3134, %lt3A_3137 : i32
      %lt3A_3139 = arith.constant 0 : i32
      %lt3A_3140 = arith.cmpi slt, %select_n3A_3133, %lt3A_3139 : i32
      %ne3A_3141 = arith.xori %lt3A_3138, %lt3A_3140 : i1
      %and3A_3142 = arith.andi %ne3A_3141, %ne3A_3136 : i1
      %add3A_3143 = arith.addi %rem3A_3134, %select_n3A_3133 : i32
      %select_n3A_3144 = arith.select %and3A_3142, %add3A_3143, %rem3A_3134 : i32
      %broadcast_in_dim3A_3145 = vector.broadcast %select_n3A_3144 : i32 to vector<16xi32>
      %slice3A_3146 = vector.extract_strided_slice %scan3A_2110 {offsets = [7], sizes = [1], strides = [1]} : vector<16xi32> to vector<1xi32>
      %squeeze3A_3147 = vector.extract %slice3A_3146[0] : i32 from vector<1xi32>
      %jit3A_3148 = arith.constant 128 : i32
      %eq3A_3149 = arith.constant 0 : i32
      %eq3A_3150 = arith.cmpi eq, %jit3A_3148, %eq3A_3149 : i32
      %jit3A_3151 = arith.constant 1 : i32
      %select_n3A_3152 = arith.select %eq3A_3150, %jit3A_3151, %jit3A_3148 : i32
      %rem3A_3153 = arith.remsi %squeeze3A_3147, %select_n3A_3152 : i32
      %ne3A_3154 = arith.constant 0 : i32
      %ne3A_3155 = arith.cmpi ne, %rem3A_3153, %ne3A_3154 : i32
      %lt3A_3156 = arith.constant 0 : i32
      %lt3A_3157 = arith.cmpi slt, %rem3A_3153, %lt3A_3156 : i32
      %lt3A_3158 = arith.constant 0 : i32
      %lt3A_3159 = arith.cmpi slt, %select_n3A_3152, %lt3A_3158 : i32
      %ne3A_3160 = arith.xori %lt3A_3157, %lt3A_3159 : i1
      %and3A_3161 = arith.andi %ne3A_3160, %ne3A_3155 : i1
      %add3A_3162 = arith.addi %rem3A_3153, %select_n3A_3152 : i32
      %select_n3A_3163 = arith.select %and3A_3161, %add3A_3162, %rem3A_3153 : i32
      %broadcast_in_dim3A_3164 = vector.broadcast %select_n3A_3163 : i32 to vector<16xi32>
      %gather3A_3165 = tpu.vector_load_idx %arg30[%iota3A, %broadcast_in_dim3A_3145] : memref<16x128xf32, #tpu.memory_space<vmem>>[vector<16xi32>, vector<16xi32>], vector<16xf32>,
      %gather3A_3166 = tpu.vector_load_idx %arg31[%iota3A, %broadcast_in_dim3A_3164] : memref<16x128xf32, #tpu.memory_space<vmem>>[vector<16xi32>, vector<16xi32>], vector<16xf32>,
      %mul3A_3167 = arith.constant 16 : i32
      %mul3A_3168 = arith.muli %scan3A_2108, %mul3A_3167 : i32
      %add3A_3169 = arith.constant 7 : i32
      %add3A_3170 = arith.addi %mul3A_3168, %add3A_3169 : i32
      %mul3A_3171 = arith.constant 16 : i32
      %mul3A_3172 = arith.muli %add3A_3170, %mul3A_3171 : i32
      %swap3A_3173 = arith.index_cast %mul3A_3172 : i32 to index
      %swap3A_3174 = tpu.vector_load %arg48[%swap3A_3173] {strides = array<i32>} : memref<8192xf32, #tpu.memory_space<vmem>>, vector<16xf32>,
      tpu.vector_store %arg48[%swap3A_3173], %gather3A_3165 {strides = array<i32>} : memref<8192xf32, #tpu.memory_space<vmem>>, vector<16xf32>,
      %mul3A_3175 = arith.constant 16 : i32
      %mul3A_3176 = arith.muli %scan3A_2108, %mul3A_3175 : i32
      %add3A_3177 = arith.constant 7 : i32
      %add3A_3178 = arith.addi %mul3A_3176, %add3A_3177 : i32
      %mul3A_3179 = arith.constant 16 : i32
      %mul3A_3180 = arith.muli %add3A_3178, %mul3A_3179 : i32
      %swap3A_3181 = arith.index_cast %mul3A_3180 : i32 to index
      %swap3A_3182 = tpu.vector_load %arg49[%swap3A_3181] {strides = array<i32>} : memref<8192xf32, #tpu.memory_space<vmem>>, vector<16xf32>,
      tpu.vector_store %arg49[%swap3A_3181], %gather3A_3166 {strides = array<i32>} : memref<8192xf32, #tpu.memory_space<vmem>>, vector<16xf32>,
      %add3A_3183 = arith.constant 1 : i32
      %add3A_3184 = arith.addi %scan3A_2108, %add3A_3183 : i32
      %jit3A_3185 = arith.constant 8 : i32
      %div3A_3186 = arith.divsi %add3A_3184, %jit3A_3185 : i32
      %sign3A_3187 = arith.constant 0 : i32
      %sign3A_3188 = arith.cmpi sgt, %add3A_3184, %sign3A_3187 : i32
      %sign3A_3189 = arith.extui %sign3A_3188 : i1 to i32
      %sign3A_3190 = arith.constant 0 : i32
      %sign3A_3191 = arith.cmpi slt, %add3A_3184, %sign3A_3190 : i32
      %sign3A_3192 = arith.extui %sign3A_3191 : i1 to i32
      %sign3A_3193 = arith.subi %sign3A_3189, %sign3A_3192 : i32
      %sign3A_3194 = arith.constant 0 : i32
      %sign3A_3195 = arith.cmpi sgt, %jit3A_3185, %sign3A_3194 : i32
      %sign3A_3196 = arith.extui %sign3A_3195 : i1 to i32
      %sign3A_3197 = arith.constant 0 : i32
      %sign3A_3198 = arith.cmpi slt, %jit3A_3185, %sign3A_3197 : i32
      %sign3A_3199 = arith.extui %sign3A_3198 : i1 to i32
      %sign3A_3200 = arith.subi %sign3A_3196, %sign3A_3199 : i32
      %ne3A_3201 = arith.cmpi ne, %sign3A_3193, %sign3A_3200 : i32
      %rem3A_3202 = arith.remsi %add3A_3184, %jit3A_3185 : i32
      %ne3A_3203 = arith.constant 0 : i32
      %ne3A_3204 = arith.cmpi ne, %rem3A_3202, %ne3A_3203 : i32
      %and3A_3205 = arith.andi %ne3A_3201, %ne3A_3204 : i1
      %sub3A_3206 = arith.constant 1 : i32
      %sub3A_3207 = arith.subi %div3A_3186, %sub3A_3206 : i32
      %select_n3A_3208 = arith.select %and3A_3205, %sub3A_3207, %div3A_3186 : i32
      %jit3A_3209 = arith.constant 8 : i32
      %eq3A_3210 = arith.constant 0 : i32
      %eq3A_3211 = arith.cmpi eq, %jit3A_3209, %eq3A_3210 : i32
      %jit3A_3212 = arith.constant 1 : i32
      %select_n3A_3213 = arith.select %eq3A_3211, %jit3A_3212, %jit3A_3209 : i32
      %rem3A_3214 = arith.remsi %add3A_3184, %select_n3A_3213 : i32
      %ne3A_3215 = arith.constant 0 : i32
      %ne3A_3216 = arith.cmpi ne, %rem3A_3214, %ne3A_3215 : i32
      %lt3A_3217 = arith.constant 0 : i32
      %lt3A_3218 = arith.cmpi slt, %rem3A_3214, %lt3A_3217 : i32
      %lt3A_3219 = arith.constant 0 : i32
      %lt3A_3220 = arith.cmpi slt, %select_n3A_3213, %lt3A_3219 : i32
      %ne3A_3221 = arith.xori %lt3A_3218, %lt3A_3220 : i1
      %and3A_3222 = arith.andi %ne3A_3221, %ne3A_3216 : i1
      %add3A_3223 = arith.addi %rem3A_3214, %select_n3A_3213 : i32
      %select_n3A_3224 = arith.select %and3A_3222, %add3A_3223, %rem3A_3214 : i32
      %mul3A_3225 = arith.constant 16 : i32
      %mul3A_3226 = arith.muli %select_n3A_3224, %mul3A_3225 : i32
      %get3A_3227 = arith.index_cast %select_n3A_3208 : i32 to index
      %get3A_3228 = arith.index_cast %mul3A_3226 : i32 to index
      %get3A_3229 = tpu.vector_load %arg10[%get3A_3227, %get3A_3228] {strides = array<i32>} : memref<4x128xi32, #tpu.memory_space<vmem>>, vector<16xi32>,
      %get3A_3230 = arith.index_cast %select_n3A_3208 : i32 to index
      %get3A_3231 = arith.index_cast %mul3A_3226 : i32 to index
      %get3A_3232 = tpu.vector_load %arg11[%get3A_3230, %get3A_3231] {strides = array<i32>} : memref<4x128xi32, #tpu.memory_space<vmem>>, vector<16xi32>,
      %slice3A_3233 = vector.extract_strided_slice %get3A_3229 {offsets = [0], sizes = [1], strides = [1]} : vector<16xi32> to vector<1xi32>
      %squeeze3A_3234 = vector.extract %slice3A_3233[0] : i32 from vector<1xi32>
      %jit3A_3235 = arith.constant 128 : i32
      %div3A_3236 = arith.divsi %squeeze3A_3234, %jit3A_3235 : i32
      %sign3A_3237 = arith.constant 0 : i32
      %sign3A_3238 = arith.cmpi sgt, %squeeze3A_3234, %sign3A_3237 : i32
      %sign3A_3239 = arith.extui %sign3A_3238 : i1 to i32
      %sign3A_3240 = arith.constant 0 : i32
      %sign3A_3241 = arith.cmpi slt, %squeeze3A_3234, %sign3A_3240 : i32
      %sign3A_3242 = arith.extui %sign3A_3241 : i1 to i32
      %sign3A_3243 = arith.subi %sign3A_3239, %sign3A_3242 : i32
      %sign3A_3244 = arith.constant 0 : i32
      %sign3A_3245 = arith.cmpi sgt, %jit3A_3235, %sign3A_3244 : i32
      %sign3A_3246 = arith.extui %sign3A_3245 : i1 to i32
      %sign3A_3247 = arith.constant 0 : i32
      %sign3A_3248 = arith.cmpi slt, %jit3A_3235, %sign3A_3247 : i32
      %sign3A_3249 = arith.extui %sign3A_3248 : i1 to i32
      %sign3A_3250 = arith.subi %sign3A_3246, %sign3A_3249 : i32
      %ne3A_3251 = arith.cmpi ne, %sign3A_3243, %sign3A_3250 : i32
      %rem3A_3252 = arith.remsi %squeeze3A_3234, %jit3A_3235 : i32
      %ne3A_3253 = arith.constant 0 : i32
      %ne3A_3254 = arith.cmpi ne, %rem3A_3252, %ne3A_3253 : i32
      %and3A_3255 = arith.andi %ne3A_3251, %ne3A_3254 : i1
      %sub3A_3256 = arith.constant 1 : i32
      %sub3A_3257 = arith.subi %div3A_3236, %sub3A_3256 : i32
      %select_n3A_3258 = arith.select %and3A_3255, %sub3A_3257, %div3A_3236 : i32
      %mul3A_3259 = arith.constant 128 : i32
      %mul3A_3260 = arith.muli %select_n3A_3258, %mul3A_3259 : i32
      %multiple_of3A_3261 = tpu.assume_multiple %mul3A_3260, 128 : i32
      %slice3A_3262 = vector.extract_strided_slice %get3A_3232 {offsets = [0], sizes = [1], strides = [1]} : vector<16xi32> to vector<1xi32>
      %squeeze3A_3263 = vector.extract %slice3A_3262[0] : i32 from vector<1xi32>
      %jit3A_3264 = arith.constant 128 : i32
      %div3A_3265 = arith.divsi %squeeze3A_3263, %jit3A_3264 : i32
      %sign3A_3266 = arith.constant 0 : i32
      %sign3A_3267 = arith.cmpi sgt, %squeeze3A_3263, %sign3A_3266 : i32
      %sign3A_3268 = arith.extui %sign3A_3267 : i1 to i32
      %sign3A_3269 = arith.constant 0 : i32
      %sign3A_3270 = arith.cmpi slt, %squeeze3A_3263, %sign3A_3269 : i32
      %sign3A_3271 = arith.extui %sign3A_3270 : i1 to i32
      %sign3A_3272 = arith.subi %sign3A_3268, %sign3A_3271 : i32
      %sign3A_3273 = arith.constant 0 : i32
      %sign3A_3274 = arith.cmpi sgt, %jit3A_3264, %sign3A_3273 : i32
      %sign3A_3275 = arith.extui %sign3A_3274 : i1 to i32
      %sign3A_3276 = arith.constant 0 : i32
      %sign3A_3277 = arith.cmpi slt, %jit3A_3264, %sign3A_3276 : i32
      %sign3A_3278 = arith.extui %sign3A_3277 : i1 to i32
      %sign3A_3279 = arith.subi %sign3A_3275, %sign3A_3278 : i32
      %ne3A_3280 = arith.cmpi ne, %sign3A_3272, %sign3A_3279 : i32
      %rem3A_3281 = arith.remsi %squeeze3A_3263, %jit3A_3264 : i32
      %ne3A_3282 = arith.constant 0 : i32
      %ne3A_3283 = arith.cmpi ne, %rem3A_3281, %ne3A_3282 : i32
      %and3A_3284 = arith.andi %ne3A_3280, %ne3A_3283 : i1
      %sub3A_3285 = arith.constant 1 : i32
      %sub3A_3286 = arith.subi %div3A_3265, %sub3A_3285 : i32
      %select_n3A_3287 = arith.select %and3A_3284, %sub3A_3286, %div3A_3265 : i32
      %mul3A_3288 = arith.constant 128 : i32
      %mul3A_3289 = arith.muli %select_n3A_3287, %mul3A_3288 : i32
      %multiple_of3A_3290 = tpu.assume_multiple %mul3A_3289, 128 : i32
      %dma_start3A_3291 = arith.constant 0 : i32
      %dma_start3A_3292 = tpu.memref_slice %arg4[%dma_start3A_3291, %multiple_of3A_3261] : memref<16x1000000xf32, #tpu.memory_space<hbm>> -> memref<16x128xf32, #tpu.memory_space<hbm>>
      %dma_start3A_3293 = arith.constant 0 : i32
      %dma_start3A_3294 = tpu.memref_slice %arg4[%dma_start3A_3293, %multiple_of3A_3261] : memref<16x1000000xf32, #tpu.memory_space<hbm>> -> memref<16x128xf32, #tpu.memory_space<hbm>>
      tpu.enqueue_dma source(%dma_start3A_3294 : memref<16x128xf32, #tpu.memory_space<hbm>>) target(%arg16 : memref<16x128xf32, #tpu.memory_space<vmem>>) target_semaphore(%arg50 : memref<!tpu.dma_semaphore, #tpu.memory_space<semaphore_mem>>)
      %dma_start3A_3295 = arith.constant 0 : i32
      %dma_start3A_3296 = tpu.memref_slice %arg5[%dma_start3A_3295, %multiple_of3A_3290] : memref<16x1000000xf32, #tpu.memory_space<hbm>> -> memref<16x128xf32, #tpu.memory_space<hbm>>
      %dma_start3A_3297 = arith.constant 0 : i32
      %dma_start3A_3298 = tpu.memref_slice %arg5[%dma_start3A_3297, %multiple_of3A_3290] : memref<16x1000000xf32, #tpu.memory_space<hbm>> -> memref<16x128xf32, #tpu.memory_space<hbm>>
      tpu.enqueue_dma source(%dma_start3A_3298 : memref<16x128xf32, #tpu.memory_space<hbm>>) target(%arg17 : memref<16x128xf32, #tpu.memory_space<vmem>>) target_semaphore(%arg50 : memref<!tpu.dma_semaphore, #tpu.memory_space<semaphore_mem>>)
      %slice3A_3299 = vector.extract_strided_slice %get3A_3229 {offsets = [1], sizes = [1], strides = [1]} : vector<16xi32> to vector<1xi32>
      %squeeze3A_3300 = vector.extract %slice3A_3299[0] : i32 from vector<1xi32>
      %jit3A_3301 = arith.constant 128 : i32
      %div3A_3302 = arith.divsi %squeeze3A_3300, %jit3A_3301 : i32
      %sign3A_3303 = arith.constant 0 : i32
      %sign3A_3304 = arith.cmpi sgt, %squeeze3A_3300, %sign3A_3303 : i32
      %sign3A_3305 = arith.extui %sign3A_3304 : i1 to i32
      %sign3A_3306 = arith.constant 0 : i32
      %sign3A_3307 = arith.cmpi slt, %squeeze3A_3300, %sign3A_3306 : i32
      %sign3A_3308 = arith.extui %sign3A_3307 : i1 to i32
      %sign3A_3309 = arith.subi %sign3A_3305, %sign3A_3308 : i32
      %sign3A_3310 = arith.constant 0 : i32
      %sign3A_3311 = arith.cmpi sgt, %jit3A_3301, %sign3A_3310 : i32
      %sign3A_3312 = arith.extui %sign3A_3311 : i1 to i32
      %sign3A_3313 = arith.constant 0 : i32
      %sign3A_3314 = arith.cmpi slt, %jit3A_3301, %sign3A_3313 : i32
      %sign3A_3315 = arith.extui %sign3A_3314 : i1 to i32
      %sign3A_3316 = arith.subi %sign3A_3312, %sign3A_3315 : i32
      %ne3A_3317 = arith.cmpi ne, %sign3A_3309, %sign3A_3316 : i32
      %rem3A_3318 = arith.remsi %squeeze3A_3300, %jit3A_3301 : i32
      %ne3A_3319 = arith.constant 0 : i32
      %ne3A_3320 = arith.cmpi ne, %rem3A_3318, %ne3A_3319 : i32
      %and3A_3321 = arith.andi %ne3A_3317, %ne3A_3320 : i1
      %sub3A_3322 = arith.constant 1 : i32
      %sub3A_3323 = arith.subi %div3A_3302, %sub3A_3322 : i32
      %select_n3A_3324 = arith.select %and3A_3321, %sub3A_3323, %div3A_3302 : i32
      %mul3A_3325 = arith.constant 128 : i32
      %mul3A_3326 = arith.muli %select_n3A_3324, %mul3A_3325 : i32
      %multiple_of3A_3327 = tpu.assume_multiple %mul3A_3326, 128 : i32
      %slice3A_3328 = vector.extract_strided_slice %get3A_3232 {offsets = [1], sizes = [1], strides = [1]} : vector<16xi32> to vector<1xi32>
      %squeeze3A_3329 = vector.extract %slice3A_3328[0] : i32 from vector<1xi32>
      %jit3A_3330 = arith.constant 128 : i32
      %div3A_3331 = arith.divsi %squeeze3A_3329, %jit3A_3330 : i32
      %sign3A_3332 = arith.constant 0 : i32
      %sign3A_3333 = arith.cmpi sgt, %squeeze3A_3329, %sign3A_3332 : i32
      %sign3A_3334 = arith.extui %sign3A_3333 : i1 to i32
      %sign3A_3335 = arith.constant 0 : i32
      %sign3A_3336 = arith.cmpi slt, %squeeze3A_3329, %sign3A_3335 : i32
      %sign3A_3337 = arith.extui %sign3A_3336 : i1 to i32
      %sign3A_3338 = arith.subi %sign3A_3334, %sign3A_3337 : i32
      %sign3A_3339 = arith.constant 0 : i32
      %sign3A_3340 = arith.cmpi sgt, %jit3A_3330, %sign3A_3339 : i32
      %sign3A_3341 = arith.extui %sign3A_3340 : i1 to i32
      %sign3A_3342 = arith.constant 0 : i32
      %sign3A_3343 = arith.cmpi slt, %jit3A_3330, %sign3A_3342 : i32
      %sign3A_3344 = arith.extui %sign3A_3343 : i1 to i32
      %sign3A_3345 = arith.subi %sign3A_3341, %sign3A_3344 : i32
      %ne3A_3346 = arith.cmpi ne, %sign3A_3338, %sign3A_3345 : i32
      %rem3A_3347 = arith.remsi %squeeze3A_3329, %jit3A_3330 : i32
      %ne3A_3348 = arith.constant 0 : i32
      %ne3A_3349 = arith.cmpi ne, %rem3A_3347, %ne3A_3348 : i32
      %and3A_3350 = arith.andi %ne3A_3346, %ne3A_3349 : i1
      %sub3A_3351 = arith.constant 1 : i32
      %sub3A_3352 = arith.subi %div3A_3331, %sub3A_3351 : i32
      %select_n3A_3353 = arith.select %and3A_3350, %sub3A_3352, %div3A_3331 : i32
      %mul3A_3354 = arith.constant 128 : i32
      %mul3A_3355 = arith.muli %select_n3A_3353, %mul3A_3354 : i32
      %multiple_of3A_3356 = tpu.assume_multiple %mul3A_3355, 128 : i32
      %dma_start3A_3357 = arith.constant 0 : i32
      %dma_start3A_3358 = tpu.memref_slice %arg4[%dma_start3A_3357, %multiple_of3A_3327] : memref<16x1000000xf32, #tpu.memory_space<hbm>> -> memref<16x128xf32, #tpu.memory_space<hbm>>
      %dma_start3A_3359 = arith.constant 0 : i32
      %dma_start3A_3360 = tpu.memref_slice %arg4[%dma_start3A_3359, %multiple_of3A_3327] : memref<16x1000000xf32, #tpu.memory_space<hbm>> -> memref<16x128xf32, #tpu.memory_space<hbm>>
      tpu.enqueue_dma source(%dma_start3A_3360 : memref<16x128xf32, #tpu.memory_space<hbm>>) target(%arg18 : memref<16x128xf32, #tpu.memory_space<vmem>>) target_semaphore(%arg50 : memref<!tpu.dma_semaphore, #tpu.memory_space<semaphore_mem>>)
      %dma_start3A_3361 = arith.constant 0 : i32
      %dma_start3A_3362 = tpu.memref_slice %arg5[%dma_start3A_3361, %multiple_of3A_3356] : memref<16x1000000xf32, #tpu.memory_space<hbm>> -> memref<16x128xf32, #tpu.memory_space<hbm>>
      %dma_start3A_3363 = arith.constant 0 : i32
      %dma_start3A_3364 = tpu.memref_slice %arg5[%dma_start3A_3363, %multiple_of3A_3356] : memref<16x1000000xf32, #tpu.memory_space<hbm>> -> memref<16x128xf32, #tpu.memory_space<hbm>>
      tpu.enqueue_dma source(%dma_start3A_3364 : memref<16x128xf32, #tpu.memory_space<hbm>>) target(%arg19 : memref<16x128xf32, #tpu.memory_space<vmem>>) target_semaphore(%arg50 : memref<!tpu.dma_semaphore, #tpu.memory_space<semaphore_mem>>)
      %slice3A_3365 = vector.extract_strided_slice %get3A_3229 {offsets = [2], sizes = [1], strides = [1]} : vector<16xi32> to vector<1xi32>
      %squeeze3A_3366 = vector.extract %slice3A_3365[0] : i32 from vector<1xi32>
      %jit3A_3367 = arith.constant 128 : i32
      %div3A_3368 = arith.divsi %squeeze3A_3366, %jit3A_3367 : i32
      %sign3A_3369 = arith.constant 0 : i32
      %sign3A_3370 = arith.cmpi sgt, %squeeze3A_3366, %sign3A_3369 : i32
      %sign3A_3371 = arith.extui %sign3A_3370 : i1 to i32
      %sign3A_3372 = arith.constant 0 : i32
      %sign3A_3373 = arith.cmpi slt, %squeeze3A_3366, %sign3A_3372 : i32
      %sign3A_3374 = arith.extui %sign3A_3373 : i1 to i32
      %sign3A_3375 = arith.subi %sign3A_3371, %sign3A_3374 : i32
      %sign3A_3376 = arith.constant 0 : i32
      %sign3A_3377 = arith.cmpi sgt, %jit3A_3367, %sign3A_3376 : i32
      %sign3A_3378 = arith.extui %sign3A_3377 : i1 to i32
      %sign3A_3379 = arith.constant 0 : i32
      %sign3A_3380 = arith.cmpi slt, %jit3A_3367, %sign3A_3379 : i32
      %sign3A_3381 = arith.extui %sign3A_3380 : i1 to i32
      %sign3A_3382 = arith.subi %sign3A_3378, %sign3A_3381 : i32
      %ne3A_3383 = arith.cmpi ne, %sign3A_3375, %sign3A_3382 : i32
      %rem3A_3384 = arith.remsi %squeeze3A_3366, %jit3A_3367 : i32
      %ne3A_3385 = arith.constant 0 : i32
      %ne3A_3386 = arith.cmpi ne, %rem3A_3384, %ne3A_3385 : i32
      %and3A_3387 = arith.andi %ne3A_3383, %ne3A_3386 : i1
      %sub3A_3388 = arith.constant 1 : i32
      %sub3A_3389 = arith.subi %div3A_3368, %sub3A_3388 : i32
      %select_n3A_3390 = arith.select %and3A_3387, %sub3A_3389, %div3A_3368 : i32
      %mul3A_3391 = arith.constant 128 : i32
      %mul3A_3392 = arith.muli %select_n3A_3390, %mul3A_3391 : i32
      %multiple_of3A_3393 = tpu.assume_multiple %mul3A_3392, 128 : i32
      %slice3A_3394 = vector.extract_strided_slice %get3A_3232 {offsets = [2], sizes = [1], strides = [1]} : vector<16xi32> to vector<1xi32>
      %squeeze3A_3395 = vector.extract %slice3A_3394[0] : i32 from vector<1xi32>
      %jit3A_3396 = arith.constant 128 : i32
      %div3A_3397 = arith.divsi %squeeze3A_3395, %jit3A_3396 : i32
      %sign3A_3398 = arith.constant 0 : i32
      %sign3A_3399 = arith.cmpi sgt, %squeeze3A_3395, %sign3A_3398 : i32
      %sign3A_3400 = arith.extui %sign3A_3399 : i1 to i32
      %sign3A_3401 = arith.constant 0 : i32
      %sign3A_3402 = arith.cmpi slt, %squeeze3A_3395, %sign3A_3401 : i32
      %sign3A_3403 = arith.extui %sign3A_3402 : i1 to i32
      %sign3A_3404 = arith.subi %sign3A_3400, %sign3A_3403 : i32
      %sign3A_3405 = arith.constant 0 : i32
      %sign3A_3406 = arith.cmpi sgt, %jit3A_3396, %sign3A_3405 : i32
      %sign3A_3407 = arith.extui %sign3A_3406 : i1 to i32
      %sign3A_3408 = arith.constant 0 : i32
      %sign3A_3409 = arith.cmpi slt, %jit3A_3396, %sign3A_3408 : i32
      %sign3A_3410 = arith.extui %sign3A_3409 : i1 to i32
      %sign3A_3411 = arith.subi %sign3A_3407, %sign3A_3410 : i32
      %ne3A_3412 = arith.cmpi ne, %sign3A_3404, %sign3A_3411 : i32
      %rem3A_3413 = arith.remsi %squeeze3A_3395, %jit3A_3396 : i32
      %ne3A_3414 = arith.constant 0 : i32
      %ne3A_3415 = arith.cmpi ne, %rem3A_3413, %ne3A_3414 : i32
      %and3A_3416 = arith.andi %ne3A_3412, %ne3A_3415 : i1
      %sub3A_3417 = arith.constant 1 : i32
      %sub3A_3418 = arith.subi %div3A_3397, %sub3A_3417 : i32
      %select_n3A_3419 = arith.select %and3A_3416, %sub3A_3418, %div3A_3397 : i32
      %mul3A_3420 = arith.constant 128 : i32
      %mul3A_3421 = arith.muli %select_n3A_3419, %mul3A_3420 : i32
      %multiple_of3A_3422 = tpu.assume_multiple %mul3A_3421, 128 : i32
      %dma_start3A_3423 = arith.constant 0 : i32
      %dma_start3A_3424 = tpu.memref_slice %arg4[%dma_start3A_3423, %multiple_of3A_3393] : memref<16x1000000xf32, #tpu.memory_space<hbm>> -> memref<16x128xf32, #tpu.memory_space<hbm>>
      %dma_start3A_3425 = arith.constant 0 : i32
      %dma_start3A_3426 = tpu.memref_slice %arg4[%dma_start3A_3425, %multiple_of3A_3393] : memref<16x1000000xf32, #tpu.memory_space<hbm>> -> memref<16x128xf32, #tpu.memory_space<hbm>>
      tpu.enqueue_dma source(%dma_start3A_3426 : memref<16x128xf32, #tpu.memory_space<hbm>>) target(%arg20 : memref<16x128xf32, #tpu.memory_space<vmem>>) target_semaphore(%arg50 : memref<!tpu.dma_semaphore, #tpu.memory_space<semaphore_mem>>)
      %dma_start3A_3427 = arith.constant 0 : i32
      %dma_start3A_3428 = tpu.memref_slice %arg5[%dma_start3A_3427, %multiple_of3A_3422] : memref<16x1000000xf32, #tpu.memory_space<hbm>> -> memref<16x128xf32, #tpu.memory_space<hbm>>
      %dma_start3A_3429 = arith.constant 0 : i32
      %dma_start3A_3430 = tpu.memref_slice %arg5[%dma_start3A_3429, %multiple_of3A_3422] : memref<16x1000000xf32, #tpu.memory_space<hbm>> -> memref<16x128xf32, #tpu.memory_space<hbm>>
      tpu.enqueue_dma source(%dma_start3A_3430 : memref<16x128xf32, #tpu.memory_space<hbm>>) target(%arg21 : memref<16x128xf32, #tpu.memory_space<vmem>>) target_semaphore(%arg50 : memref<!tpu.dma_semaphore, #tpu.memory_space<semaphore_mem>>)
      %slice3A_3431 = vector.extract_strided_slice %get3A_3229 {offsets = [3], sizes = [1], strides = [1]} : vector<16xi32> to vector<1xi32>
      %squeeze3A_3432 = vector.extract %slice3A_3431[0] : i32 from vector<1xi32>
      %jit3A_3433 = arith.constant 128 : i32
      %div3A_3434 = arith.divsi %squeeze3A_3432, %jit3A_3433 : i32
      %sign3A_3435 = arith.constant 0 : i32
      %sign3A_3436 = arith.cmpi sgt, %squeeze3A_3432, %sign3A_3435 : i32
      %sign3A_3437 = arith.extui %sign3A_3436 : i1 to i32
      %sign3A_3438 = arith.constant 0 : i32
      %sign3A_3439 = arith.cmpi slt, %squeeze3A_3432, %sign3A_3438 : i32
      %sign3A_3440 = arith.extui %sign3A_3439 : i1 to i32
      %sign3A_3441 = arith.subi %sign3A_3437, %sign3A_3440 : i32
      %sign3A_3442 = arith.constant 0 : i32
      %sign3A_3443 = arith.cmpi sgt, %jit3A_3433, %sign3A_3442 : i32
      %sign3A_3444 = arith.extui %sign3A_3443 : i1 to i32
      %sign3A_3445 = arith.constant 0 : i32
      %sign3A_3446 = arith.cmpi slt, %jit3A_3433, %sign3A_3445 : i32
      %sign3A_3447 = arith.extui %sign3A_3446 : i1 to i32
      %sign3A_3448 = arith.subi %sign3A_3444, %sign3A_3447 : i32
      %ne3A_3449 = arith.cmpi ne, %sign3A_3441, %sign3A_3448 : i32
      %rem3A_3450 = arith.remsi %squeeze3A_3432, %jit3A_3433 : i32
      %ne3A_3451 = arith.constant 0 : i32
      %ne3A_3452 = arith.cmpi ne, %rem3A_3450, %ne3A_3451 : i32
      %and3A_3453 = arith.andi %ne3A_3449, %ne3A_3452 : i1
      %sub3A_3454 = arith.constant 1 : i32
      %sub3A_3455 = arith.subi %div3A_3434, %sub3A_3454 : i32
      %select_n3A_3456 = arith.select %and3A_3453, %sub3A_3455, %div3A_3434 : i32
      %mul3A_3457 = arith.constant 128 : i32
      %mul3A_3458 = arith.muli %select_n3A_3456, %mul3A_3457 : i32
      %multiple_of3A_3459 = tpu.assume_multiple %mul3A_3458, 128 : i32
      %slice3A_3460 = vector.extract_strided_slice %get3A_3232 {offsets = [3], sizes = [1], strides = [1]} : vector<16xi32> to vector<1xi32>
      %squeeze3A_3461 = vector.extract %slice3A_3460[0] : i32 from vector<1xi32>
      %jit3A_3462 = arith.constant 128 : i32
      %div3A_3463 = arith.divsi %squeeze3A_3461, %jit3A_3462 : i32
      %sign3A_3464 = arith.constant 0 : i32
      %sign3A_3465 = arith.cmpi sgt, %squeeze3A_3461, %sign3A_3464 : i32
      %sign3A_3466 = arith.extui %sign3A_3465 : i1 to i32
      %sign3A_3467 = arith.constant 0 : i32
      %sign3A_3468 = arith.cmpi slt, %squeeze3A_3461, %sign3A_3467 : i32
      %sign3A_3469 = arith.extui %sign3A_3468 : i1 to i32
      %sign3A_3470 = arith.subi %sign3A_3466, %sign3A_3469 : i32
      %sign3A_3471 = arith.constant 0 : i32
      %sign3A_3472 = arith.cmpi sgt, %jit3A_3462, %sign3A_3471 : i32
      %sign3A_3473 = arith.extui %sign3A_3472 : i1 to i32
      %sign3A_3474 = arith.constant 0 : i32
      %sign3A_3475 = arith.cmpi slt, %jit3A_3462, %sign3A_3474 : i32
      %sign3A_3476 = arith.extui %sign3A_3475 : i1 to i32
      %sign3A_3477 = arith.subi %sign3A_3473, %sign3A_3476 : i32
      %ne3A_3478 = arith.cmpi ne, %sign3A_3470, %sign3A_3477 : i32
      %rem3A_3479 = arith.remsi %squeeze3A_3461, %jit3A_3462 : i32
      %ne3A_3480 = arith.constant 0 : i32
      %ne3A_3481 = arith.cmpi ne, %rem3A_3479, %ne3A_3480 : i32
      %and3A_3482 = arith.andi %ne3A_3478, %ne3A_3481 : i1
      %sub3A_3483 = arith.constant 1 : i32
      %sub3A_3484 = arith.subi %div3A_3463, %sub3A_3483 : i32
      %select_n3A_3485 = arith.select %and3A_3482, %sub3A_3484, %div3A_3463 : i32
      %mul3A_3486 = arith.constant 128 : i32
      %mul3A_3487 = arith.muli %select_n3A_3485, %mul3A_3486 : i32
      %multiple_of3A_3488 = tpu.assume_multiple %mul3A_3487, 128 : i32
      %dma_start3A_3489 = arith.constant 0 : i32
      %dma_start3A_3490 = tpu.memref_slice %arg4[%dma_start3A_3489, %multiple_of3A_3459] : memref<16x1000000xf32, #tpu.memory_space<hbm>> -> memref<16x128xf32, #tpu.memory_space<hbm>>
      %dma_start3A_3491 = arith.constant 0 : i32
      %dma_start3A_3492 = tpu.memref_slice %arg4[%dma_start3A_3491, %multiple_of3A_3459] : memref<16x1000000xf32, #tpu.memory_space<hbm>> -> memref<16x128xf32, #tpu.memory_space<hbm>>
      tpu.enqueue_dma source(%dma_start3A_3492 : memref<16x128xf32, #tpu.memory_space<hbm>>) target(%arg22 : memref<16x128xf32, #tpu.memory_space<vmem>>) target_semaphore(%arg50 : memref<!tpu.dma_semaphore, #tpu.memory_space<semaphore_mem>>)
      %dma_start3A_3493 = arith.constant 0 : i32
      %dma_start3A_3494 = tpu.memref_slice %arg5[%dma_start3A_3493, %multiple_of3A_3488] : memref<16x1000000xf32, #tpu.memory_space<hbm>> -> memref<16x128xf32, #tpu.memory_space<hbm>>
      %dma_start3A_3495 = arith.constant 0 : i32
      %dma_start3A_3496 = tpu.memref_slice %arg5[%dma_start3A_3495, %multiple_of3A_3488] : memref<16x1000000xf32, #tpu.memory_space<hbm>> -> memref<16x128xf32, #tpu.memory_space<hbm>>
      tpu.enqueue_dma source(%dma_start3A_3496 : memref<16x128xf32, #tpu.memory_space<hbm>>) target(%arg23 : memref<16x128xf32, #tpu.memory_space<vmem>>) target_semaphore(%arg50 : memref<!tpu.dma_semaphore, #tpu.memory_space<semaphore_mem>>)
      %slice3A_3497 = vector.extract_strided_slice %get3A_3229 {offsets = [4], sizes = [1], strides = [1]} : vector<16xi32> to vector<1xi32>
      %squeeze3A_3498 = vector.extract %slice3A_3497[0] : i32 from vector<1xi32>
      %jit3A_3499 = arith.constant 128 : i32
      %div3A_3500 = arith.divsi %squeeze3A_3498, %jit3A_3499 : i32
      %sign3A_3501 = arith.constant 0 : i32
      %sign3A_3502 = arith.cmpi sgt, %squeeze3A_3498, %sign3A_3501 : i32
      %sign3A_3503 = arith.extui %sign3A_3502 : i1 to i32
      %sign3A_3504 = arith.constant 0 : i32
      %sign3A_3505 = arith.cmpi slt, %squeeze3A_3498, %sign3A_3504 : i32
      %sign3A_3506 = arith.extui %sign3A_3505 : i1 to i32
      %sign3A_3507 = arith.subi %sign3A_3503, %sign3A_3506 : i32
      %sign3A_3508 = arith.constant 0 : i32
      %sign3A_3509 = arith.cmpi sgt, %jit3A_3499, %sign3A_3508 : i32
      %sign3A_3510 = arith.extui %sign3A_3509 : i1 to i32
      %sign3A_3511 = arith.constant 0 : i32
      %sign3A_3512 = arith.cmpi slt, %jit3A_3499, %sign3A_3511 : i32
      %sign3A_3513 = arith.extui %sign3A_3512 : i1 to i32
      %sign3A_3514 = arith.subi %sign3A_3510, %sign3A_3513 : i32
      %ne3A_3515 = arith.cmpi ne, %sign3A_3507, %sign3A_3514 : i32
      %rem3A_3516 = arith.remsi %squeeze3A_3498, %jit3A_3499 : i32
      %ne3A_3517 = arith.constant 0 : i32
      %ne3A_3518 = arith.cmpi ne, %rem3A_3516, %ne3A_3517 : i32
      %and3A_3519 = arith.andi %ne3A_3515, %ne3A_3518 : i1
      %sub3A_3520 = arith.constant 1 : i32
      %sub3A_3521 = arith.subi %div3A_3500, %sub3A_3520 : i32
      %select_n3A_3522 = arith.select %and3A_3519, %sub3A_3521, %div3A_3500 : i32
      %mul3A_3523 = arith.constant 128 : i32
      %mul3A_3524 = arith.muli %select_n3A_3522, %mul3A_3523 : i32
      %multiple_of3A_3525 = tpu.assume_multiple %mul3A_3524, 128 : i32
      %slice3A_3526 = vector.extract_strided_slice %get3A_3232 {offsets = [4], sizes = [1], strides = [1]} : vector<16xi32> to vector<1xi32>
      %squeeze3A_3527 = vector.extract %slice3A_3526[0] : i32 from vector<1xi32>
      %jit3A_3528 = arith.constant 128 : i32
      %div3A_3529 = arith.divsi %squeeze3A_3527, %jit3A_3528 : i32
      %sign3A_3530 = arith.constant 0 : i32
      %sign3A_3531 = arith.cmpi sgt, %squeeze3A_3527, %sign3A_3530 : i32
      %sign3A_3532 = arith.extui %sign3A_3531 : i1 to i32
      %sign3A_3533 = arith.constant 0 : i32
      %sign3A_3534 = arith.cmpi slt, %squeeze3A_3527, %sign3A_3533 : i32
      %sign3A_3535 = arith.extui %sign3A_3534 : i1 to i32
      %sign3A_3536 = arith.subi %sign3A_3532, %sign3A_3535 : i32
      %sign3A_3537 = arith.constant 0 : i32
      %sign3A_3538 = arith.cmpi sgt, %jit3A_3528, %sign3A_3537 : i32
      %sign3A_3539 = arith.extui %sign3A_3538 : i1 to i32
      %sign3A_3540 = arith.constant 0 : i32
      %sign3A_3541 = arith.cmpi slt, %jit3A_3528, %sign3A_3540 : i32
      %sign3A_3542 = arith.extui %sign3A_3541 : i1 to i32
      %sign3A_3543 = arith.subi %sign3A_3539, %sign3A_3542 : i32
      %ne3A_3544 = arith.cmpi ne, %sign3A_3536, %sign3A_3543 : i32
      %rem3A_3545 = arith.remsi %squeeze3A_3527, %jit3A_3528 : i32
      %ne3A_3546 = arith.constant 0 : i32
      %ne3A_3547 = arith.cmpi ne, %rem3A_3545, %ne3A_3546 : i32
      %and3A_3548 = arith.andi %ne3A_3544, %ne3A_3547 : i1
      %sub3A_3549 = arith.constant 1 : i32
      %sub3A_3550 = arith.subi %div3A_3529, %sub3A_3549 : i32
      %select_n3A_3551 = arith.select %and3A_3548, %sub3A_3550, %div3A_3529 : i32
      %mul3A_3552 = arith.constant 128 : i32
      %mul3A_3553 = arith.muli %select_n3A_3551, %mul3A_3552 : i32
      %multiple_of3A_3554 = tpu.assume_multiple %mul3A_3553, 128 : i32
      %dma_start3A_3555 = arith.constant 0 : i32
      %dma_start3A_3556 = tpu.memref_slice %arg4[%dma_start3A_3555, %multiple_of3A_3525] : memref<16x1000000xf32, #tpu.memory_space<hbm>> -> memref<16x128xf32, #tpu.memory_space<hbm>>
      %dma_start3A_3557 = arith.constant 0 : i32
      %dma_start3A_3558 = tpu.memref_slice %arg4[%dma_start3A_3557, %multiple_of3A_3525] : memref<16x1000000xf32, #tpu.memory_space<hbm>> -> memref<16x128xf32, #tpu.memory_space<hbm>>
      tpu.enqueue_dma source(%dma_start3A_3558 : memref<16x128xf32, #tpu.memory_space<hbm>>) target(%arg24 : memref<16x128xf32, #tpu.memory_space<vmem>>) target_semaphore(%arg50 : memref<!tpu.dma_semaphore, #tpu.memory_space<semaphore_mem>>)
      %dma_start3A_3559 = arith.constant 0 : i32
      %dma_start3A_3560 = tpu.memref_slice %arg5[%dma_start3A_3559, %multiple_of3A_3554] : memref<16x1000000xf32, #tpu.memory_space<hbm>> -> memref<16x128xf32, #tpu.memory_space<hbm>>
      %dma_start3A_3561 = arith.constant 0 : i32
      %dma_start3A_3562 = tpu.memref_slice %arg5[%dma_start3A_3561, %multiple_of3A_3554] : memref<16x1000000xf32, #tpu.memory_space<hbm>> -> memref<16x128xf32, #tpu.memory_space<hbm>>
      tpu.enqueue_dma source(%dma_start3A_3562 : memref<16x128xf32, #tpu.memory_space<hbm>>) target(%arg25 : memref<16x128xf32, #tpu.memory_space<vmem>>) target_semaphore(%arg50 : memref<!tpu.dma_semaphore, #tpu.memory_space<semaphore_mem>>)
      %slice3A_3563 = vector.extract_strided_slice %get3A_3229 {offsets = [5], sizes = [1], strides = [1]} : vector<16xi32> to vector<1xi32>
      %squeeze3A_3564 = vector.extract %slice3A_3563[0] : i32 from vector<1xi32>
      %jit3A_3565 = arith.constant 128 : i32
      %div3A_3566 = arith.divsi %squeeze3A_3564, %jit3A_3565 : i32
      %sign3A_3567 = arith.constant 0 : i32
      %sign3A_3568 = arith.cmpi sgt, %squeeze3A_3564, %sign3A_3567 : i32
      %sign3A_3569 = arith.extui %sign3A_3568 : i1 to i32
      %sign3A_3570 = arith.constant 0 : i32
      %sign3A_3571 = arith.cmpi slt, %squeeze3A_3564, %sign3A_3570 : i32
      %sign3A_3572 = arith.extui %sign3A_3571 : i1 to i32
      %sign3A_3573 = arith.subi %sign3A_3569, %sign3A_3572 : i32
      %sign3A_3574 = arith.constant 0 : i32
      %sign3A_3575 = arith.cmpi sgt, %jit3A_3565, %sign3A_3574 : i32
      %sign3A_3576 = arith.extui %sign3A_3575 : i1 to i32
      %sign3A_3577 = arith.constant 0 : i32
      %sign3A_3578 = arith.cmpi slt, %jit3A_3565, %sign3A_3577 : i32
      %sign3A_3579 = arith.extui %sign3A_3578 : i1 to i32
      %sign3A_3580 = arith.subi %sign3A_3576, %sign3A_3579 : i32
      %ne3A_3581 = arith.cmpi ne, %sign3A_3573, %sign3A_3580 : i32
      %rem3A_3582 = arith.remsi %squeeze3A_3564, %jit3A_3565 : i32
      %ne3A_3583 = arith.constant 0 : i32
      %ne3A_3584 = arith.cmpi ne, %rem3A_3582, %ne3A_3583 : i32
      %and3A_3585 = arith.andi %ne3A_3581, %ne3A_3584 : i1
      %sub3A_3586 = arith.constant 1 : i32
      %sub3A_3587 = arith.subi %div3A_3566, %sub3A_3586 : i32
      %select_n3A_3588 = arith.select %and3A_3585, %sub3A_3587, %div3A_3566 : i32
      %mul3A_3589 = arith.constant 128 : i32
      %mul3A_3590 = arith.muli %select_n3A_3588, %mul3A_3589 : i32
      %multiple_of3A_3591 = tpu.assume_multiple %mul3A_3590, 128 : i32
      %slice3A_3592 = vector.extract_strided_slice %get3A_3232 {offsets = [5], sizes = [1], strides = [1]} : vector<16xi32> to vector<1xi32>
      %squeeze3A_3593 = vector.extract %slice3A_3592[0] : i32 from vector<1xi32>
      %jit3A_3594 = arith.constant 128 : i32
      %div3A_3595 = arith.divsi %squeeze3A_3593, %jit3A_3594 : i32
      %sign3A_3596 = arith.constant 0 : i32
      %sign3A_3597 = arith.cmpi sgt, %squeeze3A_3593, %sign3A_3596 : i32
      %sign3A_3598 = arith.extui %sign3A_3597 : i1 to i32
      %sign3A_3599 = arith.constant 0 : i32
      %sign3A_3600 = arith.cmpi slt, %squeeze3A_3593, %sign3A_3599 : i32
      %sign3A_3601 = arith.extui %sign3A_3600 : i1 to i32
      %sign3A_3602 = arith.subi %sign3A_3598, %sign3A_3601 : i32
      %sign3A_3603 = arith.constant 0 : i32
      %sign3A_3604 = arith.cmpi sgt, %jit3A_3594, %sign3A_3603 : i32
      %sign3A_3605 = arith.extui %sign3A_3604 : i1 to i32
      %sign3A_3606 = arith.constant 0 : i32
      %sign3A_3607 = arith.cmpi slt, %jit3A_3594, %sign3A_3606 : i32
      %sign3A_3608 = arith.extui %sign3A_3607 : i1 to i32
      %sign3A_3609 = arith.subi %sign3A_3605, %sign3A_3608 : i32
      %ne3A_3610 = arith.cmpi ne, %sign3A_3602, %sign3A_3609 : i32
      %rem3A_3611 = arith.remsi %squeeze3A_3593, %jit3A_3594 : i32
      %ne3A_3612 = arith.constant 0 : i32
      %ne3A_3613 = arith.cmpi ne, %rem3A_3611, %ne3A_3612 : i32
      %and3A_3614 = arith.andi %ne3A_3610, %ne3A_3613 : i1
      %sub3A_3615 = arith.constant 1 : i32
      %sub3A_3616 = arith.subi %div3A_3595, %sub3A_3615 : i32
      %select_n3A_3617 = arith.select %and3A_3614, %sub3A_3616, %div3A_3595 : i32
      %mul3A_3618 = arith.constant 128 : i32
      %mul3A_3619 = arith.muli %select_n3A_3617, %mul3A_3618 : i32
      %multiple_of3A_3620 = tpu.assume_multiple %mul3A_3619, 128 : i32
      %dma_start3A_3621 = arith.constant 0 : i32
      %dma_start3A_3622 = tpu.memref_slice %arg4[%dma_start3A_3621, %multiple_of3A_3591] : memref<16x1000000xf32, #tpu.memory_space<hbm>> -> memref<16x128xf32, #tpu.memory_space<hbm>>
      %dma_start3A_3623 = arith.constant 0 : i32
      %dma_start3A_3624 = tpu.memref_slice %arg4[%dma_start3A_3623, %multiple_of3A_3591] : memref<16x1000000xf32, #tpu.memory_space<hbm>> -> memref<16x128xf32, #tpu.memory_space<hbm>>
      tpu.enqueue_dma source(%dma_start3A_3624 : memref<16x128xf32, #tpu.memory_space<hbm>>) target(%arg26 : memref<16x128xf32, #tpu.memory_space<vmem>>) target_semaphore(%arg50 : memref<!tpu.dma_semaphore, #tpu.memory_space<semaphore_mem>>)
      %dma_start3A_3625 = arith.constant 0 : i32
      %dma_start3A_3626 = tpu.memref_slice %arg5[%dma_start3A_3625, %multiple_of3A_3620] : memref<16x1000000xf32, #tpu.memory_space<hbm>> -> memref<16x128xf32, #tpu.memory_space<hbm>>
      %dma_start3A_3627 = arith.constant 0 : i32
      %dma_start3A_3628 = tpu.memref_slice %arg5[%dma_start3A_3627, %multiple_of3A_3620] : memref<16x1000000xf32, #tpu.memory_space<hbm>> -> memref<16x128xf32, #tpu.memory_space<hbm>>
      tpu.enqueue_dma source(%dma_start3A_3628 : memref<16x128xf32, #tpu.memory_space<hbm>>) target(%arg27 : memref<16x128xf32, #tpu.memory_space<vmem>>) target_semaphore(%arg50 : memref<!tpu.dma_semaphore, #tpu.memory_space<semaphore_mem>>)
      %slice3A_3629 = vector.extract_strided_slice %get3A_3229 {offsets = [6], sizes = [1], strides = [1]} : vector<16xi32> to vector<1xi32>
      %squeeze3A_3630 = vector.extract %slice3A_3629[0] : i32 from vector<1xi32>
      %jit3A_3631 = arith.constant 128 : i32
      %div3A_3632 = arith.divsi %squeeze3A_3630, %jit3A_3631 : i32
      %sign3A_3633 = arith.constant 0 : i32
      %sign3A_3634 = arith.cmpi sgt, %squeeze3A_3630, %sign3A_3633 : i32
      %sign3A_3635 = arith.extui %sign3A_3634 : i1 to i32
      %sign3A_3636 = arith.constant 0 : i32
      %sign3A_3637 = arith.cmpi slt, %squeeze3A_3630, %sign3A_3636 : i32
      %sign3A_3638 = arith.extui %sign3A_3637 : i1 to i32
      %sign3A_3639 = arith.subi %sign3A_3635, %sign3A_3638 : i32
      %sign3A_3640 = arith.constant 0 : i32
      %sign3A_3641 = arith.cmpi sgt, %jit3A_3631, %sign3A_3640 : i32
      %sign3A_3642 = arith.extui %sign3A_3641 : i1 to i32
      %sign3A_3643 = arith.constant 0 : i32
      %sign3A_3644 = arith.cmpi slt, %jit3A_3631, %sign3A_3643 : i32
      %sign3A_3645 = arith.extui %sign3A_3644 : i1 to i32
      %sign3A_3646 = arith.subi %sign3A_3642, %sign3A_3645 : i32
      %ne3A_3647 = arith.cmpi ne, %sign3A_3639, %sign3A_3646 : i32
      %rem3A_3648 = arith.remsi %squeeze3A_3630, %jit3A_3631 : i32
      %ne3A_3649 = arith.constant 0 : i32
      %ne3A_3650 = arith.cmpi ne, %rem3A_3648, %ne3A_3649 : i32
      %and3A_3651 = arith.andi %ne3A_3647, %ne3A_3650 : i1
      %sub3A_3652 = arith.constant 1 : i32
      %sub3A_3653 = arith.subi %div3A_3632, %sub3A_3652 : i32
      %select_n3A_3654 = arith.select %and3A_3651, %sub3A_3653, %div3A_3632 : i32
      %mul3A_3655 = arith.constant 128 : i32
      %mul3A_3656 = arith.muli %select_n3A_3654, %mul3A_3655 : i32
      %multiple_of3A_3657 = tpu.assume_multiple %mul3A_3656, 128 : i32
      %slice3A_3658 = vector.extract_strided_slice %get3A_3232 {offsets = [6], sizes = [1], strides = [1]} : vector<16xi32> to vector<1xi32>
      %squeeze3A_3659 = vector.extract %slice3A_3658[0] : i32 from vector<1xi32>
      %jit3A_3660 = arith.constant 128 : i32
      %div3A_3661 = arith.divsi %squeeze3A_3659, %jit3A_3660 : i32
      %sign3A_3662 = arith.constant 0 : i32
      %sign3A_3663 = arith.cmpi sgt, %squeeze3A_3659, %sign3A_3662 : i32
      %sign3A_3664 = arith.extui %sign3A_3663 : i1 to i32
      %sign3A_3665 = arith.constant 0 : i32
      %sign3A_3666 = arith.cmpi slt, %squeeze3A_3659, %sign3A_3665 : i32
      %sign3A_3667 = arith.extui %sign3A_3666 : i1 to i32
      %sign3A_3668 = arith.subi %sign3A_3664, %sign3A_3667 : i32
      %sign3A_3669 = arith.constant 0 : i32
      %sign3A_3670 = arith.cmpi sgt, %jit3A_3660, %sign3A_3669 : i32
      %sign3A_3671 = arith.extui %sign3A_3670 : i1 to i32
      %sign3A_3672 = arith.constant 0 : i32
      %sign3A_3673 = arith.cmpi slt, %jit3A_3660, %sign3A_3672 : i32
      %sign3A_3674 = arith.extui %sign3A_3673 : i1 to i32
      %sign3A_3675 = arith.subi %sign3A_3671, %sign3A_3674 : i32
      %ne3A_3676 = arith.cmpi ne, %sign3A_3668, %sign3A_3675 : i32
      %rem3A_3677 = arith.remsi %squeeze3A_3659, %jit3A_3660 : i32
      %ne3A_3678 = arith.constant 0 : i32
      %ne3A_3679 = arith.cmpi ne, %rem3A_3677, %ne3A_3678 : i32
      %and3A_3680 = arith.andi %ne3A_3676, %ne3A_3679 : i1
      %sub3A_3681 = arith.constant 1 : i32
      %sub3A_3682 = arith.subi %div3A_3661, %sub3A_3681 : i32
      %select_n3A_3683 = arith.select %and3A_3680, %sub3A_3682, %div3A_3661 : i32
      %mul3A_3684 = arith.constant 128 : i32
      %mul3A_3685 = arith.muli %select_n3A_3683, %mul3A_3684 : i32
      %multiple_of3A_3686 = tpu.assume_multiple %mul3A_3685, 128 : i32
      %dma_start3A_3687 = arith.constant 0 : i32
      %dma_start3A_3688 = tpu.memref_slice %arg4[%dma_start3A_3687, %multiple_of3A_3657] : memref<16x1000000xf32, #tpu.memory_space<hbm>> -> memref<16x128xf32, #tpu.memory_space<hbm>>
      %dma_start3A_3689 = arith.constant 0 : i32
      %dma_start3A_3690 = tpu.memref_slice %arg4[%dma_start3A_3689, %multiple_of3A_3657] : memref<16x1000000xf32, #tpu.memory_space<hbm>> -> memref<16x128xf32, #tpu.memory_space<hbm>>
      tpu.enqueue_dma source(%dma_start3A_3690 : memref<16x128xf32, #tpu.memory_space<hbm>>) target(%arg28 : memref<16x128xf32, #tpu.memory_space<vmem>>) target_semaphore(%arg50 : memref<!tpu.dma_semaphore, #tpu.memory_space<semaphore_mem>>)
      %dma_start3A_3691 = arith.constant 0 : i32
      %dma_start3A_3692 = tpu.memref_slice %arg5[%dma_start3A_3691, %multiple_of3A_3686] : memref<16x1000000xf32, #tpu.memory_space<hbm>> -> memref<16x128xf32, #tpu.memory_space<hbm>>
      %dma_start3A_3693 = arith.constant 0 : i32
      %dma_start3A_3694 = tpu.memref_slice %arg5[%dma_start3A_3693, %multiple_of3A_3686] : memref<16x1000000xf32, #tpu.memory_space<hbm>> -> memref<16x128xf32, #tpu.memory_space<hbm>>
      tpu.enqueue_dma source(%dma_start3A_3694 : memref<16x128xf32, #tpu.memory_space<hbm>>) target(%arg29 : memref<16x128xf32, #tpu.memory_space<vmem>>) target_semaphore(%arg50 : memref<!tpu.dma_semaphore, #tpu.memory_space<semaphore_mem>>)
      %slice3A_3695 = vector.extract_strided_slice %get3A_3229 {offsets = [7], sizes = [1], strides = [1]} : vector<16xi32> to vector<1xi32>
      %squeeze3A_3696 = vector.extract %slice3A_3695[0] : i32 from vector<1xi32>
      %jit3A_3697 = arith.constant 128 : i32
      %div3A_3698 = arith.divsi %squeeze3A_3696, %jit3A_3697 : i32
      %sign3A_3699 = arith.constant 0 : i32
      %sign3A_3700 = arith.cmpi sgt, %squeeze3A_3696, %sign3A_3699 : i32
      %sign3A_3701 = arith.extui %sign3A_3700 : i1 to i32
      %sign3A_3702 = arith.constant 0 : i32
      %sign3A_3703 = arith.cmpi slt, %squeeze3A_3696, %sign3A_3702 : i32
      %sign3A_3704 = arith.extui %sign3A_3703 : i1 to i32
      %sign3A_3705 = arith.subi %sign3A_3701, %sign3A_3704 : i32
      %sign3A_3706 = arith.constant 0 : i32
      %sign3A_3707 = arith.cmpi sgt, %jit3A_3697, %sign3A_3706 : i32
      %sign3A_3708 = arith.extui %sign3A_3707 : i1 to i32
      %sign3A_3709 = arith.constant 0 : i32
      %sign3A_3710 = arith.cmpi slt, %jit3A_3697, %sign3A_3709 : i32
      %sign3A_3711 = arith.extui %sign3A_3710 : i1 to i32
      %sign3A_3712 = arith.subi %sign3A_3708, %sign3A_3711 : i32
      %ne3A_3713 = arith.cmpi ne, %sign3A_3705, %sign3A_3712 : i32
      %rem3A_3714 = arith.remsi %squeeze3A_3696, %jit3A_3697 : i32
      %ne3A_3715 = arith.constant 0 : i32
      %ne3A_3716 = arith.cmpi ne, %rem3A_3714, %ne3A_3715 : i32
      %and3A_3717 = arith.andi %ne3A_3713, %ne3A_3716 : i1
      %sub3A_3718 = arith.constant 1 : i32
      %sub3A_3719 = arith.subi %div3A_3698, %sub3A_3718 : i32
      %select_n3A_3720 = arith.select %and3A_3717, %sub3A_3719, %div3A_3698 : i32
      %mul3A_3721 = arith.constant 128 : i32
      %mul3A_3722 = arith.muli %select_n3A_3720, %mul3A_3721 : i32
      %multiple_of3A_3723 = tpu.assume_multiple %mul3A_3722, 128 : i32
      %slice3A_3724 = vector.extract_strided_slice %get3A_3232 {offsets = [7], sizes = [1], strides = [1]} : vector<16xi32> to vector<1xi32>
      %squeeze3A_3725 = vector.extract %slice3A_3724[0] : i32 from vector<1xi32>
      %jit3A_3726 = arith.constant 128 : i32
      %div3A_3727 = arith.divsi %squeeze3A_3725, %jit3A_3726 : i32
      %sign3A_3728 = arith.constant 0 : i32
      %sign3A_3729 = arith.cmpi sgt, %squeeze3A_3725, %sign3A_3728 : i32
      %sign3A_3730 = arith.extui %sign3A_3729 : i1 to i32
      %sign3A_3731 = arith.constant 0 : i32
      %sign3A_3732 = arith.cmpi slt, %squeeze3A_3725, %sign3A_3731 : i32
      %sign3A_3733 = arith.extui %sign3A_3732 : i1 to i32
      %sign3A_3734 = arith.subi %sign3A_3730, %sign3A_3733 : i32
      %sign3A_3735 = arith.constant 0 : i32
      %sign3A_3736 = arith.cmpi sgt, %jit3A_3726, %sign3A_3735 : i32
      %sign3A_3737 = arith.extui %sign3A_3736 : i1 to i32
      %sign3A_3738 = arith.constant 0 : i32
      %sign3A_3739 = arith.cmpi slt, %jit3A_3726, %sign3A_3738 : i32
      %sign3A_3740 = arith.extui %sign3A_3739 : i1 to i32
      %sign3A_3741 = arith.subi %sign3A_3737, %sign3A_3740 : i32
      %ne3A_3742 = arith.cmpi ne, %sign3A_3734, %sign3A_3741 : i32
      %rem3A_3743 = arith.remsi %squeeze3A_3725, %jit3A_3726 : i32
      %ne3A_3744 = arith.constant 0 : i32
      %ne3A_3745 = arith.cmpi ne, %rem3A_3743, %ne3A_3744 : i32
      %and3A_3746 = arith.andi %ne3A_3742, %ne3A_3745 : i1
      %sub3A_3747 = arith.constant 1 : i32
      %sub3A_3748 = arith.subi %div3A_3727, %sub3A_3747 : i32
      %select_n3A_3749 = arith.select %and3A_3746, %sub3A_3748, %div3A_3727 : i32
      %mul3A_3750 = arith.constant 128 : i32
      %mul3A_3751 = arith.muli %select_n3A_3749, %mul3A_3750 : i32
      %multiple_of3A_3752 = tpu.assume_multiple %mul3A_3751, 128 : i32
      %dma_start3A_3753 = arith.constant 0 : i32
      %dma_start3A_3754 = tpu.memref_slice %arg4[%dma_start3A_3753, %multiple_of3A_3723] : memref<16x1000000xf32, #tpu.memory_space<hbm>> -> memref<16x128xf32, #tpu.memory_space<hbm>>
      %dma_start3A_3755 = arith.constant 0 : i32
      %dma_start3A_3756 = tpu.memref_slice %arg4[%dma_start3A_3755, %multiple_of3A_3723] : memref<16x1000000xf32, #tpu.memory_space<hbm>> -> memref<16x128xf32, #tpu.memory_space<hbm>>
      tpu.enqueue_dma source(%dma_start3A_3756 : memref<16x128xf32, #tpu.memory_space<hbm>>) target(%arg30 : memref<16x128xf32, #tpu.memory_space<vmem>>) target_semaphore(%arg50 : memref<!tpu.dma_semaphore, #tpu.memory_space<semaphore_mem>>)
      %dma_start3A_3757 = arith.constant 0 : i32
      %dma_start3A_3758 = tpu.memref_slice %arg5[%dma_start3A_3757, %multiple_of3A_3752] : memref<16x1000000xf32, #tpu.memory_space<hbm>> -> memref<16x128xf32, #tpu.memory_space<hbm>>
      %dma_start3A_3759 = arith.constant 0 : i32
      %dma_start3A_3760 = tpu.memref_slice %arg5[%dma_start3A_3759, %multiple_of3A_3752] : memref<16x1000000xf32, #tpu.memory_space<hbm>> -> memref<16x128xf32, #tpu.memory_space<hbm>>
      tpu.enqueue_dma source(%dma_start3A_3760 : memref<16x128xf32, #tpu.memory_space<hbm>>) target(%arg31 : memref<16x128xf32, #tpu.memory_space<vmem>>) target_semaphore(%arg50 : memref<!tpu.dma_semaphore, #tpu.memory_space<semaphore_mem>>)
      %dma_wait3A_3761 = arith.constant 0 : i32
      %dma_wait3A_3762 = arith.constant 0 : i32
      %dma_wait3A_3763 = tpu.memref_slice %arg4[%dma_wait3A_3761, %dma_wait3A_3762] : memref<16x1000000xf32, #tpu.memory_space<hbm>> -> memref<16x128xf32, #tpu.memory_space<hbm>>
      %dma_wait3A_3764 = arith.constant 0 : i32
      %dma_wait3A_3765 = arith.constant 0 : i32
      %dma_wait3A_3766 = tpu.memref_slice %arg4[%dma_wait3A_3764, %dma_wait3A_3765] : memref<16x1000000xf32, #tpu.memory_space<hbm>> -> memref<16x128xf32, #tpu.memory_space<hbm>>
      tpu.wait_dma2 semaphore(%arg51 : memref<!tpu.dma_semaphore, #tpu.memory_space<semaphore_mem>>) src(%dma_wait3A_3766 : memref<16x128xf32, #tpu.memory_space<hbm>>) dst(%arg32 : memref<16x128xf32, #tpu.memory_space<vmem>>)
      %dma_wait3A_3767 = arith.constant 0 : i32
      %dma_wait3A_3768 = arith.constant 0 : i32
      %dma_wait3A_3769 = tpu.memref_slice %arg4[%dma_wait3A_3767, %dma_wait3A_3768] : memref<16x1000000xf32, #tpu.memory_space<hbm>> -> memref<16x128xf32, #tpu.memory_space<hbm>>
      %dma_wait3A_3770 = arith.constant 0 : i32
      %dma_wait3A_3771 = arith.constant 0 : i32
      %dma_wait3A_3772 = tpu.memref_slice %arg4[%dma_wait3A_3770, %dma_wait3A_3771] : memref<16x1000000xf32, #tpu.memory_space<hbm>> -> memref<16x128xf32, #tpu.memory_space<hbm>>
      tpu.wait_dma2 semaphore(%arg51 : memref<!tpu.dma_semaphore, #tpu.memory_space<semaphore_mem>>) src(%dma_wait3A_3772 : memref<16x128xf32, #tpu.memory_space<hbm>>) dst(%arg33 : memref<16x128xf32, #tpu.memory_space<vmem>>)
      %dma_wait3A_3773 = arith.constant 0 : i32
      %dma_wait3A_3774 = arith.constant 0 : i32
      %dma_wait3A_3775 = tpu.memref_slice %arg4[%dma_wait3A_3773, %dma_wait3A_3774] : memref<16x1000000xf32, #tpu.memory_space<hbm>> -> memref<16x128xf32, #tpu.memory_space<hbm>>
      %dma_wait3A_3776 = arith.constant 0 : i32
      %dma_wait3A_3777 = arith.constant 0 : i32
      %dma_wait3A_3778 = tpu.memref_slice %arg4[%dma_wait3A_3776, %dma_wait3A_3777] : memref<16x1000000xf32, #tpu.memory_space<hbm>> -> memref<16x128xf32, #tpu.memory_space<hbm>>
      tpu.wait_dma2 semaphore(%arg51 : memref<!tpu.dma_semaphore, #tpu.memory_space<semaphore_mem>>) src(%dma_wait3A_3778 : memref<16x128xf32, #tpu.memory_space<hbm>>) dst(%arg34 : memref<16x128xf32, #tpu.memory_space<vmem>>)
      %dma_wait3A_3779 = arith.constant 0 : i32
      %dma_wait3A_3780 = arith.constant 0 : i32
      %dma_wait3A_3781 = tpu.memref_slice %arg4[%dma_wait3A_3779, %dma_wait3A_3780] : memref<16x1000000xf32, #tpu.memory_space<hbm>> -> memref<16x128xf32, #tpu.memory_space<hbm>>
      %dma_wait3A_3782 = arith.constant 0 : i32
      %dma_wait3A_3783 = arith.constant 0 : i32
      %dma_wait3A_3784 = tpu.memref_slice %arg4[%dma_wait3A_3782, %dma_wait3A_3783] : memref<16x1000000xf32, #tpu.memory_space<hbm>> -> memref<16x128xf32, #tpu.memory_space<hbm>>
      tpu.wait_dma2 semaphore(%arg51 : memref<!tpu.dma_semaphore, #tpu.memory_space<semaphore_mem>>) src(%dma_wait3A_3784 : memref<16x128xf32, #tpu.memory_space<hbm>>) dst(%arg35 : memref<16x128xf32, #tpu.memory_space<vmem>>)
      %dma_wait3A_3785 = arith.constant 0 : i32
      %dma_wait3A_3786 = arith.constant 0 : i32
      %dma_wait3A_3787 = tpu.memref_slice %arg4[%dma_wait3A_3785, %dma_wait3A_3786] : memref<16x1000000xf32, #tpu.memory_space<hbm>> -> memref<16x128xf32, #tpu.memory_space<hbm>>
      %dma_wait3A_3788 = arith.constant 0 : i32
      %dma_wait3A_3789 = arith.constant 0 : i32
      %dma_wait3A_3790 = tpu.memref_slice %arg4[%dma_wait3A_3788, %dma_wait3A_3789] : memref<16x1000000xf32, #tpu.memory_space<hbm>> -> memref<16x128xf32, #tpu.memory_space<hbm>>
      tpu.wait_dma2 semaphore(%arg51 : memref<!tpu.dma_semaphore, #tpu.memory_space<semaphore_mem>>) src(%dma_wait3A_3790 : memref<16x128xf32, #tpu.memory_space<hbm>>) dst(%arg36 : memref<16x128xf32, #tpu.memory_space<vmem>>)
      %dma_wait3A_3791 = arith.constant 0 : i32
      %dma_wait3A_3792 = arith.constant 0 : i32
      %dma_wait3A_3793 = tpu.memref_slice %arg4[%dma_wait3A_3791, %dma_wait3A_3792] : memref<16x1000000xf32, #tpu.memory_space<hbm>> -> memref<16x128xf32, #tpu.memory_space<hbm>>
      %dma_wait3A_3794 = arith.constant 0 : i32
      %dma_wait3A_3795 = arith.constant 0 : i32
      %dma_wait3A_3796 = tpu.memref_slice %arg4[%dma_wait3A_3794, %dma_wait3A_3795] : memref<16x1000000xf32, #tpu.memory_space<hbm>> -> memref<16x128xf32, #tpu.memory_space<hbm>>
      tpu.wait_dma2 semaphore(%arg51 : memref<!tpu.dma_semaphore, #tpu.memory_space<semaphore_mem>>) src(%dma_wait3A_3796 : memref<16x128xf32, #tpu.memory_space<hbm>>) dst(%arg37 : memref<16x128xf32, #tpu.memory_space<vmem>>)
      %dma_wait3A_3797 = arith.constant 0 : i32
      %dma_wait3A_3798 = arith.constant 0 : i32
      %dma_wait3A_3799 = tpu.memref_slice %arg4[%dma_wait3A_3797, %dma_wait3A_3798] : memref<16x1000000xf32, #tpu.memory_space<hbm>> -> memref<16x128xf32, #tpu.memory_space<hbm>>
      %dma_wait3A_3800 = arith.constant 0 : i32
      %dma_wait3A_3801 = arith.constant 0 : i32
      %dma_wait3A_3802 = tpu.memref_slice %arg4[%dma_wait3A_3800, %dma_wait3A_3801] : memref<16x1000000xf32, #tpu.memory_space<hbm>> -> memref<16x128xf32, #tpu.memory_space<hbm>>
      tpu.wait_dma2 semaphore(%arg51 : memref<!tpu.dma_semaphore, #tpu.memory_space<semaphore_mem>>) src(%dma_wait3A_3802 : memref<16x128xf32, #tpu.memory_space<hbm>>) dst(%arg38 : memref<16x128xf32, #tpu.memory_space<vmem>>)
      %dma_wait3A_3803 = arith.constant 0 : i32
      %dma_wait3A_3804 = arith.constant 0 : i32
      %dma_wait3A_3805 = tpu.memref_slice %arg4[%dma_wait3A_3803, %dma_wait3A_3804] : memref<16x1000000xf32, #tpu.memory_space<hbm>> -> memref<16x128xf32, #tpu.memory_space<hbm>>
      %dma_wait3A_3806 = arith.constant 0 : i32
      %dma_wait3A_3807 = arith.constant 0 : i32
      %dma_wait3A_3808 = tpu.memref_slice %arg4[%dma_wait3A_3806, %dma_wait3A_3807] : memref<16x1000000xf32, #tpu.memory_space<hbm>> -> memref<16x128xf32, #tpu.memory_space<hbm>>
      tpu.wait_dma2 semaphore(%arg51 : memref<!tpu.dma_semaphore, #tpu.memory_space<semaphore_mem>>) src(%dma_wait3A_3808 : memref<16x128xf32, #tpu.memory_space<hbm>>) dst(%arg39 : memref<16x128xf32, #tpu.memory_space<vmem>>)
      %dma_wait3A_3809 = arith.constant 0 : i32
      %dma_wait3A_3810 = arith.constant 0 : i32
      %dma_wait3A_3811 = tpu.memref_slice %arg4[%dma_wait3A_3809, %dma_wait3A_3810] : memref<16x1000000xf32, #tpu.memory_space<hbm>> -> memref<16x128xf32, #tpu.memory_space<hbm>>
      %dma_wait3A_3812 = arith.constant 0 : i32
      %dma_wait3A_3813 = arith.constant 0 : i32
      %dma_wait3A_3814 = tpu.memref_slice %arg4[%dma_wait3A_3812, %dma_wait3A_3813] : memref<16x1000000xf32, #tpu.memory_space<hbm>> -> memref<16x128xf32, #tpu.memory_space<hbm>>
      tpu.wait_dma2 semaphore(%arg51 : memref<!tpu.dma_semaphore, #tpu.memory_space<semaphore_mem>>) src(%dma_wait3A_3814 : memref<16x128xf32, #tpu.memory_space<hbm>>) dst(%arg40 : memref<16x128xf32, #tpu.memory_space<vmem>>)
      %dma_wait3A_3815 = arith.constant 0 : i32
      %dma_wait3A_3816 = arith.constant 0 : i32
      %dma_wait3A_3817 = tpu.memref_slice %arg4[%dma_wait3A_3815, %dma_wait3A_3816] : memref<16x1000000xf32, #tpu.memory_space<hbm>> -> memref<16x128xf32, #tpu.memory_space<hbm>>
      %dma_wait3A_3818 = arith.constant 0 : i32
      %dma_wait3A_3819 = arith.constant 0 : i32
      %dma_wait3A_3820 = tpu.memref_slice %arg4[%dma_wait3A_3818, %dma_wait3A_3819] : memref<16x1000000xf32, #tpu.memory_space<hbm>> -> memref<16x128xf32, #tpu.memory_space<hbm>>
      tpu.wait_dma2 semaphore(%arg51 : memref<!tpu.dma_semaphore, #tpu.memory_space<semaphore_mem>>) src(%dma_wait3A_3820 : memref<16x128xf32, #tpu.memory_space<hbm>>) dst(%arg41 : memref<16x128xf32, #tpu.memory_space<vmem>>)
      %dma_wait3A_3821 = arith.constant 0 : i32
      %dma_wait3A_3822 = arith.constant 0 : i32
      %dma_wait3A_3823 = tpu.memref_slice %arg4[%dma_wait3A_3821, %dma_wait3A_3822] : memref<16x1000000xf32, #tpu.memory_space<hbm>> -> memref<16x128xf32, #tpu.memory_space<hbm>>
      %dma_wait3A_3824 = arith.constant 0 : i32
      %dma_wait3A_3825 = arith.constant 0 : i32
      %dma_wait3A_3826 = tpu.memref_slice %arg4[%dma_wait3A_3824, %dma_wait3A_3825] : memref<16x1000000xf32, #tpu.memory_space<hbm>> -> memref<16x128xf32, #tpu.memory_space<hbm>>
      tpu.wait_dma2 semaphore(%arg51 : memref<!tpu.dma_semaphore, #tpu.memory_space<semaphore_mem>>) src(%dma_wait3A_3826 : memref<16x128xf32, #tpu.memory_space<hbm>>) dst(%arg42 : memref<16x128xf32, #tpu.memory_space<vmem>>)
      %dma_wait3A_3827 = arith.constant 0 : i32
      %dma_wait3A_3828 = arith.constant 0 : i32
      %dma_wait3A_3829 = tpu.memref_slice %arg4[%dma_wait3A_3827, %dma_wait3A_3828] : memref<16x1000000xf32, #tpu.memory_space<hbm>> -> memref<16x128xf32, #tpu.memory_space<hbm>>
      %dma_wait3A_3830 = arith.constant 0 : i32
      %dma_wait3A_3831 = arith.constant 0 : i32
      %dma_wait3A_3832 = tpu.memref_slice %arg4[%dma_wait3A_3830, %dma_wait3A_3831] : memref<16x1000000xf32, #tpu.memory_space<hbm>> -> memref<16x128xf32, #tpu.memory_space<hbm>>
      tpu.wait_dma2 semaphore(%arg51 : memref<!tpu.dma_semaphore, #tpu.memory_space<semaphore_mem>>) src(%dma_wait3A_3832 : memref<16x128xf32, #tpu.memory_space<hbm>>) dst(%arg43 : memref<16x128xf32, #tpu.memory_space<vmem>>)
      %dma_wait3A_3833 = arith.constant 0 : i32
      %dma_wait3A_3834 = arith.constant 0 : i32
      %dma_wait3A_3835 = tpu.memref_slice %arg4[%dma_wait3A_3833, %dma_wait3A_3834] : memref<16x1000000xf32, #tpu.memory_space<hbm>> -> memref<16x128xf32, #tpu.memory_space<hbm>>
      %dma_wait3A_3836 = arith.constant 0 : i32
      %dma_wait3A_3837 = arith.constant 0 : i32
      %dma_wait3A_3838 = tpu.memref_slice %arg4[%dma_wait3A_3836, %dma_wait3A_3837] : memref<16x1000000xf32, #tpu.memory_space<hbm>> -> memref<16x128xf32, #tpu.memory_space<hbm>>
      tpu.wait_dma2 semaphore(%arg51 : memref<!tpu.dma_semaphore, #tpu.memory_space<semaphore_mem>>) src(%dma_wait3A_3838 : memref<16x128xf32, #tpu.memory_space<hbm>>) dst(%arg44 : memref<16x128xf32, #tpu.memory_space<vmem>>)
      %dma_wait3A_3839 = arith.constant 0 : i32
      %dma_wait3A_3840 = arith.constant 0 : i32
      %dma_wait3A_3841 = tpu.memref_slice %arg4[%dma_wait3A_3839, %dma_wait3A_3840] : memref<16x1000000xf32, #tpu.memory_space<hbm>> -> memref<16x128xf32, #tpu.memory_space<hbm>>
      %dma_wait3A_3842 = arith.constant 0 : i32
      %dma_wait3A_3843 = arith.constant 0 : i32
      %dma_wait3A_3844 = tpu.memref_slice %arg4[%dma_wait3A_3842, %dma_wait3A_3843] : memref<16x1000000xf32, #tpu.memory_space<hbm>> -> memref<16x128xf32, #tpu.memory_space<hbm>>
      tpu.wait_dma2 semaphore(%arg51 : memref<!tpu.dma_semaphore, #tpu.memory_space<semaphore_mem>>) src(%dma_wait3A_3844 : memref<16x128xf32, #tpu.memory_space<hbm>>) dst(%arg45 : memref<16x128xf32, #tpu.memory_space<vmem>>)
      %dma_wait3A_3845 = arith.constant 0 : i32
      %dma_wait3A_3846 = arith.constant 0 : i32
      %dma_wait3A_3847 = tpu.memref_slice %arg4[%dma_wait3A_3845, %dma_wait3A_3846] : memref<16x1000000xf32, #tpu.memory_space<hbm>> -> memref<16x128xf32, #tpu.memory_space<hbm>>
      %dma_wait3A_3848 = arith.constant 0 : i32
      %dma_wait3A_3849 = arith.constant 0 : i32
      %dma_wait3A_3850 = tpu.memref_slice %arg4[%dma_wait3A_3848, %dma_wait3A_3849] : memref<16x1000000xf32, #tpu.memory_space<hbm>> -> memref<16x128xf32, #tpu.memory_space<hbm>>
      tpu.wait_dma2 semaphore(%arg51 : memref<!tpu.dma_semaphore, #tpu.memory_space<semaphore_mem>>) src(%dma_wait3A_3850 : memref<16x128xf32, #tpu.memory_space<hbm>>) dst(%arg46 : memref<16x128xf32, #tpu.memory_space<vmem>>)
      %dma_wait3A_3851 = arith.constant 0 : i32
      %dma_wait3A_3852 = arith.constant 0 : i32
      %dma_wait3A_3853 = tpu.memref_slice %arg4[%dma_wait3A_3851, %dma_wait3A_3852] : memref<16x1000000xf32, #tpu.memory_space<hbm>> -> memref<16x128xf32, #tpu.memory_space<hbm>>
      %dma_wait3A_3854 = arith.constant 0 : i32
      %dma_wait3A_3855 = arith.constant 0 : i32
      %dma_wait3A_3856 = tpu.memref_slice %arg4[%dma_wait3A_3854, %dma_wait3A_3855] : memref<16x1000000xf32, #tpu.memory_space<hbm>> -> memref<16x128xf32, #tpu.memory_space<hbm>>
      tpu.wait_dma2 semaphore(%arg51 : memref<!tpu.dma_semaphore, #tpu.memory_space<semaphore_mem>>) src(%dma_wait3A_3856 : memref<16x128xf32, #tpu.memory_space<hbm>>) dst(%arg47 : memref<16x128xf32, #tpu.memory_space<vmem>>)
      %slice3A_3857 = vector.extract_strided_slice %scan3A_2109 {offsets = [8], sizes = [1], strides = [1]} : vector<16xi32> to vector<1xi32>
      %squeeze3A_3858 = vector.extract %slice3A_3857[0] : i32 from vector<1xi32>
      %jit3A_3859 = arith.constant 128 : i32
      %eq3A_3860 = arith.constant 0 : i32
      %eq3A_3861 = arith.cmpi eq, %jit3A_3859, %eq3A_3860 : i32
      %jit3A_3862 = arith.constant 1 : i32
      %select_n3A_3863 = arith.select %eq3A_3861, %jit3A_3862, %jit3A_3859 : i32
      %rem3A_3864 = arith.remsi %squeeze3A_3858, %select_n3A_3863 : i32
      %ne3A_3865 = arith.constant 0 : i32
      %ne3A_3866 = arith.cmpi ne, %rem3A_3864, %ne3A_3865 : i32
      %lt3A_3867 = arith.constant 0 : i32
      %lt3A_3868 = arith.cmpi slt, %rem3A_3864, %lt3A_3867 : i32
      %lt3A_3869 = arith.constant 0 : i32
      %lt3A_3870 = arith.cmpi slt, %select_n3A_3863, %lt3A_3869 : i32
      %ne3A_3871 = arith.xori %lt3A_3868, %lt3A_3870 : i1
      %and3A_3872 = arith.andi %ne3A_3871, %ne3A_3866 : i1
      %add3A_3873 = arith.addi %rem3A_3864, %select_n3A_3863 : i32
      %select_n3A_3874 = arith.select %and3A_3872, %add3A_3873, %rem3A_3864 : i32
      %broadcast_in_dim3A_3875 = vector.broadcast %select_n3A_3874 : i32 to vector<16xi32>
      %slice3A_3876 = vector.extract_strided_slice %scan3A_2110 {offsets = [8], sizes = [1], strides = [1]} : vector<16xi32> to vector<1xi32>
      %squeeze3A_3877 = vector.extract %slice3A_3876[0] : i32 from vector<1xi32>
      %jit3A_3878 = arith.constant 128 : i32
      %eq3A_3879 = arith.constant 0 : i32
      %eq3A_3880 = arith.cmpi eq, %jit3A_3878, %eq3A_3879 : i32
      %jit3A_3881 = arith.constant 1 : i32
      %select_n3A_3882 = arith.select %eq3A_3880, %jit3A_3881, %jit3A_3878 : i32
      %rem3A_3883 = arith.remsi %squeeze3A_3877, %select_n3A_3882 : i32
      %ne3A_3884 = arith.constant 0 : i32
      %ne3A_3885 = arith.cmpi ne, %rem3A_3883, %ne3A_3884 : i32
      %lt3A_3886 = arith.constant 0 : i32
      %lt3A_3887 = arith.cmpi slt, %rem3A_3883, %lt3A_3886 : i32
      %lt3A_3888 = arith.constant 0 : i32
      %lt3A_3889 = arith.cmpi slt, %select_n3A_3882, %lt3A_3888 : i32
      %ne3A_3890 = arith.xori %lt3A_3887, %lt3A_3889 : i1
      %and3A_3891 = arith.andi %ne3A_3890, %ne3A_3885 : i1
      %add3A_3892 = arith.addi %rem3A_3883, %select_n3A_3882 : i32
      %select_n3A_3893 = arith.select %and3A_3891, %add3A_3892, %rem3A_3883 : i32
      %broadcast_in_dim3A_3894 = vector.broadcast %select_n3A_3893 : i32 to vector<16xi32>
      %gather3A_3895 = tpu.vector_load_idx %arg32[%iota3A, %broadcast_in_dim3A_3875] : memref<16x128xf32, #tpu.memory_space<vmem>>[vector<16xi32>, vector<16xi32>], vector<16xf32>,
      %gather3A_3896 = tpu.vector_load_idx %arg33[%iota3A, %broadcast_in_dim3A_3894] : memref<16x128xf32, #tpu.memory_space<vmem>>[vector<16xi32>, vector<16xi32>], vector<16xf32>,
      %mul3A_3897 = arith.constant 16 : i32
      %mul3A_3898 = arith.muli %scan3A_2108, %mul3A_3897 : i32
      %add3A_3899 = arith.constant 8 : i32
      %add3A_3900 = arith.addi %mul3A_3898, %add3A_3899 : i32
      %mul3A_3901 = arith.constant 16 : i32
      %mul3A_3902 = arith.muli %add3A_3900, %mul3A_3901 : i32
      %swap3A_3903 = arith.index_cast %mul3A_3902 : i32 to index
      %swap3A_3904 = tpu.vector_load %arg48[%swap3A_3903] {strides = array<i32>} : memref<8192xf32, #tpu.memory_space<vmem>>, vector<16xf32>,
      tpu.vector_store %arg48[%swap3A_3903], %gather3A_3895 {strides = array<i32>} : memref<8192xf32, #tpu.memory_space<vmem>>, vector<16xf32>,
      %mul3A_3905 = arith.constant 16 : i32
      %mul3A_3906 = arith.muli %scan3A_2108, %mul3A_3905 : i32
      %add3A_3907 = arith.constant 8 : i32
      %add3A_3908 = arith.addi %mul3A_3906, %add3A_3907 : i32
      %mul3A_3909 = arith.constant 16 : i32
      %mul3A_3910 = arith.muli %add3A_3908, %mul3A_3909 : i32
      %swap3A_3911 = arith.index_cast %mul3A_3910 : i32 to index
      %swap3A_3912 = tpu.vector_load %arg49[%swap3A_3911] {strides = array<i32>} : memref<8192xf32, #tpu.memory_space<vmem>>, vector<16xf32>,
      tpu.vector_store %arg49[%swap3A_3911], %gather3A_3896 {strides = array<i32>} : memref<8192xf32, #tpu.memory_space<vmem>>, vector<16xf32>,
      %slice3A_3913 = vector.extract_strided_slice %scan3A_2109 {offsets = [9], sizes = [1], strides = [1]} : vector<16xi32> to vector<1xi32>
      %squeeze3A_3914 = vector.extract %slice3A_3913[0] : i32 from vector<1xi32>
      %jit3A_3915 = arith.constant 128 : i32
      %eq3A_3916 = arith.constant 0 : i32
      %eq3A_3917 = arith.cmpi eq, %jit3A_3915, %eq3A_3916 : i32
      %jit3A_3918 = arith.constant 1 : i32
      %select_n3A_3919 = arith.select %eq3A_3917, %jit3A_3918, %jit3A_3915 : i32
      %rem3A_3920 = arith.remsi %squeeze3A_3914, %select_n3A_3919 : i32
      %ne3A_3921 = arith.constant 0 : i32
      %ne3A_3922 = arith.cmpi ne, %rem3A_3920, %ne3A_3921 : i32
      %lt3A_3923 = arith.constant 0 : i32
      %lt3A_3924 = arith.cmpi slt, %rem3A_3920, %lt3A_3923 : i32
      %lt3A_3925 = arith.constant 0 : i32
      %lt3A_3926 = arith.cmpi slt, %select_n3A_3919, %lt3A_3925 : i32
      %ne3A_3927 = arith.xori %lt3A_3924, %lt3A_3926 : i1
      %and3A_3928 = arith.andi %ne3A_3927, %ne3A_3922 : i1
      %add3A_3929 = arith.addi %rem3A_3920, %select_n3A_3919 : i32
      %select_n3A_3930 = arith.select %and3A_3928, %add3A_3929, %rem3A_3920 : i32
      %broadcast_in_dim3A_3931 = vector.broadcast %select_n3A_3930 : i32 to vector<16xi32>
      %slice3A_3932 = vector.extract_strided_slice %scan3A_2110 {offsets = [9], sizes = [1], strides = [1]} : vector<16xi32> to vector<1xi32>
      %squeeze3A_3933 = vector.extract %slice3A_3932[0] : i32 from vector<1xi32>
      %jit3A_3934 = arith.constant 128 : i32
      %eq3A_3935 = arith.constant 0 : i32
      %eq3A_3936 = arith.cmpi eq, %jit3A_3934, %eq3A_3935 : i32
      %jit3A_3937 = arith.constant 1 : i32
      %select_n3A_3938 = arith.select %eq3A_3936, %jit3A_3937, %jit3A_3934 : i32
      %rem3A_3939 = arith.remsi %squeeze3A_3933, %select_n3A_3938 : i32
      %ne3A_3940 = arith.constant 0 : i32
      %ne3A_3941 = arith.cmpi ne, %rem3A_3939, %ne3A_3940 : i32
      %lt3A_3942 = arith.constant 0 : i32
      %lt3A_3943 = arith.cmpi slt, %rem3A_3939, %lt3A_3942 : i32
      %lt3A_3944 = arith.constant 0 : i32
      %lt3A_3945 = arith.cmpi slt, %select_n3A_3938, %lt3A_3944 : i32
      %ne3A_3946 = arith.xori %lt3A_3943, %lt3A_3945 : i1
      %and3A_3947 = arith.andi %ne3A_3946, %ne3A_3941 : i1
      %add3A_3948 = arith.addi %rem3A_3939, %select_n3A_3938 : i32
      %select_n3A_3949 = arith.select %and3A_3947, %add3A_3948, %rem3A_3939 : i32
      %broadcast_in_dim3A_3950 = vector.broadcast %select_n3A_3949 : i32 to vector<16xi32>
      %gather3A_3951 = tpu.vector_load_idx %arg34[%iota3A, %broadcast_in_dim3A_3931] : memref<16x128xf32, #tpu.memory_space<vmem>>[vector<16xi32>, vector<16xi32>], vector<16xf32>,
      %gather3A_3952 = tpu.vector_load_idx %arg35[%iota3A, %broadcast_in_dim3A_3950] : memref<16x128xf32, #tpu.memory_space<vmem>>[vector<16xi32>, vector<16xi32>], vector<16xf32>,
      %mul3A_3953 = arith.constant 16 : i32
      %mul3A_3954 = arith.muli %scan3A_2108, %mul3A_3953 : i32
      %add3A_3955 = arith.constant 9 : i32
      %add3A_3956 = arith.addi %mul3A_3954, %add3A_3955 : i32
      %mul3A_3957 = arith.constant 16 : i32
      %mul3A_3958 = arith.muli %add3A_3956, %mul3A_3957 : i32
      %swap3A_3959 = arith.index_cast %mul3A_3958 : i32 to index
      %swap3A_3960 = tpu.vector_load %arg48[%swap3A_3959] {strides = array<i32>} : memref<8192xf32, #tpu.memory_space<vmem>>, vector<16xf32>,
      tpu.vector_store %arg48[%swap3A_3959], %gather3A_3951 {strides = array<i32>} : memref<8192xf32, #tpu.memory_space<vmem>>, vector<16xf32>,
      %mul3A_3961 = arith.constant 16 : i32
      %mul3A_3962 = arith.muli %scan3A_2108, %mul3A_3961 : i32
      %add3A_3963 = arith.constant 9 : i32
      %add3A_3964 = arith.addi %mul3A_3962, %add3A_3963 : i32
      %mul3A_3965 = arith.constant 16 : i32
      %mul3A_3966 = arith.muli %add3A_3964, %mul3A_3965 : i32
      %swap3A_3967 = arith.index_cast %mul3A_3966 : i32 to index
      %swap3A_3968 = tpu.vector_load %arg49[%swap3A_3967] {strides = array<i32>} : memref<8192xf32, #tpu.memory_space<vmem>>, vector<16xf32>,
      tpu.vector_store %arg49[%swap3A_3967], %gather3A_3952 {strides = array<i32>} : memref<8192xf32, #tpu.memory_space<vmem>>, vector<16xf32>,
      %slice3A_3969 = vector.extract_strided_slice %scan3A_2109 {offsets = [10], sizes = [1], strides = [1]} : vector<16xi32> to vector<1xi32>
      %squeeze3A_3970 = vector.extract %slice3A_3969[0] : i32 from vector<1xi32>
      %jit3A_3971 = arith.constant 128 : i32
      %eq3A_3972 = arith.constant 0 : i32
      %eq3A_3973 = arith.cmpi eq, %jit3A_3971, %eq3A_3972 : i32
      %jit3A_3974 = arith.constant 1 : i32
      %select_n3A_3975 = arith.select %eq3A_3973, %jit3A_3974, %jit3A_3971 : i32
      %rem3A_3976 = arith.remsi %squeeze3A_3970, %select_n3A_3975 : i32
      %ne3A_3977 = arith.constant 0 : i32
      %ne3A_3978 = arith.cmpi ne, %rem3A_3976, %ne3A_3977 : i32
      %lt3A_3979 = arith.constant 0 : i32
      %lt3A_3980 = arith.cmpi slt, %rem3A_3976, %lt3A_3979 : i32
      %lt3A_3981 = arith.constant 0 : i32
      %lt3A_3982 = arith.cmpi slt, %select_n3A_3975, %lt3A_3981 : i32
      %ne3A_3983 = arith.xori %lt3A_3980, %lt3A_3982 : i1
      %and3A_3984 = arith.andi %ne3A_3983, %ne3A_3978 : i1
      %add3A_3985 = arith.addi %rem3A_3976, %select_n3A_3975 : i32
      %select_n3A_3986 = arith.select %and3A_3984, %add3A_3985, %rem3A_3976 : i32
      %broadcast_in_dim3A_3987 = vector.broadcast %select_n3A_3986 : i32 to vector<16xi32>
      %slice3A_3988 = vector.extract_strided_slice %scan3A_2110 {offsets = [10], sizes = [1], strides = [1]} : vector<16xi32> to vector<1xi32>
      %squeeze3A_3989 = vector.extract %slice3A_3988[0] : i32 from vector<1xi32>
      %jit3A_3990 = arith.constant 128 : i32
      %eq3A_3991 = arith.constant 0 : i32
      %eq3A_3992 = arith.cmpi eq, %jit3A_3990, %eq3A_3991 : i32
      %jit3A_3993 = arith.constant 1 : i32
      %select_n3A_3994 = arith.select %eq3A_3992, %jit3A_3993, %jit3A_3990 : i32
      %rem3A_3995 = arith.remsi %squeeze3A_3989, %select_n3A_3994 : i32
      %ne3A_3996 = arith.constant 0 : i32
      %ne3A_3997 = arith.cmpi ne, %rem3A_3995, %ne3A_3996 : i32
      %lt3A_3998 = arith.constant 0 : i32
      %lt3A_3999 = arith.cmpi slt, %rem3A_3995, %lt3A_3998 : i32
      %lt3A_4000 = arith.constant 0 : i32
      %lt3A_4001 = arith.cmpi slt, %select_n3A_3994, %lt3A_4000 : i32
      %ne3A_4002 = arith.xori %lt3A_3999, %lt3A_4001 : i1
      %and3A_4003 = arith.andi %ne3A_4002, %ne3A_3997 : i1
      %add3A_4004 = arith.addi %rem3A_3995, %select_n3A_3994 : i32
      %select_n3A_4005 = arith.select %and3A_4003, %add3A_4004, %rem3A_3995 : i32
      %broadcast_in_dim3A_4006 = vector.broadcast %select_n3A_4005 : i32 to vector<16xi32>
      %gather3A_4007 = tpu.vector_load_idx %arg36[%iota3A, %broadcast_in_dim3A_3987] : memref<16x128xf32, #tpu.memory_space<vmem>>[vector<16xi32>, vector<16xi32>], vector<16xf32>,
      %gather3A_4008 = tpu.vector_load_idx %arg37[%iota3A, %broadcast_in_dim3A_4006] : memref<16x128xf32, #tpu.memory_space<vmem>>[vector<16xi32>, vector<16xi32>], vector<16xf32>,
      %mul3A_4009 = arith.constant 16 : i32
      %mul3A_4010 = arith.muli %scan3A_2108, %mul3A_4009 : i32
      %add3A_4011 = arith.constant 10 : i32
      %add3A_4012 = arith.addi %mul3A_4010, %add3A_4011 : i32
      %mul3A_4013 = arith.constant 16 : i32
      %mul3A_4014 = arith.muli %add3A_4012, %mul3A_4013 : i32
      %swap3A_4015 = arith.index_cast %mul3A_4014 : i32 to index
      %swap3A_4016 = tpu.vector_load %arg48[%swap3A_4015] {strides = array<i32>} : memref<8192xf32, #tpu.memory_space<vmem>>, vector<16xf32>,
      tpu.vector_store %arg48[%swap3A_4015], %gather3A_4007 {strides = array<i32>} : memref<8192xf32, #tpu.memory_space<vmem>>, vector<16xf32>,
      %mul3A_4017 = arith.constant 16 : i32
      %mul3A_4018 = arith.muli %scan3A_2108, %mul3A_4017 : i32
      %add3A_4019 = arith.constant 10 : i32
      %add3A_4020 = arith.addi %mul3A_4018, %add3A_4019 : i32
      %mul3A_4021 = arith.constant 16 : i32
      %mul3A_4022 = arith.muli %add3A_4020, %mul3A_4021 : i32
      %swap3A_4023 = arith.index_cast %mul3A_4022 : i32 to index
      %swap3A_4024 = tpu.vector_load %arg49[%swap3A_4023] {strides = array<i32>} : memref<8192xf32, #tpu.memory_space<vmem>>, vector<16xf32>,
      tpu.vector_store %arg49[%swap3A_4023], %gather3A_4008 {strides = array<i32>} : memref<8192xf32, #tpu.memory_space<vmem>>, vector<16xf32>,
      %slice3A_4025 = vector.extract_strided_slice %scan3A_2109 {offsets = [11], sizes = [1], strides = [1]} : vector<16xi32> to vector<1xi32>
      %squeeze3A_4026 = vector.extract %slice3A_4025[0] : i32 from vector<1xi32>
      %jit3A_4027 = arith.constant 128 : i32
      %eq3A_4028 = arith.constant 0 : i32
      %eq3A_4029 = arith.cmpi eq, %jit3A_4027, %eq3A_4028 : i32
      %jit3A_4030 = arith.constant 1 : i32
      %select_n3A_4031 = arith.select %eq3A_4029, %jit3A_4030, %jit3A_4027 : i32
      %rem3A_4032 = arith.remsi %squeeze3A_4026, %select_n3A_4031 : i32
      %ne3A_4033 = arith.constant 0 : i32
      %ne3A_4034 = arith.cmpi ne, %rem3A_4032, %ne3A_4033 : i32
      %lt3A_4035 = arith.constant 0 : i32
      %lt3A_4036 = arith.cmpi slt, %rem3A_4032, %lt3A_4035 : i32
      %lt3A_4037 = arith.constant 0 : i32
      %lt3A_4038 = arith.cmpi slt, %select_n3A_4031, %lt3A_4037 : i32
      %ne3A_4039 = arith.xori %lt3A_4036, %lt3A_4038 : i1
      %and3A_4040 = arith.andi %ne3A_4039, %ne3A_4034 : i1
      %add3A_4041 = arith.addi %rem3A_4032, %select_n3A_4031 : i32
      %select_n3A_4042 = arith.select %and3A_4040, %add3A_4041, %rem3A_4032 : i32
      %broadcast_in_dim3A_4043 = vector.broadcast %select_n3A_4042 : i32 to vector<16xi32>
      %slice3A_4044 = vector.extract_strided_slice %scan3A_2110 {offsets = [11], sizes = [1], strides = [1]} : vector<16xi32> to vector<1xi32>
      %squeeze3A_4045 = vector.extract %slice3A_4044[0] : i32 from vector<1xi32>
      %jit3A_4046 = arith.constant 128 : i32
      %eq3A_4047 = arith.constant 0 : i32
      %eq3A_4048 = arith.cmpi eq, %jit3A_4046, %eq3A_4047 : i32
      %jit3A_4049 = arith.constant 1 : i32
      %select_n3A_4050 = arith.select %eq3A_4048, %jit3A_4049, %jit3A_4046 : i32
      %rem3A_4051 = arith.remsi %squeeze3A_4045, %select_n3A_4050 : i32
      %ne3A_4052 = arith.constant 0 : i32
      %ne3A_4053 = arith.cmpi ne, %rem3A_4051, %ne3A_4052 : i32
      %lt3A_4054 = arith.constant 0 : i32
      %lt3A_4055 = arith.cmpi slt, %rem3A_4051, %lt3A_4054 : i32
      %lt3A_4056 = arith.constant 0 : i32
      %lt3A_4057 = arith.cmpi slt, %select_n3A_4050, %lt3A_4056 : i32
      %ne3A_4058 = arith.xori %lt3A_4055, %lt3A_4057 : i1
      %and3A_4059 = arith.andi %ne3A_4058, %ne3A_4053 : i1
      %add3A_4060 = arith.addi %rem3A_4051, %select_n3A_4050 : i32
      %select_n3A_4061 = arith.select %and3A_4059, %add3A_4060, %rem3A_4051 : i32
      %broadcast_in_dim3A_4062 = vector.broadcast %select_n3A_4061 : i32 to vector<16xi32>
      %gather3A_4063 = tpu.vector_load_idx %arg38[%iota3A, %broadcast_in_dim3A_4043] : memref<16x128xf32, #tpu.memory_space<vmem>>[vector<16xi32>, vector<16xi32>], vector<16xf32>,
      %gather3A_4064 = tpu.vector_load_idx %arg39[%iota3A, %broadcast_in_dim3A_4062] : memref<16x128xf32, #tpu.memory_space<vmem>>[vector<16xi32>, vector<16xi32>], vector<16xf32>,
      %mul3A_4065 = arith.constant 16 : i32
      %mul3A_4066 = arith.muli %scan3A_2108, %mul3A_4065 : i32
      %add3A_4067 = arith.constant 11 : i32
      %add3A_4068 = arith.addi %mul3A_4066, %add3A_4067 : i32
      %mul3A_4069 = arith.constant 16 : i32
      %mul3A_4070 = arith.muli %add3A_4068, %mul3A_4069 : i32
      %swap3A_4071 = arith.index_cast %mul3A_4070 : i32 to index
      %swap3A_4072 = tpu.vector_load %arg48[%swap3A_4071] {strides = array<i32>} : memref<8192xf32, #tpu.memory_space<vmem>>, vector<16xf32>,
      tpu.vector_store %arg48[%swap3A_4071], %gather3A_4063 {strides = array<i32>} : memref<8192xf32, #tpu.memory_space<vmem>>, vector<16xf32>,
      %mul3A_4073 = arith.constant 16 : i32
      %mul3A_4074 = arith.muli %scan3A_2108, %mul3A_4073 : i32
      %add3A_4075 = arith.constant 11 : i32
      %add3A_4076 = arith.addi %mul3A_4074, %add3A_4075 : i32
      %mul3A_4077 = arith.constant 16 : i32
      %mul3A_4078 = arith.muli %add3A_4076, %mul3A_4077 : i32
      %swap3A_4079 = arith.index_cast %mul3A_4078 : i32 to index
      %swap3A_4080 = tpu.vector_load %arg49[%swap3A_4079] {strides = array<i32>} : memref<8192xf32, #tpu.memory_space<vmem>>, vector<16xf32>,
      tpu.vector_store %arg49[%swap3A_4079], %gather3A_4064 {strides = array<i32>} : memref<8192xf32, #tpu.memory_space<vmem>>, vector<16xf32>,
      %slice3A_4081 = vector.extract_strided_slice %scan3A_2109 {offsets = [12], sizes = [1], strides = [1]} : vector<16xi32> to vector<1xi32>
      %squeeze3A_4082 = vector.extract %slice3A_4081[0] : i32 from vector<1xi32>
      %jit3A_4083 = arith.constant 128 : i32
      %eq3A_4084 = arith.constant 0 : i32
      %eq3A_4085 = arith.cmpi eq, %jit3A_4083, %eq3A_4084 : i32
      %jit3A_4086 = arith.constant 1 : i32
      %select_n3A_4087 = arith.select %eq3A_4085, %jit3A_4086, %jit3A_4083 : i32
      %rem3A_4088 = arith.remsi %squeeze3A_4082, %select_n3A_4087 : i32
      %ne3A_4089 = arith.constant 0 : i32
      %ne3A_4090 = arith.cmpi ne, %rem3A_4088, %ne3A_4089 : i32
      %lt3A_4091 = arith.constant 0 : i32
      %lt3A_4092 = arith.cmpi slt, %rem3A_4088, %lt3A_4091 : i32
      %lt3A_4093 = arith.constant 0 : i32
      %lt3A_4094 = arith.cmpi slt, %select_n3A_4087, %lt3A_4093 : i32
      %ne3A_4095 = arith.xori %lt3A_4092, %lt3A_4094 : i1
      %and3A_4096 = arith.andi %ne3A_4095, %ne3A_4090 : i1
      %add3A_4097 = arith.addi %rem3A_4088, %select_n3A_4087 : i32
      %select_n3A_4098 = arith.select %and3A_4096, %add3A_4097, %rem3A_4088 : i32
      %broadcast_in_dim3A_4099 = vector.broadcast %select_n3A_4098 : i32 to vector<16xi32>
      %slice3A_4100 = vector.extract_strided_slice %scan3A_2110 {offsets = [12], sizes = [1], strides = [1]} : vector<16xi32> to vector<1xi32>
      %squeeze3A_4101 = vector.extract %slice3A_4100[0] : i32 from vector<1xi32>
      %jit3A_4102 = arith.constant 128 : i32
      %eq3A_4103 = arith.constant 0 : i32
      %eq3A_4104 = arith.cmpi eq, %jit3A_4102, %eq3A_4103 : i32
      %jit3A_4105 = arith.constant 1 : i32
      %select_n3A_4106 = arith.select %eq3A_4104, %jit3A_4105, %jit3A_4102 : i32
      %rem3A_4107 = arith.remsi %squeeze3A_4101, %select_n3A_4106 : i32
      %ne3A_4108 = arith.constant 0 : i32
      %ne3A_4109 = arith.cmpi ne, %rem3A_4107, %ne3A_4108 : i32
      %lt3A_4110 = arith.constant 0 : i32
      %lt3A_4111 = arith.cmpi slt, %rem3A_4107, %lt3A_4110 : i32
      %lt3A_4112 = arith.constant 0 : i32
      %lt3A_4113 = arith.cmpi slt, %select_n3A_4106, %lt3A_4112 : i32
      %ne3A_4114 = arith.xori %lt3A_4111, %lt3A_4113 : i1
      %and3A_4115 = arith.andi %ne3A_4114, %ne3A_4109 : i1
      %add3A_4116 = arith.addi %rem3A_4107, %select_n3A_4106 : i32
      %select_n3A_4117 = arith.select %and3A_4115, %add3A_4116, %rem3A_4107 : i32
      %broadcast_in_dim3A_4118 = vector.broadcast %select_n3A_4117 : i32 to vector<16xi32>
      %gather3A_4119 = tpu.vector_load_idx %arg40[%iota3A, %broadcast_in_dim3A_4099] : memref<16x128xf32, #tpu.memory_space<vmem>>[vector<16xi32>, vector<16xi32>], vector<16xf32>,
      %gather3A_4120 = tpu.vector_load_idx %arg41[%iota3A, %broadcast_in_dim3A_4118] : memref<16x128xf32, #tpu.memory_space<vmem>>[vector<16xi32>, vector<16xi32>], vector<16xf32>,
      %mul3A_4121 = arith.constant 16 : i32
      %mul3A_4122 = arith.muli %scan3A_2108, %mul3A_4121 : i32
      %add3A_4123 = arith.constant 12 : i32
      %add3A_4124 = arith.addi %mul3A_4122, %add3A_4123 : i32
      %mul3A_4125 = arith.constant 16 : i32
      %mul3A_4126 = arith.muli %add3A_4124, %mul3A_4125 : i32
      %swap3A_4127 = arith.index_cast %mul3A_4126 : i32 to index
      %swap3A_4128 = tpu.vector_load %arg48[%swap3A_4127] {strides = array<i32>} : memref<8192xf32, #tpu.memory_space<vmem>>, vector<16xf32>,
      tpu.vector_store %arg48[%swap3A_4127], %gather3A_4119 {strides = array<i32>} : memref<8192xf32, #tpu.memory_space<vmem>>, vector<16xf32>,
      %mul3A_4129 = arith.constant 16 : i32
      %mul3A_4130 = arith.muli %scan3A_2108, %mul3A_4129 : i32
      %add3A_4131 = arith.constant 12 : i32
      %add3A_4132 = arith.addi %mul3A_4130, %add3A_4131 : i32
      %mul3A_4133 = arith.constant 16 : i32
      %mul3A_4134 = arith.muli %add3A_4132, %mul3A_4133 : i32
      %swap3A_4135 = arith.index_cast %mul3A_4134 : i32 to index
      %swap3A_4136 = tpu.vector_load %arg49[%swap3A_4135] {strides = array<i32>} : memref<8192xf32, #tpu.memory_space<vmem>>, vector<16xf32>,
      tpu.vector_store %arg49[%swap3A_4135], %gather3A_4120 {strides = array<i32>} : memref<8192xf32, #tpu.memory_space<vmem>>, vector<16xf32>,
      %slice3A_4137 = vector.extract_strided_slice %scan3A_2109 {offsets = [13], sizes = [1], strides = [1]} : vector<16xi32> to vector<1xi32>
      %squeeze3A_4138 = vector.extract %slice3A_4137[0] : i32 from vector<1xi32>
      %jit3A_4139 = arith.constant 128 : i32
      %eq3A_4140 = arith.constant 0 : i32
      %eq3A_4141 = arith.cmpi eq, %jit3A_4139, %eq3A_4140 : i32
      %jit3A_4142 = arith.constant 1 : i32
      %select_n3A_4143 = arith.select %eq3A_4141, %jit3A_4142, %jit3A_4139 : i32
      %rem3A_4144 = arith.remsi %squeeze3A_4138, %select_n3A_4143 : i32
      %ne3A_4145 = arith.constant 0 : i32
      %ne3A_4146 = arith.cmpi ne, %rem3A_4144, %ne3A_4145 : i32
      %lt3A_4147 = arith.constant 0 : i32
      %lt3A_4148 = arith.cmpi slt, %rem3A_4144, %lt3A_4147 : i32
      %lt3A_4149 = arith.constant 0 : i32
      %lt3A_4150 = arith.cmpi slt, %select_n3A_4143, %lt3A_4149 : i32
      %ne3A_4151 = arith.xori %lt3A_4148, %lt3A_4150 : i1
      %and3A_4152 = arith.andi %ne3A_4151, %ne3A_4146 : i1
      %add3A_4153 = arith.addi %rem3A_4144, %select_n3A_4143 : i32
      %select_n3A_4154 = arith.select %and3A_4152, %add3A_4153, %rem3A_4144 : i32
      %broadcast_in_dim3A_4155 = vector.broadcast %select_n3A_4154 : i32 to vector<16xi32>
      %slice3A_4156 = vector.extract_strided_slice %scan3A_2110 {offsets = [13], sizes = [1], strides = [1]} : vector<16xi32> to vector<1xi32>
      %squeeze3A_4157 = vector.extract %slice3A_4156[0] : i32 from vector<1xi32>
      %jit3A_4158 = arith.constant 128 : i32
      %eq3A_4159 = arith.constant 0 : i32
      %eq3A_4160 = arith.cmpi eq, %jit3A_4158, %eq3A_4159 : i32
      %jit3A_4161 = arith.constant 1 : i32
      %select_n3A_4162 = arith.select %eq3A_4160, %jit3A_4161, %jit3A_4158 : i32
      %rem3A_4163 = arith.remsi %squeeze3A_4157, %select_n3A_4162 : i32
      %ne3A_4164 = arith.constant 0 : i32
      %ne3A_4165 = arith.cmpi ne, %rem3A_4163, %ne3A_4164 : i32
      %lt3A_4166 = arith.constant 0 : i32
      %lt3A_4167 = arith.cmpi slt, %rem3A_4163, %lt3A_4166 : i32
      %lt3A_4168 = arith.constant 0 : i32
      %lt3A_4169 = arith.cmpi slt, %select_n3A_4162, %lt3A_4168 : i32
      %ne3A_4170 = arith.xori %lt3A_4167, %lt3A_4169 : i1
      %and3A_4171 = arith.andi %ne3A_4170, %ne3A_4165 : i1
      %add3A_4172 = arith.addi %rem3A_4163, %select_n3A_4162 : i32
      %select_n3A_4173 = arith.select %and3A_4171, %add3A_4172, %rem3A_4163 : i32
      %broadcast_in_dim3A_4174 = vector.broadcast %select_n3A_4173 : i32 to vector<16xi32>
      %gather3A_4175 = tpu.vector_load_idx %arg42[%iota3A, %broadcast_in_dim3A_4155] : memref<16x128xf32, #tpu.memory_space<vmem>>[vector<16xi32>, vector<16xi32>], vector<16xf32>,
      %gather3A_4176 = tpu.vector_load_idx %arg43[%iota3A, %broadcast_in_dim3A_4174] : memref<16x128xf32, #tpu.memory_space<vmem>>[vector<16xi32>, vector<16xi32>], vector<16xf32>,
      %mul3A_4177 = arith.constant 16 : i32
      %mul3A_4178 = arith.muli %scan3A_2108, %mul3A_4177 : i32
      %add3A_4179 = arith.constant 13 : i32
      %add3A_4180 = arith.addi %mul3A_4178, %add3A_4179 : i32
      %mul3A_4181 = arith.constant 16 : i32
      %mul3A_4182 = arith.muli %add3A_4180, %mul3A_4181 : i32
      %swap3A_4183 = arith.index_cast %mul3A_4182 : i32 to index
      %swap3A_4184 = tpu.vector_load %arg48[%swap3A_4183] {strides = array<i32>} : memref<8192xf32, #tpu.memory_space<vmem>>, vector<16xf32>,
      tpu.vector_store %arg48[%swap3A_4183], %gather3A_4175 {strides = array<i32>} : memref<8192xf32, #tpu.memory_space<vmem>>, vector<16xf32>,
      %mul3A_4185 = arith.constant 16 : i32
      %mul3A_4186 = arith.muli %scan3A_2108, %mul3A_4185 : i32
      %add3A_4187 = arith.constant 13 : i32
      %add3A_4188 = arith.addi %mul3A_4186, %add3A_4187 : i32
      %mul3A_4189 = arith.constant 16 : i32
      %mul3A_4190 = arith.muli %add3A_4188, %mul3A_4189 : i32
      %swap3A_4191 = arith.index_cast %mul3A_4190 : i32 to index
      %swap3A_4192 = tpu.vector_load %arg49[%swap3A_4191] {strides = array<i32>} : memref<8192xf32, #tpu.memory_space<vmem>>, vector<16xf32>,
      tpu.vector_store %arg49[%swap3A_4191], %gather3A_4176 {strides = array<i32>} : memref<8192xf32, #tpu.memory_space<vmem>>, vector<16xf32>,
      %slice3A_4193 = vector.extract_strided_slice %scan3A_2109 {offsets = [14], sizes = [1], strides = [1]} : vector<16xi32> to vector<1xi32>
      %squeeze3A_4194 = vector.extract %slice3A_4193[0] : i32 from vector<1xi32>
      %jit3A_4195 = arith.constant 128 : i32
      %eq3A_4196 = arith.constant 0 : i32
      %eq3A_4197 = arith.cmpi eq, %jit3A_4195, %eq3A_4196 : i32
      %jit3A_4198 = arith.constant 1 : i32
      %select_n3A_4199 = arith.select %eq3A_4197, %jit3A_4198, %jit3A_4195 : i32
      %rem3A_4200 = arith.remsi %squeeze3A_4194, %select_n3A_4199 : i32
      %ne3A_4201 = arith.constant 0 : i32
      %ne3A_4202 = arith.cmpi ne, %rem3A_4200, %ne3A_4201 : i32
      %lt3A_4203 = arith.constant 0 : i32
      %lt3A_4204 = arith.cmpi slt, %rem3A_4200, %lt3A_4203 : i32
      %lt3A_4205 = arith.constant 0 : i32
      %lt3A_4206 = arith.cmpi slt, %select_n3A_4199, %lt3A_4205 : i32
      %ne3A_4207 = arith.xori %lt3A_4204, %lt3A_4206 : i1
      %and3A_4208 = arith.andi %ne3A_4207, %ne3A_4202 : i1
      %add3A_4209 = arith.addi %rem3A_4200, %select_n3A_4199 : i32
      %select_n3A_4210 = arith.select %and3A_4208, %add3A_4209, %rem3A_4200 : i32
      %broadcast_in_dim3A_4211 = vector.broadcast %select_n3A_4210 : i32 to vector<16xi32>
      %slice3A_4212 = vector.extract_strided_slice %scan3A_2110 {offsets = [14], sizes = [1], strides = [1]} : vector<16xi32> to vector<1xi32>
      %squeeze3A_4213 = vector.extract %slice3A_4212[0] : i32 from vector<1xi32>
      %jit3A_4214 = arith.constant 128 : i32
      %eq3A_4215 = arith.constant 0 : i32
      %eq3A_4216 = arith.cmpi eq, %jit3A_4214, %eq3A_4215 : i32
      %jit3A_4217 = arith.constant 1 : i32
      %select_n3A_4218 = arith.select %eq3A_4216, %jit3A_4217, %jit3A_4214 : i32
      %rem3A_4219 = arith.remsi %squeeze3A_4213, %select_n3A_4218 : i32
      %ne3A_4220 = arith.constant 0 : i32
      %ne3A_4221 = arith.cmpi ne, %rem3A_4219, %ne3A_4220 : i32
      %lt3A_4222 = arith.constant 0 : i32
      %lt3A_4223 = arith.cmpi slt, %rem3A_4219, %lt3A_4222 : i32
      %lt3A_4224 = arith.constant 0 : i32
      %lt3A_4225 = arith.cmpi slt, %select_n3A_4218, %lt3A_4224 : i32
      %ne3A_4226 = arith.xori %lt3A_4223, %lt3A_4225 : i1
      %and3A_4227 = arith.andi %ne3A_4226, %ne3A_4221 : i1
      %add3A_4228 = arith.addi %rem3A_4219, %select_n3A_4218 : i32
      %select_n3A_4229 = arith.select %and3A_4227, %add3A_4228, %rem3A_4219 : i32
      %broadcast_in_dim3A_4230 = vector.broadcast %select_n3A_4229 : i32 to vector<16xi32>
      %gather3A_4231 = tpu.vector_load_idx %arg44[%iota3A, %broadcast_in_dim3A_4211] : memref<16x128xf32, #tpu.memory_space<vmem>>[vector<16xi32>, vector<16xi32>], vector<16xf32>,
      %gather3A_4232 = tpu.vector_load_idx %arg45[%iota3A, %broadcast_in_dim3A_4230] : memref<16x128xf32, #tpu.memory_space<vmem>>[vector<16xi32>, vector<16xi32>], vector<16xf32>,
      %mul3A_4233 = arith.constant 16 : i32
      %mul3A_4234 = arith.muli %scan3A_2108, %mul3A_4233 : i32
      %add3A_4235 = arith.constant 14 : i32
      %add3A_4236 = arith.addi %mul3A_4234, %add3A_4235 : i32
      %mul3A_4237 = arith.constant 16 : i32
      %mul3A_4238 = arith.muli %add3A_4236, %mul3A_4237 : i32
      %swap3A_4239 = arith.index_cast %mul3A_4238 : i32 to index
      %swap3A_4240 = tpu.vector_load %arg48[%swap3A_4239] {strides = array<i32>} : memref<8192xf32, #tpu.memory_space<vmem>>, vector<16xf32>,
      tpu.vector_store %arg48[%swap3A_4239], %gather3A_4231 {strides = array<i32>} : memref<8192xf32, #tpu.memory_space<vmem>>, vector<16xf32>,
      %mul3A_4241 = arith.constant 16 : i32
      %mul3A_4242 = arith.muli %scan3A_2108, %mul3A_4241 : i32
      %add3A_4243 = arith.constant 14 : i32
      %add3A_4244 = arith.addi %mul3A_4242, %add3A_4243 : i32
      %mul3A_4245 = arith.constant 16 : i32
      %mul3A_4246 = arith.muli %add3A_4244, %mul3A_4245 : i32
      %swap3A_4247 = arith.index_cast %mul3A_4246 : i32 to index
      %swap3A_4248 = tpu.vector_load %arg49[%swap3A_4247] {strides = array<i32>} : memref<8192xf32, #tpu.memory_space<vmem>>, vector<16xf32>,
      tpu.vector_store %arg49[%swap3A_4247], %gather3A_4232 {strides = array<i32>} : memref<8192xf32, #tpu.memory_space<vmem>>, vector<16xf32>,
      %slice3A_4249 = vector.extract_strided_slice %scan3A_2109 {offsets = [15], sizes = [1], strides = [1]} : vector<16xi32> to vector<1xi32>
      %squeeze3A_4250 = vector.extract %slice3A_4249[0] : i32 from vector<1xi32>
      %jit3A_4251 = arith.constant 128 : i32
      %eq3A_4252 = arith.constant 0 : i32
      %eq3A_4253 = arith.cmpi eq, %jit3A_4251, %eq3A_4252 : i32
      %jit3A_4254 = arith.constant 1 : i32
      %select_n3A_4255 = arith.select %eq3A_4253, %jit3A_4254, %jit3A_4251 : i32
      %rem3A_4256 = arith.remsi %squeeze3A_4250, %select_n3A_4255 : i32
      %ne3A_4257 = arith.constant 0 : i32
      %ne3A_4258 = arith.cmpi ne, %rem3A_4256, %ne3A_4257 : i32
      %lt3A_4259 = arith.constant 0 : i32
      %lt3A_4260 = arith.cmpi slt, %rem3A_4256, %lt3A_4259 : i32
      %lt3A_4261 = arith.constant 0 : i32
      %lt3A_4262 = arith.cmpi slt, %select_n3A_4255, %lt3A_4261 : i32
      %ne3A_4263 = arith.xori %lt3A_4260, %lt3A_4262 : i1
      %and3A_4264 = arith.andi %ne3A_4263, %ne3A_4258 : i1
      %add3A_4265 = arith.addi %rem3A_4256, %select_n3A_4255 : i32
      %select_n3A_4266 = arith.select %and3A_4264, %add3A_4265, %rem3A_4256 : i32
      %broadcast_in_dim3A_4267 = vector.broadcast %select_n3A_4266 : i32 to vector<16xi32>
      %slice3A_4268 = vector.extract_strided_slice %scan3A_2110 {offsets = [15], sizes = [1], strides = [1]} : vector<16xi32> to vector<1xi32>
      %squeeze3A_4269 = vector.extract %slice3A_4268[0] : i32 from vector<1xi32>
      %jit3A_4270 = arith.constant 128 : i32
      %eq3A_4271 = arith.constant 0 : i32
      %eq3A_4272 = arith.cmpi eq, %jit3A_4270, %eq3A_4271 : i32
      %jit3A_4273 = arith.constant 1 : i32
      %select_n3A_4274 = arith.select %eq3A_4272, %jit3A_4273, %jit3A_4270 : i32
      %rem3A_4275 = arith.remsi %squeeze3A_4269, %select_n3A_4274 : i32
      %ne3A_4276 = arith.constant 0 : i32
      %ne3A_4277 = arith.cmpi ne, %rem3A_4275, %ne3A_4276 : i32
      %lt3A_4278 = arith.constant 0 : i32
      %lt3A_4279 = arith.cmpi slt, %rem3A_4275, %lt3A_4278 : i32
      %lt3A_4280 = arith.constant 0 : i32
      %lt3A_4281 = arith.cmpi slt, %select_n3A_4274, %lt3A_4280 : i32
      %ne3A_4282 = arith.xori %lt3A_4279, %lt3A_4281 : i1
      %and3A_4283 = arith.andi %ne3A_4282, %ne3A_4277 : i1
      %add3A_4284 = arith.addi %rem3A_4275, %select_n3A_4274 : i32
      %select_n3A_4285 = arith.select %and3A_4283, %add3A_4284, %rem3A_4275 : i32
      %broadcast_in_dim3A_4286 = vector.broadcast %select_n3A_4285 : i32 to vector<16xi32>
      %gather3A_4287 = tpu.vector_load_idx %arg46[%iota3A, %broadcast_in_dim3A_4267] : memref<16x128xf32, #tpu.memory_space<vmem>>[vector<16xi32>, vector<16xi32>], vector<16xf32>,
      %gather3A_4288 = tpu.vector_load_idx %arg47[%iota3A, %broadcast_in_dim3A_4286] : memref<16x128xf32, #tpu.memory_space<vmem>>[vector<16xi32>, vector<16xi32>], vector<16xf32>,
      %mul3A_4289 = arith.constant 16 : i32
      %mul3A_4290 = arith.muli %scan3A_2108, %mul3A_4289 : i32
      %add3A_4291 = arith.constant 15 : i32
      %add3A_4292 = arith.addi %mul3A_4290, %add3A_4291 : i32
      %mul3A_4293 = arith.constant 16 : i32
      %mul3A_4294 = arith.muli %add3A_4292, %mul3A_4293 : i32
      %swap3A_4295 = arith.index_cast %mul3A_4294 : i32 to index
      %swap3A_4296 = tpu.vector_load %arg48[%swap3A_4295] {strides = array<i32>} : memref<8192xf32, #tpu.memory_space<vmem>>, vector<16xf32>,
      tpu.vector_store %arg48[%swap3A_4295], %gather3A_4287 {strides = array<i32>} : memref<8192xf32, #tpu.memory_space<vmem>>, vector<16xf32>,
      %mul3A_4297 = arith.constant 16 : i32
      %mul3A_4298 = arith.muli %scan3A_2108, %mul3A_4297 : i32
      %add3A_4299 = arith.constant 15 : i32
      %add3A_4300 = arith.addi %mul3A_4298, %add3A_4299 : i32
      %mul3A_4301 = arith.constant 16 : i32
      %mul3A_4302 = arith.muli %add3A_4300, %mul3A_4301 : i32
      %swap3A_4303 = arith.index_cast %mul3A_4302 : i32 to index
      %swap3A_4304 = tpu.vector_load %arg49[%swap3A_4303] {strides = array<i32>} : memref<8192xf32, #tpu.memory_space<vmem>>, vector<16xf32>,
      tpu.vector_store %arg49[%swap3A_4303], %gather3A_4288 {strides = array<i32>} : memref<8192xf32, #tpu.memory_space<vmem>>, vector<16xf32>,
      scf.yield %get3A_3229, %get3A_3232 : vector<16xi32>, vector<16xi32>
    }
    %scan3A_682 = arith.constant 31 : i32
    %slice3A_683 = vector.extract_strided_slice %scan3A_681#0 {offsets = [8], sizes = [1], strides = [1]} : vector<16xi32> to vector<1xi32>
    %squeeze3A_684 = vector.extract %slice3A_683[0] : i32 from vector<1xi32>
    %jit3A_685 = arith.constant 128 : i32
    %div3A_686 = arith.divsi %squeeze3A_684, %jit3A_685 : i32
    %sign3A_687 = arith.constant 0 : i32
    %sign3A_688 = arith.cmpi sgt, %squeeze3A_684, %sign3A_687 : i32
    %sign3A_689 = arith.extui %sign3A_688 : i1 to i32
    %sign3A_690 = arith.constant 0 : i32
    %sign3A_691 = arith.cmpi slt, %squeeze3A_684, %sign3A_690 : i32
    %sign3A_692 = arith.extui %sign3A_691 : i1 to i32
    %sign3A_693 = arith.subi %sign3A_689, %sign3A_692 : i32
    %sign3A_694 = arith.constant 0 : i32
    %sign3A_695 = arith.cmpi sgt, %jit3A_685, %sign3A_694 : i32
    %sign3A_696 = arith.extui %sign3A_695 : i1 to i32
    %sign3A_697 = arith.constant 0 : i32
    %sign3A_698 = arith.cmpi slt, %jit3A_685, %sign3A_697 : i32
    %sign3A_699 = arith.extui %sign3A_698 : i1 to i32
    %sign3A_700 = arith.subi %sign3A_696, %sign3A_699 : i32
    %ne3A_701 = arith.cmpi ne, %sign3A_693, %sign3A_700 : i32
    %rem3A_702 = arith.remsi %squeeze3A_684, %jit3A_685 : i32
    %ne3A_703 = arith.constant 0 : i32
    %ne3A_704 = arith.cmpi ne, %rem3A_702, %ne3A_703 : i32
    %and3A_705 = arith.andi %ne3A_701, %ne3A_704 : i1
    %sub3A_706 = arith.constant 1 : i32
    %sub3A_707 = arith.subi %div3A_686, %sub3A_706 : i32
    %select_n3A_708 = arith.select %and3A_705, %sub3A_707, %div3A_686 : i32
    %mul3A_709 = arith.constant 128 : i32
    %mul3A_710 = arith.muli %select_n3A_708, %mul3A_709 : i32
    %multiple_of3A_711 = tpu.assume_multiple %mul3A_710, 128 : i32
    %slice3A_712 = vector.extract_strided_slice %scan3A_681#1 {offsets = [8], sizes = [1], strides = [1]} : vector<16xi32> to vector<1xi32>
    %squeeze3A_713 = vector.extract %slice3A_712[0] : i32 from vector<1xi32>
    %jit3A_714 = arith.constant 128 : i32
    %div3A_715 = arith.divsi %squeeze3A_713, %jit3A_714 : i32
    %sign3A_716 = arith.constant 0 : i32
    %sign3A_717 = arith.cmpi sgt, %squeeze3A_713, %sign3A_716 : i32
    %sign3A_718 = arith.extui %sign3A_717 : i1 to i32
    %sign3A_719 = arith.constant 0 : i32
    %sign3A_720 = arith.cmpi slt, %squeeze3A_713, %sign3A_719 : i32
    %sign3A_721 = arith.extui %sign3A_720 : i1 to i32
    %sign3A_722 = arith.subi %sign3A_718, %sign3A_721 : i32
    %sign3A_723 = arith.constant 0 : i32
    %sign3A_724 = arith.cmpi sgt, %jit3A_714, %sign3A_723 : i32
    %sign3A_725 = arith.extui %sign3A_724 : i1 to i32
    %sign3A_726 = arith.constant 0 : i32
    %sign3A_727 = arith.cmpi slt, %jit3A_714, %sign3A_726 : i32
    %sign3A_728 = arith.extui %sign3A_727 : i1 to i32
    %sign3A_729 = arith.subi %sign3A_725, %sign3A_728 : i32
    %ne3A_730 = arith.cmpi ne, %sign3A_722, %sign3A_729 : i32
    %rem3A_731 = arith.remsi %squeeze3A_713, %jit3A_714 : i32
    %ne3A_732 = arith.constant 0 : i32
    %ne3A_733 = arith.cmpi ne, %rem3A_731, %ne3A_732 : i32
    %and3A_734 = arith.andi %ne3A_730, %ne3A_733 : i1
    %sub3A_735 = arith.constant 1 : i32
    %sub3A_736 = arith.subi %div3A_715, %sub3A_735 : i32
    %select_n3A_737 = arith.select %and3A_734, %sub3A_736, %div3A_715 : i32
    %mul3A_738 = arith.constant 128 : i32
    %mul3A_739 = arith.muli %select_n3A_737, %mul3A_738 : i32
    %multiple_of3A_740 = tpu.assume_multiple %mul3A_739, 128 : i32
    %dma_start3A_741 = arith.constant 0 : i32
    %dma_start3A_742 = tpu.memref_slice %arg4[%dma_start3A_741, %multiple_of3A_711] : memref<16x1000000xf32, #tpu.memory_space<hbm>> -> memref<16x128xf32, #tpu.memory_space<hbm>>
    %dma_start3A_743 = arith.constant 0 : i32
    %dma_start3A_744 = tpu.memref_slice %arg4[%dma_start3A_743, %multiple_of3A_711] : memref<16x1000000xf32, #tpu.memory_space<hbm>> -> memref<16x128xf32, #tpu.memory_space<hbm>>
    tpu.enqueue_dma source(%dma_start3A_744 : memref<16x128xf32, #tpu.memory_space<hbm>>) target(%arg32 : memref<16x128xf32, #tpu.memory_space<vmem>>) target_semaphore(%arg51 : memref<!tpu.dma_semaphore, #tpu.memory_space<semaphore_mem>>)
    %dma_start3A_745 = arith.constant 0 : i32
    %dma_start3A_746 = tpu.memref_slice %arg5[%dma_start3A_745, %multiple_of3A_740] : memref<16x1000000xf32, #tpu.memory_space<hbm>> -> memref<16x128xf32, #tpu.memory_space<hbm>>
    %dma_start3A_747 = arith.constant 0 : i32
    %dma_start3A_748 = tpu.memref_slice %arg5[%dma_start3A_747, %multiple_of3A_740] : memref<16x1000000xf32, #tpu.memory_space<hbm>> -> memref<16x128xf32, #tpu.memory_space<hbm>>
    tpu.enqueue_dma source(%dma_start3A_748 : memref<16x128xf32, #tpu.memory_space<hbm>>) target(%arg33 : memref<16x128xf32, #tpu.memory_space<vmem>>) target_semaphore(%arg51 : memref<!tpu.dma_semaphore, #tpu.memory_space<semaphore_mem>>)
    %slice3A_749 = vector.extract_strided_slice %scan3A_681#0 {offsets = [9], sizes = [1], strides = [1]} : vector<16xi32> to vector<1xi32>
    %squeeze3A_750 = vector.extract %slice3A_749[0] : i32 from vector<1xi32>
    %jit3A_751 = arith.constant 128 : i32
    %div3A_752 = arith.divsi %squeeze3A_750, %jit3A_751 : i32
    %sign3A_753 = arith.constant 0 : i32
    %sign3A_754 = arith.cmpi sgt, %squeeze3A_750, %sign3A_753 : i32
    %sign3A_755 = arith.extui %sign3A_754 : i1 to i32
    %sign3A_756 = arith.constant 0 : i32
    %sign3A_757 = arith.cmpi slt, %squeeze3A_750, %sign3A_756 : i32
    %sign3A_758 = arith.extui %sign3A_757 : i1 to i32
    %sign3A_759 = arith.subi %sign3A_755, %sign3A_758 : i32
    %sign3A_760 = arith.constant 0 : i32
    %sign3A_761 = arith.cmpi sgt, %jit3A_751, %sign3A_760 : i32
    %sign3A_762 = arith.extui %sign3A_761 : i1 to i32
    %sign3A_763 = arith.constant 0 : i32
    %sign3A_764 = arith.cmpi slt, %jit3A_751, %sign3A_763 : i32
    %sign3A_765 = arith.extui %sign3A_764 : i1 to i32
    %sign3A_766 = arith.subi %sign3A_762, %sign3A_765 : i32
    %ne3A_767 = arith.cmpi ne, %sign3A_759, %sign3A_766 : i32
    %rem3A_768 = arith.remsi %squeeze3A_750, %jit3A_751 : i32
    %ne3A_769 = arith.constant 0 : i32
    %ne3A_770 = arith.cmpi ne, %rem3A_768, %ne3A_769 : i32
    %and3A_771 = arith.andi %ne3A_767, %ne3A_770 : i1
    %sub3A_772 = arith.constant 1 : i32
    %sub3A_773 = arith.subi %div3A_752, %sub3A_772 : i32
    %select_n3A_774 = arith.select %and3A_771, %sub3A_773, %div3A_752 : i32
    %mul3A_775 = arith.constant 128 : i32
    %mul3A_776 = arith.muli %select_n3A_774, %mul3A_775 : i32
    %multiple_of3A_777 = tpu.assume_multiple %mul3A_776, 128 : i32
    %slice3A_778 = vector.extract_strided_slice %scan3A_681#1 {offsets = [9], sizes = [1], strides = [1]} : vector<16xi32> to vector<1xi32>
    %squeeze3A_779 = vector.extract %slice3A_778[0] : i32 from vector<1xi32>
    %jit3A_780 = arith.constant 128 : i32
    %div3A_781 = arith.divsi %squeeze3A_779, %jit3A_780 : i32
    %sign3A_782 = arith.constant 0 : i32
    %sign3A_783 = arith.cmpi sgt, %squeeze3A_779, %sign3A_782 : i32
    %sign3A_784 = arith.extui %sign3A_783 : i1 to i32
    %sign3A_785 = arith.constant 0 : i32
    %sign3A_786 = arith.cmpi slt, %squeeze3A_779, %sign3A_785 : i32
    %sign3A_787 = arith.extui %sign3A_786 : i1 to i32
    %sign3A_788 = arith.subi %sign3A_784, %sign3A_787 : i32
    %sign3A_789 = arith.constant 0 : i32
    %sign3A_790 = arith.cmpi sgt, %jit3A_780, %sign3A_789 : i32
    %sign3A_791 = arith.extui %sign3A_790 : i1 to i32
    %sign3A_792 = arith.constant 0 : i32
    %sign3A_793 = arith.cmpi slt, %jit3A_780, %sign3A_792 : i32
    %sign3A_794 = arith.extui %sign3A_793 : i1 to i32
    %sign3A_795 = arith.subi %sign3A_791, %sign3A_794 : i32
    %ne3A_796 = arith.cmpi ne, %sign3A_788, %sign3A_795 : i32
    %rem3A_797 = arith.remsi %squeeze3A_779, %jit3A_780 : i32
    %ne3A_798 = arith.constant 0 : i32
    %ne3A_799 = arith.cmpi ne, %rem3A_797, %ne3A_798 : i32
    %and3A_800 = arith.andi %ne3A_796, %ne3A_799 : i1
    %sub3A_801 = arith.constant 1 : i32
    %sub3A_802 = arith.subi %div3A_781, %sub3A_801 : i32
    %select_n3A_803 = arith.select %and3A_800, %sub3A_802, %div3A_781 : i32
    %mul3A_804 = arith.constant 128 : i32
    %mul3A_805 = arith.muli %select_n3A_803, %mul3A_804 : i32
    %multiple_of3A_806 = tpu.assume_multiple %mul3A_805, 128 : i32
    %dma_start3A_807 = arith.constant 0 : i32
    %dma_start3A_808 = tpu.memref_slice %arg4[%dma_start3A_807, %multiple_of3A_777] : memref<16x1000000xf32, #tpu.memory_space<hbm>> -> memref<16x128xf32, #tpu.memory_space<hbm>>
    %dma_start3A_809 = arith.constant 0 : i32
    %dma_start3A_810 = tpu.memref_slice %arg4[%dma_start3A_809, %multiple_of3A_777] : memref<16x1000000xf32, #tpu.memory_space<hbm>> -> memref<16x128xf32, #tpu.memory_space<hbm>>
    tpu.enqueue_dma source(%dma_start3A_810 : memref<16x128xf32, #tpu.memory_space<hbm>>) target(%arg34 : memref<16x128xf32, #tpu.memory_space<vmem>>) target_semaphore(%arg51 : memref<!tpu.dma_semaphore, #tpu.memory_space<semaphore_mem>>)
    %dma_start3A_811 = arith.constant 0 : i32
    %dma_start3A_812 = tpu.memref_slice %arg5[%dma_start3A_811, %multiple_of3A_806] : memref<16x1000000xf32, #tpu.memory_space<hbm>> -> memref<16x128xf32, #tpu.memory_space<hbm>>
    %dma_start3A_813 = arith.constant 0 : i32
    %dma_start3A_814 = tpu.memref_slice %arg5[%dma_start3A_813, %multiple_of3A_806] : memref<16x1000000xf32, #tpu.memory_space<hbm>> -> memref<16x128xf32, #tpu.memory_space<hbm>>
    tpu.enqueue_dma source(%dma_start3A_814 : memref<16x128xf32, #tpu.memory_space<hbm>>) target(%arg35 : memref<16x128xf32, #tpu.memory_space<vmem>>) target_semaphore(%arg51 : memref<!tpu.dma_semaphore, #tpu.memory_space<semaphore_mem>>)
    %slice3A_815 = vector.extract_strided_slice %scan3A_681#0 {offsets = [10], sizes = [1], strides = [1]} : vector<16xi32> to vector<1xi32>
    %squeeze3A_816 = vector.extract %slice3A_815[0] : i32 from vector<1xi32>
    %jit3A_817 = arith.constant 128 : i32
    %div3A_818 = arith.divsi %squeeze3A_816, %jit3A_817 : i32
    %sign3A_819 = arith.constant 0 : i32
    %sign3A_820 = arith.cmpi sgt, %squeeze3A_816, %sign3A_819 : i32
    %sign3A_821 = arith.extui %sign3A_820 : i1 to i32
    %sign3A_822 = arith.constant 0 : i32
    %sign3A_823 = arith.cmpi slt, %squeeze3A_816, %sign3A_822 : i32
    %sign3A_824 = arith.extui %sign3A_823 : i1 to i32
    %sign3A_825 = arith.subi %sign3A_821, %sign3A_824 : i32
    %sign3A_826 = arith.constant 0 : i32
    %sign3A_827 = arith.cmpi sgt, %jit3A_817, %sign3A_826 : i32
    %sign3A_828 = arith.extui %sign3A_827 : i1 to i32
    %sign3A_829 = arith.constant 0 : i32
    %sign3A_830 = arith.cmpi slt, %jit3A_817, %sign3A_829 : i32
    %sign3A_831 = arith.extui %sign3A_830 : i1 to i32
    %sign3A_832 = arith.subi %sign3A_828, %sign3A_831 : i32
    %ne3A_833 = arith.cmpi ne, %sign3A_825, %sign3A_832 : i32
    %rem3A_834 = arith.remsi %squeeze3A_816, %jit3A_817 : i32
    %ne3A_835 = arith.constant 0 : i32
    %ne3A_836 = arith.cmpi ne, %rem3A_834, %ne3A_835 : i32
    %and3A_837 = arith.andi %ne3A_833, %ne3A_836 : i1
    %sub3A_838 = arith.constant 1 : i32
    %sub3A_839 = arith.subi %div3A_818, %sub3A_838 : i32
    %select_n3A_840 = arith.select %and3A_837, %sub3A_839, %div3A_818 : i32
    %mul3A_841 = arith.constant 128 : i32
    %mul3A_842 = arith.muli %select_n3A_840, %mul3A_841 : i32
    %multiple_of3A_843 = tpu.assume_multiple %mul3A_842, 128 : i32
    %slice3A_844 = vector.extract_strided_slice %scan3A_681#1 {offsets = [10], sizes = [1], strides = [1]} : vector<16xi32> to vector<1xi32>
    %squeeze3A_845 = vector.extract %slice3A_844[0] : i32 from vector<1xi32>
    %jit3A_846 = arith.constant 128 : i32
    %div3A_847 = arith.divsi %squeeze3A_845, %jit3A_846 : i32
    %sign3A_848 = arith.constant 0 : i32
    %sign3A_849 = arith.cmpi sgt, %squeeze3A_845, %sign3A_848 : i32
    %sign3A_850 = arith.extui %sign3A_849 : i1 to i32
    %sign3A_851 = arith.constant 0 : i32
    %sign3A_852 = arith.cmpi slt, %squeeze3A_845, %sign3A_851 : i32
    %sign3A_853 = arith.extui %sign3A_852 : i1 to i32
    %sign3A_854 = arith.subi %sign3A_850, %sign3A_853 : i32
    %sign3A_855 = arith.constant 0 : i32
    %sign3A_856 = arith.cmpi sgt, %jit3A_846, %sign3A_855 : i32
    %sign3A_857 = arith.extui %sign3A_856 : i1 to i32
    %sign3A_858 = arith.constant 0 : i32
    %sign3A_859 = arith.cmpi slt, %jit3A_846, %sign3A_858 : i32
    %sign3A_860 = arith.extui %sign3A_859 : i1 to i32
    %sign3A_861 = arith.subi %sign3A_857, %sign3A_860 : i32
    %ne3A_862 = arith.cmpi ne, %sign3A_854, %sign3A_861 : i32
    %rem3A_863 = arith.remsi %squeeze3A_845, %jit3A_846 : i32
    %ne3A_864 = arith.constant 0 : i32
    %ne3A_865 = arith.cmpi ne, %rem3A_863, %ne3A_864 : i32
    %and3A_866 = arith.andi %ne3A_862, %ne3A_865 : i1
    %sub3A_867 = arith.constant 1 : i32
    %sub3A_868 = arith.subi %div3A_847, %sub3A_867 : i32
    %select_n3A_869 = arith.select %and3A_866, %sub3A_868, %div3A_847 : i32
    %mul3A_870 = arith.constant 128 : i32
    %mul3A_871 = arith.muli %select_n3A_869, %mul3A_870 : i32
    %multiple_of3A_872 = tpu.assume_multiple %mul3A_871, 128 : i32
    %dma_start3A_873 = arith.constant 0 : i32
    %dma_start3A_874 = tpu.memref_slice %arg4[%dma_start3A_873, %multiple_of3A_843] : memref<16x1000000xf32, #tpu.memory_space<hbm>> -> memref<16x128xf32, #tpu.memory_space<hbm>>
    %dma_start3A_875 = arith.constant 0 : i32
    %dma_start3A_876 = tpu.memref_slice %arg4[%dma_start3A_875, %multiple_of3A_843] : memref<16x1000000xf32, #tpu.memory_space<hbm>> -> memref<16x128xf32, #tpu.memory_space<hbm>>
    tpu.enqueue_dma source(%dma_start3A_876 : memref<16x128xf32, #tpu.memory_space<hbm>>) target(%arg36 : memref<16x128xf32, #tpu.memory_space<vmem>>) target_semaphore(%arg51 : memref<!tpu.dma_semaphore, #tpu.memory_space<semaphore_mem>>)
    %dma_start3A_877 = arith.constant 0 : i32
    %dma_start3A_878 = tpu.memref_slice %arg5[%dma_start3A_877, %multiple_of3A_872] : memref<16x1000000xf32, #tpu.memory_space<hbm>> -> memref<16x128xf32, #tpu.memory_space<hbm>>
    %dma_start3A_879 = arith.constant 0 : i32
    %dma_start3A_880 = tpu.memref_slice %arg5[%dma_start3A_879, %multiple_of3A_872] : memref<16x1000000xf32, #tpu.memory_space<hbm>> -> memref<16x128xf32, #tpu.memory_space<hbm>>
    tpu.enqueue_dma source(%dma_start3A_880 : memref<16x128xf32, #tpu.memory_space<hbm>>) target(%arg37 : memref<16x128xf32, #tpu.memory_space<vmem>>) target_semaphore(%arg51 : memref<!tpu.dma_semaphore, #tpu.memory_space<semaphore_mem>>)
    %slice3A_881 = vector.extract_strided_slice %scan3A_681#0 {offsets = [11], sizes = [1], strides = [1]} : vector<16xi32> to vector<1xi32>
    %squeeze3A_882 = vector.extract %slice3A_881[0] : i32 from vector<1xi32>
    %jit3A_883 = arith.constant 128 : i32
    %div3A_884 = arith.divsi %squeeze3A_882, %jit3A_883 : i32
    %sign3A_885 = arith.constant 0 : i32
    %sign3A_886 = arith.cmpi sgt, %squeeze3A_882, %sign3A_885 : i32
    %sign3A_887 = arith.extui %sign3A_886 : i1 to i32
    %sign3A_888 = arith.constant 0 : i32
    %sign3A_889 = arith.cmpi slt, %squeeze3A_882, %sign3A_888 : i32
    %sign3A_890 = arith.extui %sign3A_889 : i1 to i32
    %sign3A_891 = arith.subi %sign3A_887, %sign3A_890 : i32
    %sign3A_892 = arith.constant 0 : i32
    %sign3A_893 = arith.cmpi sgt, %jit3A_883, %sign3A_892 : i32
    %sign3A_894 = arith.extui %sign3A_893 : i1 to i32
    %sign3A_895 = arith.constant 0 : i32
    %sign3A_896 = arith.cmpi slt, %jit3A_883, %sign3A_895 : i32
    %sign3A_897 = arith.extui %sign3A_896 : i1 to i32
    %sign3A_898 = arith.subi %sign3A_894, %sign3A_897 : i32
    %ne3A_899 = arith.cmpi ne, %sign3A_891, %sign3A_898 : i32
    %rem3A_900 = arith.remsi %squeeze3A_882, %jit3A_883 : i32
    %ne3A_901 = arith.constant 0 : i32
    %ne3A_902 = arith.cmpi ne, %rem3A_900, %ne3A_901 : i32
    %and3A_903 = arith.andi %ne3A_899, %ne3A_902 : i1
    %sub3A_904 = arith.constant 1 : i32
    %sub3A_905 = arith.subi %div3A_884, %sub3A_904 : i32
    %select_n3A_906 = arith.select %and3A_903, %sub3A_905, %div3A_884 : i32
    %mul3A_907 = arith.constant 128 : i32
    %mul3A_908 = arith.muli %select_n3A_906, %mul3A_907 : i32
    %multiple_of3A_909 = tpu.assume_multiple %mul3A_908, 128 : i32
    %slice3A_910 = vector.extract_strided_slice %scan3A_681#1 {offsets = [11], sizes = [1], strides = [1]} : vector<16xi32> to vector<1xi32>
    %squeeze3A_911 = vector.extract %slice3A_910[0] : i32 from vector<1xi32>
    %jit3A_912 = arith.constant 128 : i32
    %div3A_913 = arith.divsi %squeeze3A_911, %jit3A_912 : i32
    %sign3A_914 = arith.constant 0 : i32
    %sign3A_915 = arith.cmpi sgt, %squeeze3A_911, %sign3A_914 : i32
    %sign3A_916 = arith.extui %sign3A_915 : i1 to i32
    %sign3A_917 = arith.constant 0 : i32
    %sign3A_918 = arith.cmpi slt, %squeeze3A_911, %sign3A_917 : i32
    %sign3A_919 = arith.extui %sign3A_918 : i1 to i32
    %sign3A_920 = arith.subi %sign3A_916, %sign3A_919 : i32
    %sign3A_921 = arith.constant 0 : i32
    %sign3A_922 = arith.cmpi sgt, %jit3A_912, %sign3A_921 : i32
    %sign3A_923 = arith.extui %sign3A_922 : i1 to i32
    %sign3A_924 = arith.constant 0 : i32
    %sign3A_925 = arith.cmpi slt, %jit3A_912, %sign3A_924 : i32
    %sign3A_926 = arith.extui %sign3A_925 : i1 to i32
    %sign3A_927 = arith.subi %sign3A_923, %sign3A_926 : i32
    %ne3A_928 = arith.cmpi ne, %sign3A_920, %sign3A_927 : i32
    %rem3A_929 = arith.remsi %squeeze3A_911, %jit3A_912 : i32
    %ne3A_930 = arith.constant 0 : i32
    %ne3A_931 = arith.cmpi ne, %rem3A_929, %ne3A_930 : i32
    %and3A_932 = arith.andi %ne3A_928, %ne3A_931 : i1
    %sub3A_933 = arith.constant 1 : i32
    %sub3A_934 = arith.subi %div3A_913, %sub3A_933 : i32
    %select_n3A_935 = arith.select %and3A_932, %sub3A_934, %div3A_913 : i32
    %mul3A_936 = arith.constant 128 : i32
    %mul3A_937 = arith.muli %select_n3A_935, %mul3A_936 : i32
    %multiple_of3A_938 = tpu.assume_multiple %mul3A_937, 128 : i32
    %dma_start3A_939 = arith.constant 0 : i32
    %dma_start3A_940 = tpu.memref_slice %arg4[%dma_start3A_939, %multiple_of3A_909] : memref<16x1000000xf32, #tpu.memory_space<hbm>> -> memref<16x128xf32, #tpu.memory_space<hbm>>
    %dma_start3A_941 = arith.constant 0 : i32
    %dma_start3A_942 = tpu.memref_slice %arg4[%dma_start3A_941, %multiple_of3A_909] : memref<16x1000000xf32, #tpu.memory_space<hbm>> -> memref<16x128xf32, #tpu.memory_space<hbm>>
    tpu.enqueue_dma source(%dma_start3A_942 : memref<16x128xf32, #tpu.memory_space<hbm>>) target(%arg38 : memref<16x128xf32, #tpu.memory_space<vmem>>) target_semaphore(%arg51 : memref<!tpu.dma_semaphore, #tpu.memory_space<semaphore_mem>>)
    %dma_start3A_943 = arith.constant 0 : i32
    %dma_start3A_944 = tpu.memref_slice %arg5[%dma_start3A_943, %multiple_of3A_938] : memref<16x1000000xf32, #tpu.memory_space<hbm>> -> memref<16x128xf32, #tpu.memory_space<hbm>>
    %dma_start3A_945 = arith.constant 0 : i32
    %dma_start3A_946 = tpu.memref_slice %arg5[%dma_start3A_945, %multiple_of3A_938] : memref<16x1000000xf32, #tpu.memory_space<hbm>> -> memref<16x128xf32, #tpu.memory_space<hbm>>
    tpu.enqueue_dma source(%dma_start3A_946 : memref<16x128xf32, #tpu.memory_space<hbm>>) target(%arg39 : memref<16x128xf32, #tpu.memory_space<vmem>>) target_semaphore(%arg51 : memref<!tpu.dma_semaphore, #tpu.memory_space<semaphore_mem>>)
    %slice3A_947 = vector.extract_strided_slice %scan3A_681#0 {offsets = [12], sizes = [1], strides = [1]} : vector<16xi32> to vector<1xi32>
    %squeeze3A_948 = vector.extract %slice3A_947[0] : i32 from vector<1xi32>
    %jit3A_949 = arith.constant 128 : i32
    %div3A_950 = arith.divsi %squeeze3A_948, %jit3A_949 : i32
    %sign3A_951 = arith.constant 0 : i32
    %sign3A_952 = arith.cmpi sgt, %squeeze3A_948, %sign3A_951 : i32
    %sign3A_953 = arith.extui %sign3A_952 : i1 to i32
    %sign3A_954 = arith.constant 0 : i32
    %sign3A_955 = arith.cmpi slt, %squeeze3A_948, %sign3A_954 : i32
    %sign3A_956 = arith.extui %sign3A_955 : i1 to i32
    %sign3A_957 = arith.subi %sign3A_953, %sign3A_956 : i32
    %sign3A_958 = arith.constant 0 : i32
    %sign3A_959 = arith.cmpi sgt, %jit3A_949, %sign3A_958 : i32
    %sign3A_960 = arith.extui %sign3A_959 : i1 to i32
    %sign3A_961 = arith.constant 0 : i32
    %sign3A_962 = arith.cmpi slt, %jit3A_949, %sign3A_961 : i32
    %sign3A_963 = arith.extui %sign3A_962 : i1 to i32
    %sign3A_964 = arith.subi %sign3A_960, %sign3A_963 : i32
    %ne3A_965 = arith.cmpi ne, %sign3A_957, %sign3A_964 : i32
    %rem3A_966 = arith.remsi %squeeze3A_948, %jit3A_949 : i32
    %ne3A_967 = arith.constant 0 : i32
    %ne3A_968 = arith.cmpi ne, %rem3A_966, %ne3A_967 : i32
    %and3A_969 = arith.andi %ne3A_965, %ne3A_968 : i1
    %sub3A_970 = arith.constant 1 : i32
    %sub3A_971 = arith.subi %div3A_950, %sub3A_970 : i32
    %select_n3A_972 = arith.select %and3A_969, %sub3A_971, %div3A_950 : i32
    %mul3A_973 = arith.constant 128 : i32
    %mul3A_974 = arith.muli %select_n3A_972, %mul3A_973 : i32
    %multiple_of3A_975 = tpu.assume_multiple %mul3A_974, 128 : i32
    %slice3A_976 = vector.extract_strided_slice %scan3A_681#1 {offsets = [12], sizes = [1], strides = [1]} : vector<16xi32> to vector<1xi32>
    %squeeze3A_977 = vector.extract %slice3A_976[0] : i32 from vector<1xi32>
    %jit3A_978 = arith.constant 128 : i32
    %div3A_979 = arith.divsi %squeeze3A_977, %jit3A_978 : i32
    %sign3A_980 = arith.constant 0 : i32
    %sign3A_981 = arith.cmpi sgt, %squeeze3A_977, %sign3A_980 : i32
    %sign3A_982 = arith.extui %sign3A_981 : i1 to i32
    %sign3A_983 = arith.constant 0 : i32
    %sign3A_984 = arith.cmpi slt, %squeeze3A_977, %sign3A_983 : i32
    %sign3A_985 = arith.extui %sign3A_984 : i1 to i32
    %sign3A_986 = arith.subi %sign3A_982, %sign3A_985 : i32
    %sign3A_987 = arith.constant 0 : i32
    %sign3A_988 = arith.cmpi sgt, %jit3A_978, %sign3A_987 : i32
    %sign3A_989 = arith.extui %sign3A_988 : i1 to i32
    %sign3A_990 = arith.constant 0 : i32
    %sign3A_991 = arith.cmpi slt, %jit3A_978, %sign3A_990 : i32
    %sign3A_992 = arith.extui %sign3A_991 : i1 to i32
    %sign3A_993 = arith.subi %sign3A_989, %sign3A_992 : i32
    %ne3A_994 = arith.cmpi ne, %sign3A_986, %sign3A_993 : i32
    %rem3A_995 = arith.remsi %squeeze3A_977, %jit3A_978 : i32
    %ne3A_996 = arith.constant 0 : i32
    %ne3A_997 = arith.cmpi ne, %rem3A_995, %ne3A_996 : i32
    %and3A_998 = arith.andi %ne3A_994, %ne3A_997 : i1
    %sub3A_999 = arith.constant 1 : i32
    %sub3A_1000 = arith.subi %div3A_979, %sub3A_999 : i32
    %select_n3A_1001 = arith.select %and3A_998, %sub3A_1000, %div3A_979 : i32
    %mul3A_1002 = arith.constant 128 : i32
    %mul3A_1003 = arith.muli %select_n3A_1001, %mul3A_1002 : i32
    %multiple_of3A_1004 = tpu.assume_multiple %mul3A_1003, 128 : i32
    %dma_start3A_1005 = arith.constant 0 : i32
    %dma_start3A_1006 = tpu.memref_slice %arg4[%dma_start3A_1005, %multiple_of3A_975] : memref<16x1000000xf32, #tpu.memory_space<hbm>> -> memref<16x128xf32, #tpu.memory_space<hbm>>
    %dma_start3A_1007 = arith.constant 0 : i32
    %dma_start3A_1008 = tpu.memref_slice %arg4[%dma_start3A_1007, %multiple_of3A_975] : memref<16x1000000xf32, #tpu.memory_space<hbm>> -> memref<16x128xf32, #tpu.memory_space<hbm>>
    tpu.enqueue_dma source(%dma_start3A_1008 : memref<16x128xf32, #tpu.memory_space<hbm>>) target(%arg40 : memref<16x128xf32, #tpu.memory_space<vmem>>) target_semaphore(%arg51 : memref<!tpu.dma_semaphore, #tpu.memory_space<semaphore_mem>>)
    %dma_start3A_1009 = arith.constant 0 : i32
    %dma_start3A_1010 = tpu.memref_slice %arg5[%dma_start3A_1009, %multiple_of3A_1004] : memref<16x1000000xf32, #tpu.memory_space<hbm>> -> memref<16x128xf32, #tpu.memory_space<hbm>>
    %dma_start3A_1011 = arith.constant 0 : i32
    %dma_start3A_1012 = tpu.memref_slice %arg5[%dma_start3A_1011, %multiple_of3A_1004] : memref<16x1000000xf32, #tpu.memory_space<hbm>> -> memref<16x128xf32, #tpu.memory_space<hbm>>
    tpu.enqueue_dma source(%dma_start3A_1012 : memref<16x128xf32, #tpu.memory_space<hbm>>) target(%arg41 : memref<16x128xf32, #tpu.memory_space<vmem>>) target_semaphore(%arg51 : memref<!tpu.dma_semaphore, #tpu.memory_space<semaphore_mem>>)
    %slice3A_1013 = vector.extract_strided_slice %scan3A_681#0 {offsets = [13], sizes = [1], strides = [1]} : vector<16xi32> to vector<1xi32>
    %squeeze3A_1014 = vector.extract %slice3A_1013[0] : i32 from vector<1xi32>
    %jit3A_1015 = arith.constant 128 : i32
    %div3A_1016 = arith.divsi %squeeze3A_1014, %jit3A_1015 : i32
    %sign3A_1017 = arith.constant 0 : i32
    %sign3A_1018 = arith.cmpi sgt, %squeeze3A_1014, %sign3A_1017 : i32
    %sign3A_1019 = arith.extui %sign3A_1018 : i1 to i32
    %sign3A_1020 = arith.constant 0 : i32
    %sign3A_1021 = arith.cmpi slt, %squeeze3A_1014, %sign3A_1020 : i32
    %sign3A_1022 = arith.extui %sign3A_1021 : i1 to i32
    %sign3A_1023 = arith.subi %sign3A_1019, %sign3A_1022 : i32
    %sign3A_1024 = arith.constant 0 : i32
    %sign3A_1025 = arith.cmpi sgt, %jit3A_1015, %sign3A_1024 : i32
    %sign3A_1026 = arith.extui %sign3A_1025 : i1 to i32
    %sign3A_1027 = arith.constant 0 : i32
    %sign3A_1028 = arith.cmpi slt, %jit3A_1015, %sign3A_1027 : i32
    %sign3A_1029 = arith.extui %sign3A_1028 : i1 to i32
    %sign3A_1030 = arith.subi %sign3A_1026, %sign3A_1029 : i32
    %ne3A_1031 = arith.cmpi ne, %sign3A_1023, %sign3A_1030 : i32
    %rem3A_1032 = arith.remsi %squeeze3A_1014, %jit3A_1015 : i32
    %ne3A_1033 = arith.constant 0 : i32
    %ne3A_1034 = arith.cmpi ne, %rem3A_1032, %ne3A_1033 : i32
    %and3A_1035 = arith.andi %ne3A_1031, %ne3A_1034 : i1
    %sub3A_1036 = arith.constant 1 : i32
    %sub3A_1037 = arith.subi %div3A_1016, %sub3A_1036 : i32
    %select_n3A_1038 = arith.select %and3A_1035, %sub3A_1037, %div3A_1016 : i32
    %mul3A_1039 = arith.constant 128 : i32
    %mul3A_1040 = arith.muli %select_n3A_1038, %mul3A_1039 : i32
    %multiple_of3A_1041 = tpu.assume_multiple %mul3A_1040, 128 : i32
    %slice3A_1042 = vector.extract_strided_slice %scan3A_681#1 {offsets = [13], sizes = [1], strides = [1]} : vector<16xi32> to vector<1xi32>
    %squeeze3A_1043 = vector.extract %slice3A_1042[0] : i32 from vector<1xi32>
    %jit3A_1044 = arith.constant 128 : i32
    %div3A_1045 = arith.divsi %squeeze3A_1043, %jit3A_1044 : i32
    %sign3A_1046 = arith.constant 0 : i32
    %sign3A_1047 = arith.cmpi sgt, %squeeze3A_1043, %sign3A_1046 : i32
    %sign3A_1048 = arith.extui %sign3A_1047 : i1 to i32
    %sign3A_1049 = arith.constant 0 : i32
    %sign3A_1050 = arith.cmpi slt, %squeeze3A_1043, %sign3A_1049 : i32
    %sign3A_1051 = arith.extui %sign3A_1050 : i1 to i32
    %sign3A_1052 = arith.subi %sign3A_1048, %sign3A_1051 : i32
    %sign3A_1053 = arith.constant 0 : i32
    %sign3A_1054 = arith.cmpi sgt, %jit3A_1044, %sign3A_1053 : i32
    %sign3A_1055 = arith.extui %sign3A_1054 : i1 to i32
    %sign3A_1056 = arith.constant 0 : i32
    %sign3A_1057 = arith.cmpi slt, %jit3A_1044, %sign3A_1056 : i32
    %sign3A_1058 = arith.extui %sign3A_1057 : i1 to i32
    %sign3A_1059 = arith.subi %sign3A_1055, %sign3A_1058 : i32
    %ne3A_1060 = arith.cmpi ne, %sign3A_1052, %sign3A_1059 : i32
    %rem3A_1061 = arith.remsi %squeeze3A_1043, %jit3A_1044 : i32
    %ne3A_1062 = arith.constant 0 : i32
    %ne3A_1063 = arith.cmpi ne, %rem3A_1061, %ne3A_1062 : i32
    %and3A_1064 = arith.andi %ne3A_1060, %ne3A_1063 : i1
    %sub3A_1065 = arith.constant 1 : i32
    %sub3A_1066 = arith.subi %div3A_1045, %sub3A_1065 : i32
    %select_n3A_1067 = arith.select %and3A_1064, %sub3A_1066, %div3A_1045 : i32
    %mul3A_1068 = arith.constant 128 : i32
    %mul3A_1069 = arith.muli %select_n3A_1067, %mul3A_1068 : i32
    %multiple_of3A_1070 = tpu.assume_multiple %mul3A_1069, 128 : i32
    %dma_start3A_1071 = arith.constant 0 : i32
    %dma_start3A_1072 = tpu.memref_slice %arg4[%dma_start3A_1071, %multiple_of3A_1041] : memref<16x1000000xf32, #tpu.memory_space<hbm>> -> memref<16x128xf32, #tpu.memory_space<hbm>>
    %dma_start3A_1073 = arith.constant 0 : i32
    %dma_start3A_1074 = tpu.memref_slice %arg4[%dma_start3A_1073, %multiple_of3A_1041] : memref<16x1000000xf32, #tpu.memory_space<hbm>> -> memref<16x128xf32, #tpu.memory_space<hbm>>
    tpu.enqueue_dma source(%dma_start3A_1074 : memref<16x128xf32, #tpu.memory_space<hbm>>) target(%arg42 : memref<16x128xf32, #tpu.memory_space<vmem>>) target_semaphore(%arg51 : memref<!tpu.dma_semaphore, #tpu.memory_space<semaphore_mem>>)
    %dma_start3A_1075 = arith.constant 0 : i32
    %dma_start3A_1076 = tpu.memref_slice %arg5[%dma_start3A_1075, %multiple_of3A_1070] : memref<16x1000000xf32, #tpu.memory_space<hbm>> -> memref<16x128xf32, #tpu.memory_space<hbm>>
    %dma_start3A_1077 = arith.constant 0 : i32
    %dma_start3A_1078 = tpu.memref_slice %arg5[%dma_start3A_1077, %multiple_of3A_1070] : memref<16x1000000xf32, #tpu.memory_space<hbm>> -> memref<16x128xf32, #tpu.memory_space<hbm>>
    tpu.enqueue_dma source(%dma_start3A_1078 : memref<16x128xf32, #tpu.memory_space<hbm>>) target(%arg43 : memref<16x128xf32, #tpu.memory_space<vmem>>) target_semaphore(%arg51 : memref<!tpu.dma_semaphore, #tpu.memory_space<semaphore_mem>>)
    %slice3A_1079 = vector.extract_strided_slice %scan3A_681#0 {offsets = [14], sizes = [1], strides = [1]} : vector<16xi32> to vector<1xi32>
    %squeeze3A_1080 = vector.extract %slice3A_1079[0] : i32 from vector<1xi32>
    %jit3A_1081 = arith.constant 128 : i32
    %div3A_1082 = arith.divsi %squeeze3A_1080, %jit3A_1081 : i32
    %sign3A_1083 = arith.constant 0 : i32
    %sign3A_1084 = arith.cmpi sgt, %squeeze3A_1080, %sign3A_1083 : i32
    %sign3A_1085 = arith.extui %sign3A_1084 : i1 to i32
    %sign3A_1086 = arith.constant 0 : i32
    %sign3A_1087 = arith.cmpi slt, %squeeze3A_1080, %sign3A_1086 : i32
    %sign3A_1088 = arith.extui %sign3A_1087 : i1 to i32
    %sign3A_1089 = arith.subi %sign3A_1085, %sign3A_1088 : i32
    %sign3A_1090 = arith.constant 0 : i32
    %sign3A_1091 = arith.cmpi sgt, %jit3A_1081, %sign3A_1090 : i32
    %sign3A_1092 = arith.extui %sign3A_1091 : i1 to i32
    %sign3A_1093 = arith.constant 0 : i32
    %sign3A_1094 = arith.cmpi slt, %jit3A_1081, %sign3A_1093 : i32
    %sign3A_1095 = arith.extui %sign3A_1094 : i1 to i32
    %sign3A_1096 = arith.subi %sign3A_1092, %sign3A_1095 : i32
    %ne3A_1097 = arith.cmpi ne, %sign3A_1089, %sign3A_1096 : i32
    %rem3A_1098 = arith.remsi %squeeze3A_1080, %jit3A_1081 : i32
    %ne3A_1099 = arith.constant 0 : i32
    %ne3A_1100 = arith.cmpi ne, %rem3A_1098, %ne3A_1099 : i32
    %and3A_1101 = arith.andi %ne3A_1097, %ne3A_1100 : i1
    %sub3A_1102 = arith.constant 1 : i32
    %sub3A_1103 = arith.subi %div3A_1082, %sub3A_1102 : i32
    %select_n3A_1104 = arith.select %and3A_1101, %sub3A_1103, %div3A_1082 : i32
    %mul3A_1105 = arith.constant 128 : i32
    %mul3A_1106 = arith.muli %select_n3A_1104, %mul3A_1105 : i32
    %multiple_of3A_1107 = tpu.assume_multiple %mul3A_1106, 128 : i32
    %slice3A_1108 = vector.extract_strided_slice %scan3A_681#1 {offsets = [14], sizes = [1], strides = [1]} : vector<16xi32> to vector<1xi32>
    %squeeze3A_1109 = vector.extract %slice3A_1108[0] : i32 from vector<1xi32>
    %jit3A_1110 = arith.constant 128 : i32
    %div3A_1111 = arith.divsi %squeeze3A_1109, %jit3A_1110 : i32
    %sign3A_1112 = arith.constant 0 : i32
    %sign3A_1113 = arith.cmpi sgt, %squeeze3A_1109, %sign3A_1112 : i32
    %sign3A_1114 = arith.extui %sign3A_1113 : i1 to i32
    %sign3A_1115 = arith.constant 0 : i32
    %sign3A_1116 = arith.cmpi slt, %squeeze3A_1109, %sign3A_1115 : i32
    %sign3A_1117 = arith.extui %sign3A_1116 : i1 to i32
    %sign3A_1118 = arith.subi %sign3A_1114, %sign3A_1117 : i32
    %sign3A_1119 = arith.constant 0 : i32
    %sign3A_1120 = arith.cmpi sgt, %jit3A_1110, %sign3A_1119 : i32
    %sign3A_1121 = arith.extui %sign3A_1120 : i1 to i32
    %sign3A_1122 = arith.constant 0 : i32
    %sign3A_1123 = arith.cmpi slt, %jit3A_1110, %sign3A_1122 : i32
    %sign3A_1124 = arith.extui %sign3A_1123 : i1 to i32
    %sign3A_1125 = arith.subi %sign3A_1121, %sign3A_1124 : i32
    %ne3A_1126 = arith.cmpi ne, %sign3A_1118, %sign3A_1125 : i32
    %rem3A_1127 = arith.remsi %squeeze3A_1109, %jit3A_1110 : i32
    %ne3A_1128 = arith.constant 0 : i32
    %ne3A_1129 = arith.cmpi ne, %rem3A_1127, %ne3A_1128 : i32
    %and3A_1130 = arith.andi %ne3A_1126, %ne3A_1129 : i1
    %sub3A_1131 = arith.constant 1 : i32
    %sub3A_1132 = arith.subi %div3A_1111, %sub3A_1131 : i32
    %select_n3A_1133 = arith.select %and3A_1130, %sub3A_1132, %div3A_1111 : i32
    %mul3A_1134 = arith.constant 128 : i32
    %mul3A_1135 = arith.muli %select_n3A_1133, %mul3A_1134 : i32
    %multiple_of3A_1136 = tpu.assume_multiple %mul3A_1135, 128 : i32
    %dma_start3A_1137 = arith.constant 0 : i32
    %dma_start3A_1138 = tpu.memref_slice %arg4[%dma_start3A_1137, %multiple_of3A_1107] : memref<16x1000000xf32, #tpu.memory_space<hbm>> -> memref<16x128xf32, #tpu.memory_space<hbm>>
    %dma_start3A_1139 = arith.constant 0 : i32
    %dma_start3A_1140 = tpu.memref_slice %arg4[%dma_start3A_1139, %multiple_of3A_1107] : memref<16x1000000xf32, #tpu.memory_space<hbm>> -> memref<16x128xf32, #tpu.memory_space<hbm>>
    tpu.enqueue_dma source(%dma_start3A_1140 : memref<16x128xf32, #tpu.memory_space<hbm>>) target(%arg44 : memref<16x128xf32, #tpu.memory_space<vmem>>) target_semaphore(%arg51 : memref<!tpu.dma_semaphore, #tpu.memory_space<semaphore_mem>>)
    %dma_start3A_1141 = arith.constant 0 : i32
    %dma_start3A_1142 = tpu.memref_slice %arg5[%dma_start3A_1141, %multiple_of3A_1136] : memref<16x1000000xf32, #tpu.memory_space<hbm>> -> memref<16x128xf32, #tpu.memory_space<hbm>>
    %dma_start3A_1143 = arith.constant 0 : i32
    %dma_start3A_1144 = tpu.memref_slice %arg5[%dma_start3A_1143, %multiple_of3A_1136] : memref<16x1000000xf32, #tpu.memory_space<hbm>> -> memref<16x128xf32, #tpu.memory_space<hbm>>
    tpu.enqueue_dma source(%dma_start3A_1144 : memref<16x128xf32, #tpu.memory_space<hbm>>) target(%arg45 : memref<16x128xf32, #tpu.memory_space<vmem>>) target_semaphore(%arg51 : memref<!tpu.dma_semaphore, #tpu.memory_space<semaphore_mem>>)
    %slice3A_1145 = vector.extract_strided_slice %scan3A_681#0 {offsets = [15], sizes = [1], strides = [1]} : vector<16xi32> to vector<1xi32>
    %squeeze3A_1146 = vector.extract %slice3A_1145[0] : i32 from vector<1xi32>
    %jit3A_1147 = arith.constant 128 : i32
    %div3A_1148 = arith.divsi %squeeze3A_1146, %jit3A_1147 : i32
    %sign3A_1149 = arith.constant 0 : i32
    %sign3A_1150 = arith.cmpi sgt, %squeeze3A_1146, %sign3A_1149 : i32
    %sign3A_1151 = arith.extui %sign3A_1150 : i1 to i32
    %sign3A_1152 = arith.constant 0 : i32
    %sign3A_1153 = arith.cmpi slt, %squeeze3A_1146, %sign3A_1152 : i32
    %sign3A_1154 = arith.extui %sign3A_1153 : i1 to i32
    %sign3A_1155 = arith.subi %sign3A_1151, %sign3A_1154 : i32
    %sign3A_1156 = arith.constant 0 : i32
    %sign3A_1157 = arith.cmpi sgt, %jit3A_1147, %sign3A_1156 : i32
    %sign3A_1158 = arith.extui %sign3A_1157 : i1 to i32
    %sign3A_1159 = arith.constant 0 : i32
    %sign3A_1160 = arith.cmpi slt, %jit3A_1147, %sign3A_1159 : i32
    %sign3A_1161 = arith.extui %sign3A_1160 : i1 to i32
    %sign3A_1162 = arith.subi %sign3A_1158, %sign3A_1161 : i32
    %ne3A_1163 = arith.cmpi ne, %sign3A_1155, %sign3A_1162 : i32
    %rem3A_1164 = arith.remsi %squeeze3A_1146, %jit3A_1147 : i32
    %ne3A_1165 = arith.constant 0 : i32
    %ne3A_1166 = arith.cmpi ne, %rem3A_1164, %ne3A_1165 : i32
    %and3A_1167 = arith.andi %ne3A_1163, %ne3A_1166 : i1
    %sub3A_1168 = arith.constant 1 : i32
    %sub3A_1169 = arith.subi %div3A_1148, %sub3A_1168 : i32
    %select_n3A_1170 = arith.select %and3A_1167, %sub3A_1169, %div3A_1148 : i32
    %mul3A_1171 = arith.constant 128 : i32
    %mul3A_1172 = arith.muli %select_n3A_1170, %mul3A_1171 : i32
    %multiple_of3A_1173 = tpu.assume_multiple %mul3A_1172, 128 : i32
    %slice3A_1174 = vector.extract_strided_slice %scan3A_681#1 {offsets = [15], sizes = [1], strides = [1]} : vector<16xi32> to vector<1xi32>
    %squeeze3A_1175 = vector.extract %slice3A_1174[0] : i32 from vector<1xi32>
    %jit3A_1176 = arith.constant 128 : i32
    %div3A_1177 = arith.divsi %squeeze3A_1175, %jit3A_1176 : i32
    %sign3A_1178 = arith.constant 0 : i32
    %sign3A_1179 = arith.cmpi sgt, %squeeze3A_1175, %sign3A_1178 : i32
    %sign3A_1180 = arith.extui %sign3A_1179 : i1 to i32
    %sign3A_1181 = arith.constant 0 : i32
    %sign3A_1182 = arith.cmpi slt, %squeeze3A_1175, %sign3A_1181 : i32
    %sign3A_1183 = arith.extui %sign3A_1182 : i1 to i32
    %sign3A_1184 = arith.subi %sign3A_1180, %sign3A_1183 : i32
    %sign3A_1185 = arith.constant 0 : i32
    %sign3A_1186 = arith.cmpi sgt, %jit3A_1176, %sign3A_1185 : i32
    %sign3A_1187 = arith.extui %sign3A_1186 : i1 to i32
    %sign3A_1188 = arith.constant 0 : i32
    %sign3A_1189 = arith.cmpi slt, %jit3A_1176, %sign3A_1188 : i32
    %sign3A_1190 = arith.extui %sign3A_1189 : i1 to i32
    %sign3A_1191 = arith.subi %sign3A_1187, %sign3A_1190 : i32
    %ne3A_1192 = arith.cmpi ne, %sign3A_1184, %sign3A_1191 : i32
    %rem3A_1193 = arith.remsi %squeeze3A_1175, %jit3A_1176 : i32
    %ne3A_1194 = arith.constant 0 : i32
    %ne3A_1195 = arith.cmpi ne, %rem3A_1193, %ne3A_1194 : i32
    %and3A_1196 = arith.andi %ne3A_1192, %ne3A_1195 : i1
    %sub3A_1197 = arith.constant 1 : i32
    %sub3A_1198 = arith.subi %div3A_1177, %sub3A_1197 : i32
    %select_n3A_1199 = arith.select %and3A_1196, %sub3A_1198, %div3A_1177 : i32
    %mul3A_1200 = arith.constant 128 : i32
    %mul3A_1201 = arith.muli %select_n3A_1199, %mul3A_1200 : i32
    %multiple_of3A_1202 = tpu.assume_multiple %mul3A_1201, 128 : i32
    %dma_start3A_1203 = arith.constant 0 : i32
    %dma_start3A_1204 = tpu.memref_slice %arg4[%dma_start3A_1203, %multiple_of3A_1173] : memref<16x1000000xf32, #tpu.memory_space<hbm>> -> memref<16x128xf32, #tpu.memory_space<hbm>>
    %dma_start3A_1205 = arith.constant 0 : i32
    %dma_start3A_1206 = tpu.memref_slice %arg4[%dma_start3A_1205, %multiple_of3A_1173] : memref<16x1000000xf32, #tpu.memory_space<hbm>> -> memref<16x128xf32, #tpu.memory_space<hbm>>
    tpu.enqueue_dma source(%dma_start3A_1206 : memref<16x128xf32, #tpu.memory_space<hbm>>) target(%arg46 : memref<16x128xf32, #tpu.memory_space<vmem>>) target_semaphore(%arg51 : memref<!tpu.dma_semaphore, #tpu.memory_space<semaphore_mem>>)
    %dma_start3A_1207 = arith.constant 0 : i32
    %dma_start3A_1208 = tpu.memref_slice %arg5[%dma_start3A_1207, %multiple_of3A_1202] : memref<16x1000000xf32, #tpu.memory_space<hbm>> -> memref<16x128xf32, #tpu.memory_space<hbm>>
    %dma_start3A_1209 = arith.constant 0 : i32
    %dma_start3A_1210 = tpu.memref_slice %arg5[%dma_start3A_1209, %multiple_of3A_1202] : memref<16x1000000xf32, #tpu.memory_space<hbm>> -> memref<16x128xf32, #tpu.memory_space<hbm>>
    tpu.enqueue_dma source(%dma_start3A_1210 : memref<16x128xf32, #tpu.memory_space<hbm>>) target(%arg47 : memref<16x128xf32, #tpu.memory_space<vmem>>) target_semaphore(%arg51 : memref<!tpu.dma_semaphore, #tpu.memory_space<semaphore_mem>>)
    %dma_wait3A_1211 = arith.constant 0 : i32
    %dma_wait3A_1212 = arith.constant 0 : i32
    %dma_wait3A_1213 = tpu.memref_slice %arg4[%dma_wait3A_1211, %dma_wait3A_1212] : memref<16x1000000xf32, #tpu.memory_space<hbm>> -> memref<16x128xf32, #tpu.memory_space<hbm>>
    %dma_wait3A_1214 = arith.constant 0 : i32
    %dma_wait3A_1215 = arith.constant 0 : i32
    %dma_wait3A_1216 = tpu.memref_slice %arg4[%dma_wait3A_1214, %dma_wait3A_1215] : memref<16x1000000xf32, #tpu.memory_space<hbm>> -> memref<16x128xf32, #tpu.memory_space<hbm>>
    tpu.wait_dma2 semaphore(%arg50 : memref<!tpu.dma_semaphore, #tpu.memory_space<semaphore_mem>>) src(%dma_wait3A_1216 : memref<16x128xf32, #tpu.memory_space<hbm>>) dst(%arg16 : memref<16x128xf32, #tpu.memory_space<vmem>>)
    %dma_wait3A_1217 = arith.constant 0 : i32
    %dma_wait3A_1218 = arith.constant 0 : i32
    %dma_wait3A_1219 = tpu.memref_slice %arg4[%dma_wait3A_1217, %dma_wait3A_1218] : memref<16x1000000xf32, #tpu.memory_space<hbm>> -> memref<16x128xf32, #tpu.memory_space<hbm>>
    %dma_wait3A_1220 = arith.constant 0 : i32
    %dma_wait3A_1221 = arith.constant 0 : i32
    %dma_wait3A_1222 = tpu.memref_slice %arg4[%dma_wait3A_1220, %dma_wait3A_1221] : memref<16x1000000xf32, #tpu.memory_space<hbm>> -> memref<16x128xf32, #tpu.memory_space<hbm>>
    tpu.wait_dma2 semaphore(%arg50 : memref<!tpu.dma_semaphore, #tpu.memory_space<semaphore_mem>>) src(%dma_wait3A_1222 : memref<16x128xf32, #tpu.memory_space<hbm>>) dst(%arg17 : memref<16x128xf32, #tpu.memory_space<vmem>>)
    %dma_wait3A_1223 = arith.constant 0 : i32
    %dma_wait3A_1224 = arith.constant 0 : i32
    %dma_wait3A_1225 = tpu.memref_slice %arg4[%dma_wait3A_1223, %dma_wait3A_1224] : memref<16x1000000xf32, #tpu.memory_space<hbm>> -> memref<16x128xf32, #tpu.memory_space<hbm>>
    %dma_wait3A_1226 = arith.constant 0 : i32
    %dma_wait3A_1227 = arith.constant 0 : i32
    %dma_wait3A_1228 = tpu.memref_slice %arg4[%dma_wait3A_1226, %dma_wait3A_1227] : memref<16x1000000xf32, #tpu.memory_space<hbm>> -> memref<16x128xf32, #tpu.memory_space<hbm>>
    tpu.wait_dma2 semaphore(%arg50 : memref<!tpu.dma_semaphore, #tpu.memory_space<semaphore_mem>>) src(%dma_wait3A_1228 : memref<16x128xf32, #tpu.memory_space<hbm>>) dst(%arg18 : memref<16x128xf32, #tpu.memory_space<vmem>>)
    %dma_wait3A_1229 = arith.constant 0 : i32
    %dma_wait3A_1230 = arith.constant 0 : i32
    %dma_wait3A_1231 = tpu.memref_slice %arg4[%dma_wait3A_1229, %dma_wait3A_1230] : memref<16x1000000xf32, #tpu.memory_space<hbm>> -> memref<16x128xf32, #tpu.memory_space<hbm>>
    %dma_wait3A_1232 = arith.constant 0 : i32
    %dma_wait3A_1233 = arith.constant 0 : i32
    %dma_wait3A_1234 = tpu.memref_slice %arg4[%dma_wait3A_1232, %dma_wait3A_1233] : memref<16x1000000xf32, #tpu.memory_space<hbm>> -> memref<16x128xf32, #tpu.memory_space<hbm>>
    tpu.wait_dma2 semaphore(%arg50 : memref<!tpu.dma_semaphore, #tpu.memory_space<semaphore_mem>>) src(%dma_wait3A_1234 : memref<16x128xf32, #tpu.memory_space<hbm>>) dst(%arg19 : memref<16x128xf32, #tpu.memory_space<vmem>>)
    %dma_wait3A_1235 = arith.constant 0 : i32
    %dma_wait3A_1236 = arith.constant 0 : i32
    %dma_wait3A_1237 = tpu.memref_slice %arg4[%dma_wait3A_1235, %dma_wait3A_1236] : memref<16x1000000xf32, #tpu.memory_space<hbm>> -> memref<16x128xf32, #tpu.memory_space<hbm>>
    %dma_wait3A_1238 = arith.constant 0 : i32
    %dma_wait3A_1239 = arith.constant 0 : i32
    %dma_wait3A_1240 = tpu.memref_slice %arg4[%dma_wait3A_1238, %dma_wait3A_1239] : memref<16x1000000xf32, #tpu.memory_space<hbm>> -> memref<16x128xf32, #tpu.memory_space<hbm>>
    tpu.wait_dma2 semaphore(%arg50 : memref<!tpu.dma_semaphore, #tpu.memory_space<semaphore_mem>>) src(%dma_wait3A_1240 : memref<16x128xf32, #tpu.memory_space<hbm>>) dst(%arg20 : memref<16x128xf32, #tpu.memory_space<vmem>>)
    %dma_wait3A_1241 = arith.constant 0 : i32
    %dma_wait3A_1242 = arith.constant 0 : i32
    %dma_wait3A_1243 = tpu.memref_slice %arg4[%dma_wait3A_1241, %dma_wait3A_1242] : memref<16x1000000xf32, #tpu.memory_space<hbm>> -> memref<16x128xf32, #tpu.memory_space<hbm>>
    %dma_wait3A_1244 = arith.constant 0 : i32
    %dma_wait3A_1245 = arith.constant 0 : i32
    %dma_wait3A_1246 = tpu.memref_slice %arg4[%dma_wait3A_1244, %dma_wait3A_1245] : memref<16x1000000xf32, #tpu.memory_space<hbm>> -> memref<16x128xf32, #tpu.memory_space<hbm>>
    tpu.wait_dma2 semaphore(%arg50 : memref<!tpu.dma_semaphore, #tpu.memory_space<semaphore_mem>>) src(%dma_wait3A_1246 : memref<16x128xf32, #tpu.memory_space<hbm>>) dst(%arg21 : memref<16x128xf32, #tpu.memory_space<vmem>>)
    %dma_wait3A_1247 = arith.constant 0 : i32
    %dma_wait3A_1248 = arith.constant 0 : i32
    %dma_wait3A_1249 = tpu.memref_slice %arg4[%dma_wait3A_1247, %dma_wait3A_1248] : memref<16x1000000xf32, #tpu.memory_space<hbm>> -> memref<16x128xf32, #tpu.memory_space<hbm>>
    %dma_wait3A_1250 = arith.constant 0 : i32
    %dma_wait3A_1251 = arith.constant 0 : i32
    %dma_wait3A_1252 = tpu.memref_slice %arg4[%dma_wait3A_1250, %dma_wait3A_1251] : memref<16x1000000xf32, #tpu.memory_space<hbm>> -> memref<16x128xf32, #tpu.memory_space<hbm>>
    tpu.wait_dma2 semaphore(%arg50 : memref<!tpu.dma_semaphore, #tpu.memory_space<semaphore_mem>>) src(%dma_wait3A_1252 : memref<16x128xf32, #tpu.memory_space<hbm>>) dst(%arg22 : memref<16x128xf32, #tpu.memory_space<vmem>>)
    %dma_wait3A_1253 = arith.constant 0 : i32
    %dma_wait3A_1254 = arith.constant 0 : i32
    %dma_wait3A_1255 = tpu.memref_slice %arg4[%dma_wait3A_1253, %dma_wait3A_1254] : memref<16x1000000xf32, #tpu.memory_space<hbm>> -> memref<16x128xf32, #tpu.memory_space<hbm>>
    %dma_wait3A_1256 = arith.constant 0 : i32
    %dma_wait3A_1257 = arith.constant 0 : i32
    %dma_wait3A_1258 = tpu.memref_slice %arg4[%dma_wait3A_1256, %dma_wait3A_1257] : memref<16x1000000xf32, #tpu.memory_space<hbm>> -> memref<16x128xf32, #tpu.memory_space<hbm>>
    tpu.wait_dma2 semaphore(%arg50 : memref<!tpu.dma_semaphore, #tpu.memory_space<semaphore_mem>>) src(%dma_wait3A_1258 : memref<16x128xf32, #tpu.memory_space<hbm>>) dst(%arg23 : memref<16x128xf32, #tpu.memory_space<vmem>>)
    %dma_wait3A_1259 = arith.constant 0 : i32
    %dma_wait3A_1260 = arith.constant 0 : i32
    %dma_wait3A_1261 = tpu.memref_slice %arg4[%dma_wait3A_1259, %dma_wait3A_1260] : memref<16x1000000xf32, #tpu.memory_space<hbm>> -> memref<16x128xf32, #tpu.memory_space<hbm>>
    %dma_wait3A_1262 = arith.constant 0 : i32
    %dma_wait3A_1263 = arith.constant 0 : i32
    %dma_wait3A_1264 = tpu.memref_slice %arg4[%dma_wait3A_1262, %dma_wait3A_1263] : memref<16x1000000xf32, #tpu.memory_space<hbm>> -> memref<16x128xf32, #tpu.memory_space<hbm>>
    tpu.wait_dma2 semaphore(%arg50 : memref<!tpu.dma_semaphore, #tpu.memory_space<semaphore_mem>>) src(%dma_wait3A_1264 : memref<16x128xf32, #tpu.memory_space<hbm>>) dst(%arg24 : memref<16x128xf32, #tpu.memory_space<vmem>>)
    %dma_wait3A_1265 = arith.constant 0 : i32
    %dma_wait3A_1266 = arith.constant 0 : i32
    %dma_wait3A_1267 = tpu.memref_slice %arg4[%dma_wait3A_1265, %dma_wait3A_1266] : memref<16x1000000xf32, #tpu.memory_space<hbm>> -> memref<16x128xf32, #tpu.memory_space<hbm>>
    %dma_wait3A_1268 = arith.constant 0 : i32
    %dma_wait3A_1269 = arith.constant 0 : i32
    %dma_wait3A_1270 = tpu.memref_slice %arg4[%dma_wait3A_1268, %dma_wait3A_1269] : memref<16x1000000xf32, #tpu.memory_space<hbm>> -> memref<16x128xf32, #tpu.memory_space<hbm>>
    tpu.wait_dma2 semaphore(%arg50 : memref<!tpu.dma_semaphore, #tpu.memory_space<semaphore_mem>>) src(%dma_wait3A_1270 : memref<16x128xf32, #tpu.memory_space<hbm>>) dst(%arg25 : memref<16x128xf32, #tpu.memory_space<vmem>>)
    %dma_wait3A_1271 = arith.constant 0 : i32
    %dma_wait3A_1272 = arith.constant 0 : i32
    %dma_wait3A_1273 = tpu.memref_slice %arg4[%dma_wait3A_1271, %dma_wait3A_1272] : memref<16x1000000xf32, #tpu.memory_space<hbm>> -> memref<16x128xf32, #tpu.memory_space<hbm>>
    %dma_wait3A_1274 = arith.constant 0 : i32
    %dma_wait3A_1275 = arith.constant 0 : i32
    %dma_wait3A_1276 = tpu.memref_slice %arg4[%dma_wait3A_1274, %dma_wait3A_1275] : memref<16x1000000xf32, #tpu.memory_space<hbm>> -> memref<16x128xf32, #tpu.memory_space<hbm>>
    tpu.wait_dma2 semaphore(%arg50 : memref<!tpu.dma_semaphore, #tpu.memory_space<semaphore_mem>>) src(%dma_wait3A_1276 : memref<16x128xf32, #tpu.memory_space<hbm>>) dst(%arg26 : memref<16x128xf32, #tpu.memory_space<vmem>>)
    %dma_wait3A_1277 = arith.constant 0 : i32
    %dma_wait3A_1278 = arith.constant 0 : i32
    %dma_wait3A_1279 = tpu.memref_slice %arg4[%dma_wait3A_1277, %dma_wait3A_1278] : memref<16x1000000xf32, #tpu.memory_space<hbm>> -> memref<16x128xf32, #tpu.memory_space<hbm>>
    %dma_wait3A_1280 = arith.constant 0 : i32
    %dma_wait3A_1281 = arith.constant 0 : i32
    %dma_wait3A_1282 = tpu.memref_slice %arg4[%dma_wait3A_1280, %dma_wait3A_1281] : memref<16x1000000xf32, #tpu.memory_space<hbm>> -> memref<16x128xf32, #tpu.memory_space<hbm>>
    tpu.wait_dma2 semaphore(%arg50 : memref<!tpu.dma_semaphore, #tpu.memory_space<semaphore_mem>>) src(%dma_wait3A_1282 : memref<16x128xf32, #tpu.memory_space<hbm>>) dst(%arg27 : memref<16x128xf32, #tpu.memory_space<vmem>>)
    %dma_wait3A_1283 = arith.constant 0 : i32
    %dma_wait3A_1284 = arith.constant 0 : i32
    %dma_wait3A_1285 = tpu.memref_slice %arg4[%dma_wait3A_1283, %dma_wait3A_1284] : memref<16x1000000xf32, #tpu.memory_space<hbm>> -> memref<16x128xf32, #tpu.memory_space<hbm>>
    %dma_wait3A_1286 = arith.constant 0 : i32
    %dma_wait3A_1287 = arith.constant 0 : i32
    %dma_wait3A_1288 = tpu.memref_slice %arg4[%dma_wait3A_1286, %dma_wait3A_1287] : memref<16x1000000xf32, #tpu.memory_space<hbm>> -> memref<16x128xf32, #tpu.memory_space<hbm>>
    tpu.wait_dma2 semaphore(%arg50 : memref<!tpu.dma_semaphore, #tpu.memory_space<semaphore_mem>>) src(%dma_wait3A_1288 : memref<16x128xf32, #tpu.memory_space<hbm>>) dst(%arg28 : memref<16x128xf32, #tpu.memory_space<vmem>>)
    %dma_wait3A_1289 = arith.constant 0 : i32
    %dma_wait3A_1290 = arith.constant 0 : i32
    %dma_wait3A_1291 = tpu.memref_slice %arg4[%dma_wait3A_1289, %dma_wait3A_1290] : memref<16x1000000xf32, #tpu.memory_space<hbm>> -> memref<16x128xf32, #tpu.memory_space<hbm>>
    %dma_wait3A_1292 = arith.constant 0 : i32
    %dma_wait3A_1293 = arith.constant 0 : i32
    %dma_wait3A_1294 = tpu.memref_slice %arg4[%dma_wait3A_1292, %dma_wait3A_1293] : memref<16x1000000xf32, #tpu.memory_space<hbm>> -> memref<16x128xf32, #tpu.memory_space<hbm>>
    tpu.wait_dma2 semaphore(%arg50 : memref<!tpu.dma_semaphore, #tpu.memory_space<semaphore_mem>>) src(%dma_wait3A_1294 : memref<16x128xf32, #tpu.memory_space<hbm>>) dst(%arg29 : memref<16x128xf32, #tpu.memory_space<vmem>>)
    %dma_wait3A_1295 = arith.constant 0 : i32
    %dma_wait3A_1296 = arith.constant 0 : i32
    %dma_wait3A_1297 = tpu.memref_slice %arg4[%dma_wait3A_1295, %dma_wait3A_1296] : memref<16x1000000xf32, #tpu.memory_space<hbm>> -> memref<16x128xf32, #tpu.memory_space<hbm>>
    %dma_wait3A_1298 = arith.constant 0 : i32
    %dma_wait3A_1299 = arith.constant 0 : i32
    %dma_wait3A_1300 = tpu.memref_slice %arg4[%dma_wait3A_1298, %dma_wait3A_1299] : memref<16x1000000xf32, #tpu.memory_space<hbm>> -> memref<16x128xf32, #tpu.memory_space<hbm>>
    tpu.wait_dma2 semaphore(%arg50 : memref<!tpu.dma_semaphore, #tpu.memory_space<semaphore_mem>>) src(%dma_wait3A_1300 : memref<16x128xf32, #tpu.memory_space<hbm>>) dst(%arg30 : memref<16x128xf32, #tpu.memory_space<vmem>>)
    %dma_wait3A_1301 = arith.constant 0 : i32
    %dma_wait3A_1302 = arith.constant 0 : i32
    %dma_wait3A_1303 = tpu.memref_slice %arg4[%dma_wait3A_1301, %dma_wait3A_1302] : memref<16x1000000xf32, #tpu.memory_space<hbm>> -> memref<16x128xf32, #tpu.memory_space<hbm>>
    %dma_wait3A_1304 = arith.constant 0 : i32
    %dma_wait3A_1305 = arith.constant 0 : i32
    %dma_wait3A_1306 = tpu.memref_slice %arg4[%dma_wait3A_1304, %dma_wait3A_1305] : memref<16x1000000xf32, #tpu.memory_space<hbm>> -> memref<16x128xf32, #tpu.memory_space<hbm>>
    tpu.wait_dma2 semaphore(%arg50 : memref<!tpu.dma_semaphore, #tpu.memory_space<semaphore_mem>>) src(%dma_wait3A_1306 : memref<16x128xf32, #tpu.memory_space<hbm>>) dst(%arg31 : memref<16x128xf32, #tpu.memory_space<vmem>>)
    %slice3A_1307 = vector.extract_strided_slice %scan3A_681#0 {offsets = [0], sizes = [1], strides = [1]} : vector<16xi32> to vector<1xi32>
    %squeeze3A_1308 = vector.extract %slice3A_1307[0] : i32 from vector<1xi32>
    %jit3A_1309 = arith.constant 128 : i32
    %eq3A = arith.constant 0 : i32
    %eq3A_1310 = arith.cmpi eq, %jit3A_1309, %eq3A : i32
    %jit3A_1311 = arith.constant 1 : i32
    %select_n3A_1312 = arith.select %eq3A_1310, %jit3A_1311, %jit3A_1309 : i32
    %rem3A_1313 = arith.remsi %squeeze3A_1308, %select_n3A_1312 : i32
    %ne3A_1314 = arith.constant 0 : i32
    %ne3A_1315 = arith.cmpi ne, %rem3A_1313, %ne3A_1314 : i32
    %lt3A = arith.constant 0 : i32
    %lt3A_1316 = arith.cmpi slt, %rem3A_1313, %lt3A : i32
    %lt3A_1317 = arith.constant 0 : i32
    %lt3A_1318 = arith.cmpi slt, %select_n3A_1312, %lt3A_1317 : i32
    %ne3A_1319 = arith.xori %lt3A_1316, %lt3A_1318 : i1
    %and3A_1320 = arith.andi %ne3A_1319, %ne3A_1315 : i1
    %add3A_1321 = arith.addi %rem3A_1313, %select_n3A_1312 : i32
    %select_n3A_1322 = arith.select %and3A_1320, %add3A_1321, %rem3A_1313 : i32
    %broadcast_in_dim3A = vector.broadcast %select_n3A_1322 : i32 to vector<16xi32>
    %slice3A_1323 = vector.extract_strided_slice %scan3A_681#1 {offsets = [0], sizes = [1], strides = [1]} : vector<16xi32> to vector<1xi32>
    %squeeze3A_1324 = vector.extract %slice3A_1323[0] : i32 from vector<1xi32>
    %jit3A_1325 = arith.constant 128 : i32
    %eq3A_1326 = arith.constant 0 : i32
    %eq3A_1327 = arith.cmpi eq, %jit3A_1325, %eq3A_1326 : i32
    %jit3A_1328 = arith.constant 1 : i32
    %select_n3A_1329 = arith.select %eq3A_1327, %jit3A_1328, %jit3A_1325 : i32
    %rem3A_1330 = arith.remsi %squeeze3A_1324, %select_n3A_1329 : i32
    %ne3A_1331 = arith.constant 0 : i32
    %ne3A_1332 = arith.cmpi ne, %rem3A_1330, %ne3A_1331 : i32
    %lt3A_1333 = arith.constant 0 : i32
    %lt3A_1334 = arith.cmpi slt, %rem3A_1330, %lt3A_1333 : i32
    %lt3A_1335 = arith.constant 0 : i32
    %lt3A_1336 = arith.cmpi slt, %select_n3A_1329, %lt3A_1335 : i32
    %ne3A_1337 = arith.xori %lt3A_1334, %lt3A_1336 : i1
    %and3A_1338 = arith.andi %ne3A_1337, %ne3A_1332 : i1
    %add3A_1339 = arith.addi %rem3A_1330, %select_n3A_1329 : i32
    %select_n3A_1340 = arith.select %and3A_1338, %add3A_1339, %rem3A_1330 : i32
    %broadcast_in_dim3A_1341 = vector.broadcast %select_n3A_1340 : i32 to vector<16xi32>
    %gather3A = tpu.vector_load_idx %arg16[%iota3A, %broadcast_in_dim3A] : memref<16x128xf32, #tpu.memory_space<vmem>>[vector<16xi32>, vector<16xi32>], vector<16xf32>,
    %gather3A_1342 = tpu.vector_load_idx %arg17[%iota3A, %broadcast_in_dim3A_1341] : memref<16x128xf32, #tpu.memory_space<vmem>>[vector<16xi32>, vector<16xi32>], vector<16xf32>,
    %swap3A = arith.constant 7936 : index
    %swap3A_1343 = tpu.vector_load %arg48[%swap3A] {strides = array<i32>} : memref<8192xf32, #tpu.memory_space<vmem>>, vector<16xf32>,
    tpu.vector_store %arg48[%swap3A], %gather3A {strides = array<i32>} : memref<8192xf32, #tpu.memory_space<vmem>>, vector<16xf32>,
    %swap3A_1344 = arith.constant 7936 : index
    %swap3A_1345 = tpu.vector_load %arg49[%swap3A_1344] {strides = array<i32>} : memref<8192xf32, #tpu.memory_space<vmem>>, vector<16xf32>,
    tpu.vector_store %arg49[%swap3A_1344], %gather3A_1342 {strides = array<i32>} : memref<8192xf32, #tpu.memory_space<vmem>>, vector<16xf32>,
    %slice3A_1346 = vector.extract_strided_slice %scan3A_681#0 {offsets = [1], sizes = [1], strides = [1]} : vector<16xi32> to vector<1xi32>
    %squeeze3A_1347 = vector.extract %slice3A_1346[0] : i32 from vector<1xi32>
    %jit3A_1348 = arith.constant 128 : i32
    %eq3A_1349 = arith.constant 0 : i32
    %eq3A_1350 = arith.cmpi eq, %jit3A_1348, %eq3A_1349 : i32
    %jit3A_1351 = arith.constant 1 : i32
    %select_n3A_1352 = arith.select %eq3A_1350, %jit3A_1351, %jit3A_1348 : i32
    %rem3A_1353 = arith.remsi %squeeze3A_1347, %select_n3A_1352 : i32
    %ne3A_1354 = arith.constant 0 : i32
    %ne3A_1355 = arith.cmpi ne, %rem3A_1353, %ne3A_1354 : i32
    %lt3A_1356 = arith.constant 0 : i32
    %lt3A_1357 = arith.cmpi slt, %rem3A_1353, %lt3A_1356 : i32
    %lt3A_1358 = arith.constant 0 : i32
    %lt3A_1359 = arith.cmpi slt, %select_n3A_1352, %lt3A_1358 : i32
    %ne3A_1360 = arith.xori %lt3A_1357, %lt3A_1359 : i1
    %and3A_1361 = arith.andi %ne3A_1360, %ne3A_1355 : i1
    %add3A_1362 = arith.addi %rem3A_1353, %select_n3A_1352 : i32
    %select_n3A_1363 = arith.select %and3A_1361, %add3A_1362, %rem3A_1353 : i32
    %broadcast_in_dim3A_1364 = vector.broadcast %select_n3A_1363 : i32 to vector<16xi32>
    %slice3A_1365 = vector.extract_strided_slice %scan3A_681#1 {offsets = [1], sizes = [1], strides = [1]} : vector<16xi32> to vector<1xi32>
    %squeeze3A_1366 = vector.extract %slice3A_1365[0] : i32 from vector<1xi32>
    %jit3A_1367 = arith.constant 128 : i32
    %eq3A_1368 = arith.constant 0 : i32
    %eq3A_1369 = arith.cmpi eq, %jit3A_1367, %eq3A_1368 : i32
    %jit3A_1370 = arith.constant 1 : i32
    %select_n3A_1371 = arith.select %eq3A_1369, %jit3A_1370, %jit3A_1367 : i32
    %rem3A_1372 = arith.remsi %squeeze3A_1366, %select_n3A_1371 : i32
    %ne3A_1373 = arith.constant 0 : i32
    %ne3A_1374 = arith.cmpi ne, %rem3A_1372, %ne3A_1373 : i32
    %lt3A_1375 = arith.constant 0 : i32
    %lt3A_1376 = arith.cmpi slt, %rem3A_1372, %lt3A_1375 : i32
    %lt3A_1377 = arith.constant 0 : i32
    %lt3A_1378 = arith.cmpi slt, %select_n3A_1371, %lt3A_1377 : i32
    %ne3A_1379 = arith.xori %lt3A_1376, %lt3A_1378 : i1
    %and3A_1380 = arith.andi %ne3A_1379, %ne3A_1374 : i1
    %add3A_1381 = arith.addi %rem3A_1372, %select_n3A_1371 : i32
    %select_n3A_1382 = arith.select %and3A_1380, %add3A_1381, %rem3A_1372 : i32
    %broadcast_in_dim3A_1383 = vector.broadcast %select_n3A_1382 : i32 to vector<16xi32>
    %gather3A_1384 = tpu.vector_load_idx %arg18[%iota3A, %broadcast_in_dim3A_1364] : memref<16x128xf32, #tpu.memory_space<vmem>>[vector<16xi32>, vector<16xi32>], vector<16xf32>,
    %gather3A_1385 = tpu.vector_load_idx %arg19[%iota3A, %broadcast_in_dim3A_1383] : memref<16x128xf32, #tpu.memory_space<vmem>>[vector<16xi32>, vector<16xi32>], vector<16xf32>,
    %swap3A_1386 = arith.constant 7952 : index
    %swap3A_1387 = tpu.vector_load %arg48[%swap3A_1386] {strides = array<i32>} : memref<8192xf32, #tpu.memory_space<vmem>>, vector<16xf32>,
    tpu.vector_store %arg48[%swap3A_1386], %gather3A_1384 {strides = array<i32>} : memref<8192xf32, #tpu.memory_space<vmem>>, vector<16xf32>,
    %swap3A_1388 = arith.constant 7952 : index
    %swap3A_1389 = tpu.vector_load %arg49[%swap3A_1388] {strides = array<i32>} : memref<8192xf32, #tpu.memory_space<vmem>>, vector<16xf32>,
    tpu.vector_store %arg49[%swap3A_1388], %gather3A_1385 {strides = array<i32>} : memref<8192xf32, #tpu.memory_space<vmem>>, vector<16xf32>,
    %slice3A_1390 = vector.extract_strided_slice %scan3A_681#0 {offsets = [2], sizes = [1], strides = [1]} : vector<16xi32> to vector<1xi32>
    %squeeze3A_1391 = vector.extract %slice3A_1390[0] : i32 from vector<1xi32>
    %jit3A_1392 = arith.constant 128 : i32
    %eq3A_1393 = arith.constant 0 : i32
    %eq3A_1394 = arith.cmpi eq, %jit3A_1392, %eq3A_1393 : i32
    %jit3A_1395 = arith.constant 1 : i32
    %select_n3A_1396 = arith.select %eq3A_1394, %jit3A_1395, %jit3A_1392 : i32
    %rem3A_1397 = arith.remsi %squeeze3A_1391, %select_n3A_1396 : i32
    %ne3A_1398 = arith.constant 0 : i32
    %ne3A_1399 = arith.cmpi ne, %rem3A_1397, %ne3A_1398 : i32
    %lt3A_1400 = arith.constant 0 : i32
    %lt3A_1401 = arith.cmpi slt, %rem3A_1397, %lt3A_1400 : i32
    %lt3A_1402 = arith.constant 0 : i32
    %lt3A_1403 = arith.cmpi slt, %select_n3A_1396, %lt3A_1402 : i32
    %ne3A_1404 = arith.xori %lt3A_1401, %lt3A_1403 : i1
    %and3A_1405 = arith.andi %ne3A_1404, %ne3A_1399 : i1
    %add3A_1406 = arith.addi %rem3A_1397, %select_n3A_1396 : i32
    %select_n3A_1407 = arith.select %and3A_1405, %add3A_1406, %rem3A_1397 : i32
    %broadcast_in_dim3A_1408 = vector.broadcast %select_n3A_1407 : i32 to vector<16xi32>
    %slice3A_1409 = vector.extract_strided_slice %scan3A_681#1 {offsets = [2], sizes = [1], strides = [1]} : vector<16xi32> to vector<1xi32>
    %squeeze3A_1410 = vector.extract %slice3A_1409[0] : i32 from vector<1xi32>
    %jit3A_1411 = arith.constant 128 : i32
    %eq3A_1412 = arith.constant 0 : i32
    %eq3A_1413 = arith.cmpi eq, %jit3A_1411, %eq3A_1412 : i32
    %jit3A_1414 = arith.constant 1 : i32
    %select_n3A_1415 = arith.select %eq3A_1413, %jit3A_1414, %jit3A_1411 : i32
    %rem3A_1416 = arith.remsi %squeeze3A_1410, %select_n3A_1415 : i32
    %ne3A_1417 = arith.constant 0 : i32
    %ne3A_1418 = arith.cmpi ne, %rem3A_1416, %ne3A_1417 : i32
    %lt3A_1419 = arith.constant 0 : i32
    %lt3A_1420 = arith.cmpi slt, %rem3A_1416, %lt3A_1419 : i32
    %lt3A_1421 = arith.constant 0 : i32
    %lt3A_1422 = arith.cmpi slt, %select_n3A_1415, %lt3A_1421 : i32
    %ne3A_1423 = arith.xori %lt3A_1420, %lt3A_1422 : i1
    %and3A_1424 = arith.andi %ne3A_1423, %ne3A_1418 : i1
    %add3A_1425 = arith.addi %rem3A_1416, %select_n3A_1415 : i32
    %select_n3A_1426 = arith.select %and3A_1424, %add3A_1425, %rem3A_1416 : i32
    %broadcast_in_dim3A_1427 = vector.broadcast %select_n3A_1426 : i32 to vector<16xi32>
    %gather3A_1428 = tpu.vector_load_idx %arg20[%iota3A, %broadcast_in_dim3A_1408] : memref<16x128xf32, #tpu.memory_space<vmem>>[vector<16xi32>, vector<16xi32>], vector<16xf32>,
    %gather3A_1429 = tpu.vector_load_idx %arg21[%iota3A, %broadcast_in_dim3A_1427] : memref<16x128xf32, #tpu.memory_space<vmem>>[vector<16xi32>, vector<16xi32>], vector<16xf32>,
    %swap3A_1430 = arith.constant 7968 : index
    %swap3A_1431 = tpu.vector_load %arg48[%swap3A_1430] {strides = array<i32>} : memref<8192xf32, #tpu.memory_space<vmem>>, vector<16xf32>,
    tpu.vector_store %arg48[%swap3A_1430], %gather3A_1428 {strides = array<i32>} : memref<8192xf32, #tpu.memory_space<vmem>>, vector<16xf32>,
    %swap3A_1432 = arith.constant 7968 : index
    %swap3A_1433 = tpu.vector_load %arg49[%swap3A_1432] {strides = array<i32>} : memref<8192xf32, #tpu.memory_space<vmem>>, vector<16xf32>,
    tpu.vector_store %arg49[%swap3A_1432], %gather3A_1429 {strides = array<i32>} : memref<8192xf32, #tpu.memory_space<vmem>>, vector<16xf32>,
    %slice3A_1434 = vector.extract_strided_slice %scan3A_681#0 {offsets = [3], sizes = [1], strides = [1]} : vector<16xi32> to vector<1xi32>
    %squeeze3A_1435 = vector.extract %slice3A_1434[0] : i32 from vector<1xi32>
    %jit3A_1436 = arith.constant 128 : i32
    %eq3A_1437 = arith.constant 0 : i32
    %eq3A_1438 = arith.cmpi eq, %jit3A_1436, %eq3A_1437 : i32
    %jit3A_1439 = arith.constant 1 : i32
    %select_n3A_1440 = arith.select %eq3A_1438, %jit3A_1439, %jit3A_1436 : i32
    %rem3A_1441 = arith.remsi %squeeze3A_1435, %select_n3A_1440 : i32
    %ne3A_1442 = arith.constant 0 : i32
    %ne3A_1443 = arith.cmpi ne, %rem3A_1441, %ne3A_1442 : i32
    %lt3A_1444 = arith.constant 0 : i32
    %lt3A_1445 = arith.cmpi slt, %rem3A_1441, %lt3A_1444 : i32
    %lt3A_1446 = arith.constant 0 : i32
    %lt3A_1447 = arith.cmpi slt, %select_n3A_1440, %lt3A_1446 : i32
    %ne3A_1448 = arith.xori %lt3A_1445, %lt3A_1447 : i1
    %and3A_1449 = arith.andi %ne3A_1448, %ne3A_1443 : i1
    %add3A_1450 = arith.addi %rem3A_1441, %select_n3A_1440 : i32
    %select_n3A_1451 = arith.select %and3A_1449, %add3A_1450, %rem3A_1441 : i32
    %broadcast_in_dim3A_1452 = vector.broadcast %select_n3A_1451 : i32 to vector<16xi32>
    %slice3A_1453 = vector.extract_strided_slice %scan3A_681#1 {offsets = [3], sizes = [1], strides = [1]} : vector<16xi32> to vector<1xi32>
    %squeeze3A_1454 = vector.extract %slice3A_1453[0] : i32 from vector<1xi32>
    %jit3A_1455 = arith.constant 128 : i32
    %eq3A_1456 = arith.constant 0 : i32
    %eq3A_1457 = arith.cmpi eq, %jit3A_1455, %eq3A_1456 : i32
    %jit3A_1458 = arith.constant 1 : i32
    %select_n3A_1459 = arith.select %eq3A_1457, %jit3A_1458, %jit3A_1455 : i32
    %rem3A_1460 = arith.remsi %squeeze3A_1454, %select_n3A_1459 : i32
    %ne3A_1461 = arith.constant 0 : i32
    %ne3A_1462 = arith.cmpi ne, %rem3A_1460, %ne3A_1461 : i32
    %lt3A_1463 = arith.constant 0 : i32
    %lt3A_1464 = arith.cmpi slt, %rem3A_1460, %lt3A_1463 : i32
    %lt3A_1465 = arith.constant 0 : i32
    %lt3A_1466 = arith.cmpi slt, %select_n3A_1459, %lt3A_1465 : i32
    %ne3A_1467 = arith.xori %lt3A_1464, %lt3A_1466 : i1
    %and3A_1468 = arith.andi %ne3A_1467, %ne3A_1462 : i1
    %add3A_1469 = arith.addi %rem3A_1460, %select_n3A_1459 : i32
    %select_n3A_1470 = arith.select %and3A_1468, %add3A_1469, %rem3A_1460 : i32
    %broadcast_in_dim3A_1471 = vector.broadcast %select_n3A_1470 : i32 to vector<16xi32>
    %gather3A_1472 = tpu.vector_load_idx %arg22[%iota3A, %broadcast_in_dim3A_1452] : memref<16x128xf32, #tpu.memory_space<vmem>>[vector<16xi32>, vector<16xi32>], vector<16xf32>,
    %gather3A_1473 = tpu.vector_load_idx %arg23[%iota3A, %broadcast_in_dim3A_1471] : memref<16x128xf32, #tpu.memory_space<vmem>>[vector<16xi32>, vector<16xi32>], vector<16xf32>,
    %swap3A_1474 = arith.constant 7984 : index
    %swap3A_1475 = tpu.vector_load %arg48[%swap3A_1474] {strides = array<i32>} : memref<8192xf32, #tpu.memory_space<vmem>>, vector<16xf32>,
    tpu.vector_store %arg48[%swap3A_1474], %gather3A_1472 {strides = array<i32>} : memref<8192xf32, #tpu.memory_space<vmem>>, vector<16xf32>,
    %swap3A_1476 = arith.constant 7984 : index
    %swap3A_1477 = tpu.vector_load %arg49[%swap3A_1476] {strides = array<i32>} : memref<8192xf32, #tpu.memory_space<vmem>>, vector<16xf32>,
    tpu.vector_store %arg49[%swap3A_1476], %gather3A_1473 {strides = array<i32>} : memref<8192xf32, #tpu.memory_space<vmem>>, vector<16xf32>,
    %slice3A_1478 = vector.extract_strided_slice %scan3A_681#0 {offsets = [4], sizes = [1], strides = [1]} : vector<16xi32> to vector<1xi32>
    %squeeze3A_1479 = vector.extract %slice3A_1478[0] : i32 from vector<1xi32>
    %jit3A_1480 = arith.constant 128 : i32
    %eq3A_1481 = arith.constant 0 : i32
    %eq3A_1482 = arith.cmpi eq, %jit3A_1480, %eq3A_1481 : i32
    %jit3A_1483 = arith.constant 1 : i32
    %select_n3A_1484 = arith.select %eq3A_1482, %jit3A_1483, %jit3A_1480 : i32
    %rem3A_1485 = arith.remsi %squeeze3A_1479, %select_n3A_1484 : i32
    %ne3A_1486 = arith.constant 0 : i32
    %ne3A_1487 = arith.cmpi ne, %rem3A_1485, %ne3A_1486 : i32
    %lt3A_1488 = arith.constant 0 : i32
    %lt3A_1489 = arith.cmpi slt, %rem3A_1485, %lt3A_1488 : i32
    %lt3A_1490 = arith.constant 0 : i32
    %lt3A_1491 = arith.cmpi slt, %select_n3A_1484, %lt3A_1490 : i32
    %ne3A_1492 = arith.xori %lt3A_1489, %lt3A_1491 : i1
    %and3A_1493 = arith.andi %ne3A_1492, %ne3A_1487 : i1
    %add3A_1494 = arith.addi %rem3A_1485, %select_n3A_1484 : i32
    %select_n3A_1495 = arith.select %and3A_1493, %add3A_1494, %rem3A_1485 : i32
    %broadcast_in_dim3A_1496 = vector.broadcast %select_n3A_1495 : i32 to vector<16xi32>
    %slice3A_1497 = vector.extract_strided_slice %scan3A_681#1 {offsets = [4], sizes = [1], strides = [1]} : vector<16xi32> to vector<1xi32>
    %squeeze3A_1498 = vector.extract %slice3A_1497[0] : i32 from vector<1xi32>
    %jit3A_1499 = arith.constant 128 : i32
    %eq3A_1500 = arith.constant 0 : i32
    %eq3A_1501 = arith.cmpi eq, %jit3A_1499, %eq3A_1500 : i32
    %jit3A_1502 = arith.constant 1 : i32
    %select_n3A_1503 = arith.select %eq3A_1501, %jit3A_1502, %jit3A_1499 : i32
    %rem3A_1504 = arith.remsi %squeeze3A_1498, %select_n3A_1503 : i32
    %ne3A_1505 = arith.constant 0 : i32
    %ne3A_1506 = arith.cmpi ne, %rem3A_1504, %ne3A_1505 : i32
    %lt3A_1507 = arith.constant 0 : i32
    %lt3A_1508 = arith.cmpi slt, %rem3A_1504, %lt3A_1507 : i32
    %lt3A_1509 = arith.constant 0 : i32
    %lt3A_1510 = arith.cmpi slt, %select_n3A_1503, %lt3A_1509 : i32
    %ne3A_1511 = arith.xori %lt3A_1508, %lt3A_1510 : i1
    %and3A_1512 = arith.andi %ne3A_1511, %ne3A_1506 : i1
    %add3A_1513 = arith.addi %rem3A_1504, %select_n3A_1503 : i32
    %select_n3A_1514 = arith.select %and3A_1512, %add3A_1513, %rem3A_1504 : i32
    %broadcast_in_dim3A_1515 = vector.broadcast %select_n3A_1514 : i32 to vector<16xi32>
    %gather3A_1516 = tpu.vector_load_idx %arg24[%iota3A, %broadcast_in_dim3A_1496] : memref<16x128xf32, #tpu.memory_space<vmem>>[vector<16xi32>, vector<16xi32>], vector<16xf32>,
    %gather3A_1517 = tpu.vector_load_idx %arg25[%iota3A, %broadcast_in_dim3A_1515] : memref<16x128xf32, #tpu.memory_space<vmem>>[vector<16xi32>, vector<16xi32>], vector<16xf32>,
    %swap3A_1518 = arith.constant 8000 : index
    %swap3A_1519 = tpu.vector_load %arg48[%swap3A_1518] {strides = array<i32>} : memref<8192xf32, #tpu.memory_space<vmem>>, vector<16xf32>,
    tpu.vector_store %arg48[%swap3A_1518], %gather3A_1516 {strides = array<i32>} : memref<8192xf32, #tpu.memory_space<vmem>>, vector<16xf32>,
    %swap3A_1520 = arith.constant 8000 : index
    %swap3A_1521 = tpu.vector_load %arg49[%swap3A_1520] {strides = array<i32>} : memref<8192xf32, #tpu.memory_space<vmem>>, vector<16xf32>,
    tpu.vector_store %arg49[%swap3A_1520], %gather3A_1517 {strides = array<i32>} : memref<8192xf32, #tpu.memory_space<vmem>>, vector<16xf32>,
    %slice3A_1522 = vector.extract_strided_slice %scan3A_681#0 {offsets = [5], sizes = [1], strides = [1]} : vector<16xi32> to vector<1xi32>
    %squeeze3A_1523 = vector.extract %slice3A_1522[0] : i32 from vector<1xi32>
    %jit3A_1524 = arith.constant 128 : i32
    %eq3A_1525 = arith.constant 0 : i32
    %eq3A_1526 = arith.cmpi eq, %jit3A_1524, %eq3A_1525 : i32
    %jit3A_1527 = arith.constant 1 : i32
    %select_n3A_1528 = arith.select %eq3A_1526, %jit3A_1527, %jit3A_1524 : i32
    %rem3A_1529 = arith.remsi %squeeze3A_1523, %select_n3A_1528 : i32
    %ne3A_1530 = arith.constant 0 : i32
    %ne3A_1531 = arith.cmpi ne, %rem3A_1529, %ne3A_1530 : i32
    %lt3A_1532 = arith.constant 0 : i32
    %lt3A_1533 = arith.cmpi slt, %rem3A_1529, %lt3A_1532 : i32
    %lt3A_1534 = arith.constant 0 : i32
    %lt3A_1535 = arith.cmpi slt, %select_n3A_1528, %lt3A_1534 : i32
    %ne3A_1536 = arith.xori %lt3A_1533, %lt3A_1535 : i1
    %and3A_1537 = arith.andi %ne3A_1536, %ne3A_1531 : i1
    %add3A_1538 = arith.addi %rem3A_1529, %select_n3A_1528 : i32
    %select_n3A_1539 = arith.select %and3A_1537, %add3A_1538, %rem3A_1529 : i32
    %broadcast_in_dim3A_1540 = vector.broadcast %select_n3A_1539 : i32 to vector<16xi32>
    %slice3A_1541 = vector.extract_strided_slice %scan3A_681#1 {offsets = [5], sizes = [1], strides = [1]} : vector<16xi32> to vector<1xi32>
    %squeeze3A_1542 = vector.extract %slice3A_1541[0] : i32 from vector<1xi32>
    %jit3A_1543 = arith.constant 128 : i32
    %eq3A_1544 = arith.constant 0 : i32
    %eq3A_1545 = arith.cmpi eq, %jit3A_1543, %eq3A_1544 : i32
    %jit3A_1546 = arith.constant 1 : i32
    %select_n3A_1547 = arith.select %eq3A_1545, %jit3A_1546, %jit3A_1543 : i32
    %rem3A_1548 = arith.remsi %squeeze3A_1542, %select_n3A_1547 : i32
    %ne3A_1549 = arith.constant 0 : i32
    %ne3A_1550 = arith.cmpi ne, %rem3A_1548, %ne3A_1549 : i32
    %lt3A_1551 = arith.constant 0 : i32
    %lt3A_1552 = arith.cmpi slt, %rem3A_1548, %lt3A_1551 : i32
    %lt3A_1553 = arith.constant 0 : i32
    %lt3A_1554 = arith.cmpi slt, %select_n3A_1547, %lt3A_1553 : i32
    %ne3A_1555 = arith.xori %lt3A_1552, %lt3A_1554 : i1
    %and3A_1556 = arith.andi %ne3A_1555, %ne3A_1550 : i1
    %add3A_1557 = arith.addi %rem3A_1548, %select_n3A_1547 : i32
    %select_n3A_1558 = arith.select %and3A_1556, %add3A_1557, %rem3A_1548 : i32
    %broadcast_in_dim3A_1559 = vector.broadcast %select_n3A_1558 : i32 to vector<16xi32>
    %gather3A_1560 = tpu.vector_load_idx %arg26[%iota3A, %broadcast_in_dim3A_1540] : memref<16x128xf32, #tpu.memory_space<vmem>>[vector<16xi32>, vector<16xi32>], vector<16xf32>,
    %gather3A_1561 = tpu.vector_load_idx %arg27[%iota3A, %broadcast_in_dim3A_1559] : memref<16x128xf32, #tpu.memory_space<vmem>>[vector<16xi32>, vector<16xi32>], vector<16xf32>,
    %swap3A_1562 = arith.constant 8016 : index
    %swap3A_1563 = tpu.vector_load %arg48[%swap3A_1562] {strides = array<i32>} : memref<8192xf32, #tpu.memory_space<vmem>>, vector<16xf32>,
    tpu.vector_store %arg48[%swap3A_1562], %gather3A_1560 {strides = array<i32>} : memref<8192xf32, #tpu.memory_space<vmem>>, vector<16xf32>,
    %swap3A_1564 = arith.constant 8016 : index
    %swap3A_1565 = tpu.vector_load %arg49[%swap3A_1564] {strides = array<i32>} : memref<8192xf32, #tpu.memory_space<vmem>>, vector<16xf32>,
    tpu.vector_store %arg49[%swap3A_1564], %gather3A_1561 {strides = array<i32>} : memref<8192xf32, #tpu.memory_space<vmem>>, vector<16xf32>,
    %slice3A_1566 = vector.extract_strided_slice %scan3A_681#0 {offsets = [6], sizes = [1], strides = [1]} : vector<16xi32> to vector<1xi32>
    %squeeze3A_1567 = vector.extract %slice3A_1566[0] : i32 from vector<1xi32>
    %jit3A_1568 = arith.constant 128 : i32
    %eq3A_1569 = arith.constant 0 : i32
    %eq3A_1570 = arith.cmpi eq, %jit3A_1568, %eq3A_1569 : i32
    %jit3A_1571 = arith.constant 1 : i32
    %select_n3A_1572 = arith.select %eq3A_1570, %jit3A_1571, %jit3A_1568 : i32
    %rem3A_1573 = arith.remsi %squeeze3A_1567, %select_n3A_1572 : i32
    %ne3A_1574 = arith.constant 0 : i32
    %ne3A_1575 = arith.cmpi ne, %rem3A_1573, %ne3A_1574 : i32
    %lt3A_1576 = arith.constant 0 : i32
    %lt3A_1577 = arith.cmpi slt, %rem3A_1573, %lt3A_1576 : i32
    %lt3A_1578 = arith.constant 0 : i32
    %lt3A_1579 = arith.cmpi slt, %select_n3A_1572, %lt3A_1578 : i32
    %ne3A_1580 = arith.xori %lt3A_1577, %lt3A_1579 : i1
    %and3A_1581 = arith.andi %ne3A_1580, %ne3A_1575 : i1
    %add3A_1582 = arith.addi %rem3A_1573, %select_n3A_1572 : i32
    %select_n3A_1583 = arith.select %and3A_1581, %add3A_1582, %rem3A_1573 : i32
    %broadcast_in_dim3A_1584 = vector.broadcast %select_n3A_1583 : i32 to vector<16xi32>
    %slice3A_1585 = vector.extract_strided_slice %scan3A_681#1 {offsets = [6], sizes = [1], strides = [1]} : vector<16xi32> to vector<1xi32>
    %squeeze3A_1586 = vector.extract %slice3A_1585[0] : i32 from vector<1xi32>
    %jit3A_1587 = arith.constant 128 : i32
    %eq3A_1588 = arith.constant 0 : i32
    %eq3A_1589 = arith.cmpi eq, %jit3A_1587, %eq3A_1588 : i32
    %jit3A_1590 = arith.constant 1 : i32
    %select_n3A_1591 = arith.select %eq3A_1589, %jit3A_1590, %jit3A_1587 : i32
    %rem3A_1592 = arith.remsi %squeeze3A_1586, %select_n3A_1591 : i32
    %ne3A_1593 = arith.constant 0 : i32
    %ne3A_1594 = arith.cmpi ne, %rem3A_1592, %ne3A_1593 : i32
    %lt3A_1595 = arith.constant 0 : i32
    %lt3A_1596 = arith.cmpi slt, %rem3A_1592, %lt3A_1595 : i32
    %lt3A_1597 = arith.constant 0 : i32
    %lt3A_1598 = arith.cmpi slt, %select_n3A_1591, %lt3A_1597 : i32
    %ne3A_1599 = arith.xori %lt3A_1596, %lt3A_1598 : i1
    %and3A_1600 = arith.andi %ne3A_1599, %ne3A_1594 : i1
    %add3A_1601 = arith.addi %rem3A_1592, %select_n3A_1591 : i32
    %select_n3A_1602 = arith.select %and3A_1600, %add3A_1601, %rem3A_1592 : i32
    %broadcast_in_dim3A_1603 = vector.broadcast %select_n3A_1602 : i32 to vector<16xi32>
    %gather3A_1604 = tpu.vector_load_idx %arg28[%iota3A, %broadcast_in_dim3A_1584] : memref<16x128xf32, #tpu.memory_space<vmem>>[vector<16xi32>, vector<16xi32>], vector<16xf32>,
    %gather3A_1605 = tpu.vector_load_idx %arg29[%iota3A, %broadcast_in_dim3A_1603] : memref<16x128xf32, #tpu.memory_space<vmem>>[vector<16xi32>, vector<16xi32>], vector<16xf32>,
    %swap3A_1606 = arith.constant 8032 : index
    %swap3A_1607 = tpu.vector_load %arg48[%swap3A_1606] {strides = array<i32>} : memref<8192xf32, #tpu.memory_space<vmem>>, vector<16xf32>,
    tpu.vector_store %arg48[%swap3A_1606], %gather3A_1604 {strides = array<i32>} : memref<8192xf32, #tpu.memory_space<vmem>>, vector<16xf32>,
    %swap3A_1608 = arith.constant 8032 : index
    %swap3A_1609 = tpu.vector_load %arg49[%swap3A_1608] {strides = array<i32>} : memref<8192xf32, #tpu.memory_space<vmem>>, vector<16xf32>,
    tpu.vector_store %arg49[%swap3A_1608], %gather3A_1605 {strides = array<i32>} : memref<8192xf32, #tpu.memory_space<vmem>>, vector<16xf32>,
    %slice3A_1610 = vector.extract_strided_slice %scan3A_681#0 {offsets = [7], sizes = [1], strides = [1]} : vector<16xi32> to vector<1xi32>
    %squeeze3A_1611 = vector.extract %slice3A_1610[0] : i32 from vector<1xi32>
    %jit3A_1612 = arith.constant 128 : i32
    %eq3A_1613 = arith.constant 0 : i32
    %eq3A_1614 = arith.cmpi eq, %jit3A_1612, %eq3A_1613 : i32
    %jit3A_1615 = arith.constant 1 : i32
    %select_n3A_1616 = arith.select %eq3A_1614, %jit3A_1615, %jit3A_1612 : i32
    %rem3A_1617 = arith.remsi %squeeze3A_1611, %select_n3A_1616 : i32
    %ne3A_1618 = arith.constant 0 : i32
    %ne3A_1619 = arith.cmpi ne, %rem3A_1617, %ne3A_1618 : i32
    %lt3A_1620 = arith.constant 0 : i32
    %lt3A_1621 = arith.cmpi slt, %rem3A_1617, %lt3A_1620 : i32
    %lt3A_1622 = arith.constant 0 : i32
    %lt3A_1623 = arith.cmpi slt, %select_n3A_1616, %lt3A_1622 : i32
    %ne3A_1624 = arith.xori %lt3A_1621, %lt3A_1623 : i1
    %and3A_1625 = arith.andi %ne3A_1624, %ne3A_1619 : i1
    %add3A_1626 = arith.addi %rem3A_1617, %select_n3A_1616 : i32
    %select_n3A_1627 = arith.select %and3A_1625, %add3A_1626, %rem3A_1617 : i32
    %broadcast_in_dim3A_1628 = vector.broadcast %select_n3A_1627 : i32 to vector<16xi32>
    %slice3A_1629 = vector.extract_strided_slice %scan3A_681#1 {offsets = [7], sizes = [1], strides = [1]} : vector<16xi32> to vector<1xi32>
    %squeeze3A_1630 = vector.extract %slice3A_1629[0] : i32 from vector<1xi32>
    %jit3A_1631 = arith.constant 128 : i32
    %eq3A_1632 = arith.constant 0 : i32
    %eq3A_1633 = arith.cmpi eq, %jit3A_1631, %eq3A_1632 : i32
    %jit3A_1634 = arith.constant 1 : i32
    %select_n3A_1635 = arith.select %eq3A_1633, %jit3A_1634, %jit3A_1631 : i32
    %rem3A_1636 = arith.remsi %squeeze3A_1630, %select_n3A_1635 : i32
    %ne3A_1637 = arith.constant 0 : i32
    %ne3A_1638 = arith.cmpi ne, %rem3A_1636, %ne3A_1637 : i32
    %lt3A_1639 = arith.constant 0 : i32
    %lt3A_1640 = arith.cmpi slt, %rem3A_1636, %lt3A_1639 : i32
    %lt3A_1641 = arith.constant 0 : i32
    %lt3A_1642 = arith.cmpi slt, %select_n3A_1635, %lt3A_1641 : i32
    %ne3A_1643 = arith.xori %lt3A_1640, %lt3A_1642 : i1
    %and3A_1644 = arith.andi %ne3A_1643, %ne3A_1638 : i1
    %add3A_1645 = arith.addi %rem3A_1636, %select_n3A_1635 : i32
    %select_n3A_1646 = arith.select %and3A_1644, %add3A_1645, %rem3A_1636 : i32
    %broadcast_in_dim3A_1647 = vector.broadcast %select_n3A_1646 : i32 to vector<16xi32>
    %gather3A_1648 = tpu.vector_load_idx %arg30[%iota3A, %broadcast_in_dim3A_1628] : memref<16x128xf32, #tpu.memory_space<vmem>>[vector<16xi32>, vector<16xi32>], vector<16xf32>,
    %gather3A_1649 = tpu.vector_load_idx %arg31[%iota3A, %broadcast_in_dim3A_1647] : memref<16x128xf32, #tpu.memory_space<vmem>>[vector<16xi32>, vector<16xi32>], vector<16xf32>,
    %swap3A_1650 = arith.constant 8048 : index
    %swap3A_1651 = tpu.vector_load %arg48[%swap3A_1650] {strides = array<i32>} : memref<8192xf32, #tpu.memory_space<vmem>>, vector<16xf32>,
    tpu.vector_store %arg48[%swap3A_1650], %gather3A_1648 {strides = array<i32>} : memref<8192xf32, #tpu.memory_space<vmem>>, vector<16xf32>,
    %swap3A_1652 = arith.constant 8048 : index
    %swap3A_1653 = tpu.vector_load %arg49[%swap3A_1652] {strides = array<i32>} : memref<8192xf32, #tpu.memory_space<vmem>>, vector<16xf32>,
    tpu.vector_store %arg49[%swap3A_1652], %gather3A_1649 {strides = array<i32>} : memref<8192xf32, #tpu.memory_space<vmem>>, vector<16xf32>,
    %dma_wait3A_1654 = arith.constant 0 : i32
    %dma_wait3A_1655 = arith.constant 0 : i32
    %dma_wait3A_1656 = tpu.memref_slice %arg4[%dma_wait3A_1654, %dma_wait3A_1655] : memref<16x1000000xf32, #tpu.memory_space<hbm>> -> memref<16x128xf32, #tpu.memory_space<hbm>>
    %dma_wait3A_1657 = arith.constant 0 : i32
    %dma_wait3A_1658 = arith.constant 0 : i32
    %dma_wait3A_1659 = tpu.memref_slice %arg4[%dma_wait3A_1657, %dma_wait3A_1658] : memref<16x1000000xf32, #tpu.memory_space<hbm>> -> memref<16x128xf32, #tpu.memory_space<hbm>>
    tpu.wait_dma2 semaphore(%arg51 : memref<!tpu.dma_semaphore, #tpu.memory_space<semaphore_mem>>) src(%dma_wait3A_1659 : memref<16x128xf32, #tpu.memory_space<hbm>>) dst(%arg32 : memref<16x128xf32, #tpu.memory_space<vmem>>)
    %dma_wait3A_1660 = arith.constant 0 : i32
    %dma_wait3A_1661 = arith.constant 0 : i32
    %dma_wait3A_1662 = tpu.memref_slice %arg4[%dma_wait3A_1660, %dma_wait3A_1661] : memref<16x1000000xf32, #tpu.memory_space<hbm>> -> memref<16x128xf32, #tpu.memory_space<hbm>>
    %dma_wait3A_1663 = arith.constant 0 : i32
    %dma_wait3A_1664 = arith.constant 0 : i32
    %dma_wait3A_1665 = tpu.memref_slice %arg4[%dma_wait3A_1663, %dma_wait3A_1664] : memref<16x1000000xf32, #tpu.memory_space<hbm>> -> memref<16x128xf32, #tpu.memory_space<hbm>>
    tpu.wait_dma2 semaphore(%arg51 : memref<!tpu.dma_semaphore, #tpu.memory_space<semaphore_mem>>) src(%dma_wait3A_1665 : memref<16x128xf32, #tpu.memory_space<hbm>>) dst(%arg33 : memref<16x128xf32, #tpu.memory_space<vmem>>)
    %dma_wait3A_1666 = arith.constant 0 : i32
    %dma_wait3A_1667 = arith.constant 0 : i32
    %dma_wait3A_1668 = tpu.memref_slice %arg4[%dma_wait3A_1666, %dma_wait3A_1667] : memref<16x1000000xf32, #tpu.memory_space<hbm>> -> memref<16x128xf32, #tpu.memory_space<hbm>>
    %dma_wait3A_1669 = arith.constant 0 : i32
    %dma_wait3A_1670 = arith.constant 0 : i32
    %dma_wait3A_1671 = tpu.memref_slice %arg4[%dma_wait3A_1669, %dma_wait3A_1670] : memref<16x1000000xf32, #tpu.memory_space<hbm>> -> memref<16x128xf32, #tpu.memory_space<hbm>>
    tpu.wait_dma2 semaphore(%arg51 : memref<!tpu.dma_semaphore, #tpu.memory_space<semaphore_mem>>) src(%dma_wait3A_1671 : memref<16x128xf32, #tpu.memory_space<hbm>>) dst(%arg34 : memref<16x128xf32, #tpu.memory_space<vmem>>)
    %dma_wait3A_1672 = arith.constant 0 : i32
    %dma_wait3A_1673 = arith.constant 0 : i32
    %dma_wait3A_1674 = tpu.memref_slice %arg4[%dma_wait3A_1672, %dma_wait3A_1673] : memref<16x1000000xf32, #tpu.memory_space<hbm>> -> memref<16x128xf32, #tpu.memory_space<hbm>>
    %dma_wait3A_1675 = arith.constant 0 : i32
    %dma_wait3A_1676 = arith.constant 0 : i32
    %dma_wait3A_1677 = tpu.memref_slice %arg4[%dma_wait3A_1675, %dma_wait3A_1676] : memref<16x1000000xf32, #tpu.memory_space<hbm>> -> memref<16x128xf32, #tpu.memory_space<hbm>>
    tpu.wait_dma2 semaphore(%arg51 : memref<!tpu.dma_semaphore, #tpu.memory_space<semaphore_mem>>) src(%dma_wait3A_1677 : memref<16x128xf32, #tpu.memory_space<hbm>>) dst(%arg35 : memref<16x128xf32, #tpu.memory_space<vmem>>)
    %dma_wait3A_1678 = arith.constant 0 : i32
    %dma_wait3A_1679 = arith.constant 0 : i32
    %dma_wait3A_1680 = tpu.memref_slice %arg4[%dma_wait3A_1678, %dma_wait3A_1679] : memref<16x1000000xf32, #tpu.memory_space<hbm>> -> memref<16x128xf32, #tpu.memory_space<hbm>>
    %dma_wait3A_1681 = arith.constant 0 : i32
    %dma_wait3A_1682 = arith.constant 0 : i32
    %dma_wait3A_1683 = tpu.memref_slice %arg4[%dma_wait3A_1681, %dma_wait3A_1682] : memref<16x1000000xf32, #tpu.memory_space<hbm>> -> memref<16x128xf32, #tpu.memory_space<hbm>>
    tpu.wait_dma2 semaphore(%arg51 : memref<!tpu.dma_semaphore, #tpu.memory_space<semaphore_mem>>) src(%dma_wait3A_1683 : memref<16x128xf32, #tpu.memory_space<hbm>>) dst(%arg36 : memref<16x128xf32, #tpu.memory_space<vmem>>)
    %dma_wait3A_1684 = arith.constant 0 : i32
    %dma_wait3A_1685 = arith.constant 0 : i32
    %dma_wait3A_1686 = tpu.memref_slice %arg4[%dma_wait3A_1684, %dma_wait3A_1685] : memref<16x1000000xf32, #tpu.memory_space<hbm>> -> memref<16x128xf32, #tpu.memory_space<hbm>>
    %dma_wait3A_1687 = arith.constant 0 : i32
    %dma_wait3A_1688 = arith.constant 0 : i32
    %dma_wait3A_1689 = tpu.memref_slice %arg4[%dma_wait3A_1687, %dma_wait3A_1688] : memref<16x1000000xf32, #tpu.memory_space<hbm>> -> memref<16x128xf32, #tpu.memory_space<hbm>>
    tpu.wait_dma2 semaphore(%arg51 : memref<!tpu.dma_semaphore, #tpu.memory_space<semaphore_mem>>) src(%dma_wait3A_1689 : memref<16x128xf32, #tpu.memory_space<hbm>>) dst(%arg37 : memref<16x128xf32, #tpu.memory_space<vmem>>)
    %dma_wait3A_1690 = arith.constant 0 : i32
    %dma_wait3A_1691 = arith.constant 0 : i32
    %dma_wait3A_1692 = tpu.memref_slice %arg4[%dma_wait3A_1690, %dma_wait3A_1691] : memref<16x1000000xf32, #tpu.memory_space<hbm>> -> memref<16x128xf32, #tpu.memory_space<hbm>>
    %dma_wait3A_1693 = arith.constant 0 : i32
    %dma_wait3A_1694 = arith.constant 0 : i32
    %dma_wait3A_1695 = tpu.memref_slice %arg4[%dma_wait3A_1693, %dma_wait3A_1694] : memref<16x1000000xf32, #tpu.memory_space<hbm>> -> memref<16x128xf32, #tpu.memory_space<hbm>>
    tpu.wait_dma2 semaphore(%arg51 : memref<!tpu.dma_semaphore, #tpu.memory_space<semaphore_mem>>) src(%dma_wait3A_1695 : memref<16x128xf32, #tpu.memory_space<hbm>>) dst(%arg38 : memref<16x128xf32, #tpu.memory_space<vmem>>)
    %dma_wait3A_1696 = arith.constant 0 : i32
    %dma_wait3A_1697 = arith.constant 0 : i32
    %dma_wait3A_1698 = tpu.memref_slice %arg4[%dma_wait3A_1696, %dma_wait3A_1697] : memref<16x1000000xf32, #tpu.memory_space<hbm>> -> memref<16x128xf32, #tpu.memory_space<hbm>>
    %dma_wait3A_1699 = arith.constant 0 : i32
    %dma_wait3A_1700 = arith.constant 0 : i32
    %dma_wait3A_1701 = tpu.memref_slice %arg4[%dma_wait3A_1699, %dma_wait3A_1700] : memref<16x1000000xf32, #tpu.memory_space<hbm>> -> memref<16x128xf32, #tpu.memory_space<hbm>>
    tpu.wait_dma2 semaphore(%arg51 : memref<!tpu.dma_semaphore, #tpu.memory_space<semaphore_mem>>) src(%dma_wait3A_1701 : memref<16x128xf32, #tpu.memory_space<hbm>>) dst(%arg39 : memref<16x128xf32, #tpu.memory_space<vmem>>)
    %dma_wait3A_1702 = arith.constant 0 : i32
    %dma_wait3A_1703 = arith.constant 0 : i32
    %dma_wait3A_1704 = tpu.memref_slice %arg4[%dma_wait3A_1702, %dma_wait3A_1703] : memref<16x1000000xf32, #tpu.memory_space<hbm>> -> memref<16x128xf32, #tpu.memory_space<hbm>>
    %dma_wait3A_1705 = arith.constant 0 : i32
    %dma_wait3A_1706 = arith.constant 0 : i32
    %dma_wait3A_1707 = tpu.memref_slice %arg4[%dma_wait3A_1705, %dma_wait3A_1706] : memref<16x1000000xf32, #tpu.memory_space<hbm>> -> memref<16x128xf32, #tpu.memory_space<hbm>>
    tpu.wait_dma2 semaphore(%arg51 : memref<!tpu.dma_semaphore, #tpu.memory_space<semaphore_mem>>) src(%dma_wait3A_1707 : memref<16x128xf32, #tpu.memory_space<hbm>>) dst(%arg40 : memref<16x128xf32, #tpu.memory_space<vmem>>)
    %dma_wait3A_1708 = arith.constant 0 : i32
    %dma_wait3A_1709 = arith.constant 0 : i32
    %dma_wait3A_1710 = tpu.memref_slice %arg4[%dma_wait3A_1708, %dma_wait3A_1709] : memref<16x1000000xf32, #tpu.memory_space<hbm>> -> memref<16x128xf32, #tpu.memory_space<hbm>>
    %dma_wait3A_1711 = arith.constant 0 : i32
    %dma_wait3A_1712 = arith.constant 0 : i32
    %dma_wait3A_1713 = tpu.memref_slice %arg4[%dma_wait3A_1711, %dma_wait3A_1712] : memref<16x1000000xf32, #tpu.memory_space<hbm>> -> memref<16x128xf32, #tpu.memory_space<hbm>>
    tpu.wait_dma2 semaphore(%arg51 : memref<!tpu.dma_semaphore, #tpu.memory_space<semaphore_mem>>) src(%dma_wait3A_1713 : memref<16x128xf32, #tpu.memory_space<hbm>>) dst(%arg41 : memref<16x128xf32, #tpu.memory_space<vmem>>)
    %dma_wait3A_1714 = arith.constant 0 : i32
    %dma_wait3A_1715 = arith.constant 0 : i32
    %dma_wait3A_1716 = tpu.memref_slice %arg4[%dma_wait3A_1714, %dma_wait3A_1715] : memref<16x1000000xf32, #tpu.memory_space<hbm>> -> memref<16x128xf32, #tpu.memory_space<hbm>>
    %dma_wait3A_1717 = arith.constant 0 : i32
    %dma_wait3A_1718 = arith.constant 0 : i32
    %dma_wait3A_1719 = tpu.memref_slice %arg4[%dma_wait3A_1717, %dma_wait3A_1718] : memref<16x1000000xf32, #tpu.memory_space<hbm>> -> memref<16x128xf32, #tpu.memory_space<hbm>>
    tpu.wait_dma2 semaphore(%arg51 : memref<!tpu.dma_semaphore, #tpu.memory_space<semaphore_mem>>) src(%dma_wait3A_1719 : memref<16x128xf32, #tpu.memory_space<hbm>>) dst(%arg42 : memref<16x128xf32, #tpu.memory_space<vmem>>)
    %dma_wait3A_1720 = arith.constant 0 : i32
    %dma_wait3A_1721 = arith.constant 0 : i32
    %dma_wait3A_1722 = tpu.memref_slice %arg4[%dma_wait3A_1720, %dma_wait3A_1721] : memref<16x1000000xf32, #tpu.memory_space<hbm>> -> memref<16x128xf32, #tpu.memory_space<hbm>>
    %dma_wait3A_1723 = arith.constant 0 : i32
    %dma_wait3A_1724 = arith.constant 0 : i32
    %dma_wait3A_1725 = tpu.memref_slice %arg4[%dma_wait3A_1723, %dma_wait3A_1724] : memref<16x1000000xf32, #tpu.memory_space<hbm>> -> memref<16x128xf32, #tpu.memory_space<hbm>>
    tpu.wait_dma2 semaphore(%arg51 : memref<!tpu.dma_semaphore, #tpu.memory_space<semaphore_mem>>) src(%dma_wait3A_1725 : memref<16x128xf32, #tpu.memory_space<hbm>>) dst(%arg43 : memref<16x128xf32, #tpu.memory_space<vmem>>)
    %dma_wait3A_1726 = arith.constant 0 : i32
    %dma_wait3A_1727 = arith.constant 0 : i32
    %dma_wait3A_1728 = tpu.memref_slice %arg4[%dma_wait3A_1726, %dma_wait3A_1727] : memref<16x1000000xf32, #tpu.memory_space<hbm>> -> memref<16x128xf32, #tpu.memory_space<hbm>>
    %dma_wait3A_1729 = arith.constant 0 : i32
    %dma_wait3A_1730 = arith.constant 0 : i32
    %dma_wait3A_1731 = tpu.memref_slice %arg4[%dma_wait3A_1729, %dma_wait3A_1730] : memref<16x1000000xf32, #tpu.memory_space<hbm>> -> memref<16x128xf32, #tpu.memory_space<hbm>>
    tpu.wait_dma2 semaphore(%arg51 : memref<!tpu.dma_semaphore, #tpu.memory_space<semaphore_mem>>) src(%dma_wait3A_1731 : memref<16x128xf32, #tpu.memory_space<hbm>>) dst(%arg44 : memref<16x128xf32, #tpu.memory_space<vmem>>)
    %dma_wait3A_1732 = arith.constant 0 : i32
    %dma_wait3A_1733 = arith.constant 0 : i32
    %dma_wait3A_1734 = tpu.memref_slice %arg4[%dma_wait3A_1732, %dma_wait3A_1733] : memref<16x1000000xf32, #tpu.memory_space<hbm>> -> memref<16x128xf32, #tpu.memory_space<hbm>>
    %dma_wait3A_1735 = arith.constant 0 : i32
    %dma_wait3A_1736 = arith.constant 0 : i32
    %dma_wait3A_1737 = tpu.memref_slice %arg4[%dma_wait3A_1735, %dma_wait3A_1736] : memref<16x1000000xf32, #tpu.memory_space<hbm>> -> memref<16x128xf32, #tpu.memory_space<hbm>>
    tpu.wait_dma2 semaphore(%arg51 : memref<!tpu.dma_semaphore, #tpu.memory_space<semaphore_mem>>) src(%dma_wait3A_1737 : memref<16x128xf32, #tpu.memory_space<hbm>>) dst(%arg45 : memref<16x128xf32, #tpu.memory_space<vmem>>)
    %dma_wait3A_1738 = arith.constant 0 : i32
    %dma_wait3A_1739 = arith.constant 0 : i32
    %dma_wait3A_1740 = tpu.memref_slice %arg4[%dma_wait3A_1738, %dma_wait3A_1739] : memref<16x1000000xf32, #tpu.memory_space<hbm>> -> memref<16x128xf32, #tpu.memory_space<hbm>>
    %dma_wait3A_1741 = arith.constant 0 : i32
    %dma_wait3A_1742 = arith.constant 0 : i32
    %dma_wait3A_1743 = tpu.memref_slice %arg4[%dma_wait3A_1741, %dma_wait3A_1742] : memref<16x1000000xf32, #tpu.memory_space<hbm>> -> memref<16x128xf32, #tpu.memory_space<hbm>>
    tpu.wait_dma2 semaphore(%arg51 : memref<!tpu.dma_semaphore, #tpu.memory_space<semaphore_mem>>) src(%dma_wait3A_1743 : memref<16x128xf32, #tpu.memory_space<hbm>>) dst(%arg46 : memref<16x128xf32, #tpu.memory_space<vmem>>)
    %dma_wait3A_1744 = arith.constant 0 : i32
    %dma_wait3A_1745 = arith.constant 0 : i32
    %dma_wait3A_1746 = tpu.memref_slice %arg4[%dma_wait3A_1744, %dma_wait3A_1745] : memref<16x1000000xf32, #tpu.memory_space<hbm>> -> memref<16x128xf32, #tpu.memory_space<hbm>>
    %dma_wait3A_1747 = arith.constant 0 : i32
    %dma_wait3A_1748 = arith.constant 0 : i32
    %dma_wait3A_1749 = tpu.memref_slice %arg4[%dma_wait3A_1747, %dma_wait3A_1748] : memref<16x1000000xf32, #tpu.memory_space<hbm>> -> memref<16x128xf32, #tpu.memory_space<hbm>>
    tpu.wait_dma2 semaphore(%arg51 : memref<!tpu.dma_semaphore, #tpu.memory_space<semaphore_mem>>) src(%dma_wait3A_1749 : memref<16x128xf32, #tpu.memory_space<hbm>>) dst(%arg47 : memref<16x128xf32, #tpu.memory_space<vmem>>)
    %slice3A_1750 = vector.extract_strided_slice %scan3A_681#0 {offsets = [8], sizes = [1], strides = [1]} : vector<16xi32> to vector<1xi32>
    %squeeze3A_1751 = vector.extract %slice3A_1750[0] : i32 from vector<1xi32>
    %jit3A_1752 = arith.constant 128 : i32
    %eq3A_1753 = arith.constant 0 : i32
    %eq3A_1754 = arith.cmpi eq, %jit3A_1752, %eq3A_1753 : i32
    %jit3A_1755 = arith.constant 1 : i32
    %select_n3A_1756 = arith.select %eq3A_1754, %jit3A_1755, %jit3A_1752 : i32
    %rem3A_1757 = arith.remsi %squeeze3A_1751, %select_n3A_1756 : i32
    %ne3A_1758 = arith.constant 0 : i32
    %ne3A_1759 = arith.cmpi ne, %rem3A_1757, %ne3A_1758 : i32
    %lt3A_1760 = arith.constant 0 : i32
    %lt3A_1761 = arith.cmpi slt, %rem3A_1757, %lt3A_1760 : i32
    %lt3A_1762 = arith.constant 0 : i32
    %lt3A_1763 = arith.cmpi slt, %select_n3A_1756, %lt3A_1762 : i32
    %ne3A_1764 = arith.xori %lt3A_1761, %lt3A_1763 : i1
    %and3A_1765 = arith.andi %ne3A_1764, %ne3A_1759 : i1
    %add3A_1766 = arith.addi %rem3A_1757, %select_n3A_1756 : i32
    %select_n3A_1767 = arith.select %and3A_1765, %add3A_1766, %rem3A_1757 : i32
    %broadcast_in_dim3A_1768 = vector.broadcast %select_n3A_1767 : i32 to vector<16xi32>
    %slice3A_1769 = vector.extract_strided_slice %scan3A_681#1 {offsets = [8], sizes = [1], strides = [1]} : vector<16xi32> to vector<1xi32>
    %squeeze3A_1770 = vector.extract %slice3A_1769[0] : i32 from vector<1xi32>
    %jit3A_1771 = arith.constant 128 : i32
    %eq3A_1772 = arith.constant 0 : i32
    %eq3A_1773 = arith.cmpi eq, %jit3A_1771, %eq3A_1772 : i32
    %jit3A_1774 = arith.constant 1 : i32
    %select_n3A_1775 = arith.select %eq3A_1773, %jit3A_1774, %jit3A_1771 : i32
    %rem3A_1776 = arith.remsi %squeeze3A_1770, %select_n3A_1775 : i32
    %ne3A_1777 = arith.constant 0 : i32
    %ne3A_1778 = arith.cmpi ne, %rem3A_1776, %ne3A_1777 : i32
    %lt3A_1779 = arith.constant 0 : i32
    %lt3A_1780 = arith.cmpi slt, %rem3A_1776, %lt3A_1779 : i32
    %lt3A_1781 = arith.constant 0 : i32
    %lt3A_1782 = arith.cmpi slt, %select_n3A_1775, %lt3A_1781 : i32
    %ne3A_1783 = arith.xori %lt3A_1780, %lt3A_1782 : i1
    %and3A_1784 = arith.andi %ne3A_1783, %ne3A_1778 : i1
    %add3A_1785 = arith.addi %rem3A_1776, %select_n3A_1775 : i32
    %select_n3A_1786 = arith.select %and3A_1784, %add3A_1785, %rem3A_1776 : i32
    %broadcast_in_dim3A_1787 = vector.broadcast %select_n3A_1786 : i32 to vector<16xi32>
    %gather3A_1788 = tpu.vector_load_idx %arg32[%iota3A, %broadcast_in_dim3A_1768] : memref<16x128xf32, #tpu.memory_space<vmem>>[vector<16xi32>, vector<16xi32>], vector<16xf32>,
    %gather3A_1789 = tpu.vector_load_idx %arg33[%iota3A, %broadcast_in_dim3A_1787] : memref<16x128xf32, #tpu.memory_space<vmem>>[vector<16xi32>, vector<16xi32>], vector<16xf32>,
    %swap3A_1790 = arith.constant 8064 : index
    %swap3A_1791 = tpu.vector_load %arg48[%swap3A_1790] {strides = array<i32>} : memref<8192xf32, #tpu.memory_space<vmem>>, vector<16xf32>,
    tpu.vector_store %arg48[%swap3A_1790], %gather3A_1788 {strides = array<i32>} : memref<8192xf32, #tpu.memory_space<vmem>>, vector<16xf32>,
    %swap3A_1792 = arith.constant 8064 : index
    %swap3A_1793 = tpu.vector_load %arg49[%swap3A_1792] {strides = array<i32>} : memref<8192xf32, #tpu.memory_space<vmem>>, vector<16xf32>,
    tpu.vector_store %arg49[%swap3A_1792], %gather3A_1789 {strides = array<i32>} : memref<8192xf32, #tpu.memory_space<vmem>>, vector<16xf32>,
    %slice3A_1794 = vector.extract_strided_slice %scan3A_681#0 {offsets = [9], sizes = [1], strides = [1]} : vector<16xi32> to vector<1xi32>
    %squeeze3A_1795 = vector.extract %slice3A_1794[0] : i32 from vector<1xi32>
    %jit3A_1796 = arith.constant 128 : i32
    %eq3A_1797 = arith.constant 0 : i32
    %eq3A_1798 = arith.cmpi eq, %jit3A_1796, %eq3A_1797 : i32
    %jit3A_1799 = arith.constant 1 : i32
    %select_n3A_1800 = arith.select %eq3A_1798, %jit3A_1799, %jit3A_1796 : i32
    %rem3A_1801 = arith.remsi %squeeze3A_1795, %select_n3A_1800 : i32
    %ne3A_1802 = arith.constant 0 : i32
    %ne3A_1803 = arith.cmpi ne, %rem3A_1801, %ne3A_1802 : i32
    %lt3A_1804 = arith.constant 0 : i32
    %lt3A_1805 = arith.cmpi slt, %rem3A_1801, %lt3A_1804 : i32
    %lt3A_1806 = arith.constant 0 : i32
    %lt3A_1807 = arith.cmpi slt, %select_n3A_1800, %lt3A_1806 : i32
    %ne3A_1808 = arith.xori %lt3A_1805, %lt3A_1807 : i1
    %and3A_1809 = arith.andi %ne3A_1808, %ne3A_1803 : i1
    %add3A_1810 = arith.addi %rem3A_1801, %select_n3A_1800 : i32
    %select_n3A_1811 = arith.select %and3A_1809, %add3A_1810, %rem3A_1801 : i32
    %broadcast_in_dim3A_1812 = vector.broadcast %select_n3A_1811 : i32 to vector<16xi32>
    %slice3A_1813 = vector.extract_strided_slice %scan3A_681#1 {offsets = [9], sizes = [1], strides = [1]} : vector<16xi32> to vector<1xi32>
    %squeeze3A_1814 = vector.extract %slice3A_1813[0] : i32 from vector<1xi32>
    %jit3A_1815 = arith.constant 128 : i32
    %eq3A_1816 = arith.constant 0 : i32
    %eq3A_1817 = arith.cmpi eq, %jit3A_1815, %eq3A_1816 : i32
    %jit3A_1818 = arith.constant 1 : i32
    %select_n3A_1819 = arith.select %eq3A_1817, %jit3A_1818, %jit3A_1815 : i32
    %rem3A_1820 = arith.remsi %squeeze3A_1814, %select_n3A_1819 : i32
    %ne3A_1821 = arith.constant 0 : i32
    %ne3A_1822 = arith.cmpi ne, %rem3A_1820, %ne3A_1821 : i32
    %lt3A_1823 = arith.constant 0 : i32
    %lt3A_1824 = arith.cmpi slt, %rem3A_1820, %lt3A_1823 : i32
    %lt3A_1825 = arith.constant 0 : i32
    %lt3A_1826 = arith.cmpi slt, %select_n3A_1819, %lt3A_1825 : i32
    %ne3A_1827 = arith.xori %lt3A_1824, %lt3A_1826 : i1
    %and3A_1828 = arith.andi %ne3A_1827, %ne3A_1822 : i1
    %add3A_1829 = arith.addi %rem3A_1820, %select_n3A_1819 : i32
    %select_n3A_1830 = arith.select %and3A_1828, %add3A_1829, %rem3A_1820 : i32
    %broadcast_in_dim3A_1831 = vector.broadcast %select_n3A_1830 : i32 to vector<16xi32>
    %gather3A_1832 = tpu.vector_load_idx %arg34[%iota3A, %broadcast_in_dim3A_1812] : memref<16x128xf32, #tpu.memory_space<vmem>>[vector<16xi32>, vector<16xi32>], vector<16xf32>,
    %gather3A_1833 = tpu.vector_load_idx %arg35[%iota3A, %broadcast_in_dim3A_1831] : memref<16x128xf32, #tpu.memory_space<vmem>>[vector<16xi32>, vector<16xi32>], vector<16xf32>,
    %swap3A_1834 = arith.constant 8080 : index
    %swap3A_1835 = tpu.vector_load %arg48[%swap3A_1834] {strides = array<i32>} : memref<8192xf32, #tpu.memory_space<vmem>>, vector<16xf32>,
    tpu.vector_store %arg48[%swap3A_1834], %gather3A_1832 {strides = array<i32>} : memref<8192xf32, #tpu.memory_space<vmem>>, vector<16xf32>,
    %swap3A_1836 = arith.constant 8080 : index
    %swap3A_1837 = tpu.vector_load %arg49[%swap3A_1836] {strides = array<i32>} : memref<8192xf32, #tpu.memory_space<vmem>>, vector<16xf32>,
    tpu.vector_store %arg49[%swap3A_1836], %gather3A_1833 {strides = array<i32>} : memref<8192xf32, #tpu.memory_space<vmem>>, vector<16xf32>,
    %slice3A_1838 = vector.extract_strided_slice %scan3A_681#0 {offsets = [10], sizes = [1], strides = [1]} : vector<16xi32> to vector<1xi32>
    %squeeze3A_1839 = vector.extract %slice3A_1838[0] : i32 from vector<1xi32>
    %jit3A_1840 = arith.constant 128 : i32
    %eq3A_1841 = arith.constant 0 : i32
    %eq3A_1842 = arith.cmpi eq, %jit3A_1840, %eq3A_1841 : i32
    %jit3A_1843 = arith.constant 1 : i32
    %select_n3A_1844 = arith.select %eq3A_1842, %jit3A_1843, %jit3A_1840 : i32
    %rem3A_1845 = arith.remsi %squeeze3A_1839, %select_n3A_1844 : i32
    %ne3A_1846 = arith.constant 0 : i32
    %ne3A_1847 = arith.cmpi ne, %rem3A_1845, %ne3A_1846 : i32
    %lt3A_1848 = arith.constant 0 : i32
    %lt3A_1849 = arith.cmpi slt, %rem3A_1845, %lt3A_1848 : i32
    %lt3A_1850 = arith.constant 0 : i32
    %lt3A_1851 = arith.cmpi slt, %select_n3A_1844, %lt3A_1850 : i32
    %ne3A_1852 = arith.xori %lt3A_1849, %lt3A_1851 : i1
    %and3A_1853 = arith.andi %ne3A_1852, %ne3A_1847 : i1
    %add3A_1854 = arith.addi %rem3A_1845, %select_n3A_1844 : i32
    %select_n3A_1855 = arith.select %and3A_1853, %add3A_1854, %rem3A_1845 : i32
    %broadcast_in_dim3A_1856 = vector.broadcast %select_n3A_1855 : i32 to vector<16xi32>
    %slice3A_1857 = vector.extract_strided_slice %scan3A_681#1 {offsets = [10], sizes = [1], strides = [1]} : vector<16xi32> to vector<1xi32>
    %squeeze3A_1858 = vector.extract %slice3A_1857[0] : i32 from vector<1xi32>
    %jit3A_1859 = arith.constant 128 : i32
    %eq3A_1860 = arith.constant 0 : i32
    %eq3A_1861 = arith.cmpi eq, %jit3A_1859, %eq3A_1860 : i32
    %jit3A_1862 = arith.constant 1 : i32
    %select_n3A_1863 = arith.select %eq3A_1861, %jit3A_1862, %jit3A_1859 : i32
    %rem3A_1864 = arith.remsi %squeeze3A_1858, %select_n3A_1863 : i32
    %ne3A_1865 = arith.constant 0 : i32
    %ne3A_1866 = arith.cmpi ne, %rem3A_1864, %ne3A_1865 : i32
    %lt3A_1867 = arith.constant 0 : i32
    %lt3A_1868 = arith.cmpi slt, %rem3A_1864, %lt3A_1867 : i32
    %lt3A_1869 = arith.constant 0 : i32
    %lt3A_1870 = arith.cmpi slt, %select_n3A_1863, %lt3A_1869 : i32
    %ne3A_1871 = arith.xori %lt3A_1868, %lt3A_1870 : i1
    %and3A_1872 = arith.andi %ne3A_1871, %ne3A_1866 : i1
    %add3A_1873 = arith.addi %rem3A_1864, %select_n3A_1863 : i32
    %select_n3A_1874 = arith.select %and3A_1872, %add3A_1873, %rem3A_1864 : i32
    %broadcast_in_dim3A_1875 = vector.broadcast %select_n3A_1874 : i32 to vector<16xi32>
    %gather3A_1876 = tpu.vector_load_idx %arg36[%iota3A, %broadcast_in_dim3A_1856] : memref<16x128xf32, #tpu.memory_space<vmem>>[vector<16xi32>, vector<16xi32>], vector<16xf32>,
    %gather3A_1877 = tpu.vector_load_idx %arg37[%iota3A, %broadcast_in_dim3A_1875] : memref<16x128xf32, #tpu.memory_space<vmem>>[vector<16xi32>, vector<16xi32>], vector<16xf32>,
    %swap3A_1878 = arith.constant 8096 : index
    %swap3A_1879 = tpu.vector_load %arg48[%swap3A_1878] {strides = array<i32>} : memref<8192xf32, #tpu.memory_space<vmem>>, vector<16xf32>,
    tpu.vector_store %arg48[%swap3A_1878], %gather3A_1876 {strides = array<i32>} : memref<8192xf32, #tpu.memory_space<vmem>>, vector<16xf32>,
    %swap3A_1880 = arith.constant 8096 : index
    %swap3A_1881 = tpu.vector_load %arg49[%swap3A_1880] {strides = array<i32>} : memref<8192xf32, #tpu.memory_space<vmem>>, vector<16xf32>,
    tpu.vector_store %arg49[%swap3A_1880], %gather3A_1877 {strides = array<i32>} : memref<8192xf32, #tpu.memory_space<vmem>>, vector<16xf32>,
    %slice3A_1882 = vector.extract_strided_slice %scan3A_681#0 {offsets = [11], sizes = [1], strides = [1]} : vector<16xi32> to vector<1xi32>
    %squeeze3A_1883 = vector.extract %slice3A_1882[0] : i32 from vector<1xi32>
    %jit3A_1884 = arith.constant 128 : i32
    %eq3A_1885 = arith.constant 0 : i32
    %eq3A_1886 = arith.cmpi eq, %jit3A_1884, %eq3A_1885 : i32
    %jit3A_1887 = arith.constant 1 : i32
    %select_n3A_1888 = arith.select %eq3A_1886, %jit3A_1887, %jit3A_1884 : i32
    %rem3A_1889 = arith.remsi %squeeze3A_1883, %select_n3A_1888 : i32
    %ne3A_1890 = arith.constant 0 : i32
    %ne3A_1891 = arith.cmpi ne, %rem3A_1889, %ne3A_1890 : i32
    %lt3A_1892 = arith.constant 0 : i32
    %lt3A_1893 = arith.cmpi slt, %rem3A_1889, %lt3A_1892 : i32
    %lt3A_1894 = arith.constant 0 : i32
    %lt3A_1895 = arith.cmpi slt, %select_n3A_1888, %lt3A_1894 : i32
    %ne3A_1896 = arith.xori %lt3A_1893, %lt3A_1895 : i1
    %and3A_1897 = arith.andi %ne3A_1896, %ne3A_1891 : i1
    %add3A_1898 = arith.addi %rem3A_1889, %select_n3A_1888 : i32
    %select_n3A_1899 = arith.select %and3A_1897, %add3A_1898, %rem3A_1889 : i32
    %broadcast_in_dim3A_1900 = vector.broadcast %select_n3A_1899 : i32 to vector<16xi32>
    %slice3A_1901 = vector.extract_strided_slice %scan3A_681#1 {offsets = [11], sizes = [1], strides = [1]} : vector<16xi32> to vector<1xi32>
    %squeeze3A_1902 = vector.extract %slice3A_1901[0] : i32 from vector<1xi32>
    %jit3A_1903 = arith.constant 128 : i32
    %eq3A_1904 = arith.constant 0 : i32
    %eq3A_1905 = arith.cmpi eq, %jit3A_1903, %eq3A_1904 : i32
    %jit3A_1906 = arith.constant 1 : i32
    %select_n3A_1907 = arith.select %eq3A_1905, %jit3A_1906, %jit3A_1903 : i32
    %rem3A_1908 = arith.remsi %squeeze3A_1902, %select_n3A_1907 : i32
    %ne3A_1909 = arith.constant 0 : i32
    %ne3A_1910 = arith.cmpi ne, %rem3A_1908, %ne3A_1909 : i32
    %lt3A_1911 = arith.constant 0 : i32
    %lt3A_1912 = arith.cmpi slt, %rem3A_1908, %lt3A_1911 : i32
    %lt3A_1913 = arith.constant 0 : i32
    %lt3A_1914 = arith.cmpi slt, %select_n3A_1907, %lt3A_1913 : i32
    %ne3A_1915 = arith.xori %lt3A_1912, %lt3A_1914 : i1
    %and3A_1916 = arith.andi %ne3A_1915, %ne3A_1910 : i1
    %add3A_1917 = arith.addi %rem3A_1908, %select_n3A_1907 : i32
    %select_n3A_1918 = arith.select %and3A_1916, %add3A_1917, %rem3A_1908 : i32
    %broadcast_in_dim3A_1919 = vector.broadcast %select_n3A_1918 : i32 to vector<16xi32>
    %gather3A_1920 = tpu.vector_load_idx %arg38[%iota3A, %broadcast_in_dim3A_1900] : memref<16x128xf32, #tpu.memory_space<vmem>>[vector<16xi32>, vector<16xi32>], vector<16xf32>,
    %gather3A_1921 = tpu.vector_load_idx %arg39[%iota3A, %broadcast_in_dim3A_1919] : memref<16x128xf32, #tpu.memory_space<vmem>>[vector<16xi32>, vector<16xi32>], vector<16xf32>,
    %swap3A_1922 = arith.constant 8112 : index
    %swap3A_1923 = tpu.vector_load %arg48[%swap3A_1922] {strides = array<i32>} : memref<8192xf32, #tpu.memory_space<vmem>>, vector<16xf32>,
    tpu.vector_store %arg48[%swap3A_1922], %gather3A_1920 {strides = array<i32>} : memref<8192xf32, #tpu.memory_space<vmem>>, vector<16xf32>,
    %swap3A_1924 = arith.constant 8112 : index
    %swap3A_1925 = tpu.vector_load %arg49[%swap3A_1924] {strides = array<i32>} : memref<8192xf32, #tpu.memory_space<vmem>>, vector<16xf32>,
    tpu.vector_store %arg49[%swap3A_1924], %gather3A_1921 {strides = array<i32>} : memref<8192xf32, #tpu.memory_space<vmem>>, vector<16xf32>,
    %slice3A_1926 = vector.extract_strided_slice %scan3A_681#0 {offsets = [12], sizes = [1], strides = [1]} : vector<16xi32> to vector<1xi32>
    %squeeze3A_1927 = vector.extract %slice3A_1926[0] : i32 from vector<1xi32>
    %jit3A_1928 = arith.constant 128 : i32
    %eq3A_1929 = arith.constant 0 : i32
    %eq3A_1930 = arith.cmpi eq, %jit3A_1928, %eq3A_1929 : i32
    %jit3A_1931 = arith.constant 1 : i32
    %select_n3A_1932 = arith.select %eq3A_1930, %jit3A_1931, %jit3A_1928 : i32
    %rem3A_1933 = arith.remsi %squeeze3A_1927, %select_n3A_1932 : i32
    %ne3A_1934 = arith.constant 0 : i32
    %ne3A_1935 = arith.cmpi ne, %rem3A_1933, %ne3A_1934 : i32
    %lt3A_1936 = arith.constant 0 : i32
    %lt3A_1937 = arith.cmpi slt, %rem3A_1933, %lt3A_1936 : i32
    %lt3A_1938 = arith.constant 0 : i32
    %lt3A_1939 = arith.cmpi slt, %select_n3A_1932, %lt3A_1938 : i32
    %ne3A_1940 = arith.xori %lt3A_1937, %lt3A_1939 : i1
    %and3A_1941 = arith.andi %ne3A_1940, %ne3A_1935 : i1
    %add3A_1942 = arith.addi %rem3A_1933, %select_n3A_1932 : i32
    %select_n3A_1943 = arith.select %and3A_1941, %add3A_1942, %rem3A_1933 : i32
    %broadcast_in_dim3A_1944 = vector.broadcast %select_n3A_1943 : i32 to vector<16xi32>
    %slice3A_1945 = vector.extract_strided_slice %scan3A_681#1 {offsets = [12], sizes = [1], strides = [1]} : vector<16xi32> to vector<1xi32>
    %squeeze3A_1946 = vector.extract %slice3A_1945[0] : i32 from vector<1xi32>
    %jit3A_1947 = arith.constant 128 : i32
    %eq3A_1948 = arith.constant 0 : i32
    %eq3A_1949 = arith.cmpi eq, %jit3A_1947, %eq3A_1948 : i32
    %jit3A_1950 = arith.constant 1 : i32
    %select_n3A_1951 = arith.select %eq3A_1949, %jit3A_1950, %jit3A_1947 : i32
    %rem3A_1952 = arith.remsi %squeeze3A_1946, %select_n3A_1951 : i32
    %ne3A_1953 = arith.constant 0 : i32
    %ne3A_1954 = arith.cmpi ne, %rem3A_1952, %ne3A_1953 : i32
    %lt3A_1955 = arith.constant 0 : i32
    %lt3A_1956 = arith.cmpi slt, %rem3A_1952, %lt3A_1955 : i32
    %lt3A_1957 = arith.constant 0 : i32
    %lt3A_1958 = arith.cmpi slt, %select_n3A_1951, %lt3A_1957 : i32
    %ne3A_1959 = arith.xori %lt3A_1956, %lt3A_1958 : i1
    %and3A_1960 = arith.andi %ne3A_1959, %ne3A_1954 : i1
    %add3A_1961 = arith.addi %rem3A_1952, %select_n3A_1951 : i32
    %select_n3A_1962 = arith.select %and3A_1960, %add3A_1961, %rem3A_1952 : i32
    %broadcast_in_dim3A_1963 = vector.broadcast %select_n3A_1962 : i32 to vector<16xi32>
    %gather3A_1964 = tpu.vector_load_idx %arg40[%iota3A, %broadcast_in_dim3A_1944] : memref<16x128xf32, #tpu.memory_space<vmem>>[vector<16xi32>, vector<16xi32>], vector<16xf32>,
    %gather3A_1965 = tpu.vector_load_idx %arg41[%iota3A, %broadcast_in_dim3A_1963] : memref<16x128xf32, #tpu.memory_space<vmem>>[vector<16xi32>, vector<16xi32>], vector<16xf32>,
    %swap3A_1966 = arith.constant 8128 : index
    %swap3A_1967 = tpu.vector_load %arg48[%swap3A_1966] {strides = array<i32>} : memref<8192xf32, #tpu.memory_space<vmem>>, vector<16xf32>,
    tpu.vector_store %arg48[%swap3A_1966], %gather3A_1964 {strides = array<i32>} : memref<8192xf32, #tpu.memory_space<vmem>>, vector<16xf32>,
    %swap3A_1968 = arith.constant 8128 : index
    %swap3A_1969 = tpu.vector_load %arg49[%swap3A_1968] {strides = array<i32>} : memref<8192xf32, #tpu.memory_space<vmem>>, vector<16xf32>,
    tpu.vector_store %arg49[%swap3A_1968], %gather3A_1965 {strides = array<i32>} : memref<8192xf32, #tpu.memory_space<vmem>>, vector<16xf32>,
    %slice3A_1970 = vector.extract_strided_slice %scan3A_681#0 {offsets = [13], sizes = [1], strides = [1]} : vector<16xi32> to vector<1xi32>
    %squeeze3A_1971 = vector.extract %slice3A_1970[0] : i32 from vector<1xi32>
    %jit3A_1972 = arith.constant 128 : i32
    %eq3A_1973 = arith.constant 0 : i32
    %eq3A_1974 = arith.cmpi eq, %jit3A_1972, %eq3A_1973 : i32
    %jit3A_1975 = arith.constant 1 : i32
    %select_n3A_1976 = arith.select %eq3A_1974, %jit3A_1975, %jit3A_1972 : i32
    %rem3A_1977 = arith.remsi %squeeze3A_1971, %select_n3A_1976 : i32
    %ne3A_1978 = arith.constant 0 : i32
    %ne3A_1979 = arith.cmpi ne, %rem3A_1977, %ne3A_1978 : i32
    %lt3A_1980 = arith.constant 0 : i32
    %lt3A_1981 = arith.cmpi slt, %rem3A_1977, %lt3A_1980 : i32
    %lt3A_1982 = arith.constant 0 : i32
    %lt3A_1983 = arith.cmpi slt, %select_n3A_1976, %lt3A_1982 : i32
    %ne3A_1984 = arith.xori %lt3A_1981, %lt3A_1983 : i1
    %and3A_1985 = arith.andi %ne3A_1984, %ne3A_1979 : i1
    %add3A_1986 = arith.addi %rem3A_1977, %select_n3A_1976 : i32
    %select_n3A_1987 = arith.select %and3A_1985, %add3A_1986, %rem3A_1977 : i32
    %broadcast_in_dim3A_1988 = vector.broadcast %select_n3A_1987 : i32 to vector<16xi32>
    %slice3A_1989 = vector.extract_strided_slice %scan3A_681#1 {offsets = [13], sizes = [1], strides = [1]} : vector<16xi32> to vector<1xi32>
    %squeeze3A_1990 = vector.extract %slice3A_1989[0] : i32 from vector<1xi32>
    %jit3A_1991 = arith.constant 128 : i32
    %eq3A_1992 = arith.constant 0 : i32
    %eq3A_1993 = arith.cmpi eq, %jit3A_1991, %eq3A_1992 : i32
    %jit3A_1994 = arith.constant 1 : i32
    %select_n3A_1995 = arith.select %eq3A_1993, %jit3A_1994, %jit3A_1991 : i32
    %rem3A_1996 = arith.remsi %squeeze3A_1990, %select_n3A_1995 : i32
    %ne3A_1997 = arith.constant 0 : i32
    %ne3A_1998 = arith.cmpi ne, %rem3A_1996, %ne3A_1997 : i32
    %lt3A_1999 = arith.constant 0 : i32
    %lt3A_2000 = arith.cmpi slt, %rem3A_1996, %lt3A_1999 : i32
    %lt3A_2001 = arith.constant 0 : i32
    %lt3A_2002 = arith.cmpi slt, %select_n3A_1995, %lt3A_2001 : i32
    %ne3A_2003 = arith.xori %lt3A_2000, %lt3A_2002 : i1
    %and3A_2004 = arith.andi %ne3A_2003, %ne3A_1998 : i1
    %add3A_2005 = arith.addi %rem3A_1996, %select_n3A_1995 : i32
    %select_n3A_2006 = arith.select %and3A_2004, %add3A_2005, %rem3A_1996 : i32
    %broadcast_in_dim3A_2007 = vector.broadcast %select_n3A_2006 : i32 to vector<16xi32>
    %gather3A_2008 = tpu.vector_load_idx %arg42[%iota3A, %broadcast_in_dim3A_1988] : memref<16x128xf32, #tpu.memory_space<vmem>>[vector<16xi32>, vector<16xi32>], vector<16xf32>,
    %gather3A_2009 = tpu.vector_load_idx %arg43[%iota3A, %broadcast_in_dim3A_2007] : memref<16x128xf32, #tpu.memory_space<vmem>>[vector<16xi32>, vector<16xi32>], vector<16xf32>,
    %swap3A_2010 = arith.constant 8144 : index
    %swap3A_2011 = tpu.vector_load %arg48[%swap3A_2010] {strides = array<i32>} : memref<8192xf32, #tpu.memory_space<vmem>>, vector<16xf32>,
    tpu.vector_store %arg48[%swap3A_2010], %gather3A_2008 {strides = array<i32>} : memref<8192xf32, #tpu.memory_space<vmem>>, vector<16xf32>,
    %swap3A_2012 = arith.constant 8144 : index
    %swap3A_2013 = tpu.vector_load %arg49[%swap3A_2012] {strides = array<i32>} : memref<8192xf32, #tpu.memory_space<vmem>>, vector<16xf32>,
    tpu.vector_store %arg49[%swap3A_2012], %gather3A_2009 {strides = array<i32>} : memref<8192xf32, #tpu.memory_space<vmem>>, vector<16xf32>,
    %slice3A_2014 = vector.extract_strided_slice %scan3A_681#0 {offsets = [14], sizes = [1], strides = [1]} : vector<16xi32> to vector<1xi32>
    %squeeze3A_2015 = vector.extract %slice3A_2014[0] : i32 from vector<1xi32>
    %jit3A_2016 = arith.constant 128 : i32
    %eq3A_2017 = arith.constant 0 : i32
    %eq3A_2018 = arith.cmpi eq, %jit3A_2016, %eq3A_2017 : i32
    %jit3A_2019 = arith.constant 1 : i32
    %select_n3A_2020 = arith.select %eq3A_2018, %jit3A_2019, %jit3A_2016 : i32
    %rem3A_2021 = arith.remsi %squeeze3A_2015, %select_n3A_2020 : i32
    %ne3A_2022 = arith.constant 0 : i32
    %ne3A_2023 = arith.cmpi ne, %rem3A_2021, %ne3A_2022 : i32
    %lt3A_2024 = arith.constant 0 : i32
    %lt3A_2025 = arith.cmpi slt, %rem3A_2021, %lt3A_2024 : i32
    %lt3A_2026 = arith.constant 0 : i32
    %lt3A_2027 = arith.cmpi slt, %select_n3A_2020, %lt3A_2026 : i32
    %ne3A_2028 = arith.xori %lt3A_2025, %lt3A_2027 : i1
    %and3A_2029 = arith.andi %ne3A_2028, %ne3A_2023 : i1
    %add3A_2030 = arith.addi %rem3A_2021, %select_n3A_2020 : i32
    %select_n3A_2031 = arith.select %and3A_2029, %add3A_2030, %rem3A_2021 : i32
    %broadcast_in_dim3A_2032 = vector.broadcast %select_n3A_2031 : i32 to vector<16xi32>
    %slice3A_2033 = vector.extract_strided_slice %scan3A_681#1 {offsets = [14], sizes = [1], strides = [1]} : vector<16xi32> to vector<1xi32>
    %squeeze3A_2034 = vector.extract %slice3A_2033[0] : i32 from vector<1xi32>
    %jit3A_2035 = arith.constant 128 : i32
    %eq3A_2036 = arith.constant 0 : i32
    %eq3A_2037 = arith.cmpi eq, %jit3A_2035, %eq3A_2036 : i32
    %jit3A_2038 = arith.constant 1 : i32
    %select_n3A_2039 = arith.select %eq3A_2037, %jit3A_2038, %jit3A_2035 : i32
    %rem3A_2040 = arith.remsi %squeeze3A_2034, %select_n3A_2039 : i32
    %ne3A_2041 = arith.constant 0 : i32
    %ne3A_2042 = arith.cmpi ne, %rem3A_2040, %ne3A_2041 : i32
    %lt3A_2043 = arith.constant 0 : i32
    %lt3A_2044 = arith.cmpi slt, %rem3A_2040, %lt3A_2043 : i32
    %lt3A_2045 = arith.constant 0 : i32
    %lt3A_2046 = arith.cmpi slt, %select_n3A_2039, %lt3A_2045 : i32
    %ne3A_2047 = arith.xori %lt3A_2044, %lt3A_2046 : i1
    %and3A_2048 = arith.andi %ne3A_2047, %ne3A_2042 : i1
    %add3A_2049 = arith.addi %rem3A_2040, %select_n3A_2039 : i32
    %select_n3A_2050 = arith.select %and3A_2048, %add3A_2049, %rem3A_2040 : i32
    %broadcast_in_dim3A_2051 = vector.broadcast %select_n3A_2050 : i32 to vector<16xi32>
    %gather3A_2052 = tpu.vector_load_idx %arg44[%iota3A, %broadcast_in_dim3A_2032] : memref<16x128xf32, #tpu.memory_space<vmem>>[vector<16xi32>, vector<16xi32>], vector<16xf32>,
    %gather3A_2053 = tpu.vector_load_idx %arg45[%iota3A, %broadcast_in_dim3A_2051] : memref<16x128xf32, #tpu.memory_space<vmem>>[vector<16xi32>, vector<16xi32>], vector<16xf32>,
    %swap3A_2054 = arith.constant 8160 : index
    %swap3A_2055 = tpu.vector_load %arg48[%swap3A_2054] {strides = array<i32>} : memref<8192xf32, #tpu.memory_space<vmem>>, vector<16xf32>,
    tpu.vector_store %arg48[%swap3A_2054], %gather3A_2052 {strides = array<i32>} : memref<8192xf32, #tpu.memory_space<vmem>>, vector<16xf32>,
    %swap3A_2056 = arith.constant 8160 : index
    %swap3A_2057 = tpu.vector_load %arg49[%swap3A_2056] {strides = array<i32>} : memref<8192xf32, #tpu.memory_space<vmem>>, vector<16xf32>,
    tpu.vector_store %arg49[%swap3A_2056], %gather3A_2053 {strides = array<i32>} : memref<8192xf32, #tpu.memory_space<vmem>>, vector<16xf32>,
    %slice3A_2058 = vector.extract_strided_slice %scan3A_681#0 {offsets = [15], sizes = [1], strides = [1]} : vector<16xi32> to vector<1xi32>
    %squeeze3A_2059 = vector.extract %slice3A_2058[0] : i32 from vector<1xi32>
    %jit3A_2060 = arith.constant 128 : i32
    %eq3A_2061 = arith.constant 0 : i32
    %eq3A_2062 = arith.cmpi eq, %jit3A_2060, %eq3A_2061 : i32
    %jit3A_2063 = arith.constant 1 : i32
    %select_n3A_2064 = arith.select %eq3A_2062, %jit3A_2063, %jit3A_2060 : i32
    %rem3A_2065 = arith.remsi %squeeze3A_2059, %select_n3A_2064 : i32
    %ne3A_2066 = arith.constant 0 : i32
    %ne3A_2067 = arith.cmpi ne, %rem3A_2065, %ne3A_2066 : i32
    %lt3A_2068 = arith.constant 0 : i32
    %lt3A_2069 = arith.cmpi slt, %rem3A_2065, %lt3A_2068 : i32
    %lt3A_2070 = arith.constant 0 : i32
    %lt3A_2071 = arith.cmpi slt, %select_n3A_2064, %lt3A_2070 : i32
    %ne3A_2072 = arith.xori %lt3A_2069, %lt3A_2071 : i1
    %and3A_2073 = arith.andi %ne3A_2072, %ne3A_2067 : i1
    %add3A_2074 = arith.addi %rem3A_2065, %select_n3A_2064 : i32
    %select_n3A_2075 = arith.select %and3A_2073, %add3A_2074, %rem3A_2065 : i32
    %broadcast_in_dim3A_2076 = vector.broadcast %select_n3A_2075 : i32 to vector<16xi32>
    %slice3A_2077 = vector.extract_strided_slice %scan3A_681#1 {offsets = [15], sizes = [1], strides = [1]} : vector<16xi32> to vector<1xi32>
    %squeeze3A_2078 = vector.extract %slice3A_2077[0] : i32 from vector<1xi32>
    %jit3A_2079 = arith.constant 128 : i32
    %eq3A_2080 = arith.constant 0 : i32
    %eq3A_2081 = arith.cmpi eq, %jit3A_2079, %eq3A_2080 : i32
    %jit3A_2082 = arith.constant 1 : i32
    %select_n3A_2083 = arith.select %eq3A_2081, %jit3A_2082, %jit3A_2079 : i32
    %rem3A_2084 = arith.remsi %squeeze3A_2078, %select_n3A_2083 : i32
    %ne3A_2085 = arith.constant 0 : i32
    %ne3A_2086 = arith.cmpi ne, %rem3A_2084, %ne3A_2085 : i32
    %lt3A_2087 = arith.constant 0 : i32
    %lt3A_2088 = arith.cmpi slt, %rem3A_2084, %lt3A_2087 : i32
    %lt3A_2089 = arith.constant 0 : i32
    %lt3A_2090 = arith.cmpi slt, %select_n3A_2083, %lt3A_2089 : i32
    %ne3A_2091 = arith.xori %lt3A_2088, %lt3A_2090 : i1
    %and3A_2092 = arith.andi %ne3A_2091, %ne3A_2086 : i1
    %add3A_2093 = arith.addi %rem3A_2084, %select_n3A_2083 : i32
    %select_n3A_2094 = arith.select %and3A_2092, %add3A_2093, %rem3A_2084 : i32
    %broadcast_in_dim3A_2095 = vector.broadcast %select_n3A_2094 : i32 to vector<16xi32>
    %gather3A_2096 = tpu.vector_load_idx %arg46[%iota3A, %broadcast_in_dim3A_2076] : memref<16x128xf32, #tpu.memory_space<vmem>>[vector<16xi32>, vector<16xi32>], vector<16xf32>,
    %gather3A_2097 = tpu.vector_load_idx %arg47[%iota3A, %broadcast_in_dim3A_2095] : memref<16x128xf32, #tpu.memory_space<vmem>>[vector<16xi32>, vector<16xi32>], vector<16xf32>,
    %swap3A_2098 = arith.constant 8176 : index
    %swap3A_2099 = tpu.vector_load %arg48[%swap3A_2098] {strides = array<i32>} : memref<8192xf32, #tpu.memory_space<vmem>>, vector<16xf32>,
    tpu.vector_store %arg48[%swap3A_2098], %gather3A_2096 {strides = array<i32>} : memref<8192xf32, #tpu.memory_space<vmem>>, vector<16xf32>,
    %swap3A_2100 = arith.constant 8176 : index
    %swap3A_2101 = tpu.vector_load %arg49[%swap3A_2100] {strides = array<i32>} : memref<8192xf32, #tpu.memory_space<vmem>>, vector<16xf32>,
    tpu.vector_store %arg49[%swap3A_2100], %gather3A_2097 {strides = array<i32>} : memref<8192xf32, #tpu.memory_space<vmem>>, vector<16xf32>,
    %scan3A_2102 = arith.constant 0 : i32
    %scan3A_2103 = arith.constant 0 : i32
    %scan3A_2104 = arith.constant 32 : i32
    %scan3A_2105 = arith.addi %scan3A_2103, %scan3A_2104 : i32
    %scan3A_2106 = arith.constant 1 : i32
    scf.for %scan3A_2108 = %scan3A_2103 to %scan3A_2105 step %scan3A_2106  : i32 {
      %mul3A_2109 = arith.constant 16 : i32
      %mul3A_2110 = arith.muli %scan3A_2108, %mul3A_2109 : i32
      %add3A_2111 = vector.broadcast %mul3A_2110 : i32 to vector<16xi32>
      %add3A_2112 = arith.addi %add3A_2111, %iota3A : vector<16xi32>
      %mul3A_2113 = arith.constant 16 : i32
      %mul3A_2114 = vector.broadcast %mul3A_2113 : i32 to vector<16xi32>
      %mul3A_2115 = arith.muli %add3A_2112, %mul3A_2114 : vector<16xi32>
      %mul3A_2116 = arith.constant 16 : i32
      %mul3A_2117 = arith.muli %scan3A_2108, %mul3A_2116 : i32
      %get3A_2118 = arith.index_cast %mul3A_2117 : i32 to index
      %get3A_2119 = tpu.vector_load %arg12[%get3A_2118] {strides = array<i32>} : memref<512xf32, #tpu.memory_space<vmem>>, vector<16xf32>,
      %mul3A_2120 = arith.constant 16 : i32
      %mul3A_2121 = arith.muli %scan3A_2108, %mul3A_2120 : i32
      %get3A_2122 = arith.index_cast %mul3A_2121 : i32 to index
      %get3A_2123 = tpu.vector_load %arg13[%get3A_2122] {strides = array<i32>} : memref<512xf32, #tpu.memory_space<vmem>>, vector<16xf32>,
      %add3A_2124 = arith.addf %get3A_2119, %get3A_2123 : vector<16xf32>
      %add3A_2125 = arith.addf %add3A_2124, %get3A_152 : vector<16xf32>
      %add3A_2126 = arith.constant 0 : i32
      %add3A_2127 = vector.broadcast %add3A_2126 : i32 to vector<16xi32>
      %add3A_2128 = arith.addi %mul3A_2115, %add3A_2127 : vector<16xi32>
      %gather3A_2129 = tpu.vector_load_idx %arg48[%add3A_2128] : memref<8192xf32, #tpu.memory_space<vmem>>[vector<16xi32>], vector<16xf32>,
      %add3A_2130 = arith.constant 0 : i32
      %add3A_2131 = vector.broadcast %add3A_2130 : i32 to vector<16xi32>
      %add3A_2132 = arith.addi %mul3A_2115, %add3A_2131 : vector<16xi32>
      %gather3A_2133 = tpu.vector_load_idx %arg49[%add3A_2132] : memref<8192xf32, #tpu.memory_space<vmem>>[vector<16xi32>], vector<16xf32>,
      %mul3A_2134 = arith.mulf %gather3A_2129, %gather3A_2133 : vector<16xf32>
      %add3A_2135 = arith.addf %add3A_2125, %mul3A_2134 : vector<16xf32>
      %add3A_2136 = arith.constant 1 : i32
      %add3A_2137 = vector.broadcast %add3A_2136 : i32 to vector<16xi32>
      %add3A_2138 = arith.addi %mul3A_2115, %add3A_2137 : vector<16xi32>
      %gather3A_2139 = tpu.vector_load_idx %arg48[%add3A_2138] : memref<8192xf32, #tpu.memory_space<vmem>>[vector<16xi32>], vector<16xf32>,
      %add3A_2140 = arith.constant 1 : i32
      %add3A_2141 = vector.broadcast %add3A_2140 : i32 to vector<16xi32>
      %add3A_2142 = arith.addi %mul3A_2115, %add3A_2141 : vector<16xi32>
      %gather3A_2143 = tpu.vector_load_idx %arg49[%add3A_2142] : memref<8192xf32, #tpu.memory_space<vmem>>[vector<16xi32>], vector<16xf32>,
      %mul3A_2144 = arith.mulf %gather3A_2139, %gather3A_2143 : vector<16xf32>
      %add3A_2145 = arith.addf %add3A_2135, %mul3A_2144 : vector<16xf32>
      %add3A_2146 = arith.constant 2 : i32
      %add3A_2147 = vector.broadcast %add3A_2146 : i32 to vector<16xi32>
      %add3A_2148 = arith.addi %mul3A_2115, %add3A_2147 : vector<16xi32>
      %gather3A_2149 = tpu.vector_load_idx %arg48[%add3A_2148] : memref<8192xf32, #tpu.memory_space<vmem>>[vector<16xi32>], vector<16xf32>,
      %add3A_2150 = arith.constant 2 : i32
      %add3A_2151 = vector.broadcast %add3A_2150 : i32 to vector<16xi32>
      %add3A_2152 = arith.addi %mul3A_2115, %add3A_2151 : vector<16xi32>
      %gather3A_2153 = tpu.vector_load_idx %arg49[%add3A_2152] : memref<8192xf32, #tpu.memory_space<vmem>>[vector<16xi32>], vector<16xf32>,
      %mul3A_2154 = arith.mulf %gather3A_2149, %gather3A_2153 : vector<16xf32>
      %add3A_2155 = arith.addf %add3A_2145, %mul3A_2154 : vector<16xf32>
      %add3A_2156 = arith.constant 3 : i32
      %add3A_2157 = vector.broadcast %add3A_2156 : i32 to vector<16xi32>
      %add3A_2158 = arith.addi %mul3A_2115, %add3A_2157 : vector<16xi32>
      %gather3A_2159 = tpu.vector_load_idx %arg48[%add3A_2158] : memref<8192xf32, #tpu.memory_space<vmem>>[vector<16xi32>], vector<16xf32>,
      %add3A_2160 = arith.constant 3 : i32
      %add3A_2161 = vector.broadcast %add3A_2160 : i32 to vector<16xi32>
      %add3A_2162 = arith.addi %mul3A_2115, %add3A_2161 : vector<16xi32>
      %gather3A_2163 = tpu.vector_load_idx %arg49[%add3A_2162] : memref<8192xf32, #tpu.memory_space<vmem>>[vector<16xi32>], vector<16xf32>,
      %mul3A_2164 = arith.mulf %gather3A_2159, %gather3A_2163 : vector<16xf32>
      %add3A_2165 = arith.addf %add3A_2155, %mul3A_2164 : vector<16xf32>
      %add3A_2166 = arith.constant 4 : i32
      %add3A_2167 = vector.broadcast %add3A_2166 : i32 to vector<16xi32>
      %add3A_2168 = arith.addi %mul3A_2115, %add3A_2167 : vector<16xi32>
      %gather3A_2169 = tpu.vector_load_idx %arg48[%add3A_2168] : memref<8192xf32, #tpu.memory_space<vmem>>[vector<16xi32>], vector<16xf32>,
      %add3A_2170 = arith.constant 4 : i32
      %add3A_2171 = vector.broadcast %add3A_2170 : i32 to vector<16xi32>
      %add3A_2172 = arith.addi %mul3A_2115, %add3A_2171 : vector<16xi32>
      %gather3A_2173 = tpu.vector_load_idx %arg49[%add3A_2172] : memref<8192xf32, #tpu.memory_space<vmem>>[vector<16xi32>], vector<16xf32>,
      %mul3A_2174 = arith.mulf %gather3A_2169, %gather3A_2173 : vector<16xf32>
      %add3A_2175 = arith.addf %add3A_2165, %mul3A_2174 : vector<16xf32>
      %add3A_2176 = arith.constant 5 : i32
      %add3A_2177 = vector.broadcast %add3A_2176 : i32 to vector<16xi32>
      %add3A_2178 = arith.addi %mul3A_2115, %add3A_2177 : vector<16xi32>
      %gather3A_2179 = tpu.vector_load_idx %arg48[%add3A_2178] : memref<8192xf32, #tpu.memory_space<vmem>>[vector<16xi32>], vector<16xf32>,
      %add3A_2180 = arith.constant 5 : i32
      %add3A_2181 = vector.broadcast %add3A_2180 : i32 to vector<16xi32>
      %add3A_2182 = arith.addi %mul3A_2115, %add3A_2181 : vector<16xi32>
      %gather3A_2183 = tpu.vector_load_idx %arg49[%add3A_2182] : memref<8192xf32, #tpu.memory_space<vmem>>[vector<16xi32>], vector<16xf32>,
      %mul3A_2184 = arith.mulf %gather3A_2179, %gather3A_2183 : vector<16xf32>
      %add3A_2185 = arith.addf %add3A_2175, %mul3A_2184 : vector<16xf32>
      %add3A_2186 = arith.constant 6 : i32
      %add3A_2187 = vector.broadcast %add3A_2186 : i32 to vector<16xi32>
      %add3A_2188 = arith.addi %mul3A_2115, %add3A_2187 : vector<16xi32>
      %gather3A_2189 = tpu.vector_load_idx %arg48[%add3A_2188] : memref<8192xf32, #tpu.memory_space<vmem>>[vector<16xi32>], vector<16xf32>,
      %add3A_2190 = arith.constant 6 : i32
      %add3A_2191 = vector.broadcast %add3A_2190 : i32 to vector<16xi32>
      %add3A_2192 = arith.addi %mul3A_2115, %add3A_2191 : vector<16xi32>
      %gather3A_2193 = tpu.vector_load_idx %arg49[%add3A_2192] : memref<8192xf32, #tpu.memory_space<vmem>>[vector<16xi32>], vector<16xf32>,
      %mul3A_2194 = arith.mulf %gather3A_2189, %gather3A_2193 : vector<16xf32>
      %add3A_2195 = arith.addf %add3A_2185, %mul3A_2194 : vector<16xf32>
      %add3A_2196 = arith.constant 7 : i32
      %add3A_2197 = vector.broadcast %add3A_2196 : i32 to vector<16xi32>
      %add3A_2198 = arith.addi %mul3A_2115, %add3A_2197 : vector<16xi32>
      %gather3A_2199 = tpu.vector_load_idx %arg48[%add3A_2198] : memref<8192xf32, #tpu.memory_space<vmem>>[vector<16xi32>], vector<16xf32>,
      %add3A_2200 = arith.constant 7 : i32
      %add3A_2201 = vector.broadcast %add3A_2200 : i32 to vector<16xi32>
      %add3A_2202 = arith.addi %mul3A_2115, %add3A_2201 : vector<16xi32>
      %gather3A_2203 = tpu.vector_load_idx %arg49[%add3A_2202] : memref<8192xf32, #tpu.memory_space<vmem>>[vector<16xi32>], vector<16xf32>,
      %mul3A_2204 = arith.mulf %gather3A_2199, %gather3A_2203 : vector<16xf32>
      %add3A_2205 = arith.addf %add3A_2195, %mul3A_2204 : vector<16xf32>
      %add3A_2206 = arith.constant 8 : i32
      %add3A_2207 = vector.broadcast %add3A_2206 : i32 to vector<16xi32>
      %add3A_2208 = arith.addi %mul3A_2115, %add3A_2207 : vector<16xi32>
      %gather3A_2209 = tpu.vector_load_idx %arg48[%add3A_2208] : memref<8192xf32, #tpu.memory_space<vmem>>[vector<16xi32>], vector<16xf32>,
      %add3A_2210 = arith.constant 8 : i32
      %add3A_2211 = vector.broadcast %add3A_2210 : i32 to vector<16xi32>
      %add3A_2212 = arith.addi %mul3A_2115, %add3A_2211 : vector<16xi32>
      %gather3A_2213 = tpu.vector_load_idx %arg49[%add3A_2212] : memref<8192xf32, #tpu.memory_space<vmem>>[vector<16xi32>], vector<16xf32>,
      %mul3A_2214 = arith.mulf %gather3A_2209, %gather3A_2213 : vector<16xf32>
      %add3A_2215 = arith.addf %add3A_2205, %mul3A_2214 : vector<16xf32>
      %add3A_2216 = arith.constant 9 : i32
      %add3A_2217 = vector.broadcast %add3A_2216 : i32 to vector<16xi32>
      %add3A_2218 = arith.addi %mul3A_2115, %add3A_2217 : vector<16xi32>
      %gather3A_2219 = tpu.vector_load_idx %arg48[%add3A_2218] : memref<8192xf32, #tpu.memory_space<vmem>>[vector<16xi32>], vector<16xf32>,
      %add3A_2220 = arith.constant 9 : i32
      %add3A_2221 = vector.broadcast %add3A_2220 : i32 to vector<16xi32>
      %add3A_2222 = arith.addi %mul3A_2115, %add3A_2221 : vector<16xi32>
      %gather3A_2223 = tpu.vector_load_idx %arg49[%add3A_2222] : memref<8192xf32, #tpu.memory_space<vmem>>[vector<16xi32>], vector<16xf32>,
      %mul3A_2224 = arith.mulf %gather3A_2219, %gather3A_2223 : vector<16xf32>
      %add3A_2225 = arith.addf %add3A_2215, %mul3A_2224 : vector<16xf32>
      %add3A_2226 = arith.constant 10 : i32
      %add3A_2227 = vector.broadcast %add3A_2226 : i32 to vector<16xi32>
      %add3A_2228 = arith.addi %mul3A_2115, %add3A_2227 : vector<16xi32>
      %gather3A_2229 = tpu.vector_load_idx %arg48[%add3A_2228] : memref<8192xf32, #tpu.memory_space<vmem>>[vector<16xi32>], vector<16xf32>,
      %add3A_2230 = arith.constant 10 : i32
      %add3A_2231 = vector.broadcast %add3A_2230 : i32 to vector<16xi32>
      %add3A_2232 = arith.addi %mul3A_2115, %add3A_2231 : vector<16xi32>
      %gather3A_2233 = tpu.vector_load_idx %arg49[%add3A_2232] : memref<8192xf32, #tpu.memory_space<vmem>>[vector<16xi32>], vector<16xf32>,
      %mul3A_2234 = arith.mulf %gather3A_2229, %gather3A_2233 : vector<16xf32>
      %add3A_2235 = arith.addf %add3A_2225, %mul3A_2234 : vector<16xf32>
      %add3A_2236 = arith.constant 11 : i32
      %add3A_2237 = vector.broadcast %add3A_2236 : i32 to vector<16xi32>
      %add3A_2238 = arith.addi %mul3A_2115, %add3A_2237 : vector<16xi32>
      %gather3A_2239 = tpu.vector_load_idx %arg48[%add3A_2238] : memref<8192xf32, #tpu.memory_space<vmem>>[vector<16xi32>], vector<16xf32>,
      %add3A_2240 = arith.constant 11 : i32
      %add3A_2241 = vector.broadcast %add3A_2240 : i32 to vector<16xi32>
      %add3A_2242 = arith.addi %mul3A_2115, %add3A_2241 : vector<16xi32>
      %gather3A_2243 = tpu.vector_load_idx %arg49[%add3A_2242] : memref<8192xf32, #tpu.memory_space<vmem>>[vector<16xi32>], vector<16xf32>,
      %mul3A_2244 = arith.mulf %gather3A_2239, %gather3A_2243 : vector<16xf32>
      %add3A_2245 = arith.addf %add3A_2235, %mul3A_2244 : vector<16xf32>
      %add3A_2246 = arith.constant 12 : i32
      %add3A_2247 = vector.broadcast %add3A_2246 : i32 to vector<16xi32>
      %add3A_2248 = arith.addi %mul3A_2115, %add3A_2247 : vector<16xi32>
      %gather3A_2249 = tpu.vector_load_idx %arg48[%add3A_2248] : memref<8192xf32, #tpu.memory_space<vmem>>[vector<16xi32>], vector<16xf32>,
      %add3A_2250 = arith.constant 12 : i32
      %add3A_2251 = vector.broadcast %add3A_2250 : i32 to vector<16xi32>
      %add3A_2252 = arith.addi %mul3A_2115, %add3A_2251 : vector<16xi32>
      %gather3A_2253 = tpu.vector_load_idx %arg49[%add3A_2252] : memref<8192xf32, #tpu.memory_space<vmem>>[vector<16xi32>], vector<16xf32>,
      %mul3A_2254 = arith.mulf %gather3A_2249, %gather3A_2253 : vector<16xf32>
      %add3A_2255 = arith.addf %add3A_2245, %mul3A_2254 : vector<16xf32>
      %add3A_2256 = arith.constant 13 : i32
      %add3A_2257 = vector.broadcast %add3A_2256 : i32 to vector<16xi32>
      %add3A_2258 = arith.addi %mul3A_2115, %add3A_2257 : vector<16xi32>
      %gather3A_2259 = tpu.vector_load_idx %arg48[%add3A_2258] : memref<8192xf32, #tpu.memory_space<vmem>>[vector<16xi32>], vector<16xf32>,
      %add3A_2260 = arith.constant 13 : i32
      %add3A_2261 = vector.broadcast %add3A_2260 : i32 to vector<16xi32>
      %add3A_2262 = arith.addi %mul3A_2115, %add3A_2261 : vector<16xi32>
      %gather3A_2263 = tpu.vector_load_idx %arg49[%add3A_2262] : memref<8192xf32, #tpu.memory_space<vmem>>[vector<16xi32>], vector<16xf32>,
      %mul3A_2264 = arith.mulf %gather3A_2259, %gather3A_2263 : vector<16xf32>
      %add3A_2265 = arith.addf %add3A_2255, %mul3A_2264 : vector<16xf32>
      %add3A_2266 = arith.constant 14 : i32
      %add3A_2267 = vector.broadcast %add3A_2266 : i32 to vector<16xi32>
      %add3A_2268 = arith.addi %mul3A_2115, %add3A_2267 : vector<16xi32>
      %gather3A_2269 = tpu.vector_load_idx %arg48[%add3A_2268] : memref<8192xf32, #tpu.memory_space<vmem>>[vector<16xi32>], vector<16xf32>,
      %add3A_2270 = arith.constant 14 : i32
      %add3A_2271 = vector.broadcast %add3A_2270 : i32 to vector<16xi32>
      %add3A_2272 = arith.addi %mul3A_2115, %add3A_2271 : vector<16xi32>
      %gather3A_2273 = tpu.vector_load_idx %arg49[%add3A_2272] : memref<8192xf32, #tpu.memory_space<vmem>>[vector<16xi32>], vector<16xf32>,
      %mul3A_2274 = arith.mulf %gather3A_2269, %gather3A_2273 : vector<16xf32>
      %add3A_2275 = arith.addf %add3A_2265, %mul3A_2274 : vector<16xf32>
      %add3A_2276 = arith.constant 15 : i32
      %add3A_2277 = vector.broadcast %add3A_2276 : i32 to vector<16xi32>
      %add3A_2278 = arith.addi %mul3A_2115, %add3A_2277 : vector<16xi32>
      %gather3A_2279 = tpu.vector_load_idx %arg48[%add3A_2278] : memref<8192xf32, #tpu.memory_space<vmem>>[vector<16xi32>], vector<16xf32>,
      %add3A_2280 = arith.constant 15 : i32
      %add3A_2281 = vector.broadcast %add3A_2280 : i32 to vector<16xi32>
      %add3A_2282 = arith.addi %mul3A_2115, %add3A_2281 : vector<16xi32>
      %gather3A_2283 = tpu.vector_load_idx %arg49[%add3A_2282] : memref<8192xf32, #tpu.memory_space<vmem>>[vector<16xi32>], vector<16xf32>,
      %mul3A_2284 = arith.mulf %gather3A_2279, %gather3A_2283 : vector<16xf32>
      %add3A_2285 = arith.addf %add3A_2275, %mul3A_2284 : vector<16xf32>
      %mul3A_2286 = arith.constant 16 : i32
      %mul3A_2287 = arith.muli %scan3A_2108, %mul3A_2286 : i32
      %swap3A_2288 = arith.index_cast %mul3A_2287 : i32 to index
      %swap3A_2289 = tpu.vector_load %arg14[%swap3A_2288] {strides = array<i32>} : memref<512xf32, #tpu.memory_space<vmem>>, vector<16xf32>,
      tpu.vector_store %arg14[%swap3A_2288], %add3A_2285 {strides = array<i32>} : memref<512xf32, #tpu.memory_space<vmem>>, vector<16xf32>,
    }
    %scan3A_2107 = arith.constant 32 : i32
    "tpu.region"() ({
      %run_scoped3A_2108 = tpu.sem_alloc : memref<!tpu.dma_semaphore, #tpu.memory_space<semaphore_mem>>
      %dma_start3A_2109 = tpu.memref_slice %arg9[%mul3A_2] : memref<16384xf32, #tpu.memory_space<hbm>> -> memref<512xf32, #tpu.memory_space<hbm>>
      %dma_start3A_2110 = tpu.memref_slice %arg9[%mul3A_2] : memref<16384xf32, #tpu.memory_space<hbm>> -> memref<512xf32, #tpu.memory_space<hbm>>
      tpu.enqueue_dma source(%arg14 : memref<512xf32, #tpu.memory_space<vmem>>) target(%dma_start3A_2110 : memref<512xf32, #tpu.memory_space<hbm>>) target_semaphore(%run_scoped3A_2108 : memref<!tpu.dma_semaphore, #tpu.memory_space<semaphore_mem>>)
      %dma_wait3A_2111 = tpu.memref_slice %arg9[%mul3A_2] : memref<16384xf32, #tpu.memory_space<hbm>> -> memref<512xf32, #tpu.memory_space<hbm>>
      %dma_wait3A_2112 = tpu.memref_slice %arg9[%mul3A_2] : memref<16384xf32, #tpu.memory_space<hbm>> -> memref<512xf32, #tpu.memory_space<hbm>>
      tpu.wait_dma2 semaphore(%run_scoped3A_2108 : memref<!tpu.dma_semaphore, #tpu.memory_space<semaphore_mem>>) src(%arg14 : memref<512xf32, #tpu.memory_space<vmem>>) dst(%dma_wait3A_2112 : memref<512xf32, #tpu.memory_space<hbm>>)
      tpu.yield
    }) : () -> ()
    return
  }
}

</mosaic_0001>

<sc_bundles>
// kernel: kernel.3.cloned.1.call-start
scs
__scs_entry_jumppad:
0x0: {  	(pc) =	sbr.rel $0x88, $3  }
0x1: {  	(tag) =	ssettag $0x0;
	lr =	simm.s32 $0x1  }
0x2: {  	[smem:$0x3F9A] =	sst lr;
	_ =	strace $0xD0000000  }
0x3: {  	_ = 	snop  }
0x4: {  	_ = 	snop  }
0x5: {  	_ = 	snop  }
0x6: {  	_ = 	snop  }
0x7: {  	_ = 	snop  }
__scs_overlays_trampoline_lowered:
0x8: {  	[smem:$0x3FA9] =	sst s0  }
0x9: {  	[smem:$0x3FAA] =	sst s1  }
0xa: {  	[smem:$0x3FAB] =	sst s2  }
0xb: {  	[smem:$0x3FAC] =	sst s3  }
0xc: {  	[smem:$0x3FAD] =	sst s4  }
0xd: {  	[smem:$0x3FAE] =	sst s5  }
0xe: {  	[smem:$0x3FAF] =	sst s6  }
0xf: {  	[smem:$0x3FB0] =	sst s7  }
0x10: {  	[smem:$0x3FB1] =	sst s8  }
0x11: {  	[smem:$0x3FB2] =	sst s9;
	s0 =	simm.s32 @!p0 $0x0  }
0x12: {  	s1 =	sld [smem:$0x3F98];
	s0 =	simm.s32 @p0 $0x1  }
0x13: {  	[smem:$0x3FB3] =	sst s0;
	s0 =	simm.s32 @!p1 $0x0  }
0x14: {  	s2 =	sld [smem:$0x3F97];
	s0 =	simm.s32 @p1 $0x1  }
0x15: {  	[smem:$0x3FB4] =	sst s0;
	s0 =	simm.s32 @!p2 $0x0  }
0x16: {  	s3 =	sld [smem:$0x3FDB];
	s0 =	simm.s32 @p2 $0x1  }
0x17: {  	s4 =	simm.s32 $0x1BF5;
	[smem:$0x3FB6] =	sst s0  }
0x18: {  	s0 =	sld [smem:$0x3F99];
	_ =	swait.ge [sflag:s4], $0x0  }
0x19: {  	s7 =	sld [smem:$0x3F9A]  }
0x1a: {  	s8 =	sadd.s32 $0xFFFFE003, lr  }
0x1b: {  	s9 =	sadd.s32 $0xFFFFFEF7, lr;
	s5 =	simm.s32 $0xFFFFFFFF;
	p2 =	slt.u32 s8, $0xFFFFF086  }
0x1c: {  	p1 =	slt.u32 s9, $0xF7A;
	s5 =	simm.s32 @!p2 $0x0  }
0x1d: {  	s5 =	simm.s32 @p1 $0x1;
	p0 =	seq.s32 s7, s2  }
0x1e: {  	s7 =	smul.u32 @!p0 $0xF7A, s2;
	p2 =	seq.s32 @!p0 s5, $0x0  }
0x1f: {  	s9 =	smul.u32 $0xF7A, s1;
	s8 =	simm.s32 @!p0 $0x1BF5;
	p2 =	por !p2, p0  }
0x20: {  	[sflag:s8] =	ssyncset.s32 @!p0 $0xFFFFF086;
	s6 =	sadd.s32 @!p0 s3, s7;
	s7 =	simm.s32 @!p0 $0x108  }
0x21: {  	s3 =	sadd.s32 s3, s9;
	s6 =	sadd.s32 @!p0 $0x88, s6;
	s7 =	simm.s32 @p2 $0x1082  }
0x22: {  	[simem:s7], [sflag:s8] =	dma.local @!p0 [hbm:s6], $0xF7A  }
0x23: {  	s9 =	sor.u32 $0xD0000000, s2;
	s6 =	simm.s32 $0x108;
	_ =	swait.ge @!p0 [sflag:s8], $0x0  }
0x24: {  	s3 =	sadd.s32 $0x88, s3;
	s6 =	simm.s32 @!p1 $0x1082;
	[sflag:s4] =	ssyncset.s32 $0xFFFFF086  }
0x25: {  	[simem:s6], [sflag:s4] =	dma.local [hbm:s3], $0xF7A  }
0x26: {  	[smem:$0x3F9A] =	sst s1;
	(tag) =	ssettag s2;
	_ =	strace s9  }
0x27: {  	s1 =	sld [smem:$0x3FAA]  }
0x28: {  	s2 =	sld [smem:$0x3FAB]  }
0x29: {  	s4 =	sld [smem:$0x3FAD]  }
0x2a: {  	p0 =	seq.s32 s5, $0x0;
	s5 =	sld [smem:$0x3FAE]  }
0x2b: {  	s6 =	sld [smem:$0x3FAF]  }
0x2c: {  	s7 =	sld [smem:$0x3FB0]  }
0x2d: {  	s3 =	simm.s32 $0x108;
	s8 =	sld [smem:$0x3FB1]  }
0x2e: {  	s3 =	simm.s32 @!p0 $0x1082;
	s9 =	sld [smem:$0x3FB2]  }
0x2f: {  	lr =	sadd.s32 s0, s3;
	s0 =	sld [smem:$0x3FA9]  }
0x30: {  	s3 =	sld [smem:$0x3FAC]  }
0x31: {  	[smem:$0x3FB5] =	sst s10  }
0x32: {  	s10 =	sld [smem:$0x3FB3];
	_ =	sdelay $0x3  }
0x33: {  	p0 =	seq.s32 s10, $0x1;
	s10 =	sld [smem:$0x3FB5];
	_ =	sdelay $0x3  }
0x34: {  	[smem:$0x3FB5] =	sst s10  }
0x35: {  	s10 =	sld [smem:$0x3FB4];
	_ =	sdelay $0x3  }
0x36: {  	p1 =	seq.s32 s10, $0x1;
	s10 =	sld [smem:$0x3FB5];
	_ =	sdelay $0x3  }
0x37: {  	[smem:$0x3FB5] =	sst s10  }
0x38: {  	s10 =	sld [smem:$0x3FB6]  }
0x39: {  	_ = 	snop;
	(pc) =	sbr.ind lr, $3  }
0x3a: {  	_ = 	snop  }
0x3b: {  	_ = 	snop  }
0x3c: {  	p2 =	seq.s32 s10, $0x1;
	s10 =	sld [smem:$0x3FB5]  }
0x3d: {  	_ =	shalt  }
0x3e: {  	_ =	shalt  }
0x3f: {  	_ =	shalt  }
0x40: {  	_ =	shalt  }
0x41: {  	_ =	shalt  }
0x42: {  	_ =	shalt  }
0x43: {  	_ =	shalt  }
0x44: {  	_ =	shalt  }
0x45: {  	_ =	shalt  }
0x46: {  	_ =	shalt  }
0x47: {  	_ =	shalt  }
0x48: {  	_ =	shalt  }
0x49: {  	_ =	shalt  }
0x4a: {  	_ =	shalt  }
0x4b: {  	_ =	shalt  }
0x4c: {  	_ =	shalt  }
0x4d: {  	_ =	shalt  }
0x4e: {  	_ =	shalt  }
0x4f: {  	_ =	shalt  }
0x50: {  	_ =	shalt  }
0x51: {  	_ =	shalt  }
0x52: {  	_ =	shalt  }
0x53: {  	_ =	shalt  }
0x54: {  	_ =	shalt  }
0x55: {  	_ =	shalt  }
0x56: {  	_ =	shalt  }
0x57: {  	_ =	shalt  }
0x58: {  	_ =	shalt  }
0x59: {  	_ =	shalt  }
0x5a: {  	_ =	shalt  }
0x5b: {  	_ =	shalt  }
0x5c: {  	_ =	shalt  }
0x5d: {  	_ =	shalt  }
0x5e: {  	_ =	shalt  }
0x5f: {  	_ =	shalt  }
0x60: {  	_ =	shalt  }
0x61: {  	_ =	shalt  }
0x62: {  	_ =	shalt  }
0x63: {  	_ =	shalt  }
0x64: {  	_ =	shalt  }
0x65: {  	_ =	shalt  }
0x66: {  	_ =	shalt  }
0x67: {  	_ =	shalt  }
0x68: {  	_ =	shalt  }
0x69: {  	_ =	shalt  }
0x6a: {  	_ =	shalt  }
0x6b: {  	_ =	shalt  }
0x6c: {  	_ =	shalt  }
0x6d: {  	_ =	shalt  }
0x6e: {  	_ =	shalt  }
0x6f: {  	_ =	shalt  }
0x70: {  	_ =	shalt  }
0x71: {  	_ =	shalt  }
0x72: {  	_ =	shalt  }
0x73: {  	_ =	shalt  }
0x74: {  	_ =	shalt  }
0x75: {  	_ =	shalt  }
0x76: {  	_ =	shalt  }
0x77: {  	_ =	shalt  }
0x78: {  	_ =	shalt  }
0x79: {  	_ =	shalt  }
0x7a: {  	_ =	shalt  }
0x7b: {  	_ =	shalt  }
0x7c: {  	_ =	shalt  }
0x7d: {  	_ =	shalt  }
0x7e: {  	_ =	shalt  }
0x7f: {  	_ =	shalt  }
0x80: {  	_ =	shalt  }
0x81: {  	_ =	shalt  }
0x82: {  	_ =	shalt  }
0x83: {  	_ =	shalt  }
0x84: {  	_ =	shalt  }
0x85: {  	_ =	shalt  }
0x86: {  	_ =	shalt  }
0x87: {  	_ =	shalt  }
.Lfunc_end0:
.L_simem_size_0:
called_computation_lowered:
.L_overlay_start_0:
0x88: {  	s2 =	sld [smem:$0x3FD9]  }
0x89: {  	s3 =	sld [smem:$0x3FFE];
	_ =	sdelay $0x1  }
0x8a: {  	s1 =	srdreg.scid  }
0x8b: {  	s0 =	sand.u32 $0x1, s1  }
0x8c: {  	s17 =	sshll.u32 s0, $0xA;
	s2 =	sadd.s32 s3, s2  }
0x8d: {  	s2 =	sadd.s32 s2, s17  }
0x8e: {  	[smem:$0x3FC1] =	sst s2  }
0x8f: {  	_ = 	snop  }
0x90: {  	s2 =	sld [smem:$0x3FC9]  }
0x91: {  	s18 =	sld [smem:$0x3FC8]  }
0x92: {  	s4 =	sld [smem:$0x3FC7]  }
0x93: {  	s5 =	sld [smem:$0x3FC6]  }
0x94: {  	s6 =	sld [smem:$0x3FD0];
	(tm) =	ssettm $0x1  }
0x95: {  	s7 =	sld [smem:$0x3FFB];
	_ =	sdelay $0x3  }
0x96: {  	_ =	strace s7  }
0x97: {  	s7 =	sld [smem:$0x3FFC];
	_ =	sdelay $0x3  }
0x98: {  	_ =	strace s7  }
0x99: {  	s7 =	sld [smem:$0x3FFD];
	_ =	sdelay $0x3  }
0x9a: {  	_ =	strace s7  }
0x9b: {  	_ =	strace $0x8FFFFFFF  }
0x9c: {  	s19 =	sld [smem:$0x3FDB];
	_ =	sdelay $0x1  }
0x9d: {  	s8 =	simm.s32 $_scs_section_size  }
0x9e: {  	s9 =	simm.s32 $_size__tile_overlayer_lowered;
	s10 =	simm.s32 $_tile_overlayer_lowered  }
0x9f: {  	s22 =	simm.s32 $0x1BFF;
	s21 =	sshll.u32 s10, $0x1;
	s7 =	sadd.s32 s8, s19  }
0xa0: {  	s11 =	simm.s32 $0x0;
	s20 =	sshll.u32 s9, $0x1;
	s9 =	sadd.s32 s21, s7  }
0xa1: {  	[timem:s11], [sflag:s22] =	dma.local [hbm:s9], s20  }
0xa2: {  	_ =	swait.ge [sflag:s22], s20  }
0xa3: {  	s8 =	ssub.s32 $0x0, s20;
	[sflag:s22] =	ssyncset.done $0x0  }
0xa4: {  	[sflag:s22] =	ssyncadd.s32 s8;
	_ =	sdelay $0x1  }
0xa5: {  	s23 =	simm.s32 $0x1B8B  }
0xa6: {  	_ =	swait.ge [sflag:s23], $0x1  }
0xa7: {  	[sflag:s23] =	ssyncset.done $0x0  }
0xa8: {  	s25 =	simm.s32 $0x1B8E;
	s24 =	sld [smem:$0x3FFE];
	[sflag:s23] =	ssyncadd.s32 $0xFFFFFFFF  }
0xa9: {  	s26 =	simm.s32 $execute0_lowered;
	[smem:$0x3FD2] =	sst s25  }
0xaa: {  	s9 =	sshll.u32 s26, $0x1;
	_ =	strace $0x80000046;
	[dreg:$0x1] =	wrdreg $0xFFFFFFFF  }
0xab: {  	s28 =	simm.s32 $_size_execute0_lowered;
	s7 =	sadd.s32 s7, s9;
	[dreg:$0x0] =	wrdreg $0x0  }
0xac: {  	s9 =	sshll.u32 s28, $0x1;
	[dreg:$0x2] =	wrdreg s7  }
0xad: {  	[dreg:$0x3] =	wrdreg s9  }
0xae: {  	[dreg:$0x4] =	wrdreg $0xC0  }
0xaf: {  	_ =	task [dreg:s11], $0x5FFFF  }
0xb0: {  	[dreg:$0x1] =	wrdreg $0xFFFFFFFF  }
0xb1: {  	[dreg:$0x0] =	wrdreg $0x60  }
0xb2: {  	[dreg:$0x2] =	wrdreg s2  }
0xb3: {  	[dreg:$0x3] =	wrdreg s18  }
0xb4: {  	[dreg:$0x4] =	wrdreg s4  }
0xb5: {  	[dreg:$0x5] =	wrdreg s5  }
0xb6: {  	[dreg:$0x6] =	wrdreg s24  }
0xb7: {  	[dreg:$0x7] =	wrdreg s6  }
0xb8: {  	[dreg:$0x8] =	wrdreg $0x9  }
0xb9: {  	_ =	task.clear_ibuf [dreg:s11], $0x9FFFF;
	_ =	strace $0x90000046  }
0xba: {  	s29 =	simm.s32 $0x9;
	_ =	strace $0x80000048  }
0xbb: {  	_ =	swait.ge [sflag:s29], $0x1  }
0xbc: {  	[sflag:s29] =	ssyncadd.s32 $0xFFFFFFFF  }
0xbd: {  	_ =	strace $0x90000048  }
0xbe: {  	_ =	sfence  }
0xbf: {  	s30 =	sld [smem:$0x0];
	_ =	sdelay $0x2  }
0xc0: {  	s31 =	sshll.u32 s1, $0xD;
	s1 =	sshrl.u32 s1, $0x2  }
0xc1: {  	s3 =	sand.u32 $0x4000, s31;
	s1 =	sadd.s32 s1, s30  }
0xc2: {  	s0 =	sor.u32 s3, s0;
	s1 =	sshll.u32 s1, $0x11  }
0xc3: {  	s0 =	sor.u32 s1, s0  }
0xc4: {  	s0 =	sadd.s32 $0x8F2B, s0  }
0xc5: {  	[sflag:s0] =	ssyncadd.remote.s32 $0x1  }
0xc6: {  	_ =	sfence.sel $0xFFFF  }
0xc7: {  	[dreg:$0x0] =	wrdreg $0xFFFFFFFF;
	(pc) =	sbr.abs _section_cstart, $3  }
0xc8: {  	[dreg:$0x1] =	wrdreg $0xFFFFFFFF  }
0xc9: {  	_ =	task.clear_ibuf [dreg:s11], $0x2FFFF;
	_ =	strace $0x9FFFFFFF  }
0xca: {  	(tm) =	ssettm $0x7FFFFFFF  }
0xcb: {  	_ =	shalt  }
tec
execute0_lowered:
.L_overlay_start_1:
0x0: {  	(tag) =	ssettag $0x1  }
0x1: {  	s0 =	rddreg [dreg:$0x0]  }
0x2: {  	s1 =	rddreg [dreg:$0x1]  }
0x3: {  	s29 =	rddreg [dreg:$0x2]  }
0x4: {  	s28 =	rddreg [dreg:$0x3]  }
0x5: {  	s7 =	rddreg [dreg:$0x4]  }
0x6: {  	s2 =	rddreg [dreg:$0x5];
	s8 =	simm.s32 $0x0;
	s3 =	srdreg.scid  }
0x7: {  	s5 =	stileid.u32;
	s11 =	simm.s32 $0x400;
	s31 =	simm.s32 $0x1  }
0x8: {  	s12 =	simm.s32 $0xA80;
	s13 =	simm.s32 $0x1280;
	s14 =	simm.s32 $0x1A80  }
0x9: {  	s30 =	simm.s32 $0x6280;
	[smem:$0x7FF] =	sst s8;
	s3 =	sand.u32 $0x1, s3  }
0xa: {  	s5 =	sshll.u32 s5, $0x7;
	s6 =	sadd.s32 $0x1EA00, s7;
	s16 =	sadd.s32 $0x3D400, s7  }
0xb: {  	_ =	strace $0x80000047;
	s4 =	ssub.s32 $0x2, s3;
	[dreg:$0x7] =	wrdreg s6  }
0xc: {  	s3 =	sshll.u32 s3, $0x6;
	[dreg:$0x8] =	wrdreg s16;
	s15 =	sshrl.u32 s4, $0x1  }
0xd: {  	s16 =	simm.s32 $0x2A80;
	s3 =	sor.u32 s3, s5;
	s4 =	ssub.s32 s4, s15  }
0xe: {  	s17 =	sor.u32 $0x10, s3;
	s18 =	sadd.s32 s0, s3;
	s19 =	sadd.s32 s1, s3  }
0xf: {  	s21 =	sor.u32 $0x20, s3;
	s22 =	sor.u32 $0x30, s3;
	[dreg:$0x9] =	wrdreg s18  }
0x10: {  	s25 =	sadd.s32 s2, s3;
	s2 =	simm.s32 $0x4;
	[dreg:$0xa] =	wrdreg s19  }
0x11: {  	s15 =	simm.s32 $0x2280;
	s20 =	sadd.s32 s0, s17;
	[dreg:$0x11] =	wrdreg s25  }
0x12: {  	s5 =	sadd.s32 s1, s17;
	s23 =	sadd.s32 s0, s21;
	[dreg:$0xb] =	wrdreg s20  }
0x13: {  	s0 =	sadd.s32 s0, s22;
	s24 =	sadd.s32 s1, s22;
	[dreg:$0xc] =	wrdreg s5  }
0x14: {  	s26 =	smax.u32 s4, $0x1;
	s17 =	simm.s32 $0x3280;
	[dreg:$0xd] =	wrdreg s23  }
0x15: {  	s18 =	simm.s32 $0x3A80;
	s19 =	simm.s32 $0x4280;
	[dreg:$0xf] =	wrdreg s0  }
0x16: {  	s22 =	simm.s32 $0x5280;
	s25 =	simm.s32 $0x10A80;
	[dreg:$0x10] =	wrdreg s24  }
0x17: {  	s5 =	sadd.s32 s1, s21;
	[dreg:$0x12] =	wrdreg s26;
	s20 =	simm.s32 $0x7A1400  }
0x18: {  	v1 =	vlaneseq.u32;
	s21 =	simm.s32 $0x4A80;
	s23 =	simm.s32 $0x5A80;
	s24 =	simm.s32 $0x2  }
0x19: {  	v0 =	vmul.u32 $0x80, v1;
	v1 =	vmul.u32 $0x10, v1;
	s26 =	simm.s32 $0x12A80;
	s1 =	simm.s32 $0x0;
	[dreg:$0xe] =	wrdreg s5  }
.LBB2_1:
0x1a: {  	[dreg:$0x13] =	wrdreg s1  }
0x1b: {  	s0 =	rddreg [dreg:$0x8];
	s10 =	simm.s32 $0xA00  }
0x1c: {  	[tilespmem:s10], [sflag:$0x4] =	stream.linear.gather [hbm4b:s0+s8], $0x80, $0x38;
	[tilespmem:$0x14A80] =	vst v63  }
0x1d: {  	_ =	swait.ge [sflag:s2], $0x80  }
0x1e: {  	[sflag:s2] =	ssyncset.done $0x0  }
0x1f: {  	s3 =	rddreg [dreg:$0x9];
	[sflag:s2] =	ssyncadd.s32 $0xFFFFFF80  }
0x20: {  	[tilespmem:s8], [sflag:$0x4] =	stream.linear.gather [hbm4b:s3+s8], $0x80, $0x38;
	[tilespmem:$0x14A80] =	vst v63  }
0x21: {  	_ =	swait.ge [sflag:s2], $0x80  }
0x22: {  	[sflag:s2] =	ssyncset.done $0x0  }
0x23: {  	s3 =	simm.s32 $0x200;
	s4 =	rddreg [dreg:$0xa];
	[sflag:s2] =	ssyncadd.s32 $0xFFFFFF80  }
0x24: {  	[tilespmem:s3], [sflag:$0x4] =	stream.linear.gather [hbm4b:s4+s8], $0x80, $0x38;
	[tilespmem:$0x14A80] =	vst v63  }
0x25: {  	_ =	swait.ge [sflag:s2], $0x80  }
0x26: {  	[sflag:s2] =	ssyncset.done $0x0  }
0x27: {  	s4 =	simm.s32 $0x80;
	s5 =	rddreg [dreg:$0xb];
	[sflag:s2] =	ssyncadd.s32 $0xFFFFFF80  }
0x28: {  	[tilespmem:s4], [sflag:$0x4] =	stream.linear.gather [hbm4b:s5+s8], $0x80, $0x38;
	[tilespmem:$0x14A80] =	vst v63  }
0x29: {  	_ =	swait.ge [sflag:s2], $0x80  }
0x2a: {  	[sflag:s2] =	ssyncset.done $0x0  }
0x2b: {  	s5 =	simm.s32 $0x280;
	s6 =	rddreg [dreg:$0xc];
	[sflag:s2] =	ssyncadd.s32 $0xFFFFFF80  }
0x2c: {  	[tilespmem:s5], [sflag:$0x4] =	stream.linear.gather [hbm4b:s6+s8], $0x80, $0x38;
	[tilespmem:$0x14A80] =	vst v63  }
0x2d: {  	_ =	swait.ge [sflag:s2], $0x80  }
0x2e: {  	[sflag:s2] =	ssyncset.done $0x0  }
0x2f: {  	s6 =	simm.s32 $0x100;
	s7 =	rddreg [dreg:$0xd];
	[sflag:s2] =	ssyncadd.s32 $0xFFFFFF80  }
0x30: {  	[tilespmem:s6], [sflag:$0x4] =	stream.linear.gather [hbm4b:s7+s8], $0x80, $0x38;
	[tilespmem:$0x14A80] =	vst v63  }
0x31: {  	_ =	swait.ge [sflag:s2], $0x80  }
0x32: {  	[sflag:s2] =	ssyncset.done $0x0  }
0x33: {  	s7 =	simm.s32 $0x300;
	s9 =	rddreg [dreg:$0xe];
	[sflag:s2] =	ssyncadd.s32 $0xFFFFFF80  }
0x34: {  	[tilespmem:s7], [sflag:$0x4] =	stream.linear.gather [hbm4b:s9+s8], $0x80, $0x38;
	[tilespmem:$0x14A80] =	vst v63  }
0x35: {  	_ =	swait.ge [sflag:s2], $0x80  }
0x36: {  	[sflag:s2] =	ssyncset.done $0x0  }
0x37: {  	s9 =	simm.s32 $0x180;
	s10 =	rddreg [dreg:$0xf];
	[sflag:s2] =	ssyncadd.s32 $0xFFFFFF80  }
0x38: {  	[tilespmem:s9], [sflag:$0x4] =	stream.linear.gather [hbm4b:s10+s8], $0x80, $0x38;
	[tilespmem:$0x14A80] =	vst v63  }
0x39: {  	_ =	swait.ge [sflag:s2], $0x80  }
0x3a: {  	[sflag:s2] =	ssyncset.done $0x0  }
0x3b: {  	s10 =	simm.s32 $0x380;
	s1 =	rddreg [dreg:$0x10];
	[sflag:s2] =	ssyncadd.s32 $0xFFFFFF80  }
0x3c: {  	[tilespmem:s10], [sflag:$0x4] =	stream.linear.gather [hbm4b:s1+s8], $0x80, $0x38;
	[tilespmem:$0x14A80] =	vst v63  }
0x3d: {  	_ =	swait.ge [sflag:s2], $0x80  }
0x3e: {  	[sflag:s2] =	ssyncset.done $0x0  }
0x3f: {  	[sflag:s2] =	ssyncadd.s32 $0xFFFFFF80  }
0x40: {  	s0 =	rddreg [dreg:$0x4]  }
0x41: {  	[tilespmem:s11], [sflag:$0x3] =	stream.indirect.gather [hbm4b:s0+s4], $0x1, s8, s4, $0xb8;
	[tilespmem:$0x14A80] =	vst v63  }
0x42: {  	s1 =	rddreg [dreg:$0x7];
	s8 =	simm.s32 $0x600  }
0x43: {  	[tilespmem:s8], [sflag:$0x3] =	stream.indirect.gather [hbm4b:s1+s4], $0x1, s3, s4, $0xb8;
	[tilespmem:$0x14A80] =	vst v63  }
0x44: {  	s8 =	simm.s32 $0x480  }
0x45: {  	[tilespmem:s8], [sflag:$0x3] =	stream.indirect.gather [hbm4b:s0+s4], $0x1, s4, s4, $0xb8;
	[tilespmem:$0x14A80] =	vst v63  }
0x46: {  	s3 =	simm.s32 $0x680  }
0x47: {  	[tilespmem:s3], [sflag:$0x3] =	stream.indirect.gather [hbm4b:s1+s4], $0x1, s5, s4, $0xb8;
	[tilespmem:$0x14A80] =	vst v63  }
0x48: {  	s5 =	simm.s32 $0x500  }
0x49: {  	[tilespmem:s5], [sflag:$0x3] =	stream.indirect.gather [hbm4b:s0+s4], $0x1, s6, s4, $0xb8;
	[tilespmem:$0x14A80] =	vst v63  }
0x4a: {  	s6 =	simm.s32 $0x700  }
0x4b: {  	[tilespmem:s6], [sflag:$0x3] =	stream.indirect.gather [hbm4b:s1+s4], $0x1, s7, s4, $0xb8;
	[tilespmem:$0x14A80] =	vst v63  }
0x4c: {  	s8 =	simm.s32 $0x580  }
0x4d: {  	[tilespmem:s8], [sflag:$0x3] =	stream.indirect.gather [hbm4b:s0+s4], $0x1, s9, s4, $0xb8;
	[tilespmem:$0x14A80] =	vst v63  }
0x4e: {  	s9 =	simm.s32 $0x780  }
0x4f: {  	[tilespmem:s9], [sflag:$0x3] =	stream.indirect.gather [hbm4b:s1+s4], $0x1, s10, s4, $0xb8;
	[tilespmem:$0x14A80] =	vst v63  }
0x50: {  	s10 =	simm.s32 $0x3  }
0x51: {  	_ =	swait.ge [sflag:s10], $0x80  }
0x52: {  	[sflag:s10] =	ssyncset.done $0x0  }
0x53: {  	[sflag:s10] =	ssyncadd.s32 $0xFFFFFF80  }
0x54: {  	_ =	swait.ge [sflag:s10], $0x80  }
0x55: {  	[sflag:s10] =	ssyncset.done $0x0  }
0x56: {  	[sflag:s10] =	ssyncadd.s32 $0xFFFFFF80  }
0x57: {  	_ =	swait.ge [sflag:s10], $0x80  }
0x58: {  	[sflag:s10] =	ssyncset.done $0x0  }
0x59: {  	[sflag:s10] =	ssyncadd.s32 $0xFFFFFF80  }
0x5a: {  	_ =	swait.ge [sflag:s10], $0x80  }
0x5b: {  	[sflag:s10] =	ssyncset.done $0x0  }
0x5c: {  	[sflag:s10] =	ssyncadd.s32 $0xFFFFFF80  }
0x5d: {  	_ =	swait.ge [sflag:s10], $0x80  }
0x5e: {  	[sflag:s10] =	ssyncset.done $0x0  }
0x5f: {  	[sflag:s10] =	ssyncadd.s32 $0xFFFFFF80  }
0x60: {  	_ =	swait.ge [sflag:s10], $0x80  }
0x61: {  	[sflag:s10] =	ssyncset.done $0x0  }
0x62: {  	[sflag:s10] =	ssyncadd.s32 $0xFFFFFF80  }
0x63: {  	_ =	swait.ge [sflag:s10], $0x80  }
0x64: {  	[sflag:s10] =	ssyncset.done $0x0  }
0x65: {  	[sflag:s10] =	ssyncadd.s32 $0xFFFFFF80  }
0x66: {  	_ =	swait.ge [sflag:s10], $0x80  }
0x67: {  	[sflag:s10] =	ssyncset.done $0x0  }
0x68: {  	[sflag:s10] =	ssyncadd.s32 $0xFFFFFF80  }
0x69: {  	v3 =	vld [tilespmem:$0x200]  }
0x6a: {  	v4 =	vld [tilespmem:$0x0];
	_ =	sdelay $0x3  }
0x6b: {  	(v2sf) =	vpush v3, $0x0  }
0x6c: {  	(v2sf) =	vpush v4, $0x0;
	_ =	sdelay $0xb  }
0x6d: {  	(v2sf) =	vpush v3, $0x1;
	_ =	sdelay $0x1  }
0x6e: {  	s3 =	simm.s32 $0x1;
	s0 =	spop (v2sf);
	(v2sf) =	vpush v4, $0x1  }
0x6f: {  	s5 =	sand.u32 $0x7F, s0;
	s6 =	spop (v2sf);
	s7 =	sshra.s32 s0, $0x1F  }
0x70: {  	p6 =	slt.s32 s0, $0x1;
	p0 =	sne.s32 s5, $0x0;
	s8 =	sand.u32 $0x7F, s6  }
0x71: {  	s9 =	sshra.s32 s6, $0x1F;
	p2 =	slt.s32 s6, $0x1;
	p1 =	sne.s32 s8, $0x0  }
0x72: {  	s4 =	sshrl.u32 s7, $0x19;
	s2 =	sshrl.u32 s9, $0x19;
	p1 =	por !p2, !p1  }
0x73: {  	s1 =	sadd.s32 s4, s0;
	s2 =	sadd.s32 s2, s6;
	p1 =	por !p1, !p1  }
0x74: {  	p0 =	por !p6, !p0;
	s2 =	sshrl.u32 s2, $0x7;
	s3 =	simm.s32 @!p1 $0x0  }
0x75: {  	p0 =	por !p0, !p0;
	s2 =	ssub.s32 s2, s3;
	s3 =	simm.s32 $0x1  }
0x76: {  	s1 =	sshrl.u32 s1, $0x7;
	s2 =	sshll.u32 s2, $0x7;
	s3 =	simm.s32 @!p0 $0x0  }
0x77: {  	s2 =	sand.u32 $0x1FFFFF80, s2;
	s1 =	ssub.s32 s1, s3  }
0x78: {  	s2 =	sadd.s32 s29, s2;
	s1 =	sshll.u32 s1, $0x7  }
0x79: {  	v2 =	vld [tilespmem:$0xA00];
	[tilespmem:s12], [sflag:$0x1] =	stream.strided.gather [hbm4b:s2+s11], $0x800, s20, s11, $0x38  }
0x7a: {  	s1 =	sand.u32 $0x1FFFFF80, s1  }
0x7b: {  	(v2sf) =	vpush v3, $0x2;
	s10 =	spop (v2sf);
	s1 =	sadd.s32 s28, s1  }
0x7c: {  	[tilespmem:s13], [sflag:$0x1] =	stream.strided.gather [hbm4b:s1+s11], $0x800, s20, s11, $0x38;
	[tilespmem:$0x14A80] =	vst v63  }
0x7d: {  	s13 =	spop (v2sf);
	(v2sf) =	vpush v4, $0x2;
	_ =	sdelay $0x2  }
0x7e: {  	s0 =	sshra.s32 s10, $0x1F  }
0x7f: {  	p6 =	slt.s32 s10, $0x1;
	s4 =	sshrl.u32 s0, $0x19  }
0x80: {  	s3 =	simm.s32 $0x1;
	s12 =	sand.u32 $0x7F, s10;
	s5 =	sand.u32 $0x7F, s13  }
0x81: {  	s6 =	sshra.s32 s13, $0x1F;
	p5 =	slt.s32 s13, $0x1;
	p4 =	sne.s32 s5, $0x0  }
0x82: {  	s2 =	sadd.s32 s4, s10;
	s1 =	sshrl.u32 s6, $0x19;
	p1 =	por !p5, !p4  }
0x83: {  	p3 =	sne.s32 s12, $0x0;
	s1 =	sadd.s32 s1, s13;
	p1 =	por !p1, !p1  }
0x84: {  	p0 =	por !p6, !p3;
	s1 =	sshrl.u32 s1, $0x7;
	s3 =	simm.s32 @!p1 $0x0  }
0x85: {  	p0 =	por !p0, !p0;
	s1 =	ssub.s32 s1, s3;
	s3 =	simm.s32 $0x1  }
0x86: {  	s2 =	sshrl.u32 s2, $0x7;
	s1 =	sshll.u32 s1, $0x7;
	s3 =	simm.s32 @!p0 $0x0  }
0x87: {  	s1 =	sand.u32 $0x1FFFFF80, s1;
	s2 =	ssub.s32 s2, s3  }
0x88: {  	s8 =	spop (v2sf);
	(v2sf) =	vpush v3, $0x3;
	s1 =	sadd.s32 s29, s1;
	s7 =	sshll.u32 s2, $0x7  }
0x89: {  	[tilespmem:s14], [sflag:$0x1] =	stream.strided.gather [hbm4b:s1+s11], $0x800, s20, s11, $0x38;
	[tilespmem:$0x14A80] =	vst v63  }
0x8a: {  	s1 =	sand.u32 $0x1FFFFF80, s7;
	s10 =	spop (v2sf);
	(v2sf) =	vpush v4, $0x3  }
0x8b: {  	s1 =	sadd.s32 s28, s1  }
0x8c: {  	[tilespmem:s15], [sflag:$0x1] =	stream.strided.gather [hbm4b:s1+s11], $0x800, s20, s11, $0x38;
	[tilespmem:$0x14A80] =	vst v63  }
0x8d: {  	s13 =	sand.u32 $0x7F, s10  }
0x8e: {  	s14 =	sshra.s32 s10, $0x1F;
	p5 =	slt.s32 s10, $0x1;
	p4 =	sne.s32 s13, $0x0  }
0x8f: {  	s1 =	sshrl.u32 s14, $0x19;
	p1 =	por !p5, !p4  }
0x90: {  	s3 =	simm.s32 $0x1;
	s1 =	sadd.s32 s1, s10;
	p1 =	por !p1, !p1  }
0x91: {  	s1 =	sshrl.u32 s1, $0x7;
	s3 =	simm.s32 @!p1 $0x0  }
0x92: {  	s1 =	ssub.s32 s1, s3  }
0x93: {  	s1 =	sshll.u32 s1, $0x7  }
0x94: {  	s9 =	sand.u32 $0x7F, s8;
	s12 =	sshra.s32 s8, $0x1F;
	s1 =	sand.u32 $0x1FFFFF80, s1  }
0x95: {  	p6 =	slt.s32 s8, $0x1;
	p3 =	sne.s32 s9, $0x0;
	s1 =	sadd.s32 s29, s1  }
0x96: {  	[tilespmem:s16], [sflag:$0x1] =	stream.strided.gather [hbm4b:s1+s11], $0x800, s20, s11, $0x38;
	[tilespmem:$0x14A80] =	vst v63  }
0x97: {  	s4 =	sshrl.u32 s12, $0x19;
	p0 =	por !p6, !p3;
	s16 =	spop (v2sf);
	(v2sf) =	vpush v3, $0x4  }
0x98: {  	p0 =	por !p0, !p0;
	s2 =	sadd.s32 s4, s8;
	s3 =	simm.s32 $0x1  }
0x99: {  	s2 =	sshrl.u32 s2, $0x7;
	s3 =	simm.s32 @!p0 $0x0;
	s0 =	spop (v2sf);
	(v2sf) =	vpush v4, $0x4  }
0x9a: {  	s2 =	ssub.s32 s2, s3  }
0x9b: {  	s15 =	sshll.u32 s2, $0x7  }
0x9c: {  	s1 =	sand.u32 $0x1FFFFF80, s15  }
0x9d: {  	s3 =	simm.s32 $0x1;
	s1 =	sadd.s32 s28, s1  }
0x9e: {  	[tilespmem:s17], [sflag:$0x1] =	stream.strided.gather [hbm4b:s1+s11], $0x800, s20, s11, $0x38;
	[tilespmem:$0x14A80] =	vst v63  }
0x9f: {  	s5 =	sshra.s32 s16, $0x1F;
	p6 =	slt.s32 s16, $0x1;
	s17 =	sand.u32 $0x7F, s16  }
0xa0: {  	s4 =	sshrl.u32 s5, $0x19;
	p3 =	sne.s32 s17, $0x0;
	s6 =	sand.u32 $0x7F, s0  }
0xa1: {  	s7 =	sshra.s32 s0, $0x1F;
	p5 =	slt.s32 s0, $0x1;
	p4 =	sne.s32 s6, $0x0  }
0xa2: {  	s2 =	sadd.s32 s4, s16;
	s1 =	sshrl.u32 s7, $0x19;
	p1 =	por !p5, !p4  }
0xa3: {  	p0 =	por !p6, !p3;
	s1 =	sadd.s32 s1, s0;
	p1 =	por !p1, !p1  }
0xa4: {  	s2 =	sshrl.u32 s2, $0x7;
	s1 =	sshrl.u32 s1, $0x7;
	s3 =	simm.s32 @!p1 $0x0  }
0xa5: {  	p0 =	por !p0, !p0;
	s1 =	ssub.s32 s1, s3;
	s3 =	simm.s32 $0x1  }
0xa6: {  	s1 =	sshll.u32 s1, $0x7;
	s3 =	simm.s32 @!p0 $0x0;
	s9 =	spop (v2sf);
	(v2sf) =	vpush v3, $0x5  }
0xa7: {  	s1 =	sand.u32 $0x1FFFFF80, s1;
	s2 =	ssub.s32 s2, s3  }
0xa8: {  	s1 =	sadd.s32 s29, s1;
	s8 =	sshll.u32 s2, $0x7;
	s12 =	spop (v2sf);
	(v2sf) =	vpush v4, $0x5  }
0xa9: {  	[tilespmem:s18], [sflag:$0x1] =	stream.strided.gather [hbm4b:s1+s11], $0x800, s20, s11, $0x38;
	[tilespmem:$0x14A80] =	vst v63  }
0xaa: {  	s3 =	simm.s32 $0x1;
	s1 =	sand.u32 $0x1FFFFF80, s8  }
0xab: {  	s1 =	sadd.s32 s28, s1;
	s10 =	sand.u32 $0x7F, s9;
	s13 =	sshra.s32 s9, $0x1F  }
0xac: {  	[tilespmem:s19], [sflag:$0x1] =	stream.strided.gather [hbm4b:s1+s11], $0x800, s20, s11, $0x38;
	[tilespmem:$0x14A80] =	vst v63  }
0xad: {  	p6 =	slt.s32 s9, $0x1;
	p3 =	sne.s32 s10, $0x0;
	s14 =	sand.u32 $0x7F, s12  }
0xae: {  	s15 =	sshra.s32 s12, $0x1F;
	p5 =	slt.s32 s12, $0x1;
	p4 =	sne.s32 s14, $0x0  }
0xaf: {  	s4 =	sshrl.u32 s13, $0x19;
	s1 =	sshrl.u32 s15, $0x19;
	p1 =	por !p5, !p4  }
0xb0: {  	s2 =	sadd.s32 s4, s9;
	s1 =	sadd.s32 s1, s12;
	p1 =	por !p1, !p1  }
0xb1: {  	p0 =	por !p6, !p3;
	s1 =	sshrl.u32 s1, $0x7;
	s3 =	simm.s32 @!p1 $0x0  }
0xb2: {  	p0 =	por !p0, !p0;
	s1 =	ssub.s32 s1, s3;
	s3 =	simm.s32 $0x1  }
0xb3: {  	s2 =	sshrl.u32 s2, $0x7;
	s1 =	sshll.u32 s1, $0x7;
	s3 =	simm.s32 @!p0 $0x0  }
0xb4: {  	s1 =	sand.u32 $0x1FFFFF80, s1;
	s2 =	ssub.s32 s2, s3  }
0xb5: {  	s1 =	sadd.s32 s29, s1;
	s16 =	sshll.u32 s2, $0x7;
	s17 =	spop (v2sf);
	(v2sf) =	vpush v3, $0x6  }
0xb6: {  	[tilespmem:s21], [sflag:$0x1] =	stream.strided.gather [hbm4b:s1+s11], $0x800, s20, s11, $0x38;
	[tilespmem:$0x14A80] =	vst v63  }
0xb7: {  	s3 =	simm.s32 $0x1;
	s1 =	sand.u32 $0x1FFFFF80, s16;
	s19 =	spop (v2sf);
	(v2sf) =	vpush v4, $0x6  }
0xb8: {  	s1 =	sadd.s32 s28, s1;
	s18 =	sand.u32 $0x7F, s17;
	s21 =	sshra.s32 s17, $0x1F  }
0xb9: {  	[tilespmem:s22], [sflag:$0x1] =	stream.strided.gather [hbm4b:s1+s11], $0x800, s20, s11, $0x38;
	[tilespmem:$0x14A80] =	vst v63  }
0xba: {  	p6 =	slt.s32 s17, $0x1;
	p3 =	sne.s32 s18, $0x0;
	s22 =	sand.u32 $0x7F, s19  }
0xbb: {  	s0 =	sshra.s32 s19, $0x1F;
	p5 =	slt.s32 s19, $0x1;
	p4 =	sne.s32 s22, $0x0  }
0xbc: {  	s4 =	sshrl.u32 s21, $0x19;
	s1 =	sshrl.u32 s0, $0x19;
	p1 =	por !p5, !p4  }
0xbd: {  	s2 =	sadd.s32 s4, s17;
	s1 =	sadd.s32 s1, s19;
	p1 =	por !p1, !p1  }
0xbe: {  	p0 =	por !p6, !p3;
	s1 =	sshrl.u32 s1, $0x7;
	s3 =	simm.s32 @!p1 $0x0  }
0xbf: {  	p0 =	por !p0, !p0;
	s1 =	ssub.s32 s1, s3;
	s3 =	simm.s32 $0x1  }
0xc0: {  	s2 =	sshrl.u32 s2, $0x7;
	s1 =	sshll.u32 s1, $0x7;
	s3 =	simm.s32 @!p0 $0x0  }
0xc1: {  	s1 =	sand.u32 $0x1FFFFF80, s1;
	s2 =	ssub.s32 s2, s3  }
0xc2: {  	s1 =	sadd.s32 s29, s1;
	s5 =	sshll.u32 s2, $0x7  }
0xc3: {  	[tilespmem:s23], [sflag:$0x1] =	stream.strided.gather [hbm4b:s1+s11], $0x800, s20, s11, $0x38;
	[tilespmem:$0x14A80] =	vst v63  }
0xc4: {  	s1 =	sand.u32 $0x1FFFFF80, s5;
	s6 =	spop (v2sf);
	(v2sf) =	vpush v3, $0x7  }
0xc5: {  	s3 =	simm.s32 $0x1;
	s1 =	sadd.s32 s28, s1  }
0xc6: {  	s7 =	sand.u32 $0x7F, s6;
	s9 =	sshra.s32 s6, $0x1F;
	s8 =	spop (v2sf);
	(v2sf) =	vpush v4, $0x7  }
0xc7: {  	[tilespmem:s30], [sflag:$0x1] =	stream.strided.gather [hbm4b:s1+s11], $0x800, s20, s11, $0x38;
	[tilespmem:$0x14A80] =	vst v63  }
0xc8: {  	p6 =	slt.s32 s6, $0x1;
	p3 =	sne.s32 s7, $0x0;
	s10 =	sand.u32 $0x7F, s8  }
0xc9: {  	s12 =	sshra.s32 s8, $0x1F;
	p5 =	slt.s32 s8, $0x1;
	p4 =	sne.s32 s10, $0x0  }
0xca: {  	s4 =	sshrl.u32 s9, $0x19;
	s1 =	sshrl.u32 s12, $0x19;
	p1 =	por !p5, !p4  }
0xcb: {  	s2 =	sadd.s32 s4, s6;
	s1 =	sadd.s32 s1, s8;
	p1 =	por !p1, !p1  }
0xcc: {  	p0 =	por !p6, !p3;
	s1 =	sshrl.u32 s1, $0x7;
	s3 =	simm.s32 @!p1 $0x0  }
0xcd: {  	p0 =	por !p0, !p0;
	s1 =	ssub.s32 s1, s3;
	s3 =	simm.s32 $0x1  }
0xce: {  	s2 =	sshrl.u32 s2, $0x7;
	s1 =	sshll.u32 s1, $0x7;
	s3 =	simm.s32 @!p0 $0x0  }
0xcf: {  	s1 =	sand.u32 $0x1FFFFF80, s1;
	s2 =	ssub.s32 s2, s3  }
0xd0: {  	s13 =	simm.s32 $0x6A80;
	s1 =	sadd.s32 s29, s1;
	s14 =	sshll.u32 s2, $0x7  }
0xd1: {  	[tilespmem:s13], [sflag:$0x1] =	stream.strided.gather [hbm4b:s1+s11], $0x800, s20, s11, $0x38;
	[tilespmem:$0x14A80] =	vst v63  }
0xd2: {  	s16 =	simm.s32 $0x7280;
	s1 =	sand.u32 $0x1FFFFF80, s14  }
0xd3: {  	s3 =	simm.s32 $0x1;
	s15 =	spop (v2sf);
	s1 =	sadd.s32 s28, s1  }
0xd4: {  	[tilespmem:s16], [sflag:$0x1] =	stream.strided.gather [hbm4b:s1+s11], $0x800, s20, s11, $0x38;
	[tilespmem:$0x14A80] =	vst v63  }
0xd5: {  	s17 =	sand.u32 $0x7F, s15;
	s19 =	sshra.s32 s15, $0x1F;
	s18 =	spop (v2sf)  }
0xd6: {  	p6 =	slt.s32 s15, $0x1;
	p3 =	sne.s32 s17, $0x0;
	s21 =	sand.u32 $0x7F, s18  }
0xd7: {  	s22 =	sshra.s32 s18, $0x1F;
	p5 =	slt.s32 s18, $0x1;
	p4 =	sne.s32 s21, $0x0  }
0xd8: {  	s4 =	sshrl.u32 s19, $0x19;
	s1 =	sshrl.u32 s22, $0x19;
	p1 =	por !p5, !p4  }
0xd9: {  	s2 =	sadd.s32 s4, s15;
	s1 =	sadd.s32 s1, s18;
	p1 =	por !p1, !p1  }
0xda: {  	p0 =	por !p6, !p3;
	s1 =	sshrl.u32 s1, $0x7;
	s3 =	simm.s32 @!p1 $0x0  }
0xdb: {  	p0 =	por !p0, !p0;
	s1 =	ssub.s32 s1, s3;
	s3 =	simm.s32 $0x1  }
0xdc: {  	s2 =	sshrl.u32 s2, $0x7;
	s1 =	sshll.u32 s1, $0x7;
	s3 =	simm.s32 @!p0 $0x0  }
0xdd: {  	s30 =	simm.s32 $0x8280;
	s1 =	sand.u32 $0x1FFFFF80, s1;
	s2 =	ssub.s32 s2, s3  }
0xde: {  	s17 =	simm.s32 $0x7A80;
	s1 =	sadd.s32 s29, s1;
	s23 =	sshll.u32 s2, $0x7  }
0xdf: {  	[tilespmem:s17], [sflag:$0x1] =	stream.strided.gather [hbm4b:s1+s11], $0x800, s20, s11, $0x38;
	[tilespmem:$0x14A80] =	vst v63  }
0xe0: {  	s7 =	simm.s32 $0x40;
	s9 =	simm.s32 $0x10B00;
	s1 =	sand.u32 $0x1FFFFF80, s23  }
0xe1: {  	s10 =	simm.s32 $0x400;
	s8 =	simm.s32 $0x12B00;
	s1 =	sadd.s32 s28, s1  }
0xe2: {  	[tilespmem:s30], [sflag:$0x1] =	stream.strided.gather [hbm4b:s1+s11], $0x800, s20, s11, $0x38;
	[tilespmem:$0x14A80] =	vst v63  }
.LBB2_2:
0xe3: {  	(v2sf) =	vpush v4, $0x8;
	_ =	sdelay $0x1  }
0xe4: {  	(v2sf) =	vpush v3, $0x8;
	_ =	sdelay $0xb  }
0xe5: {  	(v2sf) =	vpush v4, $0x9  }
0xe6: {  	s0 =	spop (v2sf)  }
0xe7: {  	s1 =	sshra.s32 s0, $0x1F  }
0xe8: {  	(v2sf) =	vpush v3, $0x9;
	s5 =	spop (v2sf);
	s1 =	sshrl.u32 s1, $0x19  }
0xe9: {  	s3 =	sshra.s32 s5, $0x1F;
	s1 =	sadd.s32 s1, s0  }
0xea: {  	s3 =	sshrl.u32 s3, $0x19;
	s2 =	sand.u32 $0xFFFFFF80, s1  }
0xeb: {  	p0 =	slt.s32 s0, $0x1;
	s12 =	sadd.s32 s3, s5;
	p1 =	sne.s32 s0, s2  }
0xec: {  	s4 =	simm.s32 $0x1;
	s3 =	sand.u32 $0xFFFFFF80, s12;
	p0 =	por !p0, !p1  }
0xed: {  	p3 =	slt.s32 s5, $0x1;
	p4 =	sne.s32 s5, s3;
	p0 =	por !p0, !p0  }
0xee: {  	s1 =	sshrl.u32 s1, $0x7;
	s4 =	simm.s32 @!p0 $0x0;
	p0 =	por !p3, !p4  }
0xef: {  	s3 =	simm.s32 $0x1;
	s1 =	ssub.s32 s1, s4;
	p0 =	por !p0, !p0  }
0xf0: {  	s2 =	sshrl.u32 s12, $0x7;
	s1 =	sshll.u32 s1, $0x7;
	s3 =	simm.s32 @!p0 $0x0  }
0xf1: {  	s1 =	sand.u32 $0x1FFFFF80, s1;
	s2 =	ssub.s32 s2, s3  }
0xf2: {  	s13 =	simm.s32 $0x8A80;
	s1 =	sadd.s32 s29, s1;
	s14 =	sshll.u32 s2, $0x7  }
0xf3: {  	[tilespmem:s13], [sflag:$0x2] =	stream.strided.gather [hbm4b:s1+s10], $0x800, s20, s10, $0x38;
	[tilespmem:$0x14A80] =	vst v63  }
0xf4: {  	(v2sf) =	vpush v4, $0xA;
	s16 =	spop (v2sf);
	s1 =	sand.u32 $0x1FFFFF80, s14  }
0xf5: {  	s15 =	simm.s32 $0x9280;
	s18 =	sshra.s32 s16, $0x1F;
	s1 =	sadd.s32 s28, s1  }
0xf6: {  	[tilespmem:s15], [sflag:$0x2] =	stream.strided.gather [hbm4b:s1+s10], $0x800, s20, s10, $0x38;
	[tilespmem:$0x14A80] =	vst v63  }
0xf7: {  	(v2sf) =	vpush v3, $0xA;
	s19 =	spop (v2sf);
	s1 =	sshrl.u32 s18, $0x19  }
0xf8: {  	s22 =	sshra.s32 s19, $0x1F;
	s1 =	sadd.s32 s1, s16  }
0xf9: {  	s3 =	sshrl.u32 s22, $0x19;
	s21 =	sand.u32 $0xFFFFFF80, s1  }
0xfa: {  	p5 =	slt.s32 s16, $0x1;
	s23 =	sadd.s32 s3, s19;
	p6 =	sne.s32 s16, s21  }
0xfb: {  	p2 =	slt.s32 s19, $0x1;
	s3 =	sand.u32 $0xFFFFFF80, s23;
	p0 =	por !p5, !p6  }
0xfc: {  	s4 =	simm.s32 $0x1;
	p3 =	sne.s32 s19, s3;
	p0 =	por !p0, !p0  }
0xfd: {  	s1 =	sshrl.u32 s1, $0x7;
	s4 =	simm.s32 @!p0 $0x0;
	p0 =	por !p2, !p3  }
0xfe: {  	s3 =	simm.s32 $0x1;
	s1 =	ssub.s32 s1, s4;
	p0 =	por !p0, !p0  }
0xff: {  	s2 =	sshrl.u32 s23, $0x7;
	s1 =	sshll.u32 s1, $0x7;
	s3 =	simm.s32 @!p0 $0x0  }
0x100: {  	s1 =	sand.u32 $0x1FFFFF80, s1;
	s2 =	ssub.s32 s2, s3  }
0x101: {  	s30 =	simm.s32 $0x9A80;
	s1 =	sadd.s32 s29, s1;
	s2 =	sshll.u32 s2, $0x7  }
0x102: {  	[tilespmem:s30], [sflag:$0x2] =	stream.strided.gather [hbm4b:s1+s10], $0x800, s20, s10, $0x38;
	[tilespmem:$0x14A80] =	vst v63  }
0x103: {  	[dreg:$0x15] =	wrdreg s5;
	(v2sf) =	vpush v4, $0xB;
	s4 =	spop (v2sf);
	s1 =	sand.u32 $0x1FFFFF80, s2  }
0x104: {  	s5 =	sshra.s32 s4, $0x1F;
	s3 =	simm.s32 $0xA280;
	s1 =	sadd.s32 s28, s1  }
0x105: {  	[tilespmem:s3], [sflag:$0x2] =	stream.strided.gather [hbm4b:s1+s10], $0x800, s20, s10, $0x38;
	[tilespmem:$0x14A80] =	vst v63  }
0x106: {  	(v2sf) =	vpush v3, $0xB;
	s6 =	spop (v2sf);
	s1 =	sshrl.u32 s5, $0x19  }
0x107: {  	s12 =	sshra.s32 s6, $0x1F;
	s1 =	sadd.s32 s1, s4  }
0x108: {  	[dreg:$0x1a] =	wrdreg s4;
	s3 =	sshrl.u32 s12, $0x19;
	s11 =	sand.u32 $0xFFFFFF80, s1  }
0x109: {  	p4 =	slt.s32 s4, $0x1;
	s13 =	sadd.s32 s3, s6;
	p5 =	sne.s32 s4, s11  }
0x10a: {  	p6 =	slt.s32 s6, $0x1;
	s3 =	sand.u32 $0xFFFFFF80, s13;
	p0 =	por !p4, !p5  }
0x10b: {  	s4 =	simm.s32 $0x1;
	p2 =	sne.s32 s6, s3;
	p0 =	por !p0, !p0  }
0x10c: {  	s1 =	sshrl.u32 s1, $0x7;
	s4 =	simm.s32 @!p0 $0x0;
	p0 =	por !p6, !p2  }
0x10d: {  	s3 =	simm.s32 $0x1;
	s1 =	ssub.s32 s1, s4;
	p0 =	por !p0, !p0  }
0x10e: {  	s2 =	sshrl.u32 s13, $0x7;
	s1 =	sshll.u32 s1, $0x7;
	s3 =	simm.s32 @!p0 $0x0  }
0x10f: {  	s1 =	sand.u32 $0x1FFFFF80, s1;
	s2 =	ssub.s32 s2, s3  }
0x110: {  	s14 =	simm.s32 $0xAA80;
	s1 =	sadd.s32 s29, s1;
	s15 =	sshll.u32 s2, $0x7  }
0x111: {  	[tilespmem:s14], [sflag:$0x2] =	stream.strided.gather [hbm4b:s1+s10], $0x800, s20, s10, $0x38;
	[tilespmem:$0x14A80] =	vst v63  }
0x112: {  	[dreg:$0x17] =	wrdreg s16;
	(v2sf) =	vpush v4, $0xC;
	s21 =	spop (v2sf);
	s1 =	sand.u32 $0x1FFFFF80, s15  }
0x113: {  	s16 =	simm.s32 $0xB280;
	s18 =	sshra.s32 s21, $0x1F;
	s1 =	sadd.s32 s28, s1  }
0x114: {  	[tilespmem:s16], [sflag:$0x2] =	stream.strided.gather [hbm4b:s1+s10], $0x800, s20, s10, $0x38;
	[tilespmem:$0x14A80] =	vst v63  }
0x115: {  	(v2sf) =	vpush v3, $0xC;
	s11 =	spop (v2sf);
	s1 =	sshrl.u32 s18, $0x19  }
0x116: {  	s22 =	sshra.s32 s11, $0x1F;
	s1 =	sadd.s32 s1, s21  }
0x117: {  	[dreg:$0x19] =	wrdreg s19;
	s3 =	sshrl.u32 s22, $0x19;
	s19 =	sand.u32 $0xFFFFFF80, s1  }
0x118: {  	p3 =	slt.s32 s21, $0x1;
	s23 =	sadd.s32 s3, s11;
	p4 =	sne.s32 s21, s19  }
0x119: {  	p5 =	slt.s32 s11, $0x1;
	s3 =	sand.u32 $0xFFFFFF80, s23;
	p0 =	por !p3, !p4  }
0x11a: {  	s4 =	simm.s32 $0x1;
	p6 =	sne.s32 s11, s3;
	p0 =	por !p0, !p0  }
0x11b: {  	s1 =	sshrl.u32 s1, $0x7;
	s4 =	simm.s32 @!p0 $0x0;
	p0 =	por !p5, !p6  }
0x11c: {  	s3 =	simm.s32 $0x1;
	s1 =	ssub.s32 s1, s4;
	p0 =	por !p0, !p0  }
0x11d: {  	s2 =	sshrl.u32 s23, $0x7;
	s1 =	sshll.u32 s1, $0x7;
	s3 =	simm.s32 @!p0 $0x0  }
0x11e: {  	[dreg:$0x14] =	wrdreg s0;
	s1 =	sand.u32 $0x1FFFFF80, s1;
	s2 =	ssub.s32 s2, s3  }
0x11f: {  	s30 =	simm.s32 $0xBA80;
	s1 =	sadd.s32 s29, s1;
	s0 =	sshll.u32 s2, $0x7  }
0x120: {  	[tilespmem:s30], [sflag:$0x2] =	stream.strided.gather [hbm4b:s1+s10], $0x800, s20, s10, $0x38;
	[tilespmem:$0x14A80] =	vst v63  }
0x121: {  	(v2sf) =	vpush v4, $0xD;
	s5 =	spop (v2sf);
	s1 =	sand.u32 $0x1FFFFF80, s0  }
0x122: {  	s3 =	sshra.s32 s5, $0x1F;
	s2 =	simm.s32 $0xC280;
	s1 =	sadd.s32 s28, s1  }
0x123: {  	[tilespmem:s2], [sflag:$0x2] =	stream.strided.gather [hbm4b:s1+s10], $0x800, s20, s10, $0x38;
	[tilespmem:$0x14A80] =	vst v63  }
0x124: {  	(v2sf) =	vpush v3, $0xD;
	s18 =	spop (v2sf);
	s1 =	sshrl.u32 s3, $0x19  }
0x125: {  	[dreg:$0x1b] =	wrdreg s6;
	s6 =	sshra.s32 s18, $0x1F;
	s1 =	sadd.s32 s1, s5  }
0x126: {  	s3 =	sshrl.u32 s6, $0x19;
	s4 =	sand.u32 $0xFFFFFF80, s1  }
0x127: {  	p1 =	slt.s32 s5, $0x1;
	s12 =	sadd.s32 s3, s18;
	p2 =	sne.s32 s5, s4  }
0x128: {  	p3 =	slt.s32 s18, $0x1;
	s3 =	sand.u32 $0xFFFFFF80, s12;
	p0 =	por !p1, !p2  }
0x129: {  	s6 =	simm.s32 $0x1;
	p4 =	sne.s32 s18, s3;
	p0 =	por !p0, !p0  }
0x12a: {  	s1 =	sshrl.u32 s1, $0x7;
	s6 =	simm.s32 @!p0 $0x0;
	p0 =	por !p3, !p4  }
0x12b: {  	s3 =	simm.s32 $0x1;
	s1 =	ssub.s32 s1, s6;
	p0 =	por !p0, !p0  }
0x12c: {  	s2 =	sshrl.u32 s12, $0x7;
	s1 =	sshll.u32 s1, $0x7;
	s3 =	simm.s32 @!p0 $0x0  }
0x12d: {  	s1 =	sand.u32 $0x1FFFFF80, s1;
	s2 =	ssub.s32 s2, s3  }
0x12e: {  	s13 =	simm.s32 $0xCA80;
	s1 =	sadd.s32 s29, s1;
	s14 =	sshll.u32 s2, $0x7  }
0x12f: {  	[tilespmem:s13], [sflag:$0x2] =	stream.strided.gather [hbm4b:s1+s10], $0x800, s20, s10, $0x38;
	[tilespmem:$0x14A80] =	vst v63  }
0x130: {  	(v2sf) =	vpush v4, $0xE;
	s22 =	spop (v2sf);
	s1 =	sand.u32 $0x1FFFFF80, s14  }
0x131: {  	s15 =	simm.s32 $0xD280;
	s16 =	sshra.s32 s22, $0x1F;
	s1 =	sadd.s32 s28, s1  }
0x132: {  	[tilespmem:s15], [sflag:$0x2] =	stream.strided.gather [hbm4b:s1+s10], $0x800, s20, s10, $0x38;
	[tilespmem:$0x14A80] =	vst v63  }
0x133: {  	(v2sf) =	vpush v3, $0xE;
	s23 =	spop (v2sf);
	s1 =	sshrl.u32 s16, $0x19  }
0x134: {  	s30 =	sshra.s32 s23, $0x1F;
	s1 =	sadd.s32 s1, s22  }
0x135: {  	s3 =	sshrl.u32 s30, $0x19;
	s19 =	sand.u32 $0xFFFFFF80, s1  }
0x136: {  	p5 =	slt.s32 s22, $0x1;
	s0 =	sadd.s32 s3, s23;
	p6 =	sne.s32 s22, s19  }
0x137: {  	p2 =	slt.s32 s23, $0x1;
	s3 =	sand.u32 $0xFFFFFF80, s0;
	p0 =	por !p5, !p6  }
0x138: {  	s6 =	simm.s32 $0x1;
	p3 =	sne.s32 s23, s3;
	p0 =	por !p0, !p0  }
0x139: {  	s1 =	sshrl.u32 s1, $0x7;
	s6 =	simm.s32 @!p0 $0x0;
	p0 =	por !p2, !p3  }
0x13a: {  	s3 =	simm.s32 $0x1;
	s1 =	ssub.s32 s1, s6;
	p0 =	por !p0, !p0  }
0x13b: {  	s2 =	sshrl.u32 s0, $0x7;
	s1 =	sshll.u32 s1, $0x7;
	s3 =	simm.s32 @!p0 $0x0  }
0x13c: {  	s1 =	sand.u32 $0x1FFFFF80, s1;
	s2 =	ssub.s32 s2, s3  }
0x13d: {  	s3 =	simm.s32 $0xDA80;
	s1 =	sadd.s32 s29, s1;
	s4 =	sshll.u32 s2, $0x7  }
0x13e: {  	[tilespmem:s3], [sflag:$0x2] =	stream.strided.gather [hbm4b:s1+s10], $0x800, s20, s10, $0x38;
	[tilespmem:$0x14A80] =	vst v63  }
0x13f: {  	(v2sf) =	vpush v4, $0xF;
	s14 =	spop (v2sf);
	s1 =	sand.u32 $0x1FFFFF80, s4  }
0x140: {  	s12 =	sshra.s32 s14, $0x1F;
	s6 =	simm.s32 $0xE280;
	s1 =	sadd.s32 s28, s1  }
0x141: {  	[tilespmem:s6], [sflag:$0x2] =	stream.strided.gather [hbm4b:s1+s10], $0x800, s20, s10, $0x38;
	[tilespmem:$0x14A80] =	vst v63  }
0x142: {  	(v2sf) =	vpush v3, $0xF;
	s15 =	spop (v2sf);
	s1 =	sshrl.u32 s12, $0x19  }
0x143: {  	s16 =	sshra.s32 s15, $0x1F;
	s1 =	sadd.s32 s1, s14  }
0x144: {  	s3 =	sshrl.u32 s16, $0x19;
	s13 =	sand.u32 $0xFFFFFF80, s1  }
0x145: {  	p4 =	slt.s32 s14, $0x1;
	s19 =	sadd.s32 s3, s15;
	p5 =	sne.s32 s14, s13  }
0x146: {  	p6 =	slt.s32 s15, $0x1;
	s3 =	sand.u32 $0xFFFFFF80, s19;
	p0 =	por !p4, !p5  }
0x147: {  	s6 =	simm.s32 $0x1;
	p2 =	sne.s32 s15, s3;
	p0 =	por !p0, !p0  }
0x148: {  	s1 =	sshrl.u32 s1, $0x7;
	s6 =	simm.s32 @!p0 $0x0;
	p0 =	por !p6, !p2  }
0x149: {  	s3 =	simm.s32 $0x1;
	s1 =	ssub.s32 s1, s6;
	p0 =	por !p0, !p0  }
0x14a: {  	s2 =	sshrl.u32 s19, $0x7;
	s1 =	sshll.u32 s1, $0x7;
	s3 =	simm.s32 @!p0 $0x0  }
0x14b: {  	s1 =	sand.u32 $0x1FFFFF80, s1;
	s2 =	ssub.s32 s2, s3  }
0x14c: {  	s30 =	simm.s32 $0xEA80;
	s1 =	sadd.s32 s29, s1;
	s2 =	sshll.u32 s2, $0x7  }
0x14d: {  	[tilespmem:s30], [sflag:$0x2] =	stream.strided.gather [hbm4b:s1+s10], $0x800, s20, s10, $0x38;
	[tilespmem:$0x14A80] =	vst v63  }
0x14e: {  	s1 =	sand.u32 $0x1FFFFF80, s2;
	s30 =	spop (v2sf)  }
0x14f: {  	s3 =	simm.s32 $0xF280;
	s1 =	sadd.s32 s28, s1;
	s4 =	sshra.s32 s30, $0x1F  }
0x150: {  	[tilespmem:s3], [sflag:$0x2] =	stream.strided.gather [hbm4b:s1+s10], $0x800, s20, s10, $0x38;
	[tilespmem:$0x14A80] =	vst v63  }
0x151: {  	s19 =	spop (v2sf);
	s1 =	sshrl.u32 s4, $0x19  }
0x152: {  	s12 =	sshra.s32 s19, $0x1F;
	s1 =	sadd.s32 s1, s30  }
0x153: {  	s3 =	sshrl.u32 s12, $0x19;
	s6 =	sand.u32 $0xFFFFFF80, s1  }
0x154: {  	p3 =	slt.s32 s30, $0x1;
	s13 =	sadd.s32 s3, s19;
	p4 =	sne.s32 s30, s6  }
0x155: {  	p5 =	slt.s32 s19, $0x1;
	s3 =	sand.u32 $0xFFFFFF80, s13;
	p0 =	por !p3, !p4  }
0x156: {  	s6 =	simm.s32 $0x1;
	p6 =	sne.s32 s19, s3;
	p0 =	por !p0, !p0  }
0x157: {  	s1 =	sshrl.u32 s1, $0x7;
	s6 =	simm.s32 @!p0 $0x0;
	p0 =	por !p5, !p6  }
0x158: {  	s3 =	simm.s32 $0x1;
	s1 =	ssub.s32 s1, s6;
	p0 =	por !p0, !p0  }
0x159: {  	s2 =	sshrl.u32 s13, $0x7;
	s1 =	sshll.u32 s1, $0x7;
	s3 =	simm.s32 @!p0 $0x0  }
0x15a: {  	s1 =	sand.u32 $0x1FFFFF80, s1;
	s2 =	ssub.s32 s2, s3  }
0x15b: {  	s16 =	simm.s32 $0xFA80;
	s1 =	sadd.s32 s29, s1;
	s2 =	sshll.u32 s2, $0x7  }
0x15c: {  	[tilespmem:s16], [sflag:$0x2] =	stream.strided.gather [hbm4b:s1+s10], $0x800, s20, s10, $0x38;
	[tilespmem:$0x14A80] =	vst v63  }
0x15d: {  	s1 =	sand.u32 $0x1FFFFF80, s2  }
0x15e: {  	s3 =	simm.s32 $0x10280;
	s1 =	sadd.s32 s28, s1  }
0x15f: {  	[tilespmem:s3], [sflag:$0x2] =	stream.strided.gather [hbm4b:s1+s10], $0x800, s20, s10, $0x38;
	[tilespmem:$0x14A80] =	vst v63  }
0x160: {  	_ =	swait.ge [sflag:s31], $0x800  }
0x161: {  	[sflag:s31] =	ssyncset.done $0x0  }
0x162: {  	[sflag:s31] =	ssyncadd.s32 $0xFFFFF800  }
0x163: {  	_ =	swait.ge [sflag:s31], $0x800  }
0x164: {  	[sflag:s31] =	ssyncset.done $0x0  }
0x165: {  	[sflag:s31] =	ssyncadd.s32 $0xFFFFF800  }
0x166: {  	_ =	swait.ge [sflag:s31], $0x800  }
0x167: {  	[sflag:s31] =	ssyncset.done $0x0  }
0x168: {  	[sflag:s31] =	ssyncadd.s32 $0xFFFFF800  }
0x169: {  	_ =	swait.ge [sflag:s31], $0x800  }
0x16a: {  	[sflag:s31] =	ssyncset.done $0x0  }
0x16b: {  	[sflag:s31] =	ssyncadd.s32 $0xFFFFF800  }
0x16c: {  	_ =	swait.ge [sflag:s31], $0x800  }
0x16d: {  	[sflag:s31] =	ssyncset.done $0x0  }
0x16e: {  	[sflag:s31] =	ssyncadd.s32 $0xFFFFF800  }
0x16f: {  	_ =	swait.ge [sflag:s31], $0x800  }
0x170: {  	[sflag:s31] =	ssyncset.done $0x0  }
0x171: {  	[sflag:s31] =	ssyncadd.s32 $0xFFFFF800  }
0x172: {  	_ =	swait.ge [sflag:s31], $0x800  }
0x173: {  	[sflag:s31] =	ssyncset.done $0x0  }
0x174: {  	[sflag:s31] =	ssyncadd.s32 $0xFFFFF800  }
0x175: {  	_ =	swait.ge [sflag:s31], $0x800  }
0x176: {  	[sflag:s31] =	ssyncset.done $0x0  }
0x177: {  	[sflag:s31] =	ssyncadd.s32 $0xFFFFF800  }
0x178: {  	_ =	swait.ge [sflag:s31], $0x800  }
0x179: {  	[sflag:s31] =	ssyncset.done $0x0  }
0x17a: {  	[sflag:s31] =	ssyncadd.s32 $0xFFFFF800  }
0x17b: {  	_ =	swait.ge [sflag:s31], $0x800  }
0x17c: {  	[sflag:s31] =	ssyncset.done $0x0  }
0x17d: {  	[sflag:s31] =	ssyncadd.s32 $0xFFFFF800  }
0x17e: {  	_ =	swait.ge [sflag:s31], $0x800  }
0x17f: {  	[sflag:s31] =	ssyncset.done $0x0  }
0x180: {  	[sflag:s31] =	ssyncadd.s32 $0xFFFFF800  }
0x181: {  	_ =	swait.ge [sflag:s31], $0x800  }
0x182: {  	[sflag:s31] =	ssyncset.done $0x0  }
0x183: {  	[sflag:s31] =	ssyncadd.s32 $0xFFFFF800  }
0x184: {  	_ =	swait.ge [sflag:s31], $0x800  }
0x185: {  	[sflag:s31] =	ssyncset.done $0x0  }
0x186: {  	[sflag:s31] =	ssyncadd.s32 $0xFFFFF800  }
0x187: {  	_ =	swait.ge [sflag:s31], $0x800  }
0x188: {  	[sflag:s31] =	ssyncset.done $0x0  }
0x189: {  	[sflag:s31] =	ssyncadd.s32 $0xFFFFF800  }
0x18a: {  	_ =	swait.ge [sflag:s31], $0x800  }
0x18b: {  	[sflag:s31] =	ssyncset.done $0x0  }
0x18c: {  	[sflag:s31] =	ssyncadd.s32 $0xFFFFF800  }
0x18d: {  	_ =	swait.ge [sflag:s31], $0x800  }
0x18e: {  	(v2sf) =	vpush v4, $0x0  }
0x18f: {  	(v2sf) =	vpush v3, $0x0;
	_ =	sdelay $0x5  }
0x190: {  	(v2sf) =	vpush v4, $0x1  }
0x191: {  	(v2sf) =	vpush v3, $0x1;
	_ =	sdelay $0x5  }
0x192: {  	(v2sf) =	vpush v4, $0x2  }
0x193: {  	s4 =	spop (v2sf);
	(v2sf) =	vpush v3, $0x2  }
0x194: {  	s1 =	sand.u32 $0x7F, s4;
	s6 =	spop (v2sf)  }
0x195: {  	s2 =	sand.u32 $0x7F, s6;
	v5 =	vor.u32 s1, v0  }
0x196: {  	v6 =	vor.u32 s2, v0;
	_ =	sdelay $0x1  }
0x197: {  	[sflag:s31] =	ssyncset.done $0x0  }
0x198: {  	s16 =	simm.s32 $0xA80;
	[sflag:s31] =	ssyncadd.s32 $0xFFFFF800;
	(v2sf) =	vpush v4, $0x3  }
0x199: {  	s13 =	simm.s32 $0x1280;
	s12 =	spop (v2sf);
	(v2sf) =	vpush v3, $0x3;
	v5 =	vld.idx.msk [tilespmem:v5+s16+$0x0], $0xffff  }
0x19a: {  	s1 =	sand.u32 $0x7F, s12;
	s0 =	spop (v2sf);
	v6 =	vld.idx.msk [tilespmem:v6+s13+$0x0], $0xffff  }
0x19b: {  	s2 =	sand.u32 $0x7F, s0;
	v7 =	vor.u32 s1, v0  }
0x19c: {  	v8 =	vor.u32 s2, v0;
	_ =	sdelay $0x1  }
0x19d: {  	[tilespmem:s9+$0xFFFFFF80] =	vst v5  }
0x19e: {  	(v2sf) =	vpush v4, $0x4;
	s12 =	simm.s32 $0x1A80;
	[tilespmem:s8+$0xFFFFFF80] =	vst v6  }
0x19f: {  	s3 =	spop (v2sf);
	(v2sf) =	vpush v3, $0x4;
	s0 =	simm.s32 $0x2280;
	v5 =	vld.idx.msk [tilespmem:v7+s12+$0x0], $0xffff  }
0x1a0: {  	s1 =	sand.u32 $0x7F, s3;
	v6 =	vld.idx.msk [tilespmem:v8+s0+$0x0], $0xffff;
	s4 =	spop (v2sf)  }
0x1a1: {  	v7 =	vor.u32 s1, v0;
	s2 =	sand.u32 $0x7F, s4  }
0x1a2: {  	v54 =	vor.u32 s2, v0;
	_ =	sdelay $0x1  }
0x1a3: {  	[tilespmem:s9+$0xFFFFFF90] =	vst v5  }
0x1a4: {  	(v2sf) =	vpush v4, $0x5;
	s4 =	simm.s32 $0x2A80;
	[tilespmem:s8+$0xFFFFFF90] =	vst v6  }
0x1a5: {  	s3 =	simm.s32 $0x3280;
	s6 =	spop (v2sf);
	(v2sf) =	vpush v3, $0x5;
	v5 =	vld.idx.msk [tilespmem:v7+s4+$0x0], $0xffff  }
0x1a6: {  	s1 =	sand.u32 $0x7F, s6;
	s6 =	spop (v2sf);
	v6 =	vld.idx.msk [tilespmem:v54+s3+$0x0], $0xffff  }
0x1a7: {  	s2 =	sand.u32 $0x7F, s6;
	v7 =	vor.u32 s1, v0  }
0x1a8: {  	v55 =	vor.u32 s2, v0;
	_ =	sdelay $0x1  }
0x1a9: {  	[tilespmem:s9+$0xFFFFFFA0] =	vst v5  }
0x1aa: {  	(v2sf) =	vpush v4, $0x6;
	s3 =	simm.s32 $0x3A80;
	[tilespmem:s8+$0xFFFFFFA0] =	vst v6  }
0x1ab: {  	s6 =	spop (v2sf);
	(v2sf) =	vpush v3, $0x6;
	v5 =	vld.idx.msk [tilespmem:v7+s3+$0x0], $0xffff;
	s3 =	simm.s32 $0x4280  }
0x1ac: {  	s1 =	sand.u32 $0x7F, s6;
	s6 =	spop (v2sf);
	v6 =	vld.idx.msk [tilespmem:v55+s3+$0x0], $0xffff  }
0x1ad: {  	s2 =	sand.u32 $0x7F, s6;
	v7 =	vor.u32 s1, v0  }
0x1ae: {  	v56 =	vor.u32 s2, v0;
	_ =	sdelay $0x1  }
0x1af: {  	[tilespmem:s9+$0xFFFFFFB0] =	vst v5  }
0x1b0: {  	(v2sf) =	vpush v4, $0x7;
	s3 =	simm.s32 $0x4A80;
	[tilespmem:s8+$0xFFFFFFB0] =	vst v6  }
0x1b1: {  	s6 =	simm.s32 $0x5280;
	s1 =	spop (v2sf);
	(v2sf) =	vpush v3, $0x7;
	v4 =	vld.idx.msk [tilespmem:v7+s3+$0x0], $0xffff  }
0x1b2: {  	s2 =	spop (v2sf);
	s1 =	sand.u32 $0x7F, s1;
	v3 =	vld.idx.msk [tilespmem:v56+s6+$0x0], $0xffff  }
0x1b3: {  	s2 =	sand.u32 $0x7F, s2;
	v5 =	vor.u32 s1, v0  }
0x1b4: {  	v6 =	vor.u32 s2, v0;
	_ =	sdelay $0x1  }
0x1b5: {  	[tilespmem:s9+$0xFFFFFFC0] =	vst v4  }
0x1b6: {  	s3 =	simm.s32 $0x5A80;
	[tilespmem:s8+$0xFFFFFFC0] =	vst v3  }
0x1b7: {  	s1 =	spop (v2sf);
	s6 =	simm.s32 $0x6280;
	v3 =	vld.idx.msk [tilespmem:v5+s3+$0x0], $0xffff  }
0x1b8: {  	s2 =	spop (v2sf);
	s1 =	sand.u32 $0x7F, s1;
	v4 =	vld.idx.msk [tilespmem:v6+s6+$0x0], $0xffff  }
0x1b9: {  	s2 =	sand.u32 $0x7F, s2;
	v5 =	vor.u32 s1, v0  }
0x1ba: {  	v6 =	vor.u32 s2, v0;
	_ =	sdelay $0x1  }
0x1bb: {  	[tilespmem:s9+$0xFFFFFFD0] =	vst v3  }
0x1bc: {  	s3 =	simm.s32 $0x6A80;
	[tilespmem:s8+$0xFFFFFFD0] =	vst v4  }
0x1bd: {  	s6 =	spop (v2sf);
	v3 =	vld.idx.msk [tilespmem:v5+s3+$0x0], $0xffff;
	s3 =	simm.s32 $0x7280  }
0x1be: {  	s1 =	sand.u32 $0x7F, s6;
	s6 =	spop (v2sf);
	v4 =	vld.idx.msk [tilespmem:v6+s3+$0x0], $0xffff  }
0x1bf: {  	s2 =	sand.u32 $0x7F, s6;
	v5 =	vor.u32 s1, v0  }
0x1c0: {  	v6 =	vor.u32 s2, v0;
	_ =	sdelay $0x1  }
0x1c1: {  	[tilespmem:s9+$0xFFFFFFE0] =	vst v3  }
0x1c2: {  	[tilespmem:s8+$0xFFFFFFE0] =	vst v4  }
0x1c3: {  	v3 =	vld.idx.msk [tilespmem:v5+s17+$0x0], $0xffff;
	s17 =	simm.s32 $0x8280  }
0x1c4: {  	v4 =	vld.idx.msk [tilespmem:v6+s17+$0x0], $0xffff;
	_ =	sdelay $0x3  }
0x1c5: {  	[tilespmem:s9+$0xFFFFFFF0] =	vst v3  }
0x1c6: {  	s2 =	sshra.s32 s7, $0x2;
	[tilespmem:s8+$0xFFFFFFF0] =	vst v4  }
0x1c7: {  	v3 =	vld [tilespmem:s2+$0x200]  }
0x1c8: {  	v4 =	vld [tilespmem:s2+$0x0];
	_ =	sdelay $0x3  }
0x1c9: {  	(v2sf) =	vpush v3, $0x0  }
0x1ca: {  	(v2sf) =	vpush v4, $0x0;
	_ =	sdelay $0xd  }
0x1cb: {  	s1 =	spop (v2sf)  }
0x1cc: {  	(v2sf) =	vpush v3, $0x1;
	s2 =	spop (v2sf);
	s17 =	sshra.s32 s1, $0x1F  }
0x1cd: {  	(v2sf) =	vpush v4, $0x1;
	p3 =	slt.s32 s1, $0x1;
	s3 =	sand.u32 $0x7F, s2;
	p1 =	slt.s32 s2, $0x1  }
0x1ce: {  	s6 =	sshra.s32 s2, $0x1F;
	[dreg:$0x16] =	wrdreg s3;
	p2 =	sne.s32 s3, $0x0  }
0x1cf: {  	s3 =	sshrl.u32 s17, $0x19;
	s17 =	sand.u32 $0x7F, s1;
	s6 =	sshrl.u32 s6, $0x19  }
0x1d0: {  	p0 =	por !p1, !p2;
	s2 =	sadd.s32 s6, s2;
	s6 =	simm.s32 $0x1  }
0x1d1: {  	p4 =	sne.s32 s17, $0x0;
	s1 =	sadd.s32 s3, s1;
	p0 =	por !p0, !p0  }
0x1d2: {  	s2 =	sshrl.u32 s2, $0x7;
	s6 =	simm.s32 @!p0 $0x0;
	p0 =	por !p3, !p4  }
0x1d3: {  	s3 =	simm.s32 $0x1;
	s2 =	ssub.s32 s2, s6;
	p0 =	por !p0, !p0  }
0x1d4: {  	s1 =	sshrl.u32 s1, $0x7;
	s2 =	sshll.u32 s2, $0x7;
	s3 =	simm.s32 @!p0 $0x0  }
0x1d5: {  	s2 =	sand.u32 $0x1FFFFF80, s2;
	s1 =	ssub.s32 s1, s3  }
0x1d6: {  	s2 =	sadd.s32 s29, s2;
	s1 =	sshll.u32 s1, $0x7  }
0x1d7: {  	[tilespmem:s16], [sflag:$0x1] =	stream.strided.gather [hbm4b:s2+s10], $0x800, s20, s10, $0x38;
	[tilespmem:$0x14A80] =	vst v63  }
0x1d8: {  	s1 =	sand.u32 $0x1FFFFF80, s1  }
0x1d9: {  	s1 =	sadd.s32 s28, s1  }
0x1da: {  	[tilespmem:s13], [sflag:$0x1] =	stream.strided.gather [hbm4b:s1+s10], $0x800, s20, s10, $0x38;
	[tilespmem:$0x14A80] =	vst v63  }
0x1db: {  	s1 =	spop (v2sf)  }
0x1dc: {  	[dreg:$0x18] =	wrdreg s17;
	(v2sf) =	vpush v3, $0x2;
	s2 =	spop (v2sf)  }
0x1dd: {  	s16 =	sshra.s32 s1, $0x1F;
	(v2sf) =	vpush v4, $0x2;
	p2 =	slt.s32 s1, $0x1;
	s13 =	sand.u32 $0x7F, s2  }
0x1de: {  	p5 =	slt.s32 s2, $0x1;
	s3 =	sshrl.u32 s16, $0x19;
	s17 =	sshra.s32 s2, $0x1F  }
0x1df: {  	s16 =	sand.u32 $0x7F, s1;
	p6 =	sne.s32 s13, $0x0;
	s6 =	sshrl.u32 s17, $0x19  }
0x1e0: {  	p3 =	sne.s32 s16, $0x0;
	s1 =	sadd.s32 s3, s1;
	p0 =	por !p5, !p6  }
0x1e1: {  	s2 =	sadd.s32 s6, s2;
	s6 =	simm.s32 $0x1;
	p0 =	por !p0, !p0  }
0x1e2: {  	s2 =	sshrl.u32 s2, $0x7;
	s6 =	simm.s32 @!p0 $0x0;
	p0 =	por !p2, !p3  }
0x1e3: {  	s3 =	simm.s32 $0x1;
	s2 =	ssub.s32 s2, s6;
	p0 =	por !p0, !p0  }
0x1e4: {  	s1 =	sshrl.u32 s1, $0x7;
	s2 =	sshll.u32 s2, $0x7;
	s3 =	simm.s32 @!p0 $0x0  }
0x1e5: {  	s2 =	sand.u32 $0x1FFFFF80, s2;
	s1 =	ssub.s32 s1, s3  }
0x1e6: {  	s2 =	sadd.s32 s29, s2;
	s1 =	sshll.u32 s1, $0x7  }
0x1e7: {  	[tilespmem:s12], [sflag:$0x1] =	stream.strided.gather [hbm4b:s2+s10], $0x800, s20, s10, $0x38;
	[tilespmem:$0x14A80] =	vst v63  }
0x1e8: {  	s1 =	sand.u32 $0x1FFFFF80, s1  }
0x1e9: {  	s1 =	sadd.s32 s28, s1  }
0x1ea: {  	[tilespmem:s0], [sflag:$0x1] =	stream.strided.gather [hbm4b:s1+s10], $0x800, s20, s10, $0x38;
	[tilespmem:$0x14A80] =	vst v63  }
0x1eb: {  	s1 =	spop (v2sf)  }
0x1ec: {  	(v2sf) =	vpush v3, $0x3;
	s2 =	spop (v2sf)  }
0x1ed: {  	s17 =	sshra.s32 s1, $0x1F;
	(v2sf) =	vpush v4, $0x3;
	p6 =	slt.s32 s1, $0x1;
	s12 =	sand.u32 $0x7F, s2  }
0x1ee: {  	p4 =	slt.s32 s2, $0x1;
	s3 =	sshrl.u32 s17, $0x19;
	s0 =	sshra.s32 s2, $0x1F  }
0x1ef: {  	s17 =	sand.u32 $0x7F, s1;
	p5 =	sne.s32 s12, $0x0;
	s6 =	sshrl.u32 s0, $0x19  }
0x1f0: {  	p2 =	sne.s32 s17, $0x0;
	s1 =	sadd.s32 s3, s1;
	p0 =	por !p4, !p5  }
0x1f1: {  	s2 =	sadd.s32 s6, s2;
	s6 =	simm.s32 $0x1;
	p0 =	por !p0, !p0  }
0x1f2: {  	s2 =	sshrl.u32 s2, $0x7;
	s6 =	simm.s32 @!p0 $0x0;
	p0 =	por !p6, !p2  }
0x1f3: {  	s3 =	simm.s32 $0x1;
	s2 =	ssub.s32 s2, s6;
	p0 =	por !p0, !p0  }
0x1f4: {  	s1 =	sshrl.u32 s1, $0x7;
	s2 =	sshll.u32 s2, $0x7;
	s3 =	simm.s32 @!p0 $0x0  }
0x1f5: {  	s2 =	sand.u32 $0x1FFFFF80, s2;
	s1 =	ssub.s32 s1, s3  }
0x1f6: {  	s2 =	sadd.s32 s29, s2;
	s1 =	sshll.u32 s1, $0x7  }
0x1f7: {  	[tilespmem:s4], [sflag:$0x1] =	stream.strided.gather [hbm4b:s2+s10], $0x800, s20, s10, $0x38;
	[tilespmem:$0x14A80] =	vst v63  }
0x1f8: {  	s1 =	sand.u32 $0x1FFFFF80, s1  }
0x1f9: {  	s6 =	simm.s32 $0x3280;
	s1 =	sadd.s32 s28, s1  }
0x1fa: {  	[tilespmem:s6], [sflag:$0x1] =	stream.strided.gather [hbm4b:s1+s10], $0x800, s20, s10, $0x38;
	[tilespmem:$0x14A80] =	vst v63  }
0x1fb: {  	[dreg:$0x1c] =	wrdreg s17;
	s1 =	spop (v2sf)  }
0x1fc: {  	(v2sf) =	vpush v3, $0x4;
	s17 =	spop (v2sf);
	s6 =	sshra.s32 s1, $0x1F;
	p5 =	slt.s32 s1, $0x1  }
0x1fd: {  	(v2sf) =	vpush v4, $0x4;
	s0 =	sshra.s32 s17, $0x1F;
	s4 =	sand.u32 $0x7F, s17;
	p3 =	slt.s32 s17, $0x1  }
0x1fe: {  	s2 =	sshrl.u32 s6, $0x19;
	s6 =	simm.s32 $0x1;
	p4 =	sne.s32 s4, $0x0  }
0x1ff: {  	s3 =	sshrl.u32 s0, $0x19;
	[dreg:$0x1d] =	wrdreg s4;
	p0 =	por !p3, !p4  }
0x200: {  	s3 =	sadd.s32 s3, s17;
	s17 =	sand.u32 $0x7F, s1;
	p0 =	por !p0, !p0  }
0x201: {  	p6 =	sne.s32 s17, $0x0;
	s3 =	sshrl.u32 s3, $0x7;
	s6 =	simm.s32 @!p0 $0x0  }
0x202: {  	s1 =	sadd.s32 s2, s1;
	p0 =	por !p5, !p6;
	s3 =	ssub.s32 s3, s6  }
0x203: {  	p0 =	por !p0, !p0;
	s2 =	sshll.u32 s3, $0x7;
	s3 =	simm.s32 $0x1  }
0x204: {  	s1 =	sshrl.u32 s1, $0x7;
	s3 =	simm.s32 @!p0 $0x0;
	s2 =	sand.u32 $0x1FFFFF80, s2  }
0x205: {  	s4 =	simm.s32 $0x3A80;
	s1 =	ssub.s32 s1, s3;
	s2 =	sadd.s32 s29, s2  }
0x206: {  	[tilespmem:s4], [sflag:$0x1] =	stream.strided.gather [hbm4b:s2+s10], $0x800, s20, s10, $0x38;
	[tilespmem:$0x14A80] =	vst v63  }
0x207: {  	s1 =	sshll.u32 s1, $0x7  }
0x208: {  	s1 =	sand.u32 $0x1FFFFF80, s1  }
0x209: {  	s6 =	simm.s32 $0x4280;
	s1 =	sadd.s32 s28, s1  }
0x20a: {  	[tilespmem:s6], [sflag:$0x1] =	stream.strided.gather [hbm4b:s1+s10], $0x800, s20, s10, $0x38;
	[tilespmem:$0x14A80] =	vst v63  }
0x20b: {  	s1 =	spop (v2sf)  }
0x20c: {  	[dreg:$0x1e] =	wrdreg s17;
	(v2sf) =	vpush v3, $0x5;
	s17 =	spop (v2sf);
	s6 =	sshra.s32 s1, $0x1F  }
0x20d: {  	(v2sf) =	vpush v4, $0x5;
	p3 =	slt.s32 s1, $0x1;
	s0 =	sshra.s32 s17, $0x1F;
	s4 =	sand.u32 $0x7F, s17  }
0x20e: {  	p1 =	slt.s32 s17, $0x1;
	s2 =	sshrl.u32 s6, $0x19;
	s6 =	simm.s32 $0x1  }
0x20f: {  	s3 =	sshrl.u32 s0, $0x19;
	[dreg:$0x1f] =	wrdreg s4;
	p2 =	sne.s32 s4, $0x0  }
0x210: {  	s3 =	sadd.s32 s3, s17;
	p0 =	por !p1, !p2;
	s17 =	sand.u32 $0x7F, s1  }
0x211: {  	s1 =	sadd.s32 s2, s1;
	p0 =	por !p0, !p0;
	p4 =	sne.s32 s17, $0x0  }
0x212: {  	s3 =	sshrl.u32 s3, $0x7;
	s6 =	simm.s32 @!p0 $0x0;
	p0 =	por !p3, !p4  }
0x213: {  	s4 =	ssub.s32 s3, s6;
	p0 =	por !p0, !p0;
	s3 =	simm.s32 $0x1  }
0x214: {  	s1 =	sshrl.u32 s1, $0x7;
	s2 =	sshll.u32 s4, $0x7;
	s3 =	simm.s32 @!p0 $0x0  }
0x215: {  	s2 =	sand.u32 $0x1FFFFF80, s2;
	s1 =	ssub.s32 s1, s3  }
0x216: {  	s6 =	simm.s32 $0x4A80;
	s2 =	sadd.s32 s29, s2;
	s1 =	sshll.u32 s1, $0x7  }
0x217: {  	[tilespmem:s6], [sflag:$0x1] =	stream.strided.gather [hbm4b:s2+s10], $0x800, s20, s10, $0x38;
	[tilespmem:$0x14A80] =	vst v63  }
0x218: {  	s1 =	sand.u32 $0x1FFFFF80, s1  }
0x219: {  	[smem:$0x7F9] =	sst s17;
	s17 =	simm.s32 $0x5280;
	s1 =	sadd.s32 s28, s1  }
0x21a: {  	[tilespmem:s17], [sflag:$0x1] =	stream.strided.gather [hbm4b:s1+s10], $0x800, s20, s10, $0x38;
	[tilespmem:$0x14A80] =	vst v63  }
0x21b: {  	s1 =	spop (v2sf)  }
0x21c: {  	s0 =	spop (v2sf)  }
0x21d: {  	(v2sf) =	vpush v3, $0x6;
	p2 =	slt.s32 s1, $0x1;
	s6 =	sshra.s32 s0, $0x1F;
	s17 =	sand.u32 $0x7F, s0  }
0x21e: {  	(v2sf) =	vpush v4, $0x6;
	p5 =	slt.s32 s0, $0x1;
	s3 =	sshrl.u32 s6, $0x19;
	[smem:$0x7FA] =	sst s17  }
0x21f: {  	p6 =	sne.s32 s17, $0x0;
	s6 =	sand.u32 $0x7F, s1;
	s20 =	sadd.s32 s3, s0  }
0x220: {  	s3 =	sshra.s32 s1, $0x1F;
	p0 =	por !p5, !p6;
	s0 =	smov.u32 s28  }
0x221: {  	s28 =	smov.u32 s29;
	s29 =	simm.s32 $0x1;
	p3 =	sne.s32 s6, $0x0  }
0x222: {  	s2 =	sshrl.u32 s3, $0x19;
	p0 =	por !p0, !p0;
	s20 =	sshrl.u32 s20, $0x7  }
0x223: {  	s29 =	simm.s32 @!p0 $0x0;
	s1 =	sadd.s32 s2, s1;
	p0 =	por !p2, !p3  }
0x224: {  	s17 =	ssub.s32 s20, s29;
	p0 =	por !p0, !p0;
	s20 =	simm.s32 $0x1  }
0x225: {  	s1 =	sshrl.u32 s1, $0x7;
	s2 =	sshll.u32 s17, $0x7;
	s20 =	simm.s32 @!p0 $0x0  }
0x226: {  	s4 =	simm.s32 $0x7A1400;
	s2 =	sand.u32 $0x1FFFFF80, s2;
	s1 =	ssub.s32 s1, s20  }
0x227: {  	s20 =	simm.s32 $0x5A80;
	s2 =	sadd.s32 s28, s2;
	s1 =	sshll.u32 s1, $0x7  }
0x228: {  	[tilespmem:s20], [sflag:$0x1] =	stream.strided.gather [hbm4b:s2+s10], $0x800, s4, s10, $0x38;
	[tilespmem:$0x14A80] =	vst v63  }
0x229: {  	s1 =	sand.u32 $0x1FFFFF80, s1  }
0x22a: {  	s3 =	simm.s32 $0x6280;
	s1 =	sadd.s32 s0, s1  }
0x22b: {  	[tilespmem:s3], [sflag:$0x1] =	stream.strided.gather [hbm4b:s1+s10], $0x800, s4, s10, $0x38;
	[tilespmem:$0x14A80] =	vst v63  }
0x22c: {  	s1 =	spop (v2sf)  }
0x22d: {  	[smem:$0x7FB] =	sst s6;
	s6 =	spop (v2sf)  }
0x22e: {  	(v2sf) =	vpush v3, $0x7;
	s17 =	sshra.s32 s6, $0x1F  }
0x22f: {  	(v2sf) =	vpush v4, $0x7;
	p6 =	slt.s32 s1, $0x1;
	p4 =	slt.s32 s6, $0x1;
	s20 =	sshrl.u32 s17, $0x19  }
0x230: {  	s17 =	sshra.s32 s1, $0x1F;
	s3 =	sadd.s32 s20, s6;
	s20 =	sand.u32 $0x7F, s6  }
0x231: {  	s2 =	sshrl.u32 s17, $0x19;
	s6 =	simm.s32 $0x1;
	p5 =	sne.s32 s20, $0x0  }
0x232: {  	[smem:$0x7FC] =	sst s20;
	s20 =	sand.u32 $0x7F, s1;
	p0 =	por !p4, !p5  }
0x233: {  	s3 =	sshrl.u32 s3, $0x7;
	p2 =	sne.s32 s20, $0x0;
	p0 =	por !p0, !p0  }
0x234: {  	s1 =	sadd.s32 s2, s1;
	s6 =	simm.s32 @!p0 $0x0;
	p0 =	por !p6, !p2  }
0x235: {  	s17 =	ssub.s32 s3, s6;
	p0 =	por !p0, !p0;
	s3 =	simm.s32 $0x1  }
0x236: {  	s1 =	sshrl.u32 s1, $0x7;
	s2 =	sshll.u32 s17, $0x7;
	s3 =	simm.s32 @!p0 $0x0  }
0x237: {  	[smem:$0x7FD] =	sst s20;
	s2 =	sand.u32 $0x1FFFFF80, s2;
	s1 =	ssub.s32 s1, s3  }
0x238: {  	s20 =	simm.s32 $0x6A80;
	s2 =	sadd.s32 s28, s2;
	s1 =	sshll.u32 s1, $0x7  }
0x239: {  	[tilespmem:s20], [sflag:$0x1] =	stream.strided.gather [hbm4b:s2+s10], $0x800, s4, s10, $0x38;
	[tilespmem:$0x14A80] =	vst v63  }
0x23a: {  	s1 =	sand.u32 $0x1FFFFF80, s1  }
0x23b: {  	s3 =	simm.s32 $0x7280;
	s1 =	sadd.s32 s0, s1  }
0x23c: {  	[tilespmem:s3], [sflag:$0x1] =	stream.strided.gather [hbm4b:s1+s10], $0x800, s4, s10, $0x38;
	[tilespmem:$0x14A80] =	vst v63  }
0x23d: {  	s3 =	spop (v2sf)  }
0x23e: {  	s4 =	spop (v2sf)  }
0x23f: {  	s6 =	sshra.s32 s4, $0x1F  }
0x240: {  	s20 =	simm.s32 $0x1;
	p5 =	slt.s32 s3, $0x1;
	s1 =	sshrl.u32 s6, $0x19  }
0x241: {  	s2 =	sand.u32 $0x7F, s3;
	s17 =	sadd.s32 s1, s4;
	s1 =	sand.u32 $0x7F, s4  }
0x242: {  	p3 =	slt.s32 s4, $0x1;
	s4 =	sshra.s32 s3, $0x1F;
	p4 =	sne.s32 s1, $0x0  }
0x243: {  	p6 =	sne.s32 s2, $0x0;
	s29 =	sshrl.u32 s4, $0x19;
	p0 =	por !p3, !p4  }
0x244: {  	s6 =	sshrl.u32 s17, $0x7;
	s17 =	simm.s32 $0x7A80;
	p0 =	por !p0, !p0  }
0x245: {  	s3 =	sadd.s32 s29, s3;
	s20 =	simm.s32 @!p0 $0x0;
	p0 =	por !p5, !p6  }
0x246: {  	s6 =	ssub.s32 s6, s20;
	p0 =	por !p0, !p0;
	s20 =	simm.s32 $0x1  }
0x247: {  	s3 =	sshrl.u32 s3, $0x7;
	s6 =	sshll.u32 s6, $0x7;
	s20 =	simm.s32 @!p0 $0x0  }
0x248: {  	s29 =	smov.u32 s28;
	s6 =	sand.u32 $0x1FFFFF80, s6;
	s3 =	ssub.s32 s3, s20  }
0x249: {  	s20 =	simm.s32 $0x7A1400;
	s6 =	sadd.s32 s29, s6;
	s3 =	sshll.u32 s3, $0x7  }
0x24a: {  	[tilespmem:s17], [sflag:$0x1] =	stream.strided.gather [hbm4b:s6+s10], $0x800, s20, s10, $0x38;
	[tilespmem:$0x14A80] =	vst v63  }
0x24b: {  	s3 =	sand.u32 $0x1FFFFF80, s3  }
0x24c: {  	s6 =	simm.s32 $0x8280;
	s3 =	sadd.s32 s0, s3  }
0x24d: {  	[tilespmem:s6], [sflag:$0x1] =	stream.strided.gather [hbm4b:s3+s10], $0x800, s20, s10, $0x38;
	[tilespmem:$0x14A80] =	vst v63  }
0x24e: {  	_ =	swait.ge [sflag:s24], $0x800  }
0x24f: {  	[sflag:s24] =	ssyncset.done $0x0  }
0x250: {  	[sflag:s24] =	ssyncadd.s32 $0xFFFFF800  }
0x251: {  	_ =	swait.ge [sflag:s24], $0x800  }
0x252: {  	[sflag:s24] =	ssyncset.done $0x0  }
0x253: {  	[sflag:s24] =	ssyncadd.s32 $0xFFFFF800  }
0x254: {  	_ =	swait.ge [sflag:s24], $0x800  }
0x255: {  	[sflag:s24] =	ssyncset.done $0x0  }
0x256: {  	[sflag:s24] =	ssyncadd.s32 $0xFFFFF800  }
0x257: {  	_ =	swait.ge [sflag:s24], $0x800  }
0x258: {  	[sflag:s24] =	ssyncset.done $0x0  }
0x259: {  	[sflag:s24] =	ssyncadd.s32 $0xFFFFF800  }
0x25a: {  	_ =	swait.ge [sflag:s24], $0x800  }
0x25b: {  	[sflag:s24] =	ssyncset.done $0x0  }
0x25c: {  	[sflag:s24] =	ssyncadd.s32 $0xFFFFF800  }
0x25d: {  	_ =	swait.ge [sflag:s24], $0x800  }
0x25e: {  	[sflag:s24] =	ssyncset.done $0x0  }
0x25f: {  	[sflag:s24] =	ssyncadd.s32 $0xFFFFF800  }
0x260: {  	_ =	swait.ge [sflag:s24], $0x800  }
0x261: {  	[sflag:s24] =	ssyncset.done $0x0  }
0x262: {  	[sflag:s24] =	ssyncadd.s32 $0xFFFFF800  }
0x263: {  	_ =	swait.ge [sflag:s24], $0x800  }
0x264: {  	[sflag:s24] =	ssyncset.done $0x0  }
0x265: {  	[sflag:s24] =	ssyncadd.s32 $0xFFFFF800  }
0x266: {  	_ =	swait.ge [sflag:s24], $0x800  }
0x267: {  	[sflag:s24] =	ssyncset.done $0x0  }
0x268: {  	[sflag:s24] =	ssyncadd.s32 $0xFFFFF800  }
0x269: {  	_ =	swait.ge [sflag:s24], $0x800  }
0x26a: {  	[sflag:s24] =	ssyncset.done $0x0  }
0x26b: {  	[sflag:s24] =	ssyncadd.s32 $0xFFFFF800  }
0x26c: {  	_ =	swait.ge [sflag:s24], $0x800  }
0x26d: {  	[sflag:s24] =	ssyncset.done $0x0  }
0x26e: {  	[sflag:s24] =	ssyncadd.s32 $0xFFFFF800  }
0x26f: {  	_ =	swait.ge [sflag:s24], $0x800  }
0x270: {  	[sflag:s24] =	ssyncset.done $0x0  }
0x271: {  	[sflag:s24] =	ssyncadd.s32 $0xFFFFF800  }
0x272: {  	_ =	swait.ge [sflag:s24], $0x800  }
0x273: {  	[sflag:s24] =	ssyncset.done $0x0  }
0x274: {  	[sflag:s24] =	ssyncadd.s32 $0xFFFFF800  }
0x275: {  	_ =	swait.ge [sflag:s24], $0x800  }
0x276: {  	[sflag:s24] =	ssyncset.done $0x0  }
0x277: {  	[sflag:s24] =	ssyncadd.s32 $0xFFFFF800  }
0x278: {  	_ =	swait.ge [sflag:s24], $0x800  }
0x279: {  	s6 =	rddreg [dreg:$0x14]  }
0x27a: {  	s28 =	smov.u32 s0;
	s0 =	sand.u32 $0x7F, s6;
	s6 =	rddreg [dreg:$0x15]  }
0x27b: {  	[sflag:s24] =	ssyncset.done $0x0;
	v5 =	vor.u32 s0, v0;
	s0 =	sand.u32 $0x7F, s6  }
0x27c: {  	[sflag:s24] =	ssyncadd.s32 $0xFFFFF800;
	v6 =	vor.u32 s0, v0  }
0x27d: {  	_ =	swait.ge [sflag:s24], $0x800  }
0x27e: {  	[sflag:s24] =	ssyncset.done $0x0  }
0x27f: {  	s6 =	simm.s32 $0x8A80;
	[sflag:s24] =	ssyncadd.s32 $0xFFFFF800  }
0x280: {  	s3 =	simm.s32 $0x9280;
	v5 =	vld.idx.msk [tilespmem:v5+s6+$0x0], $0xffff;
	s6 =	rddreg [dreg:$0x17]  }
0x281: {  	v6 =	vld.idx.msk [tilespmem:v6+s3+$0x0], $0xffff;
	s0 =	sand.u32 $0x7F, s6;
	s6 =	rddreg [dreg:$0x19]  }
0x282: {  	v7 =	vor.u32 s0, v0;
	s0 =	sand.u32 $0x7F, s6  }
0x283: {  	v57 =	vor.u32 s0, v0;
	_ =	sdelay $0x1  }
0x284: {  	[tilespmem:s9+$0x0] =	vst v5  }
0x285: {  	s6 =	simm.s32 $0x9A80;
	[tilespmem:s8+$0x0] =	vst v6  }
0x286: {  	s3 =	simm.s32 $0xA280;
	v5 =	vld.idx.msk [tilespmem:v7+s6+$0x0], $0xffff;
	s6 =	rddreg [dreg:$0x1a]  }
0x287: {  	v6 =	vld.idx.msk [tilespmem:v57+s3+$0x0], $0xffff;
	s0 =	sand.u32 $0x7F, s6;
	s6 =	rddreg [dreg:$0x1b]  }
0x288: {  	v7 =	vor.u32 s0, v0;
	s0 =	sand.u32 $0x7F, s6  }
0x289: {  	v58 =	vor.u32 s0, v0;
	_ =	sdelay $0x1  }
0x28a: {  	[tilespmem:s9+$0x10] =	vst v5  }
0x28b: {  	s6 =	simm.s32 $0xAA80;
	[tilespmem:s8+$0x10] =	vst v6  }
0x28c: {  	s3 =	simm.s32 $0xB280;
	v5 =	vld.idx.msk [tilespmem:v7+s6+$0x0], $0xffff  }
0x28d: {  	s6 =	sand.u32 $0x7F, s21;
	v6 =	vld.idx.msk [tilespmem:v58+s3+$0x0], $0xffff  }
0x28e: {  	s11 =	sand.u32 $0x7F, s11;
	v7 =	vor.u32 s6, v0  }
0x28f: {  	v59 =	vor.u32 s11, v0;
	_ =	sdelay $0x1  }
0x290: {  	[tilespmem:s9+$0x20] =	vst v5  }
0x291: {  	s21 =	simm.s32 $0xBA80;
	[tilespmem:s8+$0x20] =	vst v6  }
0x292: {  	s3 =	simm.s32 $0xC280;
	v5 =	vld.idx.msk [tilespmem:v7+s21+$0x0], $0xffff  }
0x293: {  	s6 =	sand.u32 $0x7F, s5;
	v6 =	vld.idx.msk [tilespmem:v59+s3+$0x0], $0xffff  }
0x294: {  	s11 =	sand.u32 $0x7F, s18;
	v7 =	vor.u32 s6, v0  }
0x295: {  	v60 =	vor.u32 s11, v0;
	_ =	sdelay $0x1  }
0x296: {  	[tilespmem:s9+$0x30] =	vst v5  }
0x297: {  	s18 =	simm.s32 $0xCA80;
	[tilespmem:s8+$0x30] =	vst v6  }
0x298: {  	s21 =	simm.s32 $0xD280;
	v5 =	vld.idx.msk [tilespmem:v7+s18+$0x0], $0xffff  }
0x299: {  	s22 =	sand.u32 $0x7F, s22;
	v6 =	vld.idx.msk [tilespmem:v60+s21+$0x0], $0xffff  }
0x29a: {  	s0 =	sand.u32 $0x7F, s23;
	v7 =	vor.u32 s22, v0  }
0x29b: {  	v61 =	vor.u32 s0, v0;
	_ =	sdelay $0x1  }
0x29c: {  	[tilespmem:s9+$0x40] =	vst v5  }
0x29d: {  	s5 =	simm.s32 $0xDA80;
	[tilespmem:s8+$0x40] =	vst v6  }
0x29e: {  	s6 =	simm.s32 $0xE280;
	v5 =	vld.idx.msk [tilespmem:v7+s5+$0x0], $0xffff  }
0x29f: {  	s11 =	sand.u32 $0x7F, s14;
	v6 =	vld.idx.msk [tilespmem:v61+s6+$0x0], $0xffff  }
0x2a0: {  	s14 =	sand.u32 $0x7F, s15;
	v7 =	vor.u32 s11, v0  }
0x2a1: {  	v62 =	vor.u32 s14, v0;
	_ =	sdelay $0x1  }
0x2a2: {  	[tilespmem:s9+$0x50] =	vst v5  }
0x2a3: {  	s15 =	simm.s32 $0xEA80;
	[tilespmem:s8+$0x50] =	vst v6  }
0x2a4: {  	s18 =	simm.s32 $0xF280;
	v5 =	vld.idx.msk [tilespmem:v7+s15+$0x0], $0xffff  }
0x2a5: {  	s21 =	sand.u32 $0x7F, s30;
	v6 =	vld.idx.msk [tilespmem:v62+s18+$0x0], $0xffff  }
0x2a6: {  	s22 =	sand.u32 $0x7F, s19;
	v7 =	vor.u32 s21, v0  }
0x2a7: {  	v63 =	vor.u32 s22, v0;
	_ =	sdelay $0x1  }
0x2a8: {  	[tilespmem:s9+$0x60] =	vst v5  }
0x2a9: {  	s23 =	simm.s32 $0xFA80;
	[tilespmem:s8+$0x60] =	vst v6  }
0x2aa: {  	s30 =	simm.s32 $0x10280;
	v5 =	vld.idx.msk [tilespmem:v7+s23+$0x0], $0xffff  }
0x2ab: {  	p0 =	sne.s32 s7, $0x7C0;
	v6 =	vld.idx.msk [tilespmem:v63+s30+$0x0], $0xffff  }
.Ltmp0:
0x2ac: {  	_ = 	snop;
	(pc) =	sbr.rel @p0 .LBB2_2-.Ltmp0, $3  }
0x2ad: {  	_ =	sdelay $0x1  }
0x2ae: {  	s4 =	simm.s32 $0x8280;
	[tilespmem:s9+$0x70] =	vst v5  }
0x2af: {  	s7 =	sadd.s32 $0x40, s7;
	s9 =	sadd.s32 $0x100, s9;
	[tilespmem:s8+$0x70] =	vst v6;
	s8 =	sadd.s32 $0x100, s8  }
0x2b0: {  	(v2sf) =	vpush v4, $0x8;
	_ =	sdelay $0x1  }
0x2b1: {  	(v2sf) =	vpush v3, $0x8;
	_ =	sdelay $0xc  }
0x2b2: {  	s23 =	spop (v2sf)  }
0x2b3: {  	s3 =	sshra.s32 s23, $0x1F  }
0x2b4: {  	(v2sf) =	vpush v4, $0x9;
	s7 =	spop (v2sf);
	s3 =	sshrl.u32 s3, $0x19  }
0x2b5: {  	s6 =	sshra.s32 s7, $0x1F;
	s3 =	sadd.s32 s3, s23  }
0x2b6: {  	(v2sf) =	vpush v3, $0x9;
	s6 =	sshrl.u32 s6, $0x19;
	s0 =	sand.u32 $0xFFFFFF80, s3  }
0x2b7: {  	p0 =	slt.s32 s23, $0x1;
	s21 =	sadd.s32 s6, s7;
	p1 =	sne.s32 s23, s0  }
0x2b8: {  	s8 =	simm.s32 $0x1;
	s6 =	sand.u32 $0xFFFFFF80, s21;
	p0 =	por !p0, !p1  }
0x2b9: {  	p3 =	slt.s32 s7, $0x1;
	p4 =	sne.s32 s7, s6;
	p0 =	por !p0, !p0  }
0x2ba: {  	s3 =	sshrl.u32 s3, $0x7;
	s8 =	simm.s32 @!p0 $0x0;
	p0 =	por !p3, !p4  }
0x2bb: {  	s6 =	simm.s32 $0x1;
	s3 =	ssub.s32 s3, s8;
	p0 =	por !p0, !p0  }
0x2bc: {  	s0 =	sshrl.u32 s21, $0x7;
	s3 =	sshll.u32 s3, $0x7;
	s6 =	simm.s32 @!p0 $0x0  }
0x2bd: {  	s5 =	simm.s32 $0x400;
	s3 =	sand.u32 $0x1FFFFF80, s3;
	s6 =	ssub.s32 s0, s6  }
0x2be: {  	s22 =	simm.s32 $0x8A80;
	s3 =	sadd.s32 s29, s3;
	s8 =	sshll.u32 s6, $0x7  }
0x2bf: {  	[tilespmem:s22], [sflag:$0x2] =	stream.strided.gather [hbm4b:s3+s5], $0x800, s20, s5, $0x38;
	[tilespmem:$0x14A80] =	vst v63  }
0x2c0: {  	s3 =	sand.u32 $0x1FFFFF80, s8  }
0x2c1: {  	s9 =	simm.s32 $0x9280;
	s3 =	sadd.s32 s28, s3  }
0x2c2: {  	[tilespmem:s9], [sflag:$0x2] =	stream.strided.gather [hbm4b:s3+s5], $0x800, s20, s5, $0x38;
	[tilespmem:$0x14A80] =	vst v63  }
0x2c3: {  	s8 =	spop (v2sf)  }
0x2c4: {  	s10 =	sshra.s32 s8, $0x1F  }
0x2c5: {  	(v2sf) =	vpush v4, $0xA;
	s9 =	spop (v2sf);
	s3 =	sshrl.u32 s10, $0x19  }
0x2c6: {  	s10 =	sshra.s32 s9, $0x1F;
	s3 =	sadd.s32 s3, s8  }
0x2c7: {  	(v2sf) =	vpush v3, $0xA;
	s10 =	sshrl.u32 s10, $0x19;
	s11 =	sand.u32 $0xFFFFFF80, s3  }
0x2c8: {  	p5 =	slt.s32 s8, $0x1;
	s14 =	sadd.s32 s10, s9;
	p6 =	sne.s32 s8, s11  }
0x2c9: {  	p2 =	slt.s32 s9, $0x1;
	s10 =	sand.u32 $0xFFFFFF80, s14;
	p0 =	por !p5, !p6  }
0x2ca: {  	s11 =	simm.s32 $0x1;
	p3 =	sne.s32 s9, s10;
	p0 =	por !p0, !p0  }
0x2cb: {  	s3 =	sshrl.u32 s3, $0x7;
	s11 =	simm.s32 @!p0 $0x0;
	p0 =	por !p2, !p3  }
0x2cc: {  	s10 =	simm.s32 $0x1;
	s3 =	ssub.s32 s3, s11;
	p0 =	por !p0, !p0  }
0x2cd: {  	s6 =	sshrl.u32 s14, $0x7;
	s3 =	sshll.u32 s3, $0x7;
	s10 =	simm.s32 @!p0 $0x0  }
0x2ce: {  	s3 =	sand.u32 $0x1FFFFF80, s3;
	s6 =	ssub.s32 s6, s10  }
0x2cf: {  	s15 =	simm.s32 $0x9A80;
	s3 =	sadd.s32 s29, s3;
	s17 =	sshll.u32 s6, $0x7  }
0x2d0: {  	[tilespmem:s15], [sflag:$0x2] =	stream.strided.gather [hbm4b:s3+s5], $0x800, s20, s5, $0x38;
	[tilespmem:$0x14A80] =	vst v63  }
0x2d1: {  	s3 =	sand.u32 $0x1FFFFF80, s17  }
0x2d2: {  	s18 =	simm.s32 $0xA280;
	s3 =	sadd.s32 s28, s3  }
0x2d3: {  	[tilespmem:s18], [sflag:$0x2] =	stream.strided.gather [hbm4b:s3+s5], $0x800, s20, s5, $0x38;
	[tilespmem:$0x14A80] =	vst v63  }
0x2d4: {  	s10 =	spop (v2sf)  }
0x2d5: {  	s19 =	sshra.s32 s10, $0x1F  }
0x2d6: {  	(v2sf) =	vpush v4, $0xB;
	s11 =	spop (v2sf);
	s3 =	sshrl.u32 s19, $0x19  }
0x2d7: {  	s21 =	sshra.s32 s11, $0x1F;
	s3 =	sadd.s32 s3, s10  }
0x2d8: {  	[smem:$0x7F8] =	sst s12;
	(v2sf) =	vpush v3, $0xB;
	s6 =	sshrl.u32 s21, $0x19;
	s22 =	sand.u32 $0xFFFFFF80, s3  }
0x2d9: {  	p4 =	slt.s32 s10, $0x1;
	s6 =	sadd.s32 s6, s11;
	p5 =	sne.s32 s10, s22  }
0x2da: {  	s12 =	simm.s32 $0x1;
	s0 =	sand.u32 $0xFFFFFF80, s6;
	p0 =	por !p4, !p5  }
0x2db: {  	p2 =	slt.s32 s11, $0x1;
	p6 =	sne.s32 s11, s0;
	p0 =	por !p0, !p0  }
0x2dc: {  	s3 =	sshrl.u32 s3, $0x7;
	s12 =	simm.s32 @!p0 $0x0;
	p0 =	por !p2, !p6  }
0x2dd: {  	s3 =	ssub.s32 s3, s12;
	p0 =	por !p0, !p0;
	s12 =	simm.s32 $0x1  }
0x2de: {  	s6 =	sshrl.u32 s6, $0x7;
	s3 =	sshll.u32 s3, $0x7;
	s12 =	simm.s32 @!p0 $0x0  }
0x2df: {  	s3 =	sand.u32 $0x1FFFFF80, s3;
	s6 =	ssub.s32 s6, s12  }
0x2e0: {  	s14 =	simm.s32 $0xAA80;
	s3 =	sadd.s32 s29, s3;
	s15 =	sshll.u32 s6, $0x7  }
0x2e1: {  	[tilespmem:s14], [sflag:$0x2] =	stream.strided.gather [hbm4b:s3+s5], $0x800, s20, s5, $0x38;
	[tilespmem:$0x14A80] =	vst v63  }
0x2e2: {  	s3 =	sand.u32 $0x1FFFFF80, s15  }
0x2e3: {  	s17 =	simm.s32 $0xB280;
	s3 =	sadd.s32 s28, s3  }
0x2e4: {  	[tilespmem:s17], [sflag:$0x2] =	stream.strided.gather [hbm4b:s3+s5], $0x800, s20, s5, $0x38;
	[tilespmem:$0x14A80] =	vst v63  }
0x2e5: {  	s12 =	spop (v2sf)  }
0x2e6: {  	s18 =	sshra.s32 s12, $0x1F  }
0x2e7: {  	[smem:$0x7F7] =	sst s13;
	(v2sf) =	vpush v4, $0xC;
	s13 =	spop (v2sf);
	s3 =	sshrl.u32 s18, $0x19  }
0x2e8: {  	s19 =	sshra.s32 s13, $0x1F;
	s3 =	sadd.s32 s3, s12  }
0x2e9: {  	(v2sf) =	vpush v3, $0xC;
	s6 =	sshrl.u32 s19, $0x19;
	s14 =	sand.u32 $0xFFFFFF80, s3  }
0x2ea: {  	p4 =	slt.s32 s12, $0x1;
	s6 =	sadd.s32 s6, s13;
	p3 =	sne.s32 s12, s14  }
0x2eb: {  	p6 =	slt.s32 s13, $0x1;
	s21 =	sand.u32 $0xFFFFFF80, s6;
	p0 =	por !p4, !p3  }
0x2ec: {  	s14 =	simm.s32 $0x1;
	p5 =	sne.s32 s13, s21;
	p0 =	por !p0, !p0  }
0x2ed: {  	s3 =	sshrl.u32 s3, $0x7;
	s14 =	simm.s32 @!p0 $0x0;
	p0 =	por !p6, !p5  }
0x2ee: {  	s3 =	ssub.s32 s3, s14;
	p0 =	por !p0, !p0;
	s14 =	simm.s32 $0x1  }
0x2ef: {  	s6 =	sshrl.u32 s6, $0x7;
	s3 =	sshll.u32 s3, $0x7;
	s14 =	simm.s32 @!p0 $0x0  }
0x2f0: {  	s3 =	sand.u32 $0x1FFFFF80, s3;
	s6 =	ssub.s32 s6, s14  }
0x2f1: {  	s22 =	simm.s32 $0xBA80;
	s3 =	sadd.s32 s29, s3;
	s14 =	sshll.u32 s6, $0x7  }
0x2f2: {  	[tilespmem:s22], [sflag:$0x2] =	stream.strided.gather [hbm4b:s3+s5], $0x800, s20, s5, $0x38;
	[tilespmem:$0x14A80] =	vst v63  }
0x2f3: {  	s3 =	sand.u32 $0x1FFFFF80, s14  }
0x2f4: {  	s15 =	simm.s32 $0xC280;
	s3 =	sadd.s32 s28, s3  }
0x2f5: {  	[tilespmem:s15], [sflag:$0x2] =	stream.strided.gather [hbm4b:s3+s5], $0x800, s20, s5, $0x38;
	[tilespmem:$0x14A80] =	vst v63  }
0x2f6: {  	s14 =	spop (v2sf)  }
0x2f7: {  	s17 =	sshra.s32 s14, $0x1F  }
0x2f8: {  	(v2sf) =	vpush v4, $0xD;
	s15 =	spop (v2sf);
	s3 =	sshrl.u32 s17, $0x19  }
0x2f9: {  	s18 =	sshra.s32 s15, $0x1F;
	s3 =	sadd.s32 s3, s14  }
0x2fa: {  	s30 =	smov.u32 s16;
	(v2sf) =	vpush v3, $0xD;
	s6 =	sshrl.u32 s18, $0x19;
	s19 =	sand.u32 $0xFFFFFF80, s3  }
0x2fb: {  	p2 =	slt.s32 s14, $0x1;
	s6 =	sadd.s32 s6, s15;
	p1 =	sne.s32 s14, s19  }
0x2fc: {  	s16 =	simm.s32 $0x1;
	s21 =	sand.u32 $0xFFFFFF80, s6;
	p0 =	por !p2, !p1  }
0x2fd: {  	p4 =	slt.s32 s15, $0x1;
	p3 =	sne.s32 s15, s21;
	p0 =	por !p0, !p0  }
0x2fe: {  	s3 =	sshrl.u32 s3, $0x7;
	s16 =	simm.s32 @!p0 $0x0;
	p0 =	por !p4, !p3  }
0x2ff: {  	s3 =	ssub.s32 s3, s16;
	p0 =	por !p0, !p0;
	s16 =	simm.s32 $0x1  }
0x300: {  	s6 =	sshrl.u32 s6, $0x7;
	s3 =	sshll.u32 s3, $0x7;
	s16 =	simm.s32 @!p0 $0x0  }
0x301: {  	s3 =	sand.u32 $0x1FFFFF80, s3;
	s6 =	ssub.s32 s6, s16  }
0x302: {  	s22 =	simm.s32 $0xCA80;
	s3 =	sadd.s32 s29, s3;
	s16 =	sshll.u32 s6, $0x7  }
0x303: {  	[tilespmem:s22], [sflag:$0x2] =	stream.strided.gather [hbm4b:s3+s5], $0x800, s20, s5, $0x38;
	[tilespmem:$0x14A80] =	vst v63  }
0x304: {  	s3 =	sand.u32 $0x1FFFFF80, s16  }
0x305: {  	s17 =	simm.s32 $0xD280;
	s3 =	sadd.s32 s28, s3  }
0x306: {  	[tilespmem:s17], [sflag:$0x2] =	stream.strided.gather [hbm4b:s3+s5], $0x800, s20, s5, $0x38;
	[tilespmem:$0x14A80] =	vst v63  }
0x307: {  	s16 =	spop (v2sf)  }
0x308: {  	s18 =	sshra.s32 s16, $0x1F  }
0x309: {  	(v2sf) =	vpush v4, $0xE;
	s17 =	spop (v2sf);
	s3 =	sshrl.u32 s18, $0x19  }
0x30a: {  	s19 =	sshra.s32 s17, $0x1F;
	s3 =	sadd.s32 s3, s16  }
0x30b: {  	(v2sf) =	vpush v3, $0xE;
	s6 =	sshrl.u32 s19, $0x19;
	s18 =	sand.u32 $0xFFFFFF80, s3  }
0x30c: {  	p6 =	slt.s32 s16, $0x1;
	s6 =	sadd.s32 s6, s17;
	p5 =	sne.s32 s16, s18  }
0x30d: {  	p3 =	slt.s32 s17, $0x1;
	s21 =	sand.u32 $0xFFFFFF80, s6;
	p0 =	por !p6, !p5  }
0x30e: {  	s18 =	simm.s32 $0x1;
	p2 =	sne.s32 s17, s21;
	p0 =	por !p0, !p0  }
0x30f: {  	s3 =	sshrl.u32 s3, $0x7;
	s18 =	simm.s32 @!p0 $0x0;
	p0 =	por !p3, !p2  }
0x310: {  	s3 =	ssub.s32 s3, s18;
	p0 =	por !p0, !p0;
	s18 =	simm.s32 $0x1  }
0x311: {  	s6 =	sshrl.u32 s6, $0x7;
	s3 =	sshll.u32 s3, $0x7;
	s18 =	simm.s32 @!p0 $0x0  }
0x312: {  	s3 =	sand.u32 $0x1FFFFF80, s3;
	s6 =	ssub.s32 s6, s18  }
0x313: {  	s22 =	simm.s32 $0xDA80;
	s3 =	sadd.s32 s29, s3;
	s18 =	sshll.u32 s6, $0x7  }
0x314: {  	[tilespmem:s22], [sflag:$0x2] =	stream.strided.gather [hbm4b:s3+s5], $0x800, s20, s5, $0x38;
	[tilespmem:$0x14A80] =	vst v63  }
0x315: {  	s3 =	sand.u32 $0x1FFFFF80, s18  }
0x316: {  	s19 =	simm.s32 $0xE280;
	s3 =	sadd.s32 s28, s3  }
0x317: {  	[tilespmem:s19], [sflag:$0x2] =	stream.strided.gather [hbm4b:s3+s5], $0x800, s20, s5, $0x38;
	[tilespmem:$0x14A80] =	vst v63  }
0x318: {  	s18 =	spop (v2sf)  }
0x319: {  	s20 =	sshra.s32 s18, $0x1F  }
0x31a: {  	(v2sf) =	vpush v4, $0xF;
	s19 =	spop (v2sf);
	s3 =	sshrl.u32 s20, $0x19  }
0x31b: {  	s21 =	sshra.s32 s19, $0x1F;
	s3 =	sadd.s32 s3, s18  }
0x31c: {  	s6 =	sshrl.u32 s21, $0x19;
	s22 =	sand.u32 $0xFFFFFF80, s3  }
0x31d: {  	p5 =	slt.s32 s18, $0x1;
	(v2sf) =	vpush v3, $0xF;
	s6 =	sadd.s32 s6, s19;
	p4 =	sne.s32 s18, s22  }
0x31e: {  	s20 =	simm.s32 $0x1;
	s21 =	sand.u32 $0xFFFFFF80, s6;
	p0 =	por !p5, !p4  }
0x31f: {  	p2 =	slt.s32 s19, $0x1;
	p6 =	sne.s32 s19, s21;
	p0 =	por !p0, !p0  }
0x320: {  	s3 =	sshrl.u32 s3, $0x7;
	s20 =	simm.s32 @!p0 $0x0;
	p0 =	por !p2, !p6  }
0x321: {  	s3 =	ssub.s32 s3, s20;
	p0 =	por !p0, !p0;
	s20 =	simm.s32 $0x1  }
0x322: {  	s6 =	sshrl.u32 s6, $0x7;
	s3 =	sshll.u32 s3, $0x7;
	s20 =	simm.s32 @!p0 $0x0  }
0x323: {  	s0 =	simm.s32 $0x7A1400;
	s3 =	sand.u32 $0x1FFFFF80, s3;
	s6 =	ssub.s32 s6, s20  }
0x324: {  	s22 =	simm.s32 $0xEA80;
	s3 =	sadd.s32 s29, s3;
	s21 =	sshll.u32 s6, $0x7  }
0x325: {  	[tilespmem:s22], [sflag:$0x2] =	stream.strided.gather [hbm4b:s3+s5], $0x800, s0, s5, $0x38;
	[tilespmem:$0x14A80] =	vst v63  }
0x326: {  	s3 =	sand.u32 $0x1FFFFF80, s21  }
0x327: {  	s22 =	simm.s32 $0xF280;
	s3 =	sadd.s32 s28, s3  }
0x328: {  	[tilespmem:s22], [sflag:$0x2] =	stream.strided.gather [hbm4b:s3+s5], $0x800, s0, s5, $0x38;
	[tilespmem:$0x14A80] =	vst v63  }
0x329: {  	s21 =	spop (v2sf)  }
0x32a: {  	s6 =	sshra.s32 s21, $0x1F  }
0x32b: {  	s3 =	sshrl.u32 s6, $0x19  }
0x32c: {  	s22 =	spop (v2sf);
	s3 =	sadd.s32 s3, s21  }
0x32d: {  	s20 =	sshra.s32 s22, $0x1F;
	s0 =	sand.u32 $0xFFFFFF80, s3  }
0x32e: {  	p4 =	slt.s32 s21, $0x1;
	s6 =	sshrl.u32 s20, $0x19;
	p3 =	sne.s32 s21, s0  }
0x32f: {  	p6 =	slt.s32 s22, $0x1;
	s6 =	sadd.s32 s6, s22;
	p0 =	por !p4, !p3  }
0x330: {  	s20 =	simm.s32 $0x1;
	s0 =	sand.u32 $0xFFFFFF80, s6;
	p0 =	por !p0, !p0  }
0x331: {  	s3 =	sshrl.u32 s3, $0x7;
	p5 =	sne.s32 s22, s0;
	s20 =	simm.s32 @!p0 $0x0  }
0x332: {  	s6 =	sshrl.u32 s6, $0x7;
	p0 =	por !p6, !p5;
	s3 =	ssub.s32 s3, s20  }
0x333: {  	p0 =	por !p0, !p0;
	s20 =	simm.s32 $0x1;
	s3 =	sshll.u32 s3, $0x7  }
0x334: {  	s0 =	simm.s32 $0xFA80;
	s20 =	simm.s32 @!p0 $0x0;
	s3 =	sand.u32 $0x1FFFFF80, s3  }
0x335: {  	s6 =	ssub.s32 s6, s20;
	s20 =	simm.s32 $0x7A1400;
	s3 =	sadd.s32 s29, s3  }
0x336: {  	[tilespmem:s0], [sflag:$0x2] =	stream.strided.gather [hbm4b:s3+s5], $0x800, s20, s5, $0x38;
	[tilespmem:$0x14A80] =	vst v63  }
0x337: {  	s0 =	sshll.u32 s6, $0x7  }
0x338: {  	s3 =	sand.u32 $0x1FFFFF80, s0  }
0x339: {  	s0 =	simm.s32 $0x10280;
	s3 =	sadd.s32 s28, s3  }
0x33a: {  	[tilespmem:s0], [sflag:$0x2] =	stream.strided.gather [hbm4b:s3+s5], $0x800, s20, s5, $0x38;
	[tilespmem:$0x14A80] =	vst v63  }
0x33b: {  	_ =	swait.ge [sflag:s31], $0x800  }
0x33c: {  	[sflag:s31] =	ssyncset.done $0x0  }
0x33d: {  	[sflag:s31] =	ssyncadd.s32 $0xFFFFF800  }
0x33e: {  	_ =	swait.ge [sflag:s31], $0x800  }
0x33f: {  	[sflag:s31] =	ssyncset.done $0x0  }
0x340: {  	[sflag:s31] =	ssyncadd.s32 $0xFFFFF800  }
0x341: {  	_ =	swait.ge [sflag:s31], $0x800  }
0x342: {  	[sflag:s31] =	ssyncset.done $0x0  }
0x343: {  	[sflag:s31] =	ssyncadd.s32 $0xFFFFF800  }
0x344: {  	_ =	swait.ge [sflag:s31], $0x800  }
0x345: {  	[sflag:s31] =	ssyncset.done $0x0  }
0x346: {  	[sflag:s31] =	ssyncadd.s32 $0xFFFFF800  }
0x347: {  	_ =	swait.ge [sflag:s31], $0x800  }
0x348: {  	[sflag:s31] =	ssyncset.done $0x0  }
0x349: {  	[sflag:s31] =	ssyncadd.s32 $0xFFFFF800  }
0x34a: {  	_ =	swait.ge [sflag:s31], $0x800  }
0x34b: {  	[sflag:s31] =	ssyncset.done $0x0  }
0x34c: {  	[sflag:s31] =	ssyncadd.s32 $0xFFFFF800  }
0x34d: {  	_ =	swait.ge [sflag:s31], $0x800  }
0x34e: {  	[sflag:s31] =	ssyncset.done $0x0  }
0x34f: {  	[sflag:s31] =	ssyncadd.s32 $0xFFFFF800  }
0x350: {  	_ =	swait.ge [sflag:s31], $0x800  }
0x351: {  	[sflag:s31] =	ssyncset.done $0x0  }
0x352: {  	[sflag:s31] =	ssyncadd.s32 $0xFFFFF800  }
0x353: {  	_ =	swait.ge [sflag:s31], $0x800  }
0x354: {  	[sflag:s31] =	ssyncset.done $0x0  }
0x355: {  	[sflag:s31] =	ssyncadd.s32 $0xFFFFF800  }
0x356: {  	_ =	swait.ge [sflag:s31], $0x800  }
0x357: {  	[sflag:s31] =	ssyncset.done $0x0  }
0x358: {  	[sflag:s31] =	ssyncadd.s32 $0xFFFFF800  }
0x359: {  	_ =	swait.ge [sflag:s31], $0x800  }
0x35a: {  	[sflag:s31] =	ssyncset.done $0x0  }
0x35b: {  	[sflag:s31] =	ssyncadd.s32 $0xFFFFF800  }
0x35c: {  	_ =	swait.ge [sflag:s31], $0x800  }
0x35d: {  	[sflag:s31] =	ssyncset.done $0x0  }
0x35e: {  	[sflag:s31] =	ssyncadd.s32 $0xFFFFF800  }
0x35f: {  	_ =	swait.ge [sflag:s31], $0x800  }
0x360: {  	[sflag:s31] =	ssyncset.done $0x0  }
0x361: {  	[sflag:s31] =	ssyncadd.s32 $0xFFFFF800  }
0x362: {  	_ =	swait.ge [sflag:s31], $0x800  }
0x363: {  	[sflag:s31] =	ssyncset.done $0x0  }
0x364: {  	[sflag:s31] =	ssyncadd.s32 $0xFFFFF800  }
0x365: {  	_ =	swait.ge [sflag:s31], $0x800  }
0x366: {  	s6 =	rddreg [dreg:$0x16]  }
0x367: {  	[sflag:s31] =	ssyncset.done $0x0;
	v3 =	vor.u32 s6, v0;
	s6 =	rddreg [dreg:$0x18]  }
0x368: {  	[sflag:s31] =	ssyncadd.s32 $0xFFFFF800;
	v4 =	vor.u32 s6, v0  }
0x369: {  	_ =	swait.ge [sflag:s31], $0x800  }
0x36a: {  	[sflag:s31] =	ssyncset.done $0x0  }
0x36b: {  	s6 =	simm.s32 $0xA80;
	[sflag:s31] =	ssyncadd.s32 $0xFFFFF800  }
0x36c: {  	v3 =	vld.idx.msk [tilespmem:v3+s6+$0x0], $0xffff;
	s6 =	simm.s32 $0x1280  }
0x36d: {  	v4 =	vld.idx.msk [tilespmem:v4+s6+$0x0], $0xffff;
	s6 =	sld [smem:$0x7F7];
	_ =	sdelay $0x2  }
0x36e: {  	v5 =	vor.u32 s6, v0  }
0x36f: {  	v6 =	vor.u32 s30, v0;
	_ =	sdelay $0x1  }
0x370: {  	[tilespmem:$0x12980] =	vst v3  }
0x371: {  	s6 =	simm.s32 $0x1A80;
	[tilespmem:$0x14980] =	vst v4  }
0x372: {  	v3 =	vld.idx.msk [tilespmem:v5+s6+$0x0], $0xffff;
	s6 =	simm.s32 $0x2280  }
0x373: {  	v4 =	vld.idx.msk [tilespmem:v6+s6+$0x0], $0xffff;
	s6 =	sld [smem:$0x7F8];
	_ =	sdelay $0x2  }
0x374: {  	v5 =	vor.u32 s6, v0;
	s6 =	rddreg [dreg:$0x1c]  }
0x375: {  	v6 =	vor.u32 s6, v0;
	_ =	sdelay $0x1  }
0x376: {  	[tilespmem:$0x12990] =	vst v3  }
0x377: {  	s6 =	simm.s32 $0x2A80;
	[tilespmem:$0x14990] =	vst v4  }
0x378: {  	v3 =	vld.idx.msk [tilespmem:v5+s6+$0x0], $0xffff;
	s6 =	simm.s32 $0x3280  }
0x379: {  	v4 =	vld.idx.msk [tilespmem:v6+s6+$0x0], $0xffff;
	s6 =	rddreg [dreg:$0x1d]  }
0x37a: {  	v5 =	vor.u32 s6, v0;
	s6 =	rddreg [dreg:$0x1e]  }
0x37b: {  	v6 =	vor.u32 s6, v0;
	_ =	sdelay $0x1  }
0x37c: {  	[tilespmem:$0x129A0] =	vst v3  }
0x37d: {  	s6 =	simm.s32 $0x3A80;
	[tilespmem:$0x149A0] =	vst v4  }
0x37e: {  	v3 =	vld.idx.msk [tilespmem:v5+s6+$0x0], $0xffff;
	s6 =	simm.s32 $0x4280  }
0x37f: {  	v4 =	vld.idx.msk [tilespmem:v6+s6+$0x0], $0xffff;
	s6 =	rddreg [dreg:$0x1f]  }
0x380: {  	v5 =	vor.u32 s6, v0;
	s6 =	sld [smem:$0x7F9];
	_ =	sdelay $0x2  }
0x381: {  	v6 =	vor.u32 s6, v0;
	_ =	sdelay $0x1  }
0x382: {  	[tilespmem:$0x129B0] =	vst v3  }
0x383: {  	s6 =	simm.s32 $0x4A80;
	[tilespmem:$0x149B0] =	vst v4  }
0x384: {  	v3 =	vld.idx.msk [tilespmem:v5+s6+$0x0], $0xffff;
	s6 =	simm.s32 $0x5280  }
0x385: {  	v4 =	vld.idx.msk [tilespmem:v6+s6+$0x0], $0xffff;
	s6 =	sld [smem:$0x7FA];
	_ =	sdelay $0x2  }
0x386: {  	v5 =	vor.u32 s6, v0;
	s6 =	sld [smem:$0x7FB];
	_ =	sdelay $0x2  }
0x387: {  	v6 =	vor.u32 s6, v0;
	_ =	sdelay $0x1  }
0x388: {  	[tilespmem:$0x129C0] =	vst v3  }
0x389: {  	[tilespmem:$0x149C0] =	vst v4;
	s6 =	simm.s32 $0x5A80  }
0x38a: {  	v3 =	vld.idx.msk [tilespmem:v5+s6+$0x0], $0xffff;
	s6 =	simm.s32 $0x6280  }
0x38b: {  	v4 =	vld.idx.msk [tilespmem:v6+s6+$0x0], $0xffff;
	s6 =	sld [smem:$0x7FC];
	_ =	sdelay $0x2  }
0x38c: {  	v5 =	vor.u32 s6, v0;
	s6 =	sld [smem:$0x7FD];
	_ =	sdelay $0x2  }
0x38d: {  	v6 =	vor.u32 s6, v0;
	_ =	sdelay $0x1  }
0x38e: {  	[tilespmem:$0x129D0] =	vst v3  }
0x38f: {  	[tilespmem:$0x149D0] =	vst v4;
	s6 =	simm.s32 $0x6A80  }
0x390: {  	v3 =	vld.idx.msk [tilespmem:v5+s6+$0x0], $0xffff;
	s6 =	simm.s32 $0x7280  }
0x391: {  	v4 =	vld.idx.msk [tilespmem:v6+s6+$0x0], $0xffff  }
0x392: {  	v5 =	vor.u32 s1, v0  }
0x393: {  	v6 =	vor.u32 s2, v0;
	_ =	sdelay $0x1  }
0x394: {  	[tilespmem:$0x129E0] =	vst v3  }
0x395: {  	s3 =	simm.s32 $0x7A80;
	[tilespmem:$0x149E0] =	vst v4  }
0x396: {  	v3 =	vld.idx.msk [tilespmem:v5+s3+$0x0], $0xffff  }
0x397: {  	v4 =	vld.idx.msk [tilespmem:v6+s4+$0x0], $0xffff;
	_ =	sdelay $0x3  }
0x398: {  	[tilespmem:$0x129F0] =	vst v3  }
0x399: {  	[tilespmem:$0x149F0] =	vst v4  }
0x39a: {  	_ =	swait.ge [sflag:s24], $0x800  }
0x39b: {  	[sflag:s24] =	ssyncset.done $0x0  }
0x39c: {  	[sflag:s24] =	ssyncadd.s32 $0xFFFFF800  }
0x39d: {  	_ =	swait.ge [sflag:s24], $0x800  }
0x39e: {  	[sflag:s24] =	ssyncset.done $0x0  }
0x39f: {  	[sflag:s24] =	ssyncadd.s32 $0xFFFFF800  }
0x3a0: {  	_ =	swait.ge [sflag:s24], $0x800  }
0x3a1: {  	[sflag:s24] =	ssyncset.done $0x0  }
0x3a2: {  	[sflag:s24] =	ssyncadd.s32 $0xFFFFF800  }
0x3a3: {  	_ =	swait.ge [sflag:s24], $0x800  }
0x3a4: {  	[sflag:s24] =	ssyncset.done $0x0  }
0x3a5: {  	[sflag:s24] =	ssyncadd.s32 $0xFFFFF800  }
0x3a6: {  	_ =	swait.ge [sflag:s24], $0x800  }
0x3a7: {  	[sflag:s24] =	ssyncset.done $0x0  }
0x3a8: {  	[sflag:s24] =	ssyncadd.s32 $0xFFFFF800  }
0x3a9: {  	_ =	swait.ge [sflag:s24], $0x800  }
0x3aa: {  	[sflag:s24] =	ssyncset.done $0x0  }
0x3ab: {  	[sflag:s24] =	ssyncadd.s32 $0xFFFFF800  }
0x3ac: {  	_ =	swait.ge [sflag:s24], $0x800  }
0x3ad: {  	[sflag:s24] =	ssyncset.done $0x0  }
0x3ae: {  	[sflag:s24] =	ssyncadd.s32 $0xFFFFF800  }
0x3af: {  	_ =	swait.ge [sflag:s24], $0x800  }
0x3b0: {  	[sflag:s24] =	ssyncset.done $0x0  }
0x3b1: {  	[sflag:s24] =	ssyncadd.s32 $0xFFFFF800  }
0x3b2: {  	_ =	swait.ge [sflag:s24], $0x800  }
0x3b3: {  	[sflag:s24] =	ssyncset.done $0x0  }
0x3b4: {  	[sflag:s24] =	ssyncadd.s32 $0xFFFFF800  }
0x3b5: {  	_ =	swait.ge [sflag:s24], $0x800  }
0x3b6: {  	[sflag:s24] =	ssyncset.done $0x0  }
0x3b7: {  	[sflag:s24] =	ssyncadd.s32 $0xFFFFF800  }
0x3b8: {  	_ =	swait.ge [sflag:s24], $0x800  }
0x3b9: {  	[sflag:s24] =	ssyncset.done $0x0  }
0x3ba: {  	[sflag:s24] =	ssyncadd.s32 $0xFFFFF800  }
0x3bb: {  	_ =	swait.ge [sflag:s24], $0x800  }
0x3bc: {  	[sflag:s24] =	ssyncset.done $0x0  }
0x3bd: {  	[sflag:s24] =	ssyncadd.s32 $0xFFFFF800  }
0x3be: {  	_ =	swait.ge [sflag:s24], $0x800  }
0x3bf: {  	[sflag:s24] =	ssyncset.done $0x0  }
0x3c0: {  	[sflag:s24] =	ssyncadd.s32 $0xFFFFF800  }
0x3c1: {  	_ =	swait.ge [sflag:s24], $0x800  }
0x3c2: {  	[sflag:s24] =	ssyncset.done $0x0  }
0x3c3: {  	[sflag:s24] =	ssyncadd.s32 $0xFFFFF800  }
0x3c4: {  	s6 =	sand.u32 $0x7F, s23;
	_ =	swait.ge [sflag:s24], $0x800  }
0x3c5: {  	s7 =	sand.u32 $0x7F, s7;
	v3 =	vor.u32 s6, v0;
	[sflag:s24] =	ssyncset.done $0x0  }
0x3c6: {  	v4 =	vor.u32 s7, v0;
	[sflag:s24] =	ssyncadd.s32 $0xFFFFF800  }
0x3c7: {  	_ =	swait.ge [sflag:s24], $0x800  }
0x3c8: {  	[sflag:s24] =	ssyncset.done $0x0  }
0x3c9: {  	s23 =	simm.s32 $0x8A80;
	[sflag:s24] =	ssyncadd.s32 $0xFFFFF800  }
0x3ca: {  	s2 =	simm.s32 $0x9280;
	v3 =	vld.idx.msk [tilespmem:v3+s23+$0x0], $0xffff  }
0x3cb: {  	s3 =	sand.u32 $0x7F, s8;
	v4 =	vld.idx.msk [tilespmem:v4+s2+$0x0], $0xffff  }
0x3cc: {  	s4 =	sand.u32 $0x7F, s9;
	v5 =	vor.u32 s3, v0  }
0x3cd: {  	v6 =	vor.u32 s4, v0;
	_ =	sdelay $0x1  }
0x3ce: {  	[tilespmem:$0x12A00] =	vst v3  }
0x3cf: {  	s6 =	simm.s32 $0x9A80;
	[tilespmem:$0x14A00] =	vst v4  }
0x3d0: {  	s7 =	simm.s32 $0xA280;
	v3 =	vld.idx.msk [tilespmem:v5+s6+$0x0], $0xffff  }
0x3d1: {  	s8 =	sand.u32 $0x7F, s10;
	v4 =	vld.idx.msk [tilespmem:v6+s7+$0x0], $0xffff  }
0x3d2: {  	s9 =	sand.u32 $0x7F, s11;
	v5 =	vor.u32 s8, v0  }
0x3d3: {  	v6 =	vor.u32 s9, v0;
	_ =	sdelay $0x1  }
0x3d4: {  	[tilespmem:$0x12A10] =	vst v3  }
0x3d5: {  	s10 =	simm.s32 $0xAA80;
	[tilespmem:$0x14A10] =	vst v4  }
0x3d6: {  	s11 =	simm.s32 $0xB280;
	v3 =	vld.idx.msk [tilespmem:v5+s10+$0x0], $0xffff  }
0x3d7: {  	s12 =	sand.u32 $0x7F, s12;
	v4 =	vld.idx.msk [tilespmem:v6+s11+$0x0], $0xffff  }
0x3d8: {  	s13 =	sand.u32 $0x7F, s13;
	v5 =	vor.u32 s12, v0  }
0x3d9: {  	v6 =	vor.u32 s13, v0;
	_ =	sdelay $0x1  }
0x3da: {  	[tilespmem:$0x12A20] =	vst v3  }
0x3db: {  	s23 =	simm.s32 $0xBA80;
	[tilespmem:$0x14A20] =	vst v4  }
0x3dc: {  	s2 =	simm.s32 $0xC280;
	v3 =	vld.idx.msk [tilespmem:v5+s23+$0x0], $0xffff  }
0x3dd: {  	s3 =	sand.u32 $0x7F, s14;
	v4 =	vld.idx.msk [tilespmem:v6+s2+$0x0], $0xffff  }
0x3de: {  	s4 =	sand.u32 $0x7F, s15;
	v5 =	vor.u32 s3, v0  }
0x3df: {  	v6 =	vor.u32 s4, v0;
	_ =	sdelay $0x1  }
0x3e0: {  	[tilespmem:$0x12A30] =	vst v3  }
0x3e1: {  	s6 =	simm.s32 $0xCA80;
	[tilespmem:$0x14A30] =	vst v4  }
0x3e2: {  	s7 =	simm.s32 $0xD280;
	v3 =	vld.idx.msk [tilespmem:v5+s6+$0x0], $0xffff  }
0x3e3: {  	s8 =	sand.u32 $0x7F, s16;
	v4 =	vld.idx.msk [tilespmem:v6+s7+$0x0], $0xffff  }
0x3e4: {  	s9 =	sand.u32 $0x7F, s17;
	v5 =	vor.u32 s8, v0  }
0x3e5: {  	v6 =	vor.u32 s9, v0;
	_ =	sdelay $0x1  }
0x3e6: {  	[tilespmem:$0x12A40] =	vst v3  }
0x3e7: {  	s10 =	simm.s32 $0xDA80;
	[tilespmem:$0x14A40] =	vst v4  }
0x3e8: {  	s11 =	simm.s32 $0xE280;
	v3 =	vld.idx.msk [tilespmem:v5+s10+$0x0], $0xffff  }
0x3e9: {  	s12 =	sand.u32 $0x7F, s18;
	v4 =	vld.idx.msk [tilespmem:v6+s11+$0x0], $0xffff  }
0x3ea: {  	s13 =	sand.u32 $0x7F, s19;
	v5 =	vor.u32 s12, v0  }
0x3eb: {  	v6 =	vor.u32 s13, v0;
	_ =	sdelay $0x1  }
0x3ec: {  	[tilespmem:$0x12A50] =	vst v3  }
0x3ed: {  	s14 =	simm.s32 $0xEA80;
	[tilespmem:$0x14A50] =	vst v4  }
0x3ee: {  	s15 =	simm.s32 $0xF280;
	v3 =	vld.idx.msk [tilespmem:v5+s14+$0x0], $0xffff  }
0x3ef: {  	s16 =	sand.u32 $0x7F, s21;
	v4 =	vld.idx.msk [tilespmem:v6+s15+$0x0], $0xffff  }
0x3f0: {  	s17 =	sand.u32 $0x7F, s22;
	v5 =	vor.u32 s16, v0  }
0x3f1: {  	v6 =	vor.u32 s17, v0;
	_ =	sdelay $0x1  }
0x3f2: {  	[tilespmem:$0x12A60] =	vst v3  }
0x3f3: {  	s18 =	simm.s32 $0xFA80;
	[tilespmem:$0x14A60] =	vst v4  }
0x3f4: {  	v3 =	vld.idx.msk [tilespmem:v5+s18+$0x0], $0xffff  }
0x3f5: {  	s19 =	simm.s32 $0x0;
	v4 =	vld.idx.msk [tilespmem:v6+s0+$0x0], $0xffff  }
0x3f6: {  	v5 =	vmov s19  }
0x3f7: {  	v5 =	vshll.u32 v5, $0x4  }
0x3f8: {  	v5 =	vor.u32 v1, v5  }
0x3f9: {  	[tilespmem:$0x12A70] =	vst v3  }
0x3fa: {  	s21 =	simm.s32 $0x600;
	[tilespmem:$0x14A70] =	vst v4;
	v3 =	vor.u32 $0x1, v5  }
0x3fb: {  	v4 =	vld [tilespmem:s21+$0x0]  }
0x3fc: {  	v6 =	vor.u32 $0x2, v5;
	v7 =	vld [tilespmem:s5+$0x0]  }
0x3fd: {  	v8 =	vld.idx.msk [tilespmem:v5+s25+$0x0], $0xffff  }
0x3fe: {  	v10 =	vor.u32 $0x3, v5;
	v9 =	vld.idx.msk [tilespmem:v5+s26+$0x0], $0xffff  }
0x3ff: {  	v11 =	vld.idx.msk [tilespmem:v3+s25+$0x0], $0xffff  }
0x400: {  	v12 =	vor.u32 $0x4, v5;
	v3 =	vld.idx.msk [tilespmem:v3+s26+$0x0], $0xffff  }
0x401: {  	v13 =	vld.idx.msk [tilespmem:v6+s25+$0x0], $0xffff;
	v4 =	vadd.f32 v4, v7  }
0x402: {  	v6 =	vld.idx.msk [tilespmem:v6+s26+$0x0], $0xffff;
	v7 =	vor.u32 $0x5, v5  }
0x403: {  	v14 =	vld.idx.msk [tilespmem:v10+s25+$0x0], $0xffff;
	v8 =	vmul.f32 v9, v8;
	v4 =	vadd.f32 v4, v2  }
0x404: {  	v54 =	vor.u32 $0x6, v5;
	v53 =	vld.idx.msk [tilespmem:v10+s26+$0x0], $0xffff  }
0x405: {  	v15 =	vld.idx.msk [tilespmem:v12+s25+$0x0], $0xffff;
	v4 =	vadd.f32 v8, v4;
	v3 =	vmul.f32 v3, v11  }
0x406: {  	v56 =	vor.u32 $0x7, v5;
	v55 =	vld.idx.msk [tilespmem:v12+s26+$0x0], $0xffff  }
0x407: {  	v57 =	vld.idx.msk [tilespmem:v7+s25+$0x0], $0xffff;
	v3 =	vadd.f32 v3, v4;
	v4 =	vmul.f32 v6, v13  }
0x408: {  	v6 =	vld.idx.msk [tilespmem:v7+s26+$0x0], $0xffff;
	v7 =	vor.u32 $0x8, v5  }
0x409: {  	v58 =	vld.idx.msk [tilespmem:v54+s25+$0x0], $0xffff;
	v3 =	vadd.f32 v4, v3;
	v4 =	vmul.f32 v53, v14  }
0x40a: {  	v60 =	vor.u32 $0x9, v5;
	v59 =	vld.idx.msk [tilespmem:v54+s26+$0x0], $0xffff  }
0x40b: {  	v61 =	vld.idx.msk [tilespmem:v56+s25+$0x0], $0xffff;
	v3 =	vadd.f32 v4, v3;
	v4 =	vmul.f32 v55, v15  }
0x40c: {  	v63 =	vor.u32 $0xA, v5;
	v62 =	vld.idx.msk [tilespmem:v56+s26+$0x0], $0xffff  }
0x40d: {  	v18 =	vld.idx.msk [tilespmem:v7+s25+$0x0], $0xffff;
	v3 =	vadd.f32 v4, v3;
	v4 =	vmul.f32 v6, v57  }
0x40e: {  	v6 =	vld.idx.msk [tilespmem:v7+s26+$0x0], $0xffff;
	v7 =	vor.u32 $0xB, v5  }
0x40f: {  	v19 =	vld.idx.msk [tilespmem:v60+s25+$0x0], $0xffff;
	v3 =	vadd.f32 v4, v3;
	v4 =	vmul.f32 v59, v58  }
0x410: {  	v21 =	vor.u32 $0xC, v5;
	v20 =	vld.idx.msk [tilespmem:v60+s26+$0x0], $0xffff  }
0x411: {  	v22 =	vld.idx.msk [tilespmem:v63+s25+$0x0], $0xffff;
	v3 =	vadd.f32 v4, v3;
	v4 =	vmul.f32 v62, v61  }
0x412: {  	v24 =	vor.u32 $0xD, v5;
	v23 =	vld.idx.msk [tilespmem:v63+s26+$0x0], $0xffff  }
0x413: {  	v25 =	vld.idx.msk [tilespmem:v7+s25+$0x0], $0xffff;
	v3 =	vadd.f32 v4, v3;
	v4 =	vmul.f32 v6, v18  }
0x414: {  	v6 =	vld.idx.msk [tilespmem:v7+s26+$0x0], $0xffff;
	v7 =	vor.u32 $0xE, v5  }
0x415: {  	v26 =	vld.idx.msk [tilespmem:v21+s25+$0x0], $0xffff;
	v3 =	vadd.f32 v4, v3;
	v4 =	vmul.f32 v20, v19  }
0x416: {  	v27 =	vld.idx.msk [tilespmem:v21+s26+$0x0], $0xffff;
	v5 =	vor.u32 $0xF, v5  }
0x417: {  	v28 =	vld.idx.msk [tilespmem:v24+s25+$0x0], $0xffff;
	v3 =	vadd.f32 v4, v3;
	v4 =	vmul.f32 v23, v22  }
0x418: {  	v29 =	vld.idx.msk [tilespmem:v24+s26+$0x0], $0xffff  }
0x419: {  	v30 =	vld.idx.msk [tilespmem:v7+s25+$0x0], $0xffff;
	v3 =	vadd.f32 v4, v3;
	v4 =	vmul.f32 v6, v25  }
0x41a: {  	v6 =	vld.idx.msk [tilespmem:v7+s26+$0x0], $0xffff  }
0x41b: {  	v7 =	vld.idx.msk [tilespmem:v5+s25+$0x0], $0xffff;
	v3 =	vadd.f32 v4, v3;
	v4 =	vmul.f32 v27, v26  }
0x41c: {  	v5 =	vld.idx.msk [tilespmem:v5+s26+$0x0], $0xffff  }
0x41d: {  	v3 =	vadd.f32 v4, v3;
	v4 =	vmul.f32 v29, v28;
	_ =	sdelay $0x1  }
0x41e: {  	v3 =	vadd.f32 v4, v3;
	v4 =	vmul.f32 v6, v30  }
0x41f: {  	s22 =	simm.s32 $0x10  }
0x420: {  	v6 =	vmov s22;
	v3 =	vadd.f32 v4, v3;
	v4 =	vmul.f32 v5, v7  }
0x421: {  	v5 =	vshll.u32 v6, $0x4  }
0x422: {  	v5 =	vor.u32 v1, v5;
	v3 =	vadd.f32 v4, v3  }
0x423: {  	s1 =	simm.s32 $0x800  }
0x424: {  	s2 =	simm.s32 $0x610;
	v4 =	vor.u32 $0x1, v5;
	[tilespmem:s1+$0x0] =	vst v3  }
0x425: {  	s3 =	simm.s32 $0x410;
	v3 =	vld [tilespmem:s2+$0x0]  }
0x426: {  	v6 =	vor.u32 $0x2, v5;
	v7 =	vld [tilespmem:s3+$0x0]  }
0x427: {  	v31 =	vld.idx.msk [tilespmem:v5+s25+$0x0], $0xffff  }
0x428: {  	v33 =	vor.u32 $0x3, v5;
	v32 =	vld.idx.msk [tilespmem:v5+s26+$0x0], $0xffff  }
0x429: {  	v34 =	vld.idx.msk [tilespmem:v4+s25+$0x0], $0xffff  }
0x42a: {  	v35 =	vor.u32 $0x4, v5;
	v4 =	vld.idx.msk [tilespmem:v4+s26+$0x0], $0xffff  }
0x42b: {  	v36 =	vld.idx.msk [tilespmem:v6+s25+$0x0], $0xffff;
	v3 =	vadd.f32 v3, v7  }
0x42c: {  	v6 =	vld.idx.msk [tilespmem:v6+s26+$0x0], $0xffff;
	v7 =	vor.u32 $0x5, v5  }
0x42d: {  	v37 =	vld.idx.msk [tilespmem:v33+s25+$0x0], $0xffff;
	v8 =	vmul.f32 v32, v31;
	v3 =	vadd.f32 v3, v2  }
0x42e: {  	v39 =	vor.u32 $0x6, v5;
	v38 =	vld.idx.msk [tilespmem:v33+s26+$0x0], $0xffff  }
0x42f: {  	v40 =	vld.idx.msk [tilespmem:v35+s25+$0x0], $0xffff;
	v4 =	vmul.f32 v4, v34;
	v3 =	vadd.f32 v8, v3  }
0x430: {  	v42 =	vor.u32 $0x7, v5;
	v41 =	vld.idx.msk [tilespmem:v35+s26+$0x0], $0xffff  }
0x431: {  	v43 =	vld.idx.msk [tilespmem:v7+s25+$0x0], $0xffff;
	v3 =	vadd.f32 v4, v3;
	v4 =	vmul.f32 v6, v36  }
0x432: {  	v6 =	vld.idx.msk [tilespmem:v7+s26+$0x0], $0xffff;
	v7 =	vor.u32 $0x8, v5  }
0x433: {  	v44 =	vld.idx.msk [tilespmem:v39+s25+$0x0], $0xffff;
	v3 =	vadd.f32 v4, v3;
	v4 =	vmul.f32 v38, v37  }
0x434: {  	v46 =	vor.u32 $0x9, v5;
	v45 =	vld.idx.msk [tilespmem:v39+s26+$0x0], $0xffff  }
0x435: {  	v47 =	vld.idx.msk [tilespmem:v42+s25+$0x0], $0xffff;
	v3 =	vadd.f32 v4, v3;
	v4 =	vmul.f32 v41, v40  }
0x436: {  	v49 =	vor.u32 $0xA, v5;
	v48 =	vld.idx.msk [tilespmem:v42+s26+$0x0], $0xffff  }
0x437: {  	v50 =	vld.idx.msk [tilespmem:v7+s25+$0x0], $0xffff;
	v3 =	vadd.f32 v4, v3;
	v4 =	vmul.f32 v6, v43  }
0x438: {  	v6 =	vld.idx.msk [tilespmem:v7+s26+$0x0], $0xffff;
	v7 =	vor.u32 $0xB, v5  }
0x439: {  	v51 =	vld.idx.msk [tilespmem:v46+s25+$0x0], $0xffff;
	v3 =	vadd.f32 v4, v3;
	v4 =	vmul.f32 v45, v44  }
0x43a: {  	v53 =	vor.u32 $0xC, v5;
	v52 =	vld.idx.msk [tilespmem:v46+s26+$0x0], $0xffff  }
0x43b: {  	v54 =	vld.idx.msk [tilespmem:v49+s25+$0x0], $0xffff;
	v3 =	vadd.f32 v4, v3;
	v4 =	vmul.f32 v48, v47  }
0x43c: {  	v56 =	vor.u32 $0xD, v5;
	v55 =	vld.idx.msk [tilespmem:v49+s26+$0x0], $0xffff  }
0x43d: {  	v57 =	vld.idx.msk [tilespmem:v7+s25+$0x0], $0xffff;
	v3 =	vadd.f32 v4, v3;
	v4 =	vmul.f32 v6, v50  }
0x43e: {  	v6 =	vld.idx.msk [tilespmem:v7+s26+$0x0], $0xffff;
	v7 =	vor.u32 $0xE, v5  }
0x43f: {  	v58 =	vld.idx.msk [tilespmem:v53+s25+$0x0], $0xffff;
	v3 =	vadd.f32 v4, v3;
	v4 =	vmul.f32 v52, v51  }
0x440: {  	v59 =	vld.idx.msk [tilespmem:v53+s26+$0x0], $0xffff;
	v5 =	vor.u32 $0xF, v5  }
0x441: {  	v60 =	vld.idx.msk [tilespmem:v56+s25+$0x0], $0xffff;
	v3 =	vadd.f32 v4, v3;
	v4 =	vmul.f32 v55, v54  }
0x442: {  	v61 =	vld.idx.msk [tilespmem:v56+s26+$0x0], $0xffff  }
0x443: {  	v62 =	vld.idx.msk [tilespmem:v7+s25+$0x0], $0xffff;
	v3 =	vadd.f32 v4, v3;
	v4 =	vmul.f32 v6, v57  }
0x444: {  	v6 =	vld.idx.msk [tilespmem:v7+s26+$0x0], $0xffff  }
0x445: {  	v7 =	vld.idx.msk [tilespmem:v5+s25+$0x0], $0xffff;
	v3 =	vadd.f32 v4, v3;
	v4 =	vmul.f32 v59, v58  }
0x446: {  	v5 =	vld.idx.msk [tilespmem:v5+s26+$0x0], $0xffff  }
0x447: {  	v3 =	vadd.f32 v4, v3;
	v4 =	vmul.f32 v61, v60  }
0x448: {  	s30 =	simm.s32 $0x6280;
	s23 =	simm.s32 $0x20  }
0x449: {  	s4 =	simm.s32 $0x30;
	s12 =	simm.s32 $0xA80;
	s13 =	simm.s32 $0x1280;
	v6 =	vmul.f32 v6, v62;
	v4 =	vadd.f32 v4, v3  }
0x44a: {  	s14 =	simm.s32 $0x1A80;
	s15 =	simm.s32 $0x2280;
	s16 =	simm.s32 $0x2A80;
	v63 =	vmov s23  }
0x44b: {  	s17 =	simm.s32 $0x3280;
	s18 =	simm.s32 $0x3A80;
	s19 =	simm.s32 $0x4280;
	v5 =	vmul.f32 v5, v7;
	v3 =	vshll.u32 v63, $0x4;
	v4 =	vadd.f32 v6, v4  }
0x44c: {  	s21 =	simm.s32 $0x4A80;
	s23 =	simm.s32 $0x5A80;
	s22 =	simm.s32 $0x5280;
	v3 =	vor.u32 v1, v3  }
.LBB2_4:
0x44d: {  	p0 =	sne.s32 s4, $0x1F0;
	v4 =	vadd.f32 v5, v4  }
0x44e: {  	s1 =	sadd.s32 $0x10, s1  }
0x44f: {  	v5 =	vor.u32 $0x1, v3;
	[tilespmem:s1+$0x0] =	vst v4  }
0x450: {  	s2 =	sadd.s32 $0x10, s2;
	v4 =	vld.idx.msk [tilespmem:v3+s25+$0x0], $0xffff  }
0x451: {  	v7 =	vor.u32 $0x2, v3;
	s3 =	sadd.s32 $0x10, s3;
	v6 =	vld [tilespmem:s2+$0x0]  }
0x452: {  	v8 =	vld [tilespmem:s3+$0x0]  }
0x453: {  	v10 =	vor.u32 $0x3, v3;
	v9 =	vld.idx.msk [tilespmem:v3+s26+$0x0], $0xffff  }
0x454: {  	v11 =	vld.idx.msk [tilespmem:v5+s25+$0x0], $0xffff  }
0x455: {  	v12 =	vor.u32 $0x4, v3;
	v5 =	vld.idx.msk [tilespmem:v5+s26+$0x0], $0xffff  }
0x456: {  	v13 =	vld.idx.msk [tilespmem:v7+s25+$0x0], $0xffff  }
0x457: {  	v6 =	vadd.f32 v6, v8;
	v7 =	vld.idx.msk [tilespmem:v7+s26+$0x0], $0xffff;
	v8 =	vor.u32 $0x5, v3  }
0x458: {  	v14 =	vld.idx.msk [tilespmem:v10+s25+$0x0], $0xffff  }
0x459: {  	v4 =	vmul.f32 v9, v4;
	v6 =	vadd.f32 v6, v2;
	v9 =	vld.idx.msk [tilespmem:v10+s26+$0x0], $0xffff;
	v10 =	vor.u32 $0x6, v3  }
0x45a: {  	v15 =	vld.idx.msk [tilespmem:v12+s25+$0x0], $0xffff  }
0x45b: {  	v5 =	vmul.f32 v5, v11;
	v11 =	vor.u32 $0x7, v3;
	v4 =	vadd.f32 v4, v6;
	v6 =	vld.idx.msk [tilespmem:v12+s26+$0x0], $0xffff  }
0x45c: {  	v12 =	vld.idx.msk [tilespmem:v8+s25+$0x0], $0xffff  }
0x45d: {  	v4 =	vadd.f32 v5, v4;
	v5 =	vmul.f32 v7, v13;
	v7 =	vld.idx.msk [tilespmem:v8+s26+$0x0], $0xffff;
	v8 =	vor.u32 $0x8, v3  }
0x45e: {  	v13 =	vld.idx.msk [tilespmem:v10+s25+$0x0], $0xffff  }
0x45f: {  	v4 =	vadd.f32 v5, v4;
	v5 =	vmul.f32 v9, v14;
	v9 =	vld.idx.msk [tilespmem:v10+s26+$0x0], $0xffff;
	v10 =	vor.u32 $0x9, v3  }
0x460: {  	v14 =	vld.idx.msk [tilespmem:v11+s25+$0x0], $0xffff  }
0x461: {  	v4 =	vadd.f32 v5, v4;
	v5 =	vmul.f32 v6, v15;
	v6 =	vld.idx.msk [tilespmem:v11+s26+$0x0], $0xffff;
	v11 =	vor.u32 $0xA, v3  }
0x462: {  	v15 =	vld.idx.msk [tilespmem:v8+s25+$0x0], $0xffff  }
0x463: {  	v4 =	vadd.f32 v5, v4;
	v5 =	vmul.f32 v7, v12;
	v7 =	vld.idx.msk [tilespmem:v8+s26+$0x0], $0xffff;
	v8 =	vor.u32 $0xB, v3  }
0x464: {  	v12 =	vld.idx.msk [tilespmem:v10+s25+$0x0], $0xffff  }
0x465: {  	v4 =	vadd.f32 v5, v4;
	v5 =	vmul.f32 v9, v13;
	v9 =	vld.idx.msk [tilespmem:v10+s26+$0x0], $0xffff;
	v10 =	vor.u32 $0xC, v3  }
0x466: {  	v13 =	vld.idx.msk [tilespmem:v11+s25+$0x0], $0xffff  }
0x467: {  	v4 =	vadd.f32 v5, v4;
	v5 =	vmul.f32 v6, v14;
	v6 =	vld.idx.msk [tilespmem:v11+s26+$0x0], $0xffff;
	v11 =	vor.u32 $0xD, v3  }
0x468: {  	v14 =	vld.idx.msk [tilespmem:v8+s25+$0x0], $0xffff  }
0x469: {  	v4 =	vadd.f32 v5, v4;
	v5 =	vmul.f32 v7, v15;
	v7 =	vld.idx.msk [tilespmem:v8+s26+$0x0], $0xffff;
	v8 =	vor.u32 $0xE, v3  }
0x46a: {  	v15 =	vld.idx.msk [tilespmem:v10+s25+$0x0], $0xffff  }
0x46b: {  	v3 =	vor.u32 $0xF, v3;
	v4 =	vadd.f32 v5, v4;
	v5 =	vmul.f32 v9, v12;
	v9 =	vld.idx.msk [tilespmem:v10+s26+$0x0], $0xffff  }
0x46c: {  	v10 =	vld.idx.msk [tilespmem:v11+s25+$0x0], $0xffff  }
0x46d: {  	v4 =	vadd.f32 v5, v4;
	v5 =	vmul.f32 v6, v13;
	v6 =	vld.idx.msk [tilespmem:v11+s26+$0x0], $0xffff  }
0x46e: {  	v11 =	vld.idx.msk [tilespmem:v8+s25+$0x0], $0xffff  }
0x46f: {  	v4 =	vadd.f32 v5, v4;
	v5 =	vmul.f32 v7, v14;
	v7 =	vld.idx.msk [tilespmem:v8+s26+$0x0], $0xffff  }
0x470: {  	v8 =	vld.idx.msk [tilespmem:v3+s25+$0x0], $0xffff  }
0x471: {  	v4 =	vadd.f32 v5, v4;
	v5 =	vmul.f32 v9, v15;
	v9 =	vld.idx.msk [tilespmem:v3+s26+$0x0], $0xffff;
	_ =	sdelay $0x1  }
0x472: {  	v3 =	vadd.f32 v5, v4;
	v4 =	vmul.f32 v6, v10  }
.Ltmp1:
0x473: {  	(pc) =	sbr.rel @p0 .LBB2_4-.Ltmp1, $4  }
0x474: {  	v5 =	vmov s4;
	v6 =	vmul.f32 v7, v11;
	v4 =	vadd.f32 v4, v3  }
0x475: {  	v3 =	vshll.u32 v5, $0x4  }
0x476: {  	v3 =	vor.u32 v1, v3;
	v5 =	vmul.f32 v9, v8;
	v4 =	vadd.f32 v6, v4  }
0x477: {  	s4 =	sadd.s32 $0x10, s4  }
0x478: {  	v4 =	vadd.f32 v5, v4  }
0x479: {  	s1 =	sadd.s32 $0x10, s1  }
0x47a: {  	v62 =	vor.u32 $0x1, v3;
	s2 =	sadd.s32 $0x10, s2;
	[tilespmem:s1+$0x0] =	vst v4  }
0x47b: {  	s8 =	sadd.s32 $0x10, s3;
	v4 =	vld [tilespmem:s2+$0x0]  }
0x47c: {  	v6 =	vor.u32 $0x2, v3;
	v7 =	vld [tilespmem:s8+$0x0]  }
0x47d: {  	v8 =	vld.idx.msk [tilespmem:v3+s25+$0x0], $0xffff  }
0x47e: {  	v10 =	vor.u32 $0x3, v3;
	v9 =	vld.idx.msk [tilespmem:v3+s26+$0x0], $0xffff  }
0x47f: {  	v11 =	vld.idx.msk [tilespmem:v62+s25+$0x0], $0xffff  }
0x480: {  	v12 =	vor.u32 $0x4, v3;
	v5 =	vld.idx.msk [tilespmem:v62+s26+$0x0], $0xffff  }
0x481: {  	v13 =	vld.idx.msk [tilespmem:v6+s25+$0x0], $0xffff;
	v4 =	vadd.f32 v4, v7  }
0x482: {  	v63 =	vor.u32 $0x5, v3;
	v6 =	vld.idx.msk [tilespmem:v6+s26+$0x0], $0xffff  }
0x483: {  	v14 =	vld.idx.msk [tilespmem:v10+s25+$0x0], $0xffff;
	v16 =	vmul.f32 v9, v8;
	v2 =	vadd.f32 v4, v2  }
0x484: {  	v18 =	vor.u32 $0x6, v3;
	v17 =	vld.idx.msk [tilespmem:v10+s26+$0x0], $0xffff  }
0x485: {  	v19 =	vld.idx.msk [tilespmem:v12+s25+$0x0], $0xffff;
	v20 =	vmul.f32 v5, v11;
	v2 =	vadd.f32 v16, v2  }
0x486: {  	v22 =	vor.u32 $0x7, v3;
	v21 =	vld.idx.msk [tilespmem:v12+s26+$0x0], $0xffff  }
0x487: {  	v23 =	vld.idx.msk [tilespmem:v63+s25+$0x0], $0xffff;
	v24 =	vmul.f32 v6, v13;
	v2 =	vadd.f32 v20, v2  }
0x488: {  	v26 =	vor.u32 $0x8, v3;
	v25 =	vld.idx.msk [tilespmem:v63+s26+$0x0], $0xffff  }
0x489: {  	v27 =	vld.idx.msk [tilespmem:v18+s25+$0x0], $0xffff;
	v28 =	vmul.f32 v17, v14;
	v2 =	vadd.f32 v24, v2  }
0x48a: {  	v30 =	vor.u32 $0x9, v3;
	v29 =	vld.idx.msk [tilespmem:v18+s26+$0x0], $0xffff  }
0x48b: {  	v31 =	vld.idx.msk [tilespmem:v22+s25+$0x0], $0xffff;
	v32 =	vmul.f32 v21, v19;
	v2 =	vadd.f32 v28, v2  }
0x48c: {  	v34 =	vor.u32 $0xA, v3;
	v33 =	vld.idx.msk [tilespmem:v22+s26+$0x0], $0xffff  }
0x48d: {  	v35 =	vld.idx.msk [tilespmem:v26+s25+$0x0], $0xffff;
	v36 =	vmul.f32 v25, v23;
	v2 =	vadd.f32 v32, v2  }
0x48e: {  	v38 =	vor.u32 $0xB, v3;
	v37 =	vld.idx.msk [tilespmem:v26+s26+$0x0], $0xffff  }
0x48f: {  	v39 =	vld.idx.msk [tilespmem:v30+s25+$0x0], $0xffff;
	v40 =	vmul.f32 v29, v27;
	v2 =	vadd.f32 v36, v2  }
0x490: {  	v42 =	vor.u32 $0xC, v3;
	v41 =	vld.idx.msk [tilespmem:v30+s26+$0x0], $0xffff  }
0x491: {  	v43 =	vld.idx.msk [tilespmem:v34+s25+$0x0], $0xffff;
	v44 =	vmul.f32 v33, v31;
	v2 =	vadd.f32 v40, v2  }
0x492: {  	v46 =	vor.u32 $0xD, v3;
	v45 =	vld.idx.msk [tilespmem:v34+s26+$0x0], $0xffff  }
0x493: {  	v47 =	vld.idx.msk [tilespmem:v38+s25+$0x0], $0xffff;
	v48 =	vmul.f32 v37, v35;
	v2 =	vadd.f32 v44, v2  }
0x494: {  	v50 =	vor.u32 $0xE, v3;
	v49 =	vld.idx.msk [tilespmem:v38+s26+$0x0], $0xffff  }
0x495: {  	v51 =	vld.idx.msk [tilespmem:v42+s25+$0x0], $0xffff;
	v52 =	vmul.f32 v41, v39;
	v2 =	vadd.f32 v48, v2  }
0x496: {  	v3 =	vor.u32 $0xF, v3;
	v53 =	vld.idx.msk [tilespmem:v42+s26+$0x0], $0xffff  }
0x497: {  	v54 =	vld.idx.msk [tilespmem:v46+s25+$0x0], $0xffff;
	v55 =	vmul.f32 v45, v43;
	v2 =	vadd.f32 v52, v2  }
0x498: {  	v56 =	vld.idx.msk [tilespmem:v46+s26+$0x0], $0xffff  }
0x499: {  	v57 =	vld.idx.msk [tilespmem:v50+s25+$0x0], $0xffff;
	v58 =	vmul.f32 v49, v47;
	v2 =	vadd.f32 v55, v2  }
0x49a: {  	v59 =	vld.idx.msk [tilespmem:v50+s26+$0x0], $0xffff  }
0x49b: {  	v60 =	vld.idx.msk [tilespmem:v3+s25+$0x0], $0xffff;
	v61 =	vmul.f32 v53, v51;
	v2 =	vadd.f32 v58, v2  }
0x49c: {  	v3 =	vld.idx.msk [tilespmem:v3+s26+$0x0], $0xffff  }
0x49d: {  	v62 =	vmul.f32 v56, v54;
	v2 =	vadd.f32 v61, v2;
	_ =	sdelay $0x1  }
0x49e: {  	v63 =	vmul.f32 v59, v57;
	v2 =	vadd.f32 v62, v2;
	_ =	sdelay $0x1  }
0x49f: {  	v3 =	vmul.f32 v3, v60;
	v2 =	vadd.f32 v63, v2;
	_ =	sdelay $0x1  }
0x4a0: {  	v2 =	vadd.f32 v3, v2  }
0x4a1: {  	s0 =	rddreg [dreg:$0x11];
	s1 =	sadd.s32 $0x10, s1  }
0x4a2: {  	s9 =	simm.s32 $0x800;
	s8 =	simm.s32 $0x0;
	s2 =	simm.s32 $0x4;
	[tilespmem:s1+$0x0] =	vst v2  }
0x4a3: {  	[hbm4b:s0+s8] =	stream.linear.scatter [tilespmem:s9], [sflag:$0x4], $0x200, $0x38;
	[tilespmem:$0x14A80] =	vst v63  }
0x4a4: {  	_ =	swait.ge [sflag:s2], $0x200  }
0x4a5: {  	s10 =	rddreg [dreg:$0x13]  }
0x4a6: {  	s11 =	rddreg [dreg:$0x12];
	s1 =	sadd.s32 $0x1, s10  }
0x4a7: {  	p0 =	sne.s32 s1, s11  }
.Ltmp2:
0x4a8: {  	_ = 	snop;
	(pc) =	sbr.rel @p0 .LBB2_1-.Ltmp2, $3  }
0x4a9: {  	_ =	sdelay $0x1  }
0x4aa: {  	[sflag:s2] =	ssyncset.done $0x0  }
0x4ab: {  	[sflag:s2] =	ssyncadd.s32 $0xFFFFFE00;
	s11 =	simm.s32 $0x400  }
0x4ac: {  	_ =	sfence.sel $0x180000  }
0x4ad: {  	[bflag:$0x0] =	sbarrier.arrive $0xFFFF  }
0x4ae: {  	_ =	strace $0x90000047  }
0x4af: {  	s0 =	stileid.u32;
	[bflag:$0x2] =	sbarrier.arrive $0xFFFF  }
0x4b0: {  	p0 =	sne.s32 s0, $0x0;
	s0 =	rddreg [dreg:$0x6]  }
0x4b1: {  	s0 =	sadd.s32 @!p0 $0x100000, s0  }
0x4b2: {  	[sflag:s0] =	ssyncadd.tile.s32 @!p0 $0x1;
	_ =	shalt  }
.Lfunc_end2:
_tile_overlayer_lowered:
.L_overlay_start_2:
0x4b3: {  	(tag) =	ssettag $0x2  }
0x4b4: {  	s0 =	rddreg [dreg:$0x0];
	s2 =	stileid.u32  }
0x4b5: {  	s1 =	rddreg [dreg:$0x1];
	p0 =	sne.s32 s2, $0x0  }
0x4b6: {  	s3 =	rddreg [dreg:$0x2];
	[bflag:$0x3] =	sbarrier.arrive $0xFFFF;
	s2 =	simm.s32 @!p0 $0x1C04  }
0x4b7: {  	[timem:s3], [sflag:s2] =	dma.local @!p0 [hbm:s0], s1  }
0x4b8: {  	s0 =	simm.s32 @!p0 $0x4  }
0x4b9: {  	_ =	swait.ge @!p0 [sflag:s0], s1  }
0x4ba: {  	s1 =	ssub.s32 @!p0 $0x0, s1;
	[sflag:s0] =	ssyncset.done @!p0 $0x0  }
0x4bb: {  	[sflag:s0] =	ssyncadd.s32 @!p0 s1  }
0x4bc: {  	[bflag:$0x3] =	sbarrier.arrive $0xFFFF  }
0x4bd: {  	_ =	shalt  }

</sc_bundles>
